<compile_context>
chip_gen: v7x
topology: tpu7x:2x2x1
jax: 0.10.2.dev20260603
libtpu: 0.0.44.dev20260713+nightly
codegen_flags: <defaults>
</compile_context>

<pallas_src>
import jax
import jax.numpy as jnp
from jax import lax
from jax.experimental import pallas as pl
from jax.experimental.pallas import tpu as pltpu
from jax.experimental.pallas import tpu_sc as plsc

N = 10000
NP = 10240
E = 320000
DH = 128
HH = 64
NR = 2
NC = 2
NS = 16
EPT = E // NS
EPC = E // (NC * NS)
BLK = 2000
CHUNK = 80
NCH = BLK // CHUNK
RPT = 2 * NP // NS
TPR = NS // NR
ZR = 256

_SC_PARAMS = pltpu.CompilerParams(use_tc_tiling_on_sc=False)


def _mesh():
    return plsc.VectorSubcoreMesh(core_axis_name="c", subcore_axis_name="s",
                                  num_cores=NC, num_subcores=NS)


def _make_sc_agg():
    scratch = [
        pltpu.VMEM_SHARED((2 * NP, HH), jnp.float32),
        pltpu.VMEM((BLK,), jnp.int32),
        pltpu.VMEM((BLK,), jnp.int32),
        pltpu.VMEM((BLK,), jnp.int32),
        pltpu.VMEM((NCH, CHUNK), jnp.int32),
        pltpu.VMEM((NCH, CHUNK), jnp.int32),
        pltpu.VMEM((CHUNK, HH), jnp.float32),
        pltpu.VMEM((CHUNK, HH), jnp.float32),
        pltpu.VMEM((CHUNK, HH), jnp.float32),
        pltpu.VMEM((CHUNK, HH), jnp.float32),
        pltpu.VMEM((ZR, HH), jnp.float32),
    ] + [pltpu.SemaphoreType.DMA] * 8

    def body(tbl, idx2, ety, agg_out, acc_sh, srcb, dstb, etyb,
             gidx, sidx, g0, g1, g2, g3, zbuf, *sems):
        c = lax.axis_index("c")
        s = lax.axis_index("s")
        zv = jnp.zeros((16,), jnp.float32)

        def zrow(i, _):
            for k in range(HH // 16):
                zbuf[i, pl.ds(k * 16, 16)] = zv
            return 0
        lax.fori_loop(0, ZR, zrow, 0)

        rbase = s * RPT

        def zacc(b, _):
            pltpu.sync_copy(zbuf, acc_sh.at[pl.ds(rbase + b * ZR, ZR)])
            return 0
        lax.fori_loop(0, RPT // ZR, zacc, 0)

        plsc.subcore_barrier()

        ebase = s * EPT
        mytbl = tbl.at[c]

        def blk_body(b, _):
            eb = ebase + b * BLK
            pltpu.sync_copy(idx2.at[0].at[pl.ds(eb, BLK)], srcb)
            pltpu.sync_copy(idx2.at[1].at[pl.ds(eb, BLK)], dstb)
            pltpu.sync_copy(ety.at[pl.ds(eb, BLK)], etyb)

            def idx_body(j, _):
                for v in range(CHUNK // 16):
                    sl = pl.ds(j * CHUNK + v * 16, 16)
                    vd = pl.ds(v * 16, 16)
                    gidx[j, vd] = srcb[sl]
                    sidx[j, vd] = etyb[sl] * NP + dstb[sl]
                return 0
            lax.fori_loop(0, NCH, idx_body, 0)

            bufs = (g0, g1, g2, g3)
            gsems, ssems = sems[:4], sems[4:]
            NB, LA = 4, 3
            gd, sd = {}, {}

            def start_gather(j):
                gd[j] = pltpu.async_copy(mytbl.at[gidx.at[j]], bufs[j % NB],
                                         gsems[j % NB])

            for k in range(LA):
                start_gather(k)
            for j in range(NCH):
                if j + LA < NCH:
                    if j + LA - NB >= 0:
                        sd.pop(j + LA - NB).wait()
                    start_gather(j + LA)
                gd.pop(j).wait()
                sd[j] = pltpu.async_copy(bufs[j % NB],
                                         acc_sh.at[sidx.at[j]],
                                         ssems[j % NB], add=True)
            for j in sorted(sd):
                sd.pop(j).wait()
            return 0
        lax.fori_loop(0, EPT // BLK, blk_body, 0)

        plsc.subcore_barrier()

        r = s // TPR
        lbase = (s - r * TPR) * RPT
        pltpu.sync_copy(acc_sh.at[pl.ds(rbase, RPT)],
                        agg_out.at[c].at[r].at[pl.ds(lbase, RPT)])

    return pl.kernel(
        body,
        out_type=jax.ShapeDtypeStruct((NC, NR, NP, HH), jnp.float32),
        mesh=_mesh(), scratch_types=scratch, compiler_params=_SC_PARAMS)


def _make_sc_counts():
    scratch = [
        pltpu.VMEM_SHARED((2 * NP, 16), jnp.float32),
        pltpu.VMEM((BLK,), jnp.int32),
        pltpu.VMEM((BLK,), jnp.int32),
        pltpu.VMEM((NCH, CHUNK), jnp.int32),
        pltpu.VMEM((CHUNK, 16), jnp.float32),
        pltpu.VMEM((ZR, 16), jnp.float32),
    ] + [pltpu.SemaphoreType.DMA] * 4

    def body(idx2, ety, cnt_out, cnt_sh, dstb, etyb, sidx, ones, zcnt,
             *ssems):
        c = lax.axis_index("c")
        s = lax.axis_index("s")
        zv = jnp.zeros((16,), jnp.float32)
        ov = jnp.ones((16,), jnp.float32)

        def zc(i, _):
            zcnt[i, pl.ds(0, 16)] = zv
            return 0
        lax.fori_loop(0, ZR, zc, 0)

        def oc(i, _):
            ones[i, pl.ds(0, 16)] = ov
            return 0
        lax.fori_loop(0, CHUNK, oc, 0)

        rbase = s * RPT

        def zcs(b, _):
            pltpu.sync_copy(zcnt, cnt_sh.at[pl.ds(rbase + b * ZR, ZR)])
            return 0
        lax.fori_loop(0, RPT // ZR, zcs, 0)

        plsc.subcore_barrier()

        ebase = (c * NS + s) * EPC

        def blk_body(b, _):
            eb = ebase + b * BLK
            pltpu.sync_copy(idx2.at[1].at[pl.ds(eb, BLK)], dstb)
            pltpu.sync_copy(ety.at[pl.ds(eb, BLK)], etyb)

            def idx_body(j, _):
                for v in range(CHUNK // 16):
                    sl = pl.ds(j * CHUNK + v * 16, 16)
                    sidx[j, pl.ds(v * 16, 16)] = etyb[sl] * NP + dstb[sl]
                return 0
            lax.fori_loop(0, NCH, idx_body, 0)

            sd = {}
            for j in range(NCH):
                if j - 4 >= 0:
                    sd.pop(j - 4).wait()
                sd[j] = pltpu.async_copy(ones, cnt_sh.at[sidx.at[j]],
                                         ssems[j % 4], add=True)
            for j in sorted(sd):
                sd.pop(j).wait()
            return 0
        lax.fori_loop(0, EPC // BLK, blk_body, 0)

        plsc.subcore_barrier()

        r = s // TPR
        lbase = (s - r * TPR) * RPT
        pltpu.sync_copy(cnt_sh.at[pl.ds(rbase, RPT)],
                        cnt_out.at[c].at[r].at[pl.ds(lbase, RPT)])

    return pl.kernel(
        body,
        out_type=jax.ShapeDtypeStruct((NC, NR, NP, 16), jnp.float32),
        mesh=_mesh(), scratch_types=scratch, compiler_params=_SC_PARAMS)


def _tc_input_proj(feature, W_in, b_in2):
    B = 1000

    def body(f_ref, w_ref, b_ref, x_ref, xh_ref):
        act = jnp.dot(f_ref[...], w_ref[...],
                      preferred_element_type=jnp.float32) + b_ref[...]
        act = jnp.where(act >= 0, act, 0.01 * act)
        x_ref[...] = act
        xh_ref[0] = act[:, :HH]
        xh_ref[1] = act[:, HH:]

    return pl.pallas_call(
        body,
        grid=(N // B,),
        in_specs=[
            pl.BlockSpec((B, 16), lambda i: (i, 0)),
            pl.BlockSpec((16, DH), lambda i: (0, 0)),
            pl.BlockSpec((1, DH), lambda i: (0, 0)),
        ],
        out_specs=[
            pl.BlockSpec((B, DH), lambda i: (i, 0)),
            pl.BlockSpec((2, B, HH), lambda i: (0, i, 0)),
        ],
        out_shape=[
            jax.ShapeDtypeStruct((N, DH), jnp.float32),
            jax.ShapeDtypeStruct((2, N, HH), jnp.float32),
        ],
    )(feature, W_in, b_in2)


def _tc_combine(x, agg4, cnt4, rel_w, root_w, bias2, final, W_out=None,
                b_out2=None):
    B = 1000

    def body(x_ref, a_ref, c_ref, rw_ref, rt_ref, b_ref, *refs):
        if final:
            wo_ref, bo_ref = refs[0], refs[1]
            refs = refs[2:]
        acc = jnp.dot(x_ref[...], rt_ref[...],
                      preferred_element_type=jnp.float32) + b_ref[...]
        for r in range(NR):
            cnt = c_ref[0, r, :, 0:1] + c_ref[1, r, :, 0:1]
            inv = 1.0 / jnp.maximum(cnt, 1.0)
            for h in range(2):
                m = a_ref[h, r] * inv
                acc += jnp.dot(m, rw_ref[r, h * HH:(h + 1) * HH, :],
                               preferred_element_type=jnp.float32)
        if final:
            o = jnp.dot(acc, wo_ref[...],
                        preferred_element_type=jnp.float32) + bo_ref[...]
            refs[0][...] = o
        else:
            refs[0][...] = acc
            refs[1][0] = acc[:, :HH]
            refs[1][1] = acc[:, HH:]

    in_specs = [
        pl.BlockSpec((B, DH), lambda i: (i, 0)),
        pl.BlockSpec((NC, NR, B, HH), lambda i: (0, 0, i, 0)),
        pl.BlockSpec((NC, NR, B, 16), lambda i: (0, 0, i, 0)),
        pl.BlockSpec((NR, DH, DH), lambda i: (0, 0, 0)),
        pl.BlockSpec((DH, DH), lambda i: (0, 0)),
        pl.BlockSpec((1, DH), lambda i: (0, 0)),
    ]
    args = [x, agg4, cnt4, rel_w, root_w, bias2]
    if final:
        in_specs += [
            pl.BlockSpec((DH, 3), lambda i: (0, 0)),
            pl.BlockSpec((1, 3), lambda i: (0, 0)),
        ]
        args += [W_out, b_out2]
        out_specs = pl.BlockSpec((B, 3), lambda i: (i, 0))
        out_shape = jax.ShapeDtypeStruct((N, 3), jnp.float32)
    else:
        out_specs = [
            pl.BlockSpec((B, DH), lambda i: (i, 0)),
            pl.BlockSpec((2, B, HH), lambda i: (0, i, 0)),
        ]
        out_shape = [
            jax.ShapeDtypeStruct((N, DH), jnp.float32),
            jax.ShapeDtypeStruct((2, N, HH), jnp.float32),
        ]

    return pl.pallas_call(body, grid=(N // B,), in_specs=in_specs,
                          out_specs=out_specs, out_shape=out_shape)(*args)


def kernel(feature, index, consisenty, W_in, b_in, rel_weight, root_w,
           rgcn_bias, W_out, b_out):
    idx2 = index.astype(jnp.int32)
    ety = consisenty.astype(jnp.int32)

    x0, xh0 = _tc_input_proj(feature.astype(jnp.float32), W_in,
                             b_in.reshape(1, DH))

    sc_agg = _make_sc_agg()
    sc_counts = _make_sc_counts()

    cnt4 = sc_counts(idx2, ety)
    agg1 = sc_agg(xh0, idx2, ety)

    x1, xh1 = _tc_combine(x0, agg1, cnt4, rel_weight, root_w,
                          rgcn_bias.reshape(1, DH), final=False)

    agg2 = sc_agg(xh1, idx2, ety)

    out = _tc_combine(x1, agg2, cnt4, rel_weight, root_w,
                      rgcn_bias.reshape(1, DH), final=True, W_out=W_out,
                      b_out2=b_out.reshape(1, 3))
    return out

# --- scband reference (transcript-rebuilt; emitter-appended) ---
"""Pipeline reference for scband-scdm-tp-19387482374387 (READ-ONLY COPY).

The authoritative reference and input builder live on the scoring server;
editing this copy changes nothing except your own understanding.
"""

import jax, jax.numpy as jnp
import numpy as np

N_NODES = 10000
N_EDGES = 320000
D_IN = 16
D_H = 128
D_OUT = 3
NUM_REL = 2


def setup_inputs(seed: int = 0) -> dict:
    key = jax.random.key(seed)
    ks = jax.random.split(key, 10)
    feature = jax.random.normal(ks[0], (N_NODES, D_IN), dtype=jnp.float32)
    index = jax.random.randint(ks[1], (2, N_EDGES), 0, N_NODES, dtype=jnp.int64)
    consisenty = jax.random.randint(ks[2], (N_EDGES,), 0, NUM_REL, dtype=jnp.int64)
    W_in = jax.random.normal(ks[3], (D_IN, D_H), dtype=jnp.float32) * 0.05
    b_in = jnp.zeros((D_H,), dtype=jnp.float32)
    rel_weight = jax.random.normal(ks[4], (NUM_REL, D_H, D_H), dtype=jnp.float32) * 0.05
    root_w = jax.random.normal(ks[5], (D_H, D_H), dtype=jnp.float32) * 0.05
    rgcn_bias = jnp.zeros((D_H,), dtype=jnp.float32)
    W_out = jax.random.normal(ks[6], (D_H, D_OUT), dtype=jnp.float32) * 0.05
    b_out = jnp.zeros((D_OUT,), dtype=jnp.float32)
    return {"feature": feature, "index": index, "consisenty": consisenty,
            "W_in": W_in, "b_in": b_in, "rel_weight": rel_weight,
            "root_w": root_w, "rgcn_bias": rgcn_bias,
            "W_out": W_out, "b_out": b_out}


def _leaky_relu(x, slope=0.01):
    return jnp.where(x >= 0, x, slope * x)


def _rgcn_conv(x, src, dst, etype, rel_weight, root_w, bias, num_nodes, num_rel):
    # Faithful to PyG RGCNConv (aggr='mean', root_weight=True, bias=True):
    # out_i = x_i @ root + bias + sum_r mean_{j in N_r(i)} (x_j @ W_r)
    out = x @ root_w + bias
    for r in range(num_rel):
        mask = (etype == r).astype(x.dtype)
        msg = (jnp.take(x, src, axis=0) @ rel_weight[r]) * mask[:, None]
        summed = jnp.zeros((num_nodes, rel_weight.shape[2]), dtype=x.dtype).at[dst].add(msg)
        cnt = jnp.zeros((num_nodes,), dtype=x.dtype).at[dst].add(mask)
        out = out + summed / jnp.maximum(cnt, 1.0)[:, None]
    return out


def reference(feature, index, consisenty, W_in, b_in, rel_weight, root_w, rgcn_bias, W_out, b_out):
    src = index[0]
    dst = index[1]
    x = _leaky_relu(feature.astype(jnp.float32) @ W_in + b_in)
    # forward applies lstm1 (the same RGCNConv, shared weights) twice
    x = _rgcn_conv(x, src, dst, consisenty, rel_weight, root_w, rgcn_bias, N_NODES, NUM_REL)
    # F.dropout with training=False is identity (eval mode)
    x = _rgcn_conv(x, src, dst, consisenty, rel_weight, root_w, rgcn_bias, N_NODES, NUM_REL)
    out = x @ W_out + b_out
    return out


if False:  # reference __main__ guard neutralized (emitter)
    inp = setup_inputs()
    o = reference(**inp)
    print(o.shape, o.dtype)

if __name__ == "__main__":
    import jax
    _d = setup_inputs()
    print(jax.jit(kernel)(*tuple(_d.values())))

</pallas_src>

<mosaic_0001>
#map = affine_map<(d0, d1) -> (0, 0, 0)>
#map1 = affine_map<(d0, d1) -> (0, 0)>
#map2 = affine_map<(d0, d1) -> (0)>
#map3 = affine_map<(d0, d1) -> (0, 0, 0, 0)>
module attributes {stable_mosaic.version = 14 : i64} {
  func.func @body(%arg0: i32, %arg1: i32, %arg2: memref<2x10000x64xf32, #tpu.memory_space<hbm>>, %arg3: memref<2x320000xi32, #tpu.memory_space<hbm>>, %arg4: memref<320000xi32, #tpu.memory_space<hbm>>, %arg5: memref<2x2x10240x64xf32, #tpu.memory_space<hbm>>, %arg6: memref<20480x64xf32, #tpu.memory_space<vmem_shared>>, %arg7: memref<2000xi32, #tpu.memory_space<vmem>>, %arg8: memref<2000xi32, #tpu.memory_space<vmem>>, %arg9: memref<2000xi32, #tpu.memory_space<vmem>>, %arg10: memref<25x80xi32, #tpu.memory_space<vmem>>, %arg11: memref<25x80xi32, #tpu.memory_space<vmem>>, %arg12: memref<80x64xf32, #tpu.memory_space<vmem>>, %arg13: memref<80x64xf32, #tpu.memory_space<vmem>>, %arg14: memref<80x64xf32, #tpu.memory_space<vmem>>, %arg15: memref<80x64xf32, #tpu.memory_space<vmem>>, %arg16: memref<256x64xf32, #tpu.memory_space<vmem>>, %arg17: memref<!tpu.dma_semaphore, #tpu.memory_space<semaphore_mem>>, %arg18: memref<!tpu.dma_semaphore, #tpu.memory_space<semaphore_mem>>, %arg19: memref<!tpu.dma_semaphore, #tpu.memory_space<semaphore_mem>>, %arg20: memref<!tpu.dma_semaphore, #tpu.memory_space<semaphore_mem>>, %arg21: memref<!tpu.dma_semaphore, #tpu.memory_space<semaphore_mem>>, %arg22: memref<!tpu.dma_semaphore, #tpu.memory_space<semaphore_mem>>, %arg23: memref<!tpu.dma_semaphore, #tpu.memory_space<semaphore_mem>>, %arg24: memref<!tpu.dma_semaphore, #tpu.memory_space<semaphore_mem>>) attributes {dimension_semantics = [#tpu.dimension_semantics<core_parallel>, #tpu.dimension_semantics<subcore_parallel>], iteration_bounds = array<i64: 2, 16>, scalar_prefetch = 0 : i64, scratch_operands = 19 : i64, tpu.core_type = #tpu.core_type<sc_vector_subcore>, window_params = [{transform_indices = #map}, {transform_indices = #map1}, {transform_indices = #map2}, {transform_indices = #map3}]} {
    %broadcast_in_dim3A = arith.constant 0.000000e+00 : f32
    %broadcast_in_dim3A_0 = vector.broadcast %broadcast_in_dim3A : f32 to vector<16xf32>
    %scan3A = arith.constant 0 : i32
    %scan3A_1 = arith.constant 0 : i32
    %scan3A_2 = arith.constant 256 : i32
    %scan3A_3 = arith.addi %scan3A_1, %scan3A_2 : i32
    %scan3A_4 = arith.constant 1 : i32
    %scan3A_5 = scf.for %scan3A_46 = %scan3A_1 to %scan3A_3 step %scan3A_4 iter_args(%scan3A_47 = %scan3A) -> (i32)  : i32 {
      %swap3A = arith.index_cast %scan3A_46 : i32 to index
      %swap3A_48 = arith.constant 0 : index
      %swap3A_49 = tpu.vector_load %arg16[%swap3A, %swap3A_48] {strides = array<i32>} : memref<256x64xf32, #tpu.memory_space<vmem>>, vector<1x16xf32>,
      %swap3A_50 = vector.shape_cast %swap3A_49 : vector<1x16xf32> to vector<16xf32>
      %swap3A_51 = vector.shape_cast %broadcast_in_dim3A_0 : vector<16xf32> to vector<1x16xf32>
      tpu.vector_store %arg16[%swap3A, %swap3A_48], %swap3A_51 {strides = array<i32>} : memref<256x64xf32, #tpu.memory_space<vmem>>, vector<1x16xf32>,
      %swap3A_52 = arith.index_cast %scan3A_46 : i32 to index
      %swap3A_53 = arith.constant 16 : index
      %swap3A_54 = tpu.vector_load %arg16[%swap3A_52, %swap3A_53] {strides = array<i32>} : memref<256x64xf32, #tpu.memory_space<vmem>>, vector<1x16xf32>,
      %swap3A_55 = vector.shape_cast %swap3A_54 : vector<1x16xf32> to vector<16xf32>
      %swap3A_56 = vector.shape_cast %broadcast_in_dim3A_0 : vector<16xf32> to vector<1x16xf32>
      tpu.vector_store %arg16[%swap3A_52, %swap3A_53], %swap3A_56 {strides = array<i32>} : memref<256x64xf32, #tpu.memory_space<vmem>>, vector<1x16xf32>,
      %swap3A_57 = arith.index_cast %scan3A_46 : i32 to index
      %swap3A_58 = arith.constant 32 : index
      %swap3A_59 = tpu.vector_load %arg16[%swap3A_57, %swap3A_58] {strides = array<i32>} : memref<256x64xf32, #tpu.memory_space<vmem>>, vector<1x16xf32>,
      %swap3A_60 = vector.shape_cast %swap3A_59 : vector<1x16xf32> to vector<16xf32>
      %swap3A_61 = vector.shape_cast %broadcast_in_dim3A_0 : vector<16xf32> to vector<1x16xf32>
      tpu.vector_store %arg16[%swap3A_57, %swap3A_58], %swap3A_61 {strides = array<i32>} : memref<256x64xf32, #tpu.memory_space<vmem>>, vector<1x16xf32>,
      %swap3A_62 = arith.index_cast %scan3A_46 : i32 to index
      %swap3A_63 = arith.constant 48 : index
      %swap3A_64 = tpu.vector_load %arg16[%swap3A_62, %swap3A_63] {strides = array<i32>} : memref<256x64xf32, #tpu.memory_space<vmem>>, vector<1x16xf32>,
      %swap3A_65 = vector.shape_cast %swap3A_64 : vector<1x16xf32> to vector<16xf32>
      %swap3A_66 = vector.shape_cast %broadcast_in_dim3A_0 : vector<16xf32> to vector<1x16xf32>
      tpu.vector_store %arg16[%swap3A_62, %swap3A_63], %swap3A_66 {strides = array<i32>} : memref<256x64xf32, #tpu.memory_space<vmem>>, vector<1x16xf32>,
      %scan3A_67 = arith.constant 0 : i32
      scf.yield %scan3A_67 : i32
    }
    %scan3A_6 = arith.constant 256 : i32
    %mul3A = arith.constant 1280 : i32
    %mul3A_7 = arith.muli %arg1, %mul3A : i32
    %scan3A_8 = arith.constant 0 : i32
    %scan3A_9 = arith.constant 0 : i32
    %scan3A_10 = arith.constant 5 : i32
    %scan3A_11 = arith.addi %scan3A_9, %scan3A_10 : i32
    %scan3A_12 = arith.constant 1 : i32
    %scan3A_13 = scf.for %scan3A_46 = %scan3A_9 to %scan3A_11 step %scan3A_12 iter_args(%scan3A_47 = %scan3A_8) -> (i32)  : i32 {
      %mul3A_48 = arith.constant 256 : i32
      %mul3A_49 = arith.muli %scan3A_46, %mul3A_48 : i32
      %add3A = arith.addi %mul3A_7, %mul3A_49 : i32
      "tpu.region"() ({
        %run_scoped3A = tpu.sem_alloc : memref<!tpu.dma_semaphore, #tpu.memory_space<semaphore_mem>>
        %dma_start3A = arith.constant 0 : i32
        %dma_start3A_51 = tpu.memref_slice %arg6[%add3A, %dma_start3A] : memref<20480x64xf32, #tpu.memory_space<vmem_shared>> -> memref<256x64xf32, #tpu.memory_space<vmem_shared>>
        %dma_start3A_52 = arith.constant 0 : i32
        %dma_start3A_53 = tpu.memref_slice %arg6[%add3A, %dma_start3A_52] : memref<20480x64xf32, #tpu.memory_space<vmem_shared>> -> memref<256x64xf32, #tpu.memory_space<vmem_shared>>
        tpu.enqueue_dma source(%arg16 : memref<256x64xf32, #tpu.memory_space<vmem>>) target(%dma_start3A_53 : memref<256x64xf32, #tpu.memory_space<vmem_shared>>) target_semaphore(%run_scoped3A : memref<!tpu.dma_semaphore, #tpu.memory_space<semaphore_mem>>)
        %dma_wait3A = arith.constant 0 : i32
        %dma_wait3A_54 = tpu.memref_slice %arg6[%add3A, %dma_wait3A] : memref<20480x64xf32, #tpu.memory_space<vmem_shared>> -> memref<256x64xf32, #tpu.memory_space<vmem_shared>>
        %dma_wait3A_55 = arith.constant 0 : i32
        %dma_wait3A_56 = tpu.memref_slice %arg6[%add3A, %dma_wait3A_55] : memref<20480x64xf32, #tpu.memory_space<vmem_shared>> -> memref<256x64xf32, #tpu.memory_space<vmem_shared>>
        tpu.wait_dma2 semaphore(%run_scoped3A : memref<!tpu.dma_semaphore, #tpu.memory_space<semaphore_mem>>) src(%arg16 : memref<256x64xf32, #tpu.memory_space<vmem>>) dst(%dma_wait3A_56 : memref<256x64xf32, #tpu.memory_space<vmem_shared>>)
        tpu.yield
      }) : () -> ()
      %scan3A_50 = arith.constant 0 : i32
      scf.yield %scan3A_50 : i32
    }
    %scan3A_14 = arith.constant 5 : i32
    %barrier3A = arith.constant 0 : index
    tpu.barrier barrier_id(%barrier3A)
    %mul3A_15 = arith.constant 20000 : i32
    %mul3A_16 = arith.muli %arg1, %mul3A_15 : i32
    %scan3A_17 = arith.constant 0 : i32
    %scan3A_18 = arith.constant 0 : i32
    %scan3A_19 = arith.constant 10 : i32
    %scan3A_20 = arith.addi %scan3A_18, %scan3A_19 : i32
    %scan3A_21 = arith.constant 1 : i32
    %scan3A_22 = scf.for %scan3A_46 = %scan3A_18 to %scan3A_20 step %scan3A_21 iter_args(%scan3A_47 = %scan3A_17) -> (i32)  : i32 {
      %mul3A_48 = arith.constant 2000 : i32
      %mul3A_49 = arith.muli %scan3A_46, %mul3A_48 : i32
      %add3A = arith.addi %mul3A_16, %mul3A_49 : i32
      %run_scoped3A = arith.constant 0 : i32
      "tpu.region"() ({
        %run_scoped3A_957 = tpu.sem_alloc : memref<!tpu.dma_semaphore, #tpu.memory_space<semaphore_mem>>
        %dma_start3A_958 = arith.constant 0 : i32
        %dma_start3A_959 = tpu.memref_slice %arg3[%run_scoped3A, %dma_start3A_958] : memref<2x320000xi32, #tpu.memory_space<hbm>> -> memref<1x320000xi32, #tpu.memory_space<hbm>>
        %dma_start3A_960 = tpu.memref_squeeze %dma_start3A_959 : memref<1x320000xi32, #tpu.memory_space<hbm>> -> memref<320000xi32, #tpu.memory_space<hbm>>
        %dma_start3A_961 = tpu.memref_slice %dma_start3A_960[%add3A] : memref<320000xi32, #tpu.memory_space<hbm>> -> memref<2000xi32, #tpu.memory_space<hbm>>
        %dma_start3A_962 = arith.constant 0 : i32
        %dma_start3A_963 = tpu.memref_slice %arg3[%run_scoped3A, %dma_start3A_962] : memref<2x320000xi32, #tpu.memory_space<hbm>> -> memref<1x320000xi32, #tpu.memory_space<hbm>>
        %dma_start3A_964 = tpu.memref_squeeze %dma_start3A_963 : memref<1x320000xi32, #tpu.memory_space<hbm>> -> memref<320000xi32, #tpu.memory_space<hbm>>
        %dma_start3A_965 = tpu.memref_slice %dma_start3A_964[%add3A] : memref<320000xi32, #tpu.memory_space<hbm>> -> memref<2000xi32, #tpu.memory_space<hbm>>
        tpu.enqueue_dma source(%dma_start3A_965 : memref<2000xi32, #tpu.memory_space<hbm>>) target(%arg7 : memref<2000xi32, #tpu.memory_space<vmem>>) target_semaphore(%run_scoped3A_957 : memref<!tpu.dma_semaphore, #tpu.memory_space<semaphore_mem>>)
        %dma_wait3A_966 = arith.constant 0 : i32
        %dma_wait3A_967 = tpu.memref_slice %arg3[%run_scoped3A, %dma_wait3A_966] : memref<2x320000xi32, #tpu.memory_space<hbm>> -> memref<1x320000xi32, #tpu.memory_space<hbm>>
        %dma_wait3A_968 = tpu.memref_squeeze %dma_wait3A_967 : memref<1x320000xi32, #tpu.memory_space<hbm>> -> memref<320000xi32, #tpu.memory_space<hbm>>
        %dma_wait3A_969 = tpu.memref_slice %dma_wait3A_968[%add3A] : memref<320000xi32, #tpu.memory_space<hbm>> -> memref<2000xi32, #tpu.memory_space<hbm>>
        %dma_wait3A_970 = arith.constant 0 : i32
        %dma_wait3A_971 = tpu.memref_slice %arg3[%run_scoped3A, %dma_wait3A_970] : memref<2x320000xi32, #tpu.memory_space<hbm>> -> memref<1x320000xi32, #tpu.memory_space<hbm>>
        %dma_wait3A_972 = tpu.memref_squeeze %dma_wait3A_971 : memref<1x320000xi32, #tpu.memory_space<hbm>> -> memref<320000xi32, #tpu.memory_space<hbm>>
        %dma_wait3A_973 = tpu.memref_slice %dma_wait3A_972[%add3A] : memref<320000xi32, #tpu.memory_space<hbm>> -> memref<2000xi32, #tpu.memory_space<hbm>>
        tpu.wait_dma2 semaphore(%run_scoped3A_957 : memref<!tpu.dma_semaphore, #tpu.memory_space<semaphore_mem>>) src(%dma_wait3A_973 : memref<2000xi32, #tpu.memory_space<hbm>>) dst(%arg7 : memref<2000xi32, #tpu.memory_space<vmem>>)
        tpu.yield
      }) : () -> ()
      %run_scoped3A_50 = arith.constant 1 : i32
      "tpu.region"() ({
        %run_scoped3A_957 = tpu.sem_alloc : memref<!tpu.dma_semaphore, #tpu.memory_space<semaphore_mem>>
        %dma_start3A_958 = arith.constant 0 : i32
        %dma_start3A_959 = tpu.memref_slice %arg3[%run_scoped3A_50, %dma_start3A_958] : memref<2x320000xi32, #tpu.memory_space<hbm>> -> memref<1x320000xi32, #tpu.memory_space<hbm>>
        %dma_start3A_960 = tpu.memref_squeeze %dma_start3A_959 : memref<1x320000xi32, #tpu.memory_space<hbm>> -> memref<320000xi32, #tpu.memory_space<hbm>>
        %dma_start3A_961 = tpu.memref_slice %dma_start3A_960[%add3A] : memref<320000xi32, #tpu.memory_space<hbm>> -> memref<2000xi32, #tpu.memory_space<hbm>>
        %dma_start3A_962 = arith.constant 0 : i32
        %dma_start3A_963 = tpu.memref_slice %arg3[%run_scoped3A_50, %dma_start3A_962] : memref<2x320000xi32, #tpu.memory_space<hbm>> -> memref<1x320000xi32, #tpu.memory_space<hbm>>
        %dma_start3A_964 = tpu.memref_squeeze %dma_start3A_963 : memref<1x320000xi32, #tpu.memory_space<hbm>> -> memref<320000xi32, #tpu.memory_space<hbm>>
        %dma_start3A_965 = tpu.memref_slice %dma_start3A_964[%add3A] : memref<320000xi32, #tpu.memory_space<hbm>> -> memref<2000xi32, #tpu.memory_space<hbm>>
        tpu.enqueue_dma source(%dma_start3A_965 : memref<2000xi32, #tpu.memory_space<hbm>>) target(%arg8 : memref<2000xi32, #tpu.memory_space<vmem>>) target_semaphore(%run_scoped3A_957 : memref<!tpu.dma_semaphore, #tpu.memory_space<semaphore_mem>>)
        %dma_wait3A_966 = arith.constant 0 : i32
        %dma_wait3A_967 = tpu.memref_slice %arg3[%run_scoped3A_50, %dma_wait3A_966] : memref<2x320000xi32, #tpu.memory_space<hbm>> -> memref<1x320000xi32, #tpu.memory_space<hbm>>
        %dma_wait3A_968 = tpu.memref_squeeze %dma_wait3A_967 : memref<1x320000xi32, #tpu.memory_space<hbm>> -> memref<320000xi32, #tpu.memory_space<hbm>>
        %dma_wait3A_969 = tpu.memref_slice %dma_wait3A_968[%add3A] : memref<320000xi32, #tpu.memory_space<hbm>> -> memref<2000xi32, #tpu.memory_space<hbm>>
        %dma_wait3A_970 = arith.constant 0 : i32
        %dma_wait3A_971 = tpu.memref_slice %arg3[%run_scoped3A_50, %dma_wait3A_970] : memref<2x320000xi32, #tpu.memory_space<hbm>> -> memref<1x320000xi32, #tpu.memory_space<hbm>>
        %dma_wait3A_972 = tpu.memref_squeeze %dma_wait3A_971 : memref<1x320000xi32, #tpu.memory_space<hbm>> -> memref<320000xi32, #tpu.memory_space<hbm>>
        %dma_wait3A_973 = tpu.memref_slice %dma_wait3A_972[%add3A] : memref<320000xi32, #tpu.memory_space<hbm>> -> memref<2000xi32, #tpu.memory_space<hbm>>
        tpu.wait_dma2 semaphore(%run_scoped3A_957 : memref<!tpu.dma_semaphore, #tpu.memory_space<semaphore_mem>>) src(%dma_wait3A_973 : memref<2000xi32, #tpu.memory_space<hbm>>) dst(%arg8 : memref<2000xi32, #tpu.memory_space<vmem>>)
        tpu.yield
      }) : () -> ()
      "tpu.region"() ({
        %run_scoped3A_957 = tpu.sem_alloc : memref<!tpu.dma_semaphore, #tpu.memory_space<semaphore_mem>>
        %dma_start3A_958 = tpu.memref_slice %arg4[%add3A] : memref<320000xi32, #tpu.memory_space<hbm>> -> memref<2000xi32, #tpu.memory_space<hbm>>
        %dma_start3A_959 = tpu.memref_slice %arg4[%add3A] : memref<320000xi32, #tpu.memory_space<hbm>> -> memref<2000xi32, #tpu.memory_space<hbm>>
        tpu.enqueue_dma source(%dma_start3A_959 : memref<2000xi32, #tpu.memory_space<hbm>>) target(%arg9 : memref<2000xi32, #tpu.memory_space<vmem>>) target_semaphore(%run_scoped3A_957 : memref<!tpu.dma_semaphore, #tpu.memory_space<semaphore_mem>>)
        %dma_wait3A_960 = tpu.memref_slice %arg4[%add3A] : memref<320000xi32, #tpu.memory_space<hbm>> -> memref<2000xi32, #tpu.memory_space<hbm>>
        %dma_wait3A_961 = tpu.memref_slice %arg4[%add3A] : memref<320000xi32, #tpu.memory_space<hbm>> -> memref<2000xi32, #tpu.memory_space<hbm>>
        tpu.wait_dma2 semaphore(%run_scoped3A_957 : memref<!tpu.dma_semaphore, #tpu.memory_space<semaphore_mem>>) src(%dma_wait3A_961 : memref<2000xi32, #tpu.memory_space<hbm>>) dst(%arg9 : memref<2000xi32, #tpu.memory_space<vmem>>)
        tpu.yield
      }) : () -> ()
      %scan3A_51 = arith.constant 0 : i32
      %scan3A_52 = arith.constant 0 : i32
      %scan3A_53 = arith.constant 25 : i32
      %scan3A_54 = arith.addi %scan3A_52, %scan3A_53 : i32
      %scan3A_55 = arith.constant 1 : i32
      %scan3A_56 = scf.for %scan3A_957 = %scan3A_52 to %scan3A_54 step %scan3A_55 iter_args(%scan3A_958 = %scan3A_51) -> (i32)  : i32 {
        %mul3A_959 = arith.constant 80 : i32
        %mul3A_960 = arith.muli %scan3A_957, %mul3A_959 : i32
        %add3A_961 = arith.constant 0 : i32
        %add3A_962 = arith.addi %mul3A_960, %add3A_961 : i32
        %get3A = arith.index_cast %add3A_962 : i32 to index
        %get3A_963 = tpu.vector_load %arg7[%get3A] {strides = array<i32>} : memref<2000xi32, #tpu.memory_space<vmem>>, vector<16xi32>,
        %get3A_964 = vector.shape_cast %get3A_963 : vector<16xi32> to vector<16xi32>
        %swap3A = arith.index_cast %scan3A_957 : i32 to index
        %swap3A_965 = arith.constant 0 : index
        %swap3A_966 = tpu.vector_load %arg10[%swap3A, %swap3A_965] {strides = array<i32>} : memref<25x80xi32, #tpu.memory_space<vmem>>, vector<1x16xi32>,
        %swap3A_967 = vector.shape_cast %swap3A_966 : vector<1x16xi32> to vector<16xi32>
        %swap3A_968 = vector.shape_cast %get3A_964 : vector<16xi32> to vector<1x16xi32>
        tpu.vector_store %arg10[%swap3A, %swap3A_965], %swap3A_968 {strides = array<i32>} : memref<25x80xi32, #tpu.memory_space<vmem>>, vector<1x16xi32>,
        %get3A_969 = arith.index_cast %add3A_962 : i32 to index
        %get3A_970 = tpu.vector_load %arg9[%get3A_969] {strides = array<i32>} : memref<2000xi32, #tpu.memory_space<vmem>>, vector<16xi32>,
        %get3A_971 = vector.shape_cast %get3A_970 : vector<16xi32> to vector<16xi32>
        %mul3A_972 = arith.constant 10240 : i32
        %mul3A_973 = vector.broadcast %mul3A_972 : i32 to vector<16xi32>
        %mul3A_974 = arith.muli %get3A_971, %mul3A_973 : vector<16xi32>
        %get3A_975 = arith.index_cast %add3A_962 : i32 to index
        %get3A_976 = tpu.vector_load %arg8[%get3A_975] {strides = array<i32>} : memref<2000xi32, #tpu.memory_space<vmem>>, vector<16xi32>,
        %get3A_977 = vector.shape_cast %get3A_976 : vector<16xi32> to vector<16xi32>
        %add3A_978 = arith.addi %mul3A_974, %get3A_977 : vector<16xi32>
        %swap3A_979 = arith.index_cast %scan3A_957 : i32 to index
        %swap3A_980 = arith.constant 0 : index
        %swap3A_981 = tpu.vector_load %arg11[%swap3A_979, %swap3A_980] {strides = array<i32>} : memref<25x80xi32, #tpu.memory_space<vmem>>, vector<1x16xi32>,
        %swap3A_982 = vector.shape_cast %swap3A_981 : vector<1x16xi32> to vector<16xi32>
        %swap3A_983 = vector.shape_cast %add3A_978 : vector<16xi32> to vector<1x16xi32>
        tpu.vector_store %arg11[%swap3A_979, %swap3A_980], %swap3A_983 {strides = array<i32>} : memref<25x80xi32, #tpu.memory_space<vmem>>, vector<1x16xi32>,
        %mul3A_984 = arith.constant 80 : i32
        %mul3A_985 = arith.muli %scan3A_957, %mul3A_984 : i32
        %add3A_986 = arith.constant 16 : i32
        %add3A_987 = arith.addi %mul3A_985, %add3A_986 : i32
        %get3A_988 = arith.index_cast %add3A_987 : i32 to index
        %get3A_989 = tpu.vector_load %arg7[%get3A_988] {strides = array<i32>} : memref<2000xi32, #tpu.memory_space<vmem>>, vector<16xi32>,
        %get3A_990 = vector.shape_cast %get3A_989 : vector<16xi32> to vector<16xi32>
        %swap3A_991 = arith.index_cast %scan3A_957 : i32 to index
        %swap3A_992 = arith.constant 16 : index
        %swap3A_993 = tpu.vector_load %arg10[%swap3A_991, %swap3A_992] {strides = array<i32>} : memref<25x80xi32, #tpu.memory_space<vmem>>, vector<1x16xi32>,
        %swap3A_994 = vector.shape_cast %swap3A_993 : vector<1x16xi32> to vector<16xi32>
        %swap3A_995 = vector.shape_cast %get3A_990 : vector<16xi32> to vector<1x16xi32>
        tpu.vector_store %arg10[%swap3A_991, %swap3A_992], %swap3A_995 {strides = array<i32>} : memref<25x80xi32, #tpu.memory_space<vmem>>, vector<1x16xi32>,
        %get3A_996 = arith.index_cast %add3A_987 : i32 to index
        %get3A_997 = tpu.vector_load %arg9[%get3A_996] {strides = array<i32>} : memref<2000xi32, #tpu.memory_space<vmem>>, vector<16xi32>,
        %get3A_998 = vector.shape_cast %get3A_997 : vector<16xi32> to vector<16xi32>
        %mul3A_999 = arith.constant 10240 : i32
        %mul3A_1000 = vector.broadcast %mul3A_999 : i32 to vector<16xi32>
        %mul3A_1001 = arith.muli %get3A_998, %mul3A_1000 : vector<16xi32>
        %get3A_1002 = arith.index_cast %add3A_987 : i32 to index
        %get3A_1003 = tpu.vector_load %arg8[%get3A_1002] {strides = array<i32>} : memref<2000xi32, #tpu.memory_space<vmem>>, vector<16xi32>,
        %get3A_1004 = vector.shape_cast %get3A_1003 : vector<16xi32> to vector<16xi32>
        %add3A_1005 = arith.addi %mul3A_1001, %get3A_1004 : vector<16xi32>
        %swap3A_1006 = arith.index_cast %scan3A_957 : i32 to index
        %swap3A_1007 = arith.constant 16 : index
        %swap3A_1008 = tpu.vector_load %arg11[%swap3A_1006, %swap3A_1007] {strides = array<i32>} : memref<25x80xi32, #tpu.memory_space<vmem>>, vector<1x16xi32>,
        %swap3A_1009 = vector.shape_cast %swap3A_1008 : vector<1x16xi32> to vector<16xi32>
        %swap3A_1010 = vector.shape_cast %add3A_1005 : vector<16xi32> to vector<1x16xi32>
        tpu.vector_store %arg11[%swap3A_1006, %swap3A_1007], %swap3A_1010 {strides = array<i32>} : memref<25x80xi32, #tpu.memory_space<vmem>>, vector<1x16xi32>,
        %mul3A_1011 = arith.constant 80 : i32
        %mul3A_1012 = arith.muli %scan3A_957, %mul3A_1011 : i32
        %add3A_1013 = arith.constant 32 : i32
        %add3A_1014 = arith.addi %mul3A_1012, %add3A_1013 : i32
        %get3A_1015 = arith.index_cast %add3A_1014 : i32 to index
        %get3A_1016 = tpu.vector_load %arg7[%get3A_1015] {strides = array<i32>} : memref<2000xi32, #tpu.memory_space<vmem>>, vector<16xi32>,
        %get3A_1017 = vector.shape_cast %get3A_1016 : vector<16xi32> to vector<16xi32>
        %swap3A_1018 = arith.index_cast %scan3A_957 : i32 to index
        %swap3A_1019 = arith.constant 32 : index
        %swap3A_1020 = tpu.vector_load %arg10[%swap3A_1018, %swap3A_1019] {strides = array<i32>} : memref<25x80xi32, #tpu.memory_space<vmem>>, vector<1x16xi32>,
        %swap3A_1021 = vector.shape_cast %swap3A_1020 : vector<1x16xi32> to vector<16xi32>
        %swap3A_1022 = vector.shape_cast %get3A_1017 : vector<16xi32> to vector<1x16xi32>
        tpu.vector_store %arg10[%swap3A_1018, %swap3A_1019], %swap3A_1022 {strides = array<i32>} : memref<25x80xi32, #tpu.memory_space<vmem>>, vector<1x16xi32>,
        %get3A_1023 = arith.index_cast %add3A_1014 : i32 to index
        %get3A_1024 = tpu.vector_load %arg9[%get3A_1023] {strides = array<i32>} : memref<2000xi32, #tpu.memory_space<vmem>>, vector<16xi32>,
        %get3A_1025 = vector.shape_cast %get3A_1024 : vector<16xi32> to vector<16xi32>
        %mul3A_1026 = arith.constant 10240 : i32
        %mul3A_1027 = vector.broadcast %mul3A_1026 : i32 to vector<16xi32>
        %mul3A_1028 = arith.muli %get3A_1025, %mul3A_1027 : vector<16xi32>
        %get3A_1029 = arith.index_cast %add3A_1014 : i32 to index
        %get3A_1030 = tpu.vector_load %arg8[%get3A_1029] {strides = array<i32>} : memref<2000xi32, #tpu.memory_space<vmem>>, vector<16xi32>,
        %get3A_1031 = vector.shape_cast %get3A_1030 : vector<16xi32> to vector<16xi32>
        %add3A_1032 = arith.addi %mul3A_1028, %get3A_1031 : vector<16xi32>
        %swap3A_1033 = arith.index_cast %scan3A_957 : i32 to index
        %swap3A_1034 = arith.constant 32 : index
        %swap3A_1035 = tpu.vector_load %arg11[%swap3A_1033, %swap3A_1034] {strides = array<i32>} : memref<25x80xi32, #tpu.memory_space<vmem>>, vector<1x16xi32>,
        %swap3A_1036 = vector.shape_cast %swap3A_1035 : vector<1x16xi32> to vector<16xi32>
        %swap3A_1037 = vector.shape_cast %add3A_1032 : vector<16xi32> to vector<1x16xi32>
        tpu.vector_store %arg11[%swap3A_1033, %swap3A_1034], %swap3A_1037 {strides = array<i32>} : memref<25x80xi32, #tpu.memory_space<vmem>>, vector<1x16xi32>,
        %mul3A_1038 = arith.constant 80 : i32
        %mul3A_1039 = arith.muli %scan3A_957, %mul3A_1038 : i32
        %add3A_1040 = arith.constant 48 : i32
        %add3A_1041 = arith.addi %mul3A_1039, %add3A_1040 : i32
        %get3A_1042 = arith.index_cast %add3A_1041 : i32 to index
        %get3A_1043 = tpu.vector_load %arg7[%get3A_1042] {strides = array<i32>} : memref<2000xi32, #tpu.memory_space<vmem>>, vector<16xi32>,
        %get3A_1044 = vector.shape_cast %get3A_1043 : vector<16xi32> to vector<16xi32>
        %swap3A_1045 = arith.index_cast %scan3A_957 : i32 to index
        %swap3A_1046 = arith.constant 48 : index
        %swap3A_1047 = tpu.vector_load %arg10[%swap3A_1045, %swap3A_1046] {strides = array<i32>} : memref<25x80xi32, #tpu.memory_space<vmem>>, vector<1x16xi32>,
        %swap3A_1048 = vector.shape_cast %swap3A_1047 : vector<1x16xi32> to vector<16xi32>
        %swap3A_1049 = vector.shape_cast %get3A_1044 : vector<16xi32> to vector<1x16xi32>
        tpu.vector_store %arg10[%swap3A_1045, %swap3A_1046], %swap3A_1049 {strides = array<i32>} : memref<25x80xi32, #tpu.memory_space<vmem>>, vector<1x16xi32>,
        %get3A_1050 = arith.index_cast %add3A_1041 : i32 to index
        %get3A_1051 = tpu.vector_load %arg9[%get3A_1050] {strides = array<i32>} : memref<2000xi32, #tpu.memory_space<vmem>>, vector<16xi32>,
        %get3A_1052 = vector.shape_cast %get3A_1051 : vector<16xi32> to vector<16xi32>
        %mul3A_1053 = arith.constant 10240 : i32
        %mul3A_1054 = vector.broadcast %mul3A_1053 : i32 to vector<16xi32>
        %mul3A_1055 = arith.muli %get3A_1052, %mul3A_1054 : vector<16xi32>
        %get3A_1056 = arith.index_cast %add3A_1041 : i32 to index
        %get3A_1057 = tpu.vector_load %arg8[%get3A_1056] {strides = array<i32>} : memref<2000xi32, #tpu.memory_space<vmem>>, vector<16xi32>,
        %get3A_1058 = vector.shape_cast %get3A_1057 : vector<16xi32> to vector<16xi32>
        %add3A_1059 = arith.addi %mul3A_1055, %get3A_1058 : vector<16xi32>
        %swap3A_1060 = arith.index_cast %scan3A_957 : i32 to index
        %swap3A_1061 = arith.constant 48 : index
        %swap3A_1062 = tpu.vector_load %arg11[%swap3A_1060, %swap3A_1061] {strides = array<i32>} : memref<25x80xi32, #tpu.memory_space<vmem>>, vector<1x16xi32>,
        %swap3A_1063 = vector.shape_cast %swap3A_1062 : vector<1x16xi32> to vector<16xi32>
        %swap3A_1064 = vector.shape_cast %add3A_1059 : vector<16xi32> to vector<1x16xi32>
        tpu.vector_store %arg11[%swap3A_1060, %swap3A_1061], %swap3A_1064 {strides = array<i32>} : memref<25x80xi32, #tpu.memory_space<vmem>>, vector<1x16xi32>,
        %mul3A_1065 = arith.constant 80 : i32
        %mul3A_1066 = arith.muli %scan3A_957, %mul3A_1065 : i32
        %add3A_1067 = arith.constant 64 : i32
        %add3A_1068 = arith.addi %mul3A_1066, %add3A_1067 : i32
        %get3A_1069 = arith.index_cast %add3A_1068 : i32 to index
        %get3A_1070 = tpu.vector_load %arg7[%get3A_1069] {strides = array<i32>} : memref<2000xi32, #tpu.memory_space<vmem>>, vector<16xi32>,
        %get3A_1071 = vector.shape_cast %get3A_1070 : vector<16xi32> to vector<16xi32>
        %swap3A_1072 = arith.index_cast %scan3A_957 : i32 to index
        %swap3A_1073 = arith.constant 64 : index
        %swap3A_1074 = tpu.vector_load %arg10[%swap3A_1072, %swap3A_1073] {strides = array<i32>} : memref<25x80xi32, #tpu.memory_space<vmem>>, vector<1x16xi32>,
        %swap3A_1075 = vector.shape_cast %swap3A_1074 : vector<1x16xi32> to vector<16xi32>
        %swap3A_1076 = vector.shape_cast %get3A_1071 : vector<16xi32> to vector<1x16xi32>
        tpu.vector_store %arg10[%swap3A_1072, %swap3A_1073], %swap3A_1076 {strides = array<i32>} : memref<25x80xi32, #tpu.memory_space<vmem>>, vector<1x16xi32>,
        %get3A_1077 = arith.index_cast %add3A_1068 : i32 to index
        %get3A_1078 = tpu.vector_load %arg9[%get3A_1077] {strides = array<i32>} : memref<2000xi32, #tpu.memory_space<vmem>>, vector<16xi32>,
        %get3A_1079 = vector.shape_cast %get3A_1078 : vector<16xi32> to vector<16xi32>
        %mul3A_1080 = arith.constant 10240 : i32
        %mul3A_1081 = vector.broadcast %mul3A_1080 : i32 to vector<16xi32>
        %mul3A_1082 = arith.muli %get3A_1079, %mul3A_1081 : vector<16xi32>
        %get3A_1083 = arith.index_cast %add3A_1068 : i32 to index
        %get3A_1084 = tpu.vector_load %arg8[%get3A_1083] {strides = array<i32>} : memref<2000xi32, #tpu.memory_space<vmem>>, vector<16xi32>,
        %get3A_1085 = vector.shape_cast %get3A_1084 : vector<16xi32> to vector<16xi32>
        %add3A_1086 = arith.addi %mul3A_1082, %get3A_1085 : vector<16xi32>
        %swap3A_1087 = arith.index_cast %scan3A_957 : i32 to index
        %swap3A_1088 = arith.constant 64 : index
        %swap3A_1089 = tpu.vector_load %arg11[%swap3A_1087, %swap3A_1088] {strides = array<i32>} : memref<25x80xi32, #tpu.memory_space<vmem>>, vector<1x16xi32>,
        %swap3A_1090 = vector.shape_cast %swap3A_1089 : vector<1x16xi32> to vector<16xi32>
        %swap3A_1091 = vector.shape_cast %add3A_1086 : vector<16xi32> to vector<1x16xi32>
        tpu.vector_store %arg11[%swap3A_1087, %swap3A_1088], %swap3A_1091 {strides = array<i32>} : memref<25x80xi32, #tpu.memory_space<vmem>>, vector<1x16xi32>,
        %scan3A_1092 = arith.constant 0 : i32
        scf.yield %scan3A_1092 : i32
      }
      %scan3A_57 = arith.constant 25 : i32
      %dma_start3A = arith.constant 0 : i32
      %dma_start3A_58 = arith.constant 0 : i32
      %dma_start3A_59 = tpu.memref_slice %arg10[%dma_start3A, %dma_start3A_58] : memref<25x80xi32, #tpu.memory_space<vmem>> -> memref<1x80xi32, #tpu.memory_space<vmem>>
      %dma_start3A_60 = tpu.memref_squeeze %dma_start3A_59 : memref<1x80xi32, #tpu.memory_space<vmem>> -> memref<80xi32, #tpu.memory_space<vmem>>
      %dma_start3A_61 = arith.constant 0 : i32
      %dma_start3A_62 = arith.constant 0 : i32
      %dma_start3A_63 = tpu.memref_slice %arg2[%arg0, %dma_start3A_61, %dma_start3A_62] : memref<2x10000x64xf32, #tpu.memory_space<hbm>> -> memref<1x10000x64xf32, #tpu.memory_space<hbm>>
      %dma_start3A_64 = tpu.memref_squeeze %dma_start3A_63 : memref<1x10000x64xf32, #tpu.memory_space<hbm>> -> memref<10000x64xf32, #tpu.memory_space<hbm>>
      %dma_start3A_65 = arith.constant 0 : i32
      %dma_start3A_66 = arith.constant 0 : i32
      %dma_start3A_67 = tpu.memref_slice %dma_start3A_64[%dma_start3A_65, %dma_start3A_66] : memref<10000x64xf32, #tpu.memory_space<hbm>> -> memref<10000x64xf32, #tpu.memory_space<hbm>>
      tpu.enqueue_indirect_dma source(%dma_start3A_67 : memref<10000x64xf32, #tpu.memory_space<hbm>>) target(%arg12 : memref<80x64xf32, #tpu.memory_space<vmem>>) offsets(%dma_start3A_60 : memref<80xi32, #tpu.memory_space<vmem>>) semaphore(%arg17 : memref<!tpu.dma_semaphore, #tpu.memory_space<semaphore_mem>>)
      %dma_start3A_68 = arith.constant 1 : i32
      %dma_start3A_69 = arith.constant 0 : i32
      %dma_start3A_70 = tpu.memref_slice %arg10[%dma_start3A_68, %dma_start3A_69] : memref<25x80xi32, #tpu.memory_space<vmem>> -> memref<1x80xi32, #tpu.memory_space<vmem>>
      %dma_start3A_71 = tpu.memref_squeeze %dma_start3A_70 : memref<1x80xi32, #tpu.memory_space<vmem>> -> memref<80xi32, #tpu.memory_space<vmem>>
      %dma_start3A_72 = arith.constant 0 : i32
      %dma_start3A_73 = arith.constant 0 : i32
      %dma_start3A_74 = tpu.memref_slice %arg2[%arg0, %dma_start3A_72, %dma_start3A_73] : memref<2x10000x64xf32, #tpu.memory_space<hbm>> -> memref<1x10000x64xf32, #tpu.memory_space<hbm>>
      %dma_start3A_75 = tpu.memref_squeeze %dma_start3A_74 : memref<1x10000x64xf32, #tpu.memory_space<hbm>> -> memref<10000x64xf32, #tpu.memory_space<hbm>>
      %dma_start3A_76 = arith.constant 0 : i32
      %dma_start3A_77 = arith.constant 0 : i32
      %dma_start3A_78 = tpu.memref_slice %dma_start3A_75[%dma_start3A_76, %dma_start3A_77] : memref<10000x64xf32, #tpu.memory_space<hbm>> -> memref<10000x64xf32, #tpu.memory_space<hbm>>
      tpu.enqueue_indirect_dma source(%dma_start3A_78 : memref<10000x64xf32, #tpu.memory_space<hbm>>) target(%arg13 : memref<80x64xf32, #tpu.memory_space<vmem>>) offsets(%dma_start3A_71 : memref<80xi32, #tpu.memory_space<vmem>>) semaphore(%arg18 : memref<!tpu.dma_semaphore, #tpu.memory_space<semaphore_mem>>)
      %dma_start3A_79 = arith.constant 2 : i32
      %dma_start3A_80 = arith.constant 0 : i32
      %dma_start3A_81 = tpu.memref_slice %arg10[%dma_start3A_79, %dma_start3A_80] : memref<25x80xi32, #tpu.memory_space<vmem>> -> memref<1x80xi32, #tpu.memory_space<vmem>>
      %dma_start3A_82 = tpu.memref_squeeze %dma_start3A_81 : memref<1x80xi32, #tpu.memory_space<vmem>> -> memref<80xi32, #tpu.memory_space<vmem>>
      %dma_start3A_83 = arith.constant 0 : i32
      %dma_start3A_84 = arith.constant 0 : i32
      %dma_start3A_85 = tpu.memref_slice %arg2[%arg0, %dma_start3A_83, %dma_start3A_84] : memref<2x10000x64xf32, #tpu.memory_space<hbm>> -> memref<1x10000x64xf32, #tpu.memory_space<hbm>>
      %dma_start3A_86 = tpu.memref_squeeze %dma_start3A_85 : memref<1x10000x64xf32, #tpu.memory_space<hbm>> -> memref<10000x64xf32, #tpu.memory_space<hbm>>
      %dma_start3A_87 = arith.constant 0 : i32
      %dma_start3A_88 = arith.constant 0 : i32
      %dma_start3A_89 = tpu.memref_slice %dma_start3A_86[%dma_start3A_87, %dma_start3A_88] : memref<10000x64xf32, #tpu.memory_space<hbm>> -> memref<10000x64xf32, #tpu.memory_space<hbm>>
      tpu.enqueue_indirect_dma source(%dma_start3A_89 : memref<10000x64xf32, #tpu.memory_space<hbm>>) target(%arg14 : memref<80x64xf32, #tpu.memory_space<vmem>>) offsets(%dma_start3A_82 : memref<80xi32, #tpu.memory_space<vmem>>) semaphore(%arg19 : memref<!tpu.dma_semaphore, #tpu.memory_space<semaphore_mem>>)
      %dma_start3A_90 = arith.constant 3 : i32
      %dma_start3A_91 = arith.constant 0 : i32
      %dma_start3A_92 = tpu.memref_slice %arg10[%dma_start3A_90, %dma_start3A_91] : memref<25x80xi32, #tpu.memory_space<vmem>> -> memref<1x80xi32, #tpu.memory_space<vmem>>
      %dma_start3A_93 = tpu.memref_squeeze %dma_start3A_92 : memref<1x80xi32, #tpu.memory_space<vmem>> -> memref<80xi32, #tpu.memory_space<vmem>>
      %dma_start3A_94 = arith.constant 0 : i32
      %dma_start3A_95 = arith.constant 0 : i32
      %dma_start3A_96 = tpu.memref_slice %arg2[%arg0, %dma_start3A_94, %dma_start3A_95] : memref<2x10000x64xf32, #tpu.memory_space<hbm>> -> memref<1x10000x64xf32, #tpu.memory_space<hbm>>
      %dma_start3A_97 = tpu.memref_squeeze %dma_start3A_96 : memref<1x10000x64xf32, #tpu.memory_space<hbm>> -> memref<10000x64xf32, #tpu.memory_space<hbm>>
      %dma_start3A_98 = arith.constant 0 : i32
      %dma_start3A_99 = arith.constant 0 : i32
      %dma_start3A_100 = tpu.memref_slice %dma_start3A_97[%dma_start3A_98, %dma_start3A_99] : memref<10000x64xf32, #tpu.memory_space<hbm>> -> memref<10000x64xf32, #tpu.memory_space<hbm>>
      tpu.enqueue_indirect_dma source(%dma_start3A_100 : memref<10000x64xf32, #tpu.memory_space<hbm>>) target(%arg15 : memref<80x64xf32, #tpu.memory_space<vmem>>) offsets(%dma_start3A_93 : memref<80xi32, #tpu.memory_space<vmem>>) semaphore(%arg20 : memref<!tpu.dma_semaphore, #tpu.memory_space<semaphore_mem>>)
      %dma_wait3A = arith.constant 0 : i32
      %dma_wait3A_101 = arith.constant 0 : i32
      %dma_wait3A_102 = tpu.memref_slice %arg10[%dma_wait3A, %dma_wait3A_101] : memref<25x80xi32, #tpu.memory_space<vmem>> -> memref<1x80xi32, #tpu.memory_space<vmem>>
      %dma_wait3A_103 = tpu.memref_squeeze %dma_wait3A_102 : memref<1x80xi32, #tpu.memory_space<vmem>> -> memref<80xi32, #tpu.memory_space<vmem>>
      %dma_wait3A_104 = arith.constant 0 : i32
      %dma_wait3A_105 = arith.constant 0 : i32
      %dma_wait3A_106 = tpu.memref_slice %arg2[%arg0, %dma_wait3A_104, %dma_wait3A_105] : memref<2x10000x64xf32, #tpu.memory_space<hbm>> -> memref<1x10000x64xf32, #tpu.memory_space<hbm>>
      %dma_wait3A_107 = tpu.memref_squeeze %dma_wait3A_106 : memref<1x10000x64xf32, #tpu.memory_space<hbm>> -> memref<10000x64xf32, #tpu.memory_space<hbm>>
      %dma_wait3A_108 = arith.constant 0 : i32
      %dma_wait3A_109 = arith.constant 0 : i32
      %dma_wait3A_110 = tpu.memref_slice %dma_wait3A_107[%dma_wait3A_108, %dma_wait3A_109] : memref<10000x64xf32, #tpu.memory_space<hbm>> -> memref<10000x64xf32, #tpu.memory_space<hbm>>
      tpu.wait_indirect_dma semaphore(%arg17 : memref<!tpu.dma_semaphore, #tpu.memory_space<semaphore_mem>>) src(%dma_wait3A_110 : memref<10000x64xf32, #tpu.memory_space<hbm>>) dst(%arg12 : memref<80x64xf32, #tpu.memory_space<vmem>>)
      %dma_start3A_111 = arith.constant 0 : i32
      %dma_start3A_112 = arith.constant 0 : i32
      %dma_start3A_113 = tpu.memref_slice %arg11[%dma_start3A_111, %dma_start3A_112] : memref<25x80xi32, #tpu.memory_space<vmem>> -> memref<1x80xi32, #tpu.memory_space<vmem>>
      %dma_start3A_114 = tpu.memref_squeeze %dma_start3A_113 : memref<1x80xi32, #tpu.memory_space<vmem>> -> memref<80xi32, #tpu.memory_space<vmem>>
      %dma_start3A_115 = arith.constant 0 : i32
      %dma_start3A_116 = arith.constant 0 : i32
      %dma_start3A_117 = tpu.memref_slice %arg6[%dma_start3A_115, %dma_start3A_116] : memref<20480x64xf32, #tpu.memory_space<vmem_shared>> -> memref<20480x64xf32, #tpu.memory_space<vmem_shared>>
      tpu.enqueue_indirect_dma source(%arg12 : memref<80x64xf32, #tpu.memory_space<vmem>>) target(%dma_start3A_117 : memref<20480x64xf32, #tpu.memory_space<vmem_shared>>) offsets(%dma_start3A_114 : memref<80xi32, #tpu.memory_space<vmem>>) semaphore(%arg21 : memref<!tpu.dma_semaphore, #tpu.memory_space<semaphore_mem>>) {add = true}
      %dma_wait3A_118 = arith.constant 0 : i32
      %dma_wait3A_119 = arith.constant 0 : i32
      %dma_wait3A_120 = tpu.memref_slice %arg11[%dma_wait3A_118, %dma_wait3A_119] : memref<25x80xi32, #tpu.memory_space<vmem>> -> memref<1x80xi32, #tpu.memory_space<vmem>>
      %dma_wait3A_121 = tpu.memref_squeeze %dma_wait3A_120 : memref<1x80xi32, #tpu.memory_space<vmem>> -> memref<80xi32, #tpu.memory_space<vmem>>
      %dma_wait3A_122 = arith.constant 0 : i32
      %dma_wait3A_123 = arith.constant 0 : i32
      %dma_wait3A_124 = tpu.memref_slice %arg6[%dma_wait3A_122, %dma_wait3A_123] : memref<20480x64xf32, #tpu.memory_space<vmem_shared>> -> memref<20480x64xf32, #tpu.memory_space<vmem_shared>>
      tpu.wait_indirect_dma semaphore(%arg21 : memref<!tpu.dma_semaphore, #tpu.memory_space<semaphore_mem>>) src(%arg12 : memref<80x64xf32, #tpu.memory_space<vmem>>) dst(%dma_wait3A_124 : memref<20480x64xf32, #tpu.memory_space<vmem_shared>>)
      %dma_start3A_125 = arith.constant 4 : i32
      %dma_start3A_126 = arith.constant 0 : i32
      %dma_start3A_127 = tpu.memref_slice %arg10[%dma_start3A_125, %dma_start3A_126] : memref<25x80xi32, #tpu.memory_space<vmem>> -> memref<1x80xi32, #tpu.memory_space<vmem>>
      %dma_start3A_128 = tpu.memref_squeeze %dma_start3A_127 : memref<1x80xi32, #tpu.memory_space<vmem>> -> memref<80xi32, #tpu.memory_space<vmem>>
      %dma_start3A_129 = arith.constant 0 : i32
      %dma_start3A_130 = arith.constant 0 : i32
      %dma_start3A_131 = tpu.memref_slice %arg2[%arg0, %dma_start3A_129, %dma_start3A_130] : memref<2x10000x64xf32, #tpu.memory_space<hbm>> -> memref<1x10000x64xf32, #tpu.memory_space<hbm>>
      %dma_start3A_132 = tpu.memref_squeeze %dma_start3A_131 : memref<1x10000x64xf32, #tpu.memory_space<hbm>> -> memref<10000x64xf32, #tpu.memory_space<hbm>>
      %dma_start3A_133 = arith.constant 0 : i32
      %dma_start3A_134 = arith.constant 0 : i32
      %dma_start3A_135 = tpu.memref_slice %dma_start3A_132[%dma_start3A_133, %dma_start3A_134] : memref<10000x64xf32, #tpu.memory_space<hbm>> -> memref<10000x64xf32, #tpu.memory_space<hbm>>
      tpu.enqueue_indirect_dma source(%dma_start3A_135 : memref<10000x64xf32, #tpu.memory_space<hbm>>) target(%arg12 : memref<80x64xf32, #tpu.memory_space<vmem>>) offsets(%dma_start3A_128 : memref<80xi32, #tpu.memory_space<vmem>>) semaphore(%arg17 : memref<!tpu.dma_semaphore, #tpu.memory_space<semaphore_mem>>)
      %dma_wait3A_136 = arith.constant 1 : i32
      %dma_wait3A_137 = arith.constant 0 : i32
      %dma_wait3A_138 = tpu.memref_slice %arg10[%dma_wait3A_136, %dma_wait3A_137] : memref<25x80xi32, #tpu.memory_space<vmem>> -> memref<1x80xi32, #tpu.memory_space<vmem>>
      %dma_wait3A_139 = tpu.memref_squeeze %dma_wait3A_138 : memref<1x80xi32, #tpu.memory_space<vmem>> -> memref<80xi32, #tpu.memory_space<vmem>>
      %dma_wait3A_140 = arith.constant 0 : i32
      %dma_wait3A_141 = arith.constant 0 : i32
      %dma_wait3A_142 = tpu.memref_slice %arg2[%arg0, %dma_wait3A_140, %dma_wait3A_141] : memref<2x10000x64xf32, #tpu.memory_space<hbm>> -> memref<1x10000x64xf32, #tpu.memory_space<hbm>>
      %dma_wait3A_143 = tpu.memref_squeeze %dma_wait3A_142 : memref<1x10000x64xf32, #tpu.memory_space<hbm>> -> memref<10000x64xf32, #tpu.memory_space<hbm>>
      %dma_wait3A_144 = arith.constant 0 : i32
      %dma_wait3A_145 = arith.constant 0 : i32
      %dma_wait3A_146 = tpu.memref_slice %dma_wait3A_143[%dma_wait3A_144, %dma_wait3A_145] : memref<10000x64xf32, #tpu.memory_space<hbm>> -> memref<10000x64xf32, #tpu.memory_space<hbm>>
      tpu.wait_indirect_dma semaphore(%arg18 : memref<!tpu.dma_semaphore, #tpu.memory_space<semaphore_mem>>) src(%dma_wait3A_146 : memref<10000x64xf32, #tpu.memory_space<hbm>>) dst(%arg13 : memref<80x64xf32, #tpu.memory_space<vmem>>)
      %dma_start3A_147 = arith.constant 1 : i32
      %dma_start3A_148 = arith.constant 0 : i32
      %dma_start3A_149 = tpu.memref_slice %arg11[%dma_start3A_147, %dma_start3A_148] : memref<25x80xi32, #tpu.memory_space<vmem>> -> memref<1x80xi32, #tpu.memory_space<vmem>>
      %dma_start3A_150 = tpu.memref_squeeze %dma_start3A_149 : memref<1x80xi32, #tpu.memory_space<vmem>> -> memref<80xi32, #tpu.memory_space<vmem>>
      %dma_start3A_151 = arith.constant 0 : i32
      %dma_start3A_152 = arith.constant 0 : i32
      %dma_start3A_153 = tpu.memref_slice %arg6[%dma_start3A_151, %dma_start3A_152] : memref<20480x64xf32, #tpu.memory_space<vmem_shared>> -> memref<20480x64xf32, #tpu.memory_space<vmem_shared>>
      tpu.enqueue_indirect_dma source(%arg13 : memref<80x64xf32, #tpu.memory_space<vmem>>) target(%dma_start3A_153 : memref<20480x64xf32, #tpu.memory_space<vmem_shared>>) offsets(%dma_start3A_150 : memref<80xi32, #tpu.memory_space<vmem>>) semaphore(%arg22 : memref<!tpu.dma_semaphore, #tpu.memory_space<semaphore_mem>>) {add = true}
      %dma_wait3A_154 = arith.constant 1 : i32
      %dma_wait3A_155 = arith.constant 0 : i32
      %dma_wait3A_156 = tpu.memref_slice %arg11[%dma_wait3A_154, %dma_wait3A_155] : memref<25x80xi32, #tpu.memory_space<vmem>> -> memref<1x80xi32, #tpu.memory_space<vmem>>
      %dma_wait3A_157 = tpu.memref_squeeze %dma_wait3A_156 : memref<1x80xi32, #tpu.memory_space<vmem>> -> memref<80xi32, #tpu.memory_space<vmem>>
      %dma_wait3A_158 = arith.constant 0 : i32
      %dma_wait3A_159 = arith.constant 0 : i32
      %dma_wait3A_160 = tpu.memref_slice %arg6[%dma_wait3A_158, %dma_wait3A_159] : memref<20480x64xf32, #tpu.memory_space<vmem_shared>> -> memref<20480x64xf32, #tpu.memory_space<vmem_shared>>
      tpu.wait_indirect_dma semaphore(%arg22 : memref<!tpu.dma_semaphore, #tpu.memory_space<semaphore_mem>>) src(%arg13 : memref<80x64xf32, #tpu.memory_space<vmem>>) dst(%dma_wait3A_160 : memref<20480x64xf32, #tpu.memory_space<vmem_shared>>)
      %dma_start3A_161 = arith.constant 5 : i32
      %dma_start3A_162 = arith.constant 0 : i32
      %dma_start3A_163 = tpu.memref_slice %arg10[%dma_start3A_161, %dma_start3A_162] : memref<25x80xi32, #tpu.memory_space<vmem>> -> memref<1x80xi32, #tpu.memory_space<vmem>>
      %dma_start3A_164 = tpu.memref_squeeze %dma_start3A_163 : memref<1x80xi32, #tpu.memory_space<vmem>> -> memref<80xi32, #tpu.memory_space<vmem>>
      %dma_start3A_165 = arith.constant 0 : i32
      %dma_start3A_166 = arith.constant 0 : i32
      %dma_start3A_167 = tpu.memref_slice %arg2[%arg0, %dma_start3A_165, %dma_start3A_166] : memref<2x10000x64xf32, #tpu.memory_space<hbm>> -> memref<1x10000x64xf32, #tpu.memory_space<hbm>>
      %dma_start3A_168 = tpu.memref_squeeze %dma_start3A_167 : memref<1x10000x64xf32, #tpu.memory_space<hbm>> -> memref<10000x64xf32, #tpu.memory_space<hbm>>
      %dma_start3A_169 = arith.constant 0 : i32
      %dma_start3A_170 = arith.constant 0 : i32
      %dma_start3A_171 = tpu.memref_slice %dma_start3A_168[%dma_start3A_169, %dma_start3A_170] : memref<10000x64xf32, #tpu.memory_space<hbm>> -> memref<10000x64xf32, #tpu.memory_space<hbm>>
      tpu.enqueue_indirect_dma source(%dma_start3A_171 : memref<10000x64xf32, #tpu.memory_space<hbm>>) target(%arg13 : memref<80x64xf32, #tpu.memory_space<vmem>>) offsets(%dma_start3A_164 : memref<80xi32, #tpu.memory_space<vmem>>) semaphore(%arg18 : memref<!tpu.dma_semaphore, #tpu.memory_space<semaphore_mem>>)
      %dma_wait3A_172 = arith.constant 2 : i32
      %dma_wait3A_173 = arith.constant 0 : i32
      %dma_wait3A_174 = tpu.memref_slice %arg10[%dma_wait3A_172, %dma_wait3A_173] : memref<25x80xi32, #tpu.memory_space<vmem>> -> memref<1x80xi32, #tpu.memory_space<vmem>>
      %dma_wait3A_175 = tpu.memref_squeeze %dma_wait3A_174 : memref<1x80xi32, #tpu.memory_space<vmem>> -> memref<80xi32, #tpu.memory_space<vmem>>
      %dma_wait3A_176 = arith.constant 0 : i32
      %dma_wait3A_177 = arith.constant 0 : i32
      %dma_wait3A_178 = tpu.memref_slice %arg2[%arg0, %dma_wait3A_176, %dma_wait3A_177] : memref<2x10000x64xf32, #tpu.memory_space<hbm>> -> memref<1x10000x64xf32, #tpu.memory_space<hbm>>
      %dma_wait3A_179 = tpu.memref_squeeze %dma_wait3A_178 : memref<1x10000x64xf32, #tpu.memory_space<hbm>> -> memref<10000x64xf32, #tpu.memory_space<hbm>>
      %dma_wait3A_180 = arith.constant 0 : i32
      %dma_wait3A_181 = arith.constant 0 : i32
      %dma_wait3A_182 = tpu.memref_slice %dma_wait3A_179[%dma_wait3A_180, %dma_wait3A_181] : memref<10000x64xf32, #tpu.memory_space<hbm>> -> memref<10000x64xf32, #tpu.memory_space<hbm>>
      tpu.wait_indirect_dma semaphore(%arg19 : memref<!tpu.dma_semaphore, #tpu.memory_space<semaphore_mem>>) src(%dma_wait3A_182 : memref<10000x64xf32, #tpu.memory_space<hbm>>) dst(%arg14 : memref<80x64xf32, #tpu.memory_space<vmem>>)
      %dma_start3A_183 = arith.constant 2 : i32
      %dma_start3A_184 = arith.constant 0 : i32
      %dma_start3A_185 = tpu.memref_slice %arg11[%dma_start3A_183, %dma_start3A_184] : memref<25x80xi32, #tpu.memory_space<vmem>> -> memref<1x80xi32, #tpu.memory_space<vmem>>
      %dma_start3A_186 = tpu.memref_squeeze %dma_start3A_185 : memref<1x80xi32, #tpu.memory_space<vmem>> -> memref<80xi32, #tpu.memory_space<vmem>>
      %dma_start3A_187 = arith.constant 0 : i32
      %dma_start3A_188 = arith.constant 0 : i32
      %dma_start3A_189 = tpu.memref_slice %arg6[%dma_start3A_187, %dma_start3A_188] : memref<20480x64xf32, #tpu.memory_space<vmem_shared>> -> memref<20480x64xf32, #tpu.memory_space<vmem_shared>>
      tpu.enqueue_indirect_dma source(%arg14 : memref<80x64xf32, #tpu.memory_space<vmem>>) target(%dma_start3A_189 : memref<20480x64xf32, #tpu.memory_space<vmem_shared>>) offsets(%dma_start3A_186 : memref<80xi32, #tpu.memory_space<vmem>>) semaphore(%arg23 : memref<!tpu.dma_semaphore, #tpu.memory_space<semaphore_mem>>) {add = true}
      %dma_wait3A_190 = arith.constant 2 : i32
      %dma_wait3A_191 = arith.constant 0 : i32
      %dma_wait3A_192 = tpu.memref_slice %arg11[%dma_wait3A_190, %dma_wait3A_191] : memref<25x80xi32, #tpu.memory_space<vmem>> -> memref<1x80xi32, #tpu.memory_space<vmem>>
      %dma_wait3A_193 = tpu.memref_squeeze %dma_wait3A_192 : memref<1x80xi32, #tpu.memory_space<vmem>> -> memref<80xi32, #tpu.memory_space<vmem>>
      %dma_wait3A_194 = arith.constant 0 : i32
      %dma_wait3A_195 = arith.constant 0 : i32
      %dma_wait3A_196 = tpu.memref_slice %arg6[%dma_wait3A_194, %dma_wait3A_195] : memref<20480x64xf32, #tpu.memory_space<vmem_shared>> -> memref<20480x64xf32, #tpu.memory_space<vmem_shared>>
      tpu.wait_indirect_dma semaphore(%arg23 : memref<!tpu.dma_semaphore, #tpu.memory_space<semaphore_mem>>) src(%arg14 : memref<80x64xf32, #tpu.memory_space<vmem>>) dst(%dma_wait3A_196 : memref<20480x64xf32, #tpu.memory_space<vmem_shared>>)
      %dma_start3A_197 = arith.constant 6 : i32
      %dma_start3A_198 = arith.constant 0 : i32
      %dma_start3A_199 = tpu.memref_slice %arg10[%dma_start3A_197, %dma_start3A_198] : memref<25x80xi32, #tpu.memory_space<vmem>> -> memref<1x80xi32, #tpu.memory_space<vmem>>
      %dma_start3A_200 = tpu.memref_squeeze %dma_start3A_199 : memref<1x80xi32, #tpu.memory_space<vmem>> -> memref<80xi32, #tpu.memory_space<vmem>>
      %dma_start3A_201 = arith.constant 0 : i32
      %dma_start3A_202 = arith.constant 0 : i32
      %dma_start3A_203 = tpu.memref_slice %arg2[%arg0, %dma_start3A_201, %dma_start3A_202] : memref<2x10000x64xf32, #tpu.memory_space<hbm>> -> memref<1x10000x64xf32, #tpu.memory_space<hbm>>
      %dma_start3A_204 = tpu.memref_squeeze %dma_start3A_203 : memref<1x10000x64xf32, #tpu.memory_space<hbm>> -> memref<10000x64xf32, #tpu.memory_space<hbm>>
      %dma_start3A_205 = arith.constant 0 : i32
      %dma_start3A_206 = arith.constant 0 : i32
      %dma_start3A_207 = tpu.memref_slice %dma_start3A_204[%dma_start3A_205, %dma_start3A_206] : memref<10000x64xf32, #tpu.memory_space<hbm>> -> memref<10000x64xf32, #tpu.memory_space<hbm>>
      tpu.enqueue_indirect_dma source(%dma_start3A_207 : memref<10000x64xf32, #tpu.memory_space<hbm>>) target(%arg14 : memref<80x64xf32, #tpu.memory_space<vmem>>) offsets(%dma_start3A_200 : memref<80xi32, #tpu.memory_space<vmem>>) semaphore(%arg19 : memref<!tpu.dma_semaphore, #tpu.memory_space<semaphore_mem>>)
      %dma_wait3A_208 = arith.constant 3 : i32
      %dma_wait3A_209 = arith.constant 0 : i32
      %dma_wait3A_210 = tpu.memref_slice %arg10[%dma_wait3A_208, %dma_wait3A_209] : memref<25x80xi32, #tpu.memory_space<vmem>> -> memref<1x80xi32, #tpu.memory_space<vmem>>
      %dma_wait3A_211 = tpu.memref_squeeze %dma_wait3A_210 : memref<1x80xi32, #tpu.memory_space<vmem>> -> memref<80xi32, #tpu.memory_space<vmem>>
      %dma_wait3A_212 = arith.constant 0 : i32
      %dma_wait3A_213 = arith.constant 0 : i32
      %dma_wait3A_214 = tpu.memref_slice %arg2[%arg0, %dma_wait3A_212, %dma_wait3A_213] : memref<2x10000x64xf32, #tpu.memory_space<hbm>> -> memref<1x10000x64xf32, #tpu.memory_space<hbm>>
      %dma_wait3A_215 = tpu.memref_squeeze %dma_wait3A_214 : memref<1x10000x64xf32, #tpu.memory_space<hbm>> -> memref<10000x64xf32, #tpu.memory_space<hbm>>
      %dma_wait3A_216 = arith.constant 0 : i32
      %dma_wait3A_217 = arith.constant 0 : i32
      %dma_wait3A_218 = tpu.memref_slice %dma_wait3A_215[%dma_wait3A_216, %dma_wait3A_217] : memref<10000x64xf32, #tpu.memory_space<hbm>> -> memref<10000x64xf32, #tpu.memory_space<hbm>>
      tpu.wait_indirect_dma semaphore(%arg20 : memref<!tpu.dma_semaphore, #tpu.memory_space<semaphore_mem>>) src(%dma_wait3A_218 : memref<10000x64xf32, #tpu.memory_space<hbm>>) dst(%arg15 : memref<80x64xf32, #tpu.memory_space<vmem>>)
      %dma_start3A_219 = arith.constant 3 : i32
      %dma_start3A_220 = arith.constant 0 : i32
      %dma_start3A_221 = tpu.memref_slice %arg11[%dma_start3A_219, %dma_start3A_220] : memref<25x80xi32, #tpu.memory_space<vmem>> -> memref<1x80xi32, #tpu.memory_space<vmem>>
      %dma_start3A_222 = tpu.memref_squeeze %dma_start3A_221 : memref<1x80xi32, #tpu.memory_space<vmem>> -> memref<80xi32, #tpu.memory_space<vmem>>
      %dma_start3A_223 = arith.constant 0 : i32
      %dma_start3A_224 = arith.constant 0 : i32
      %dma_start3A_225 = tpu.memref_slice %arg6[%dma_start3A_223, %dma_start3A_224] : memref<20480x64xf32, #tpu.memory_space<vmem_shared>> -> memref<20480x64xf32, #tpu.memory_space<vmem_shared>>
      tpu.enqueue_indirect_dma source(%arg15 : memref<80x64xf32, #tpu.memory_space<vmem>>) target(%dma_start3A_225 : memref<20480x64xf32, #tpu.memory_space<vmem_shared>>) offsets(%dma_start3A_222 : memref<80xi32, #tpu.memory_space<vmem>>) semaphore(%arg24 : memref<!tpu.dma_semaphore, #tpu.memory_space<semaphore_mem>>) {add = true}
      %dma_wait3A_226 = arith.constant 3 : i32
      %dma_wait3A_227 = arith.constant 0 : i32
      %dma_wait3A_228 = tpu.memref_slice %arg11[%dma_wait3A_226, %dma_wait3A_227] : memref<25x80xi32, #tpu.memory_space<vmem>> -> memref<1x80xi32, #tpu.memory_space<vmem>>
      %dma_wait3A_229 = tpu.memref_squeeze %dma_wait3A_228 : memref<1x80xi32, #tpu.memory_space<vmem>> -> memref<80xi32, #tpu.memory_space<vmem>>
      %dma_wait3A_230 = arith.constant 0 : i32
      %dma_wait3A_231 = arith.constant 0 : i32
      %dma_wait3A_232 = tpu.memref_slice %arg6[%dma_wait3A_230, %dma_wait3A_231] : memref<20480x64xf32, #tpu.memory_space<vmem_shared>> -> memref<20480x64xf32, #tpu.memory_space<vmem_shared>>
      tpu.wait_indirect_dma semaphore(%arg24 : memref<!tpu.dma_semaphore, #tpu.memory_space<semaphore_mem>>) src(%arg15 : memref<80x64xf32, #tpu.memory_space<vmem>>) dst(%dma_wait3A_232 : memref<20480x64xf32, #tpu.memory_space<vmem_shared>>)
      %dma_start3A_233 = arith.constant 7 : i32
      %dma_start3A_234 = arith.constant 0 : i32
      %dma_start3A_235 = tpu.memref_slice %arg10[%dma_start3A_233, %dma_start3A_234] : memref<25x80xi32, #tpu.memory_space<vmem>> -> memref<1x80xi32, #tpu.memory_space<vmem>>
      %dma_start3A_236 = tpu.memref_squeeze %dma_start3A_235 : memref<1x80xi32, #tpu.memory_space<vmem>> -> memref<80xi32, #tpu.memory_space<vmem>>
      %dma_start3A_237 = arith.constant 0 : i32
      %dma_start3A_238 = arith.constant 0 : i32
      %dma_start3A_239 = tpu.memref_slice %arg2[%arg0, %dma_start3A_237, %dma_start3A_238] : memref<2x10000x64xf32, #tpu.memory_space<hbm>> -> memref<1x10000x64xf32, #tpu.memory_space<hbm>>
      %dma_start3A_240 = tpu.memref_squeeze %dma_start3A_239 : memref<1x10000x64xf32, #tpu.memory_space<hbm>> -> memref<10000x64xf32, #tpu.memory_space<hbm>>
      %dma_start3A_241 = arith.constant 0 : i32
      %dma_start3A_242 = arith.constant 0 : i32
      %dma_start3A_243 = tpu.memref_slice %dma_start3A_240[%dma_start3A_241, %dma_start3A_242] : memref<10000x64xf32, #tpu.memory_space<hbm>> -> memref<10000x64xf32, #tpu.memory_space<hbm>>
      tpu.enqueue_indirect_dma source(%dma_start3A_243 : memref<10000x64xf32, #tpu.memory_space<hbm>>) target(%arg15 : memref<80x64xf32, #tpu.memory_space<vmem>>) offsets(%dma_start3A_236 : memref<80xi32, #tpu.memory_space<vmem>>) semaphore(%arg20 : memref<!tpu.dma_semaphore, #tpu.memory_space<semaphore_mem>>)
      %dma_wait3A_244 = arith.constant 4 : i32
      %dma_wait3A_245 = arith.constant 0 : i32
      %dma_wait3A_246 = tpu.memref_slice %arg10[%dma_wait3A_244, %dma_wait3A_245] : memref<25x80xi32, #tpu.memory_space<vmem>> -> memref<1x80xi32, #tpu.memory_space<vmem>>
      %dma_wait3A_247 = tpu.memref_squeeze %dma_wait3A_246 : memref<1x80xi32, #tpu.memory_space<vmem>> -> memref<80xi32, #tpu.memory_space<vmem>>
      %dma_wait3A_248 = arith.constant 0 : i32
      %dma_wait3A_249 = arith.constant 0 : i32
      %dma_wait3A_250 = tpu.memref_slice %arg2[%arg0, %dma_wait3A_248, %dma_wait3A_249] : memref<2x10000x64xf32, #tpu.memory_space<hbm>> -> memref<1x10000x64xf32, #tpu.memory_space<hbm>>
      %dma_wait3A_251 = tpu.memref_squeeze %dma_wait3A_250 : memref<1x10000x64xf32, #tpu.memory_space<hbm>> -> memref<10000x64xf32, #tpu.memory_space<hbm>>
      %dma_wait3A_252 = arith.constant 0 : i32
      %dma_wait3A_253 = arith.constant 0 : i32
      %dma_wait3A_254 = tpu.memref_slice %dma_wait3A_251[%dma_wait3A_252, %dma_wait3A_253] : memref<10000x64xf32, #tpu.memory_space<hbm>> -> memref<10000x64xf32, #tpu.memory_space<hbm>>
      tpu.wait_indirect_dma semaphore(%arg17 : memref<!tpu.dma_semaphore, #tpu.memory_space<semaphore_mem>>) src(%dma_wait3A_254 : memref<10000x64xf32, #tpu.memory_space<hbm>>) dst(%arg12 : memref<80x64xf32, #tpu.memory_space<vmem>>)
      %dma_start3A_255 = arith.constant 4 : i32
      %dma_start3A_256 = arith.constant 0 : i32
      %dma_start3A_257 = tpu.memref_slice %arg11[%dma_start3A_255, %dma_start3A_256] : memref<25x80xi32, #tpu.memory_space<vmem>> -> memref<1x80xi32, #tpu.memory_space<vmem>>
      %dma_start3A_258 = tpu.memref_squeeze %dma_start3A_257 : memref<1x80xi32, #tpu.memory_space<vmem>> -> memref<80xi32, #tpu.memory_space<vmem>>
      %dma_start3A_259 = arith.constant 0 : i32
      %dma_start3A_260 = arith.constant 0 : i32
      %dma_start3A_261 = tpu.memref_slice %arg6[%dma_start3A_259, %dma_start3A_260] : memref<20480x64xf32, #tpu.memory_space<vmem_shared>> -> memref<20480x64xf32, #tpu.memory_space<vmem_shared>>
      tpu.enqueue_indirect_dma source(%arg12 : memref<80x64xf32, #tpu.memory_space<vmem>>) target(%dma_start3A_261 : memref<20480x64xf32, #tpu.memory_space<vmem_shared>>) offsets(%dma_start3A_258 : memref<80xi32, #tpu.memory_space<vmem>>) semaphore(%arg21 : memref<!tpu.dma_semaphore, #tpu.memory_space<semaphore_mem>>) {add = true}
      %dma_wait3A_262 = arith.constant 4 : i32
      %dma_wait3A_263 = arith.constant 0 : i32
      %dma_wait3A_264 = tpu.memref_slice %arg11[%dma_wait3A_262, %dma_wait3A_263] : memref<25x80xi32, #tpu.memory_space<vmem>> -> memref<1x80xi32, #tpu.memory_space<vmem>>
      %dma_wait3A_265 = tpu.memref_squeeze %dma_wait3A_264 : memref<1x80xi32, #tpu.memory_space<vmem>> -> memref<80xi32, #tpu.memory_space<vmem>>
      %dma_wait3A_266 = arith.constant 0 : i32
      %dma_wait3A_267 = arith.constant 0 : i32
      %dma_wait3A_268 = tpu.memref_slice %arg6[%dma_wait3A_266, %dma_wait3A_267] : memref<20480x64xf32, #tpu.memory_space<vmem_shared>> -> memref<20480x64xf32, #tpu.memory_space<vmem_shared>>
      tpu.wait_indirect_dma semaphore(%arg21 : memref<!tpu.dma_semaphore, #tpu.memory_space<semaphore_mem>>) src(%arg12 : memref<80x64xf32, #tpu.memory_space<vmem>>) dst(%dma_wait3A_268 : memref<20480x64xf32, #tpu.memory_space<vmem_shared>>)
      %dma_start3A_269 = arith.constant 8 : i32
      %dma_start3A_270 = arith.constant 0 : i32
      %dma_start3A_271 = tpu.memref_slice %arg10[%dma_start3A_269, %dma_start3A_270] : memref<25x80xi32, #tpu.memory_space<vmem>> -> memref<1x80xi32, #tpu.memory_space<vmem>>
      %dma_start3A_272 = tpu.memref_squeeze %dma_start3A_271 : memref<1x80xi32, #tpu.memory_space<vmem>> -> memref<80xi32, #tpu.memory_space<vmem>>
      %dma_start3A_273 = arith.constant 0 : i32
      %dma_start3A_274 = arith.constant 0 : i32
      %dma_start3A_275 = tpu.memref_slice %arg2[%arg0, %dma_start3A_273, %dma_start3A_274] : memref<2x10000x64xf32, #tpu.memory_space<hbm>> -> memref<1x10000x64xf32, #tpu.memory_space<hbm>>
      %dma_start3A_276 = tpu.memref_squeeze %dma_start3A_275 : memref<1x10000x64xf32, #tpu.memory_space<hbm>> -> memref<10000x64xf32, #tpu.memory_space<hbm>>
      %dma_start3A_277 = arith.constant 0 : i32
      %dma_start3A_278 = arith.constant 0 : i32
      %dma_start3A_279 = tpu.memref_slice %dma_start3A_276[%dma_start3A_277, %dma_start3A_278] : memref<10000x64xf32, #tpu.memory_space<hbm>> -> memref<10000x64xf32, #tpu.memory_space<hbm>>
      tpu.enqueue_indirect_dma source(%dma_start3A_279 : memref<10000x64xf32, #tpu.memory_space<hbm>>) target(%arg12 : memref<80x64xf32, #tpu.memory_space<vmem>>) offsets(%dma_start3A_272 : memref<80xi32, #tpu.memory_space<vmem>>) semaphore(%arg17 : memref<!tpu.dma_semaphore, #tpu.memory_space<semaphore_mem>>)
      %dma_wait3A_280 = arith.constant 5 : i32
      %dma_wait3A_281 = arith.constant 0 : i32
      %dma_wait3A_282 = tpu.memref_slice %arg10[%dma_wait3A_280, %dma_wait3A_281] : memref<25x80xi32, #tpu.memory_space<vmem>> -> memref<1x80xi32, #tpu.memory_space<vmem>>
      %dma_wait3A_283 = tpu.memref_squeeze %dma_wait3A_282 : memref<1x80xi32, #tpu.memory_space<vmem>> -> memref<80xi32, #tpu.memory_space<vmem>>
      %dma_wait3A_284 = arith.constant 0 : i32
      %dma_wait3A_285 = arith.constant 0 : i32
      %dma_wait3A_286 = tpu.memref_slice %arg2[%arg0, %dma_wait3A_284, %dma_wait3A_285] : memref<2x10000x64xf32, #tpu.memory_space<hbm>> -> memref<1x10000x64xf32, #tpu.memory_space<hbm>>
      %dma_wait3A_287 = tpu.memref_squeeze %dma_wait3A_286 : memref<1x10000x64xf32, #tpu.memory_space<hbm>> -> memref<10000x64xf32, #tpu.memory_space<hbm>>
      %dma_wait3A_288 = arith.constant 0 : i32
      %dma_wait3A_289 = arith.constant 0 : i32
      %dma_wait3A_290 = tpu.memref_slice %dma_wait3A_287[%dma_wait3A_288, %dma_wait3A_289] : memref<10000x64xf32, #tpu.memory_space<hbm>> -> memref<10000x64xf32, #tpu.memory_space<hbm>>
      tpu.wait_indirect_dma semaphore(%arg18 : memref<!tpu.dma_semaphore, #tpu.memory_space<semaphore_mem>>) src(%dma_wait3A_290 : memref<10000x64xf32, #tpu.memory_space<hbm>>) dst(%arg13 : memref<80x64xf32, #tpu.memory_space<vmem>>)
      %dma_start3A_291 = arith.constant 5 : i32
      %dma_start3A_292 = arith.constant 0 : i32
      %dma_start3A_293 = tpu.memref_slice %arg11[%dma_start3A_291, %dma_start3A_292] : memref<25x80xi32, #tpu.memory_space<vmem>> -> memref<1x80xi32, #tpu.memory_space<vmem>>
      %dma_start3A_294 = tpu.memref_squeeze %dma_start3A_293 : memref<1x80xi32, #tpu.memory_space<vmem>> -> memref<80xi32, #tpu.memory_space<vmem>>
      %dma_start3A_295 = arith.constant 0 : i32
      %dma_start3A_296 = arith.constant 0 : i32
      %dma_start3A_297 = tpu.memref_slice %arg6[%dma_start3A_295, %dma_start3A_296] : memref<20480x64xf32, #tpu.memory_space<vmem_shared>> -> memref<20480x64xf32, #tpu.memory_space<vmem_shared>>
      tpu.enqueue_indirect_dma source(%arg13 : memref<80x64xf32, #tpu.memory_space<vmem>>) target(%dma_start3A_297 : memref<20480x64xf32, #tpu.memory_space<vmem_shared>>) offsets(%dma_start3A_294 : memref<80xi32, #tpu.memory_space<vmem>>) semaphore(%arg22 : memref<!tpu.dma_semaphore, #tpu.memory_space<semaphore_mem>>) {add = true}
      %dma_wait3A_298 = arith.constant 5 : i32
      %dma_wait3A_299 = arith.constant 0 : i32
      %dma_wait3A_300 = tpu.memref_slice %arg11[%dma_wait3A_298, %dma_wait3A_299] : memref<25x80xi32, #tpu.memory_space<vmem>> -> memref<1x80xi32, #tpu.memory_space<vmem>>
      %dma_wait3A_301 = tpu.memref_squeeze %dma_wait3A_300 : memref<1x80xi32, #tpu.memory_space<vmem>> -> memref<80xi32, #tpu.memory_space<vmem>>
      %dma_wait3A_302 = arith.constant 0 : i32
      %dma_wait3A_303 = arith.constant 0 : i32
      %dma_wait3A_304 = tpu.memref_slice %arg6[%dma_wait3A_302, %dma_wait3A_303] : memref<20480x64xf32, #tpu.memory_space<vmem_shared>> -> memref<20480x64xf32, #tpu.memory_space<vmem_shared>>
      tpu.wait_indirect_dma semaphore(%arg22 : memref<!tpu.dma_semaphore, #tpu.memory_space<semaphore_mem>>) src(%arg13 : memref<80x64xf32, #tpu.memory_space<vmem>>) dst(%dma_wait3A_304 : memref<20480x64xf32, #tpu.memory_space<vmem_shared>>)
      %dma_start3A_305 = arith.constant 9 : i32
      %dma_start3A_306 = arith.constant 0 : i32
      %dma_start3A_307 = tpu.memref_slice %arg10[%dma_start3A_305, %dma_start3A_306] : memref<25x80xi32, #tpu.memory_space<vmem>> -> memref<1x80xi32, #tpu.memory_space<vmem>>
      %dma_start3A_308 = tpu.memref_squeeze %dma_start3A_307 : memref<1x80xi32, #tpu.memory_space<vmem>> -> memref<80xi32, #tpu.memory_space<vmem>>
      %dma_start3A_309 = arith.constant 0 : i32
      %dma_start3A_310 = arith.constant 0 : i32
      %dma_start3A_311 = tpu.memref_slice %arg2[%arg0, %dma_start3A_309, %dma_start3A_310] : memref<2x10000x64xf32, #tpu.memory_space<hbm>> -> memref<1x10000x64xf32, #tpu.memory_space<hbm>>
      %dma_start3A_312 = tpu.memref_squeeze %dma_start3A_311 : memref<1x10000x64xf32, #tpu.memory_space<hbm>> -> memref<10000x64xf32, #tpu.memory_space<hbm>>
      %dma_start3A_313 = arith.constant 0 : i32
      %dma_start3A_314 = arith.constant 0 : i32
      %dma_start3A_315 = tpu.memref_slice %dma_start3A_312[%dma_start3A_313, %dma_start3A_314] : memref<10000x64xf32, #tpu.memory_space<hbm>> -> memref<10000x64xf32, #tpu.memory_space<hbm>>
      tpu.enqueue_indirect_dma source(%dma_start3A_315 : memref<10000x64xf32, #tpu.memory_space<hbm>>) target(%arg13 : memref<80x64xf32, #tpu.memory_space<vmem>>) offsets(%dma_start3A_308 : memref<80xi32, #tpu.memory_space<vmem>>) semaphore(%arg18 : memref<!tpu.dma_semaphore, #tpu.memory_space<semaphore_mem>>)
      %dma_wait3A_316 = arith.constant 6 : i32
      %dma_wait3A_317 = arith.constant 0 : i32
      %dma_wait3A_318 = tpu.memref_slice %arg10[%dma_wait3A_316, %dma_wait3A_317] : memref<25x80xi32, #tpu.memory_space<vmem>> -> memref<1x80xi32, #tpu.memory_space<vmem>>
      %dma_wait3A_319 = tpu.memref_squeeze %dma_wait3A_318 : memref<1x80xi32, #tpu.memory_space<vmem>> -> memref<80xi32, #tpu.memory_space<vmem>>
      %dma_wait3A_320 = arith.constant 0 : i32
      %dma_wait3A_321 = arith.constant 0 : i32
      %dma_wait3A_322 = tpu.memref_slice %arg2[%arg0, %dma_wait3A_320, %dma_wait3A_321] : memref<2x10000x64xf32, #tpu.memory_space<hbm>> -> memref<1x10000x64xf32, #tpu.memory_space<hbm>>
      %dma_wait3A_323 = tpu.memref_squeeze %dma_wait3A_322 : memref<1x10000x64xf32, #tpu.memory_space<hbm>> -> memref<10000x64xf32, #tpu.memory_space<hbm>>
      %dma_wait3A_324 = arith.constant 0 : i32
      %dma_wait3A_325 = arith.constant 0 : i32
      %dma_wait3A_326 = tpu.memref_slice %dma_wait3A_323[%dma_wait3A_324, %dma_wait3A_325] : memref<10000x64xf32, #tpu.memory_space<hbm>> -> memref<10000x64xf32, #tpu.memory_space<hbm>>
      tpu.wait_indirect_dma semaphore(%arg19 : memref<!tpu.dma_semaphore, #tpu.memory_space<semaphore_mem>>) src(%dma_wait3A_326 : memref<10000x64xf32, #tpu.memory_space<hbm>>) dst(%arg14 : memref<80x64xf32, #tpu.memory_space<vmem>>)
      %dma_start3A_327 = arith.constant 6 : i32
      %dma_start3A_328 = arith.constant 0 : i32
      %dma_start3A_329 = tpu.memref_slice %arg11[%dma_start3A_327, %dma_start3A_328] : memref<25x80xi32, #tpu.memory_space<vmem>> -> memref<1x80xi32, #tpu.memory_space<vmem>>
      %dma_start3A_330 = tpu.memref_squeeze %dma_start3A_329 : memref<1x80xi32, #tpu.memory_space<vmem>> -> memref<80xi32, #tpu.memory_space<vmem>>
      %dma_start3A_331 = arith.constant 0 : i32
      %dma_start3A_332 = arith.constant 0 : i32
      %dma_start3A_333 = tpu.memref_slice %arg6[%dma_start3A_331, %dma_start3A_332] : memref<20480x64xf32, #tpu.memory_space<vmem_shared>> -> memref<20480x64xf32, #tpu.memory_space<vmem_shared>>
      tpu.enqueue_indirect_dma source(%arg14 : memref<80x64xf32, #tpu.memory_space<vmem>>) target(%dma_start3A_333 : memref<20480x64xf32, #tpu.memory_space<vmem_shared>>) offsets(%dma_start3A_330 : memref<80xi32, #tpu.memory_space<vmem>>) semaphore(%arg23 : memref<!tpu.dma_semaphore, #tpu.memory_space<semaphore_mem>>) {add = true}
      %dma_wait3A_334 = arith.constant 6 : i32
      %dma_wait3A_335 = arith.constant 0 : i32
      %dma_wait3A_336 = tpu.memref_slice %arg11[%dma_wait3A_334, %dma_wait3A_335] : memref<25x80xi32, #tpu.memory_space<vmem>> -> memref<1x80xi32, #tpu.memory_space<vmem>>
      %dma_wait3A_337 = tpu.memref_squeeze %dma_wait3A_336 : memref<1x80xi32, #tpu.memory_space<vmem>> -> memref<80xi32, #tpu.memory_space<vmem>>
      %dma_wait3A_338 = arith.constant 0 : i32
      %dma_wait3A_339 = arith.constant 0 : i32
      %dma_wait3A_340 = tpu.memref_slice %arg6[%dma_wait3A_338, %dma_wait3A_339] : memref<20480x64xf32, #tpu.memory_space<vmem_shared>> -> memref<20480x64xf32, #tpu.memory_space<vmem_shared>>
      tpu.wait_indirect_dma semaphore(%arg23 : memref<!tpu.dma_semaphore, #tpu.memory_space<semaphore_mem>>) src(%arg14 : memref<80x64xf32, #tpu.memory_space<vmem>>) dst(%dma_wait3A_340 : memref<20480x64xf32, #tpu.memory_space<vmem_shared>>)
      %dma_start3A_341 = arith.constant 10 : i32
      %dma_start3A_342 = arith.constant 0 : i32
      %dma_start3A_343 = tpu.memref_slice %arg10[%dma_start3A_341, %dma_start3A_342] : memref<25x80xi32, #tpu.memory_space<vmem>> -> memref<1x80xi32, #tpu.memory_space<vmem>>
      %dma_start3A_344 = tpu.memref_squeeze %dma_start3A_343 : memref<1x80xi32, #tpu.memory_space<vmem>> -> memref<80xi32, #tpu.memory_space<vmem>>
      %dma_start3A_345 = arith.constant 0 : i32
      %dma_start3A_346 = arith.constant 0 : i32
      %dma_start3A_347 = tpu.memref_slice %arg2[%arg0, %dma_start3A_345, %dma_start3A_346] : memref<2x10000x64xf32, #tpu.memory_space<hbm>> -> memref<1x10000x64xf32, #tpu.memory_space<hbm>>
      %dma_start3A_348 = tpu.memref_squeeze %dma_start3A_347 : memref<1x10000x64xf32, #tpu.memory_space<hbm>> -> memref<10000x64xf32, #tpu.memory_space<hbm>>
      %dma_start3A_349 = arith.constant 0 : i32
      %dma_start3A_350 = arith.constant 0 : i32
      %dma_start3A_351 = tpu.memref_slice %dma_start3A_348[%dma_start3A_349, %dma_start3A_350] : memref<10000x64xf32, #tpu.memory_space<hbm>> -> memref<10000x64xf32, #tpu.memory_space<hbm>>
      tpu.enqueue_indirect_dma source(%dma_start3A_351 : memref<10000x64xf32, #tpu.memory_space<hbm>>) target(%arg14 : memref<80x64xf32, #tpu.memory_space<vmem>>) offsets(%dma_start3A_344 : memref<80xi32, #tpu.memory_space<vmem>>) semaphore(%arg19 : memref<!tpu.dma_semaphore, #tpu.memory_space<semaphore_mem>>)
      %dma_wait3A_352 = arith.constant 7 : i32
      %dma_wait3A_353 = arith.constant 0 : i32
      %dma_wait3A_354 = tpu.memref_slice %arg10[%dma_wait3A_352, %dma_wait3A_353] : memref<25x80xi32, #tpu.memory_space<vmem>> -> memref<1x80xi32, #tpu.memory_space<vmem>>
      %dma_wait3A_355 = tpu.memref_squeeze %dma_wait3A_354 : memref<1x80xi32, #tpu.memory_space<vmem>> -> memref<80xi32, #tpu.memory_space<vmem>>
      %dma_wait3A_356 = arith.constant 0 : i32
      %dma_wait3A_357 = arith.constant 0 : i32
      %dma_wait3A_358 = tpu.memref_slice %arg2[%arg0, %dma_wait3A_356, %dma_wait3A_357] : memref<2x10000x64xf32, #tpu.memory_space<hbm>> -> memref<1x10000x64xf32, #tpu.memory_space<hbm>>
      %dma_wait3A_359 = tpu.memref_squeeze %dma_wait3A_358 : memref<1x10000x64xf32, #tpu.memory_space<hbm>> -> memref<10000x64xf32, #tpu.memory_space<hbm>>
      %dma_wait3A_360 = arith.constant 0 : i32
      %dma_wait3A_361 = arith.constant 0 : i32
      %dma_wait3A_362 = tpu.memref_slice %dma_wait3A_359[%dma_wait3A_360, %dma_wait3A_361] : memref<10000x64xf32, #tpu.memory_space<hbm>> -> memref<10000x64xf32, #tpu.memory_space<hbm>>
      tpu.wait_indirect_dma semaphore(%arg20 : memref<!tpu.dma_semaphore, #tpu.memory_space<semaphore_mem>>) src(%dma_wait3A_362 : memref<10000x64xf32, #tpu.memory_space<hbm>>) dst(%arg15 : memref<80x64xf32, #tpu.memory_space<vmem>>)
      %dma_start3A_363 = arith.constant 7 : i32
      %dma_start3A_364 = arith.constant 0 : i32
      %dma_start3A_365 = tpu.memref_slice %arg11[%dma_start3A_363, %dma_start3A_364] : memref<25x80xi32, #tpu.memory_space<vmem>> -> memref<1x80xi32, #tpu.memory_space<vmem>>
      %dma_start3A_366 = tpu.memref_squeeze %dma_start3A_365 : memref<1x80xi32, #tpu.memory_space<vmem>> -> memref<80xi32, #tpu.memory_space<vmem>>
      %dma_start3A_367 = arith.constant 0 : i32
      %dma_start3A_368 = arith.constant 0 : i32
      %dma_start3A_369 = tpu.memref_slice %arg6[%dma_start3A_367, %dma_start3A_368] : memref<20480x64xf32, #tpu.memory_space<vmem_shared>> -> memref<20480x64xf32, #tpu.memory_space<vmem_shared>>
      tpu.enqueue_indirect_dma source(%arg15 : memref<80x64xf32, #tpu.memory_space<vmem>>) target(%dma_start3A_369 : memref<20480x64xf32, #tpu.memory_space<vmem_shared>>) offsets(%dma_start3A_366 : memref<80xi32, #tpu.memory_space<vmem>>) semaphore(%arg24 : memref<!tpu.dma_semaphore, #tpu.memory_space<semaphore_mem>>) {add = true}
      %dma_wait3A_370 = arith.constant 7 : i32
      %dma_wait3A_371 = arith.constant 0 : i32
      %dma_wait3A_372 = tpu.memref_slice %arg11[%dma_wait3A_370, %dma_wait3A_371] : memref<25x80xi32, #tpu.memory_space<vmem>> -> memref<1x80xi32, #tpu.memory_space<vmem>>
      %dma_wait3A_373 = tpu.memref_squeeze %dma_wait3A_372 : memref<1x80xi32, #tpu.memory_space<vmem>> -> memref<80xi32, #tpu.memory_space<vmem>>
      %dma_wait3A_374 = arith.constant 0 : i32
      %dma_wait3A_375 = arith.constant 0 : i32
      %dma_wait3A_376 = tpu.memref_slice %arg6[%dma_wait3A_374, %dma_wait3A_375] : memref<20480x64xf32, #tpu.memory_space<vmem_shared>> -> memref<20480x64xf32, #tpu.memory_space<vmem_shared>>
      tpu.wait_indirect_dma semaphore(%arg24 : memref<!tpu.dma_semaphore, #tpu.memory_space<semaphore_mem>>) src(%arg15 : memref<80x64xf32, #tpu.memory_space<vmem>>) dst(%dma_wait3A_376 : memref<20480x64xf32, #tpu.memory_space<vmem_shared>>)
      %dma_start3A_377 = arith.constant 11 : i32
      %dma_start3A_378 = arith.constant 0 : i32
      %dma_start3A_379 = tpu.memref_slice %arg10[%dma_start3A_377, %dma_start3A_378] : memref<25x80xi32, #tpu.memory_space<vmem>> -> memref<1x80xi32, #tpu.memory_space<vmem>>
      %dma_start3A_380 = tpu.memref_squeeze %dma_start3A_379 : memref<1x80xi32, #tpu.memory_space<vmem>> -> memref<80xi32, #tpu.memory_space<vmem>>
      %dma_start3A_381 = arith.constant 0 : i32
      %dma_start3A_382 = arith.constant 0 : i32
      %dma_start3A_383 = tpu.memref_slice %arg2[%arg0, %dma_start3A_381, %dma_start3A_382] : memref<2x10000x64xf32, #tpu.memory_space<hbm>> -> memref<1x10000x64xf32, #tpu.memory_space<hbm>>
      %dma_start3A_384 = tpu.memref_squeeze %dma_start3A_383 : memref<1x10000x64xf32, #tpu.memory_space<hbm>> -> memref<10000x64xf32, #tpu.memory_space<hbm>>
      %dma_start3A_385 = arith.constant 0 : i32
      %dma_start3A_386 = arith.constant 0 : i32
      %dma_start3A_387 = tpu.memref_slice %dma_start3A_384[%dma_start3A_385, %dma_start3A_386] : memref<10000x64xf32, #tpu.memory_space<hbm>> -> memref<10000x64xf32, #tpu.memory_space<hbm>>
      tpu.enqueue_indirect_dma source(%dma_start3A_387 : memref<10000x64xf32, #tpu.memory_space<hbm>>) target(%arg15 : memref<80x64xf32, #tpu.memory_space<vmem>>) offsets(%dma_start3A_380 : memref<80xi32, #tpu.memory_space<vmem>>) semaphore(%arg20 : memref<!tpu.dma_semaphore, #tpu.memory_space<semaphore_mem>>)
      %dma_wait3A_388 = arith.constant 8 : i32
      %dma_wait3A_389 = arith.constant 0 : i32
      %dma_wait3A_390 = tpu.memref_slice %arg10[%dma_wait3A_388, %dma_wait3A_389] : memref<25x80xi32, #tpu.memory_space<vmem>> -> memref<1x80xi32, #tpu.memory_space<vmem>>
      %dma_wait3A_391 = tpu.memref_squeeze %dma_wait3A_390 : memref<1x80xi32, #tpu.memory_space<vmem>> -> memref<80xi32, #tpu.memory_space<vmem>>
      %dma_wait3A_392 = arith.constant 0 : i32
      %dma_wait3A_393 = arith.constant 0 : i32
      %dma_wait3A_394 = tpu.memref_slice %arg2[%arg0, %dma_wait3A_392, %dma_wait3A_393] : memref<2x10000x64xf32, #tpu.memory_space<hbm>> -> memref<1x10000x64xf32, #tpu.memory_space<hbm>>
      %dma_wait3A_395 = tpu.memref_squeeze %dma_wait3A_394 : memref<1x10000x64xf32, #tpu.memory_space<hbm>> -> memref<10000x64xf32, #tpu.memory_space<hbm>>
      %dma_wait3A_396 = arith.constant 0 : i32
      %dma_wait3A_397 = arith.constant 0 : i32
      %dma_wait3A_398 = tpu.memref_slice %dma_wait3A_395[%dma_wait3A_396, %dma_wait3A_397] : memref<10000x64xf32, #tpu.memory_space<hbm>> -> memref<10000x64xf32, #tpu.memory_space<hbm>>
      tpu.wait_indirect_dma semaphore(%arg17 : memref<!tpu.dma_semaphore, #tpu.memory_space<semaphore_mem>>) src(%dma_wait3A_398 : memref<10000x64xf32, #tpu.memory_space<hbm>>) dst(%arg12 : memref<80x64xf32, #tpu.memory_space<vmem>>)
      %dma_start3A_399 = arith.constant 8 : i32
      %dma_start3A_400 = arith.constant 0 : i32
      %dma_start3A_401 = tpu.memref_slice %arg11[%dma_start3A_399, %dma_start3A_400] : memref<25x80xi32, #tpu.memory_space<vmem>> -> memref<1x80xi32, #tpu.memory_space<vmem>>
      %dma_start3A_402 = tpu.memref_squeeze %dma_start3A_401 : memref<1x80xi32, #tpu.memory_space<vmem>> -> memref<80xi32, #tpu.memory_space<vmem>>
      %dma_start3A_403 = arith.constant 0 : i32
      %dma_start3A_404 = arith.constant 0 : i32
      %dma_start3A_405 = tpu.memref_slice %arg6[%dma_start3A_403, %dma_start3A_404] : memref<20480x64xf32, #tpu.memory_space<vmem_shared>> -> memref<20480x64xf32, #tpu.memory_space<vmem_shared>>
      tpu.enqueue_indirect_dma source(%arg12 : memref<80x64xf32, #tpu.memory_space<vmem>>) target(%dma_start3A_405 : memref<20480x64xf32, #tpu.memory_space<vmem_shared>>) offsets(%dma_start3A_402 : memref<80xi32, #tpu.memory_space<vmem>>) semaphore(%arg21 : memref<!tpu.dma_semaphore, #tpu.memory_space<semaphore_mem>>) {add = true}
      %dma_wait3A_406 = arith.constant 8 : i32
      %dma_wait3A_407 = arith.constant 0 : i32
      %dma_wait3A_408 = tpu.memref_slice %arg11[%dma_wait3A_406, %dma_wait3A_407] : memref<25x80xi32, #tpu.memory_space<vmem>> -> memref<1x80xi32, #tpu.memory_space<vmem>>
      %dma_wait3A_409 = tpu.memref_squeeze %dma_wait3A_408 : memref<1x80xi32, #tpu.memory_space<vmem>> -> memref<80xi32, #tpu.memory_space<vmem>>
      %dma_wait3A_410 = arith.constant 0 : i32
      %dma_wait3A_411 = arith.constant 0 : i32
      %dma_wait3A_412 = tpu.memref_slice %arg6[%dma_wait3A_410, %dma_wait3A_411] : memref<20480x64xf32, #tpu.memory_space<vmem_shared>> -> memref<20480x64xf32, #tpu.memory_space<vmem_shared>>
      tpu.wait_indirect_dma semaphore(%arg21 : memref<!tpu.dma_semaphore, #tpu.memory_space<semaphore_mem>>) src(%arg12 : memref<80x64xf32, #tpu.memory_space<vmem>>) dst(%dma_wait3A_412 : memref<20480x64xf32, #tpu.memory_space<vmem_shared>>)
      %dma_start3A_413 = arith.constant 12 : i32
      %dma_start3A_414 = arith.constant 0 : i32
      %dma_start3A_415 = tpu.memref_slice %arg10[%dma_start3A_413, %dma_start3A_414] : memref<25x80xi32, #tpu.memory_space<vmem>> -> memref<1x80xi32, #tpu.memory_space<vmem>>
      %dma_start3A_416 = tpu.memref_squeeze %dma_start3A_415 : memref<1x80xi32, #tpu.memory_space<vmem>> -> memref<80xi32, #tpu.memory_space<vmem>>
      %dma_start3A_417 = arith.constant 0 : i32
      %dma_start3A_418 = arith.constant 0 : i32
      %dma_start3A_419 = tpu.memref_slice %arg2[%arg0, %dma_start3A_417, %dma_start3A_418] : memref<2x10000x64xf32, #tpu.memory_space<hbm>> -> memref<1x10000x64xf32, #tpu.memory_space<hbm>>
      %dma_start3A_420 = tpu.memref_squeeze %dma_start3A_419 : memref<1x10000x64xf32, #tpu.memory_space<hbm>> -> memref<10000x64xf32, #tpu.memory_space<hbm>>
      %dma_start3A_421 = arith.constant 0 : i32
      %dma_start3A_422 = arith.constant 0 : i32
      %dma_start3A_423 = tpu.memref_slice %dma_start3A_420[%dma_start3A_421, %dma_start3A_422] : memref<10000x64xf32, #tpu.memory_space<hbm>> -> memref<10000x64xf32, #tpu.memory_space<hbm>>
      tpu.enqueue_indirect_dma source(%dma_start3A_423 : memref<10000x64xf32, #tpu.memory_space<hbm>>) target(%arg12 : memref<80x64xf32, #tpu.memory_space<vmem>>) offsets(%dma_start3A_416 : memref<80xi32, #tpu.memory_space<vmem>>) semaphore(%arg17 : memref<!tpu.dma_semaphore, #tpu.memory_space<semaphore_mem>>)
      %dma_wait3A_424 = arith.constant 9 : i32
      %dma_wait3A_425 = arith.constant 0 : i32
      %dma_wait3A_426 = tpu.memref_slice %arg10[%dma_wait3A_424, %dma_wait3A_425] : memref<25x80xi32, #tpu.memory_space<vmem>> -> memref<1x80xi32, #tpu.memory_space<vmem>>
      %dma_wait3A_427 = tpu.memref_squeeze %dma_wait3A_426 : memref<1x80xi32, #tpu.memory_space<vmem>> -> memref<80xi32, #tpu.memory_space<vmem>>
      %dma_wait3A_428 = arith.constant 0 : i32
      %dma_wait3A_429 = arith.constant 0 : i32
      %dma_wait3A_430 = tpu.memref_slice %arg2[%arg0, %dma_wait3A_428, %dma_wait3A_429] : memref<2x10000x64xf32, #tpu.memory_space<hbm>> -> memref<1x10000x64xf32, #tpu.memory_space<hbm>>
      %dma_wait3A_431 = tpu.memref_squeeze %dma_wait3A_430 : memref<1x10000x64xf32, #tpu.memory_space<hbm>> -> memref<10000x64xf32, #tpu.memory_space<hbm>>
      %dma_wait3A_432 = arith.constant 0 : i32
      %dma_wait3A_433 = arith.constant 0 : i32
      %dma_wait3A_434 = tpu.memref_slice %dma_wait3A_431[%dma_wait3A_432, %dma_wait3A_433] : memref<10000x64xf32, #tpu.memory_space<hbm>> -> memref<10000x64xf32, #tpu.memory_space<hbm>>
      tpu.wait_indirect_dma semaphore(%arg18 : memref<!tpu.dma_semaphore, #tpu.memory_space<semaphore_mem>>) src(%dma_wait3A_434 : memref<10000x64xf32, #tpu.memory_space<hbm>>) dst(%arg13 : memref<80x64xf32, #tpu.memory_space<vmem>>)
      %dma_start3A_435 = arith.constant 9 : i32
      %dma_start3A_436 = arith.constant 0 : i32
      %dma_start3A_437 = tpu.memref_slice %arg11[%dma_start3A_435, %dma_start3A_436] : memref<25x80xi32, #tpu.memory_space<vmem>> -> memref<1x80xi32, #tpu.memory_space<vmem>>
      %dma_start3A_438 = tpu.memref_squeeze %dma_start3A_437 : memref<1x80xi32, #tpu.memory_space<vmem>> -> memref<80xi32, #tpu.memory_space<vmem>>
      %dma_start3A_439 = arith.constant 0 : i32
      %dma_start3A_440 = arith.constant 0 : i32
      %dma_start3A_441 = tpu.memref_slice %arg6[%dma_start3A_439, %dma_start3A_440] : memref<20480x64xf32, #tpu.memory_space<vmem_shared>> -> memref<20480x64xf32, #tpu.memory_space<vmem_shared>>
      tpu.enqueue_indirect_dma source(%arg13 : memref<80x64xf32, #tpu.memory_space<vmem>>) target(%dma_start3A_441 : memref<20480x64xf32, #tpu.memory_space<vmem_shared>>) offsets(%dma_start3A_438 : memref<80xi32, #tpu.memory_space<vmem>>) semaphore(%arg22 : memref<!tpu.dma_semaphore, #tpu.memory_space<semaphore_mem>>) {add = true}
      %dma_wait3A_442 = arith.constant 9 : i32
      %dma_wait3A_443 = arith.constant 0 : i32
      %dma_wait3A_444 = tpu.memref_slice %arg11[%dma_wait3A_442, %dma_wait3A_443] : memref<25x80xi32, #tpu.memory_space<vmem>> -> memref<1x80xi32, #tpu.memory_space<vmem>>
      %dma_wait3A_445 = tpu.memref_squeeze %dma_wait3A_444 : memref<1x80xi32, #tpu.memory_space<vmem>> -> memref<80xi32, #tpu.memory_space<vmem>>
      %dma_wait3A_446 = arith.constant 0 : i32
      %dma_wait3A_447 = arith.constant 0 : i32
      %dma_wait3A_448 = tpu.memref_slice %arg6[%dma_wait3A_446, %dma_wait3A_447] : memref<20480x64xf32, #tpu.memory_space<vmem_shared>> -> memref<20480x64xf32, #tpu.memory_space<vmem_shared>>
      tpu.wait_indirect_dma semaphore(%arg22 : memref<!tpu.dma_semaphore, #tpu.memory_space<semaphore_mem>>) src(%arg13 : memref<80x64xf32, #tpu.memory_space<vmem>>) dst(%dma_wait3A_448 : memref<20480x64xf32, #tpu.memory_space<vmem_shared>>)
      %dma_start3A_449 = arith.constant 13 : i32
      %dma_start3A_450 = arith.constant 0 : i32
      %dma_start3A_451 = tpu.memref_slice %arg10[%dma_start3A_449, %dma_start3A_450] : memref<25x80xi32, #tpu.memory_space<vmem>> -> memref<1x80xi32, #tpu.memory_space<vmem>>
      %dma_start3A_452 = tpu.memref_squeeze %dma_start3A_451 : memref<1x80xi32, #tpu.memory_space<vmem>> -> memref<80xi32, #tpu.memory_space<vmem>>
      %dma_start3A_453 = arith.constant 0 : i32
      %dma_start3A_454 = arith.constant 0 : i32
      %dma_start3A_455 = tpu.memref_slice %arg2[%arg0, %dma_start3A_453, %dma_start3A_454] : memref<2x10000x64xf32, #tpu.memory_space<hbm>> -> memref<1x10000x64xf32, #tpu.memory_space<hbm>>
      %dma_start3A_456 = tpu.memref_squeeze %dma_start3A_455 : memref<1x10000x64xf32, #tpu.memory_space<hbm>> -> memref<10000x64xf32, #tpu.memory_space<hbm>>
      %dma_start3A_457 = arith.constant 0 : i32
      %dma_start3A_458 = arith.constant 0 : i32
      %dma_start3A_459 = tpu.memref_slice %dma_start3A_456[%dma_start3A_457, %dma_start3A_458] : memref<10000x64xf32, #tpu.memory_space<hbm>> -> memref<10000x64xf32, #tpu.memory_space<hbm>>
      tpu.enqueue_indirect_dma source(%dma_start3A_459 : memref<10000x64xf32, #tpu.memory_space<hbm>>) target(%arg13 : memref<80x64xf32, #tpu.memory_space<vmem>>) offsets(%dma_start3A_452 : memref<80xi32, #tpu.memory_space<vmem>>) semaphore(%arg18 : memref<!tpu.dma_semaphore, #tpu.memory_space<semaphore_mem>>)
      %dma_wait3A_460 = arith.constant 10 : i32
      %dma_wait3A_461 = arith.constant 0 : i32
      %dma_wait3A_462 = tpu.memref_slice %arg10[%dma_wait3A_460, %dma_wait3A_461] : memref<25x80xi32, #tpu.memory_space<vmem>> -> memref<1x80xi32, #tpu.memory_space<vmem>>
      %dma_wait3A_463 = tpu.memref_squeeze %dma_wait3A_462 : memref<1x80xi32, #tpu.memory_space<vmem>> -> memref<80xi32, #tpu.memory_space<vmem>>
      %dma_wait3A_464 = arith.constant 0 : i32
      %dma_wait3A_465 = arith.constant 0 : i32
      %dma_wait3A_466 = tpu.memref_slice %arg2[%arg0, %dma_wait3A_464, %dma_wait3A_465] : memref<2x10000x64xf32, #tpu.memory_space<hbm>> -> memref<1x10000x64xf32, #tpu.memory_space<hbm>>
      %dma_wait3A_467 = tpu.memref_squeeze %dma_wait3A_466 : memref<1x10000x64xf32, #tpu.memory_space<hbm>> -> memref<10000x64xf32, #tpu.memory_space<hbm>>
      %dma_wait3A_468 = arith.constant 0 : i32
      %dma_wait3A_469 = arith.constant 0 : i32
      %dma_wait3A_470 = tpu.memref_slice %dma_wait3A_467[%dma_wait3A_468, %dma_wait3A_469] : memref<10000x64xf32, #tpu.memory_space<hbm>> -> memref<10000x64xf32, #tpu.memory_space<hbm>>
      tpu.wait_indirect_dma semaphore(%arg19 : memref<!tpu.dma_semaphore, #tpu.memory_space<semaphore_mem>>) src(%dma_wait3A_470 : memref<10000x64xf32, #tpu.memory_space<hbm>>) dst(%arg14 : memref<80x64xf32, #tpu.memory_space<vmem>>)
      %dma_start3A_471 = arith.constant 10 : i32
      %dma_start3A_472 = arith.constant 0 : i32
      %dma_start3A_473 = tpu.memref_slice %arg11[%dma_start3A_471, %dma_start3A_472] : memref<25x80xi32, #tpu.memory_space<vmem>> -> memref<1x80xi32, #tpu.memory_space<vmem>>
      %dma_start3A_474 = tpu.memref_squeeze %dma_start3A_473 : memref<1x80xi32, #tpu.memory_space<vmem>> -> memref<80xi32, #tpu.memory_space<vmem>>
      %dma_start3A_475 = arith.constant 0 : i32
      %dma_start3A_476 = arith.constant 0 : i32
      %dma_start3A_477 = tpu.memref_slice %arg6[%dma_start3A_475, %dma_start3A_476] : memref<20480x64xf32, #tpu.memory_space<vmem_shared>> -> memref<20480x64xf32, #tpu.memory_space<vmem_shared>>
      tpu.enqueue_indirect_dma source(%arg14 : memref<80x64xf32, #tpu.memory_space<vmem>>) target(%dma_start3A_477 : memref<20480x64xf32, #tpu.memory_space<vmem_shared>>) offsets(%dma_start3A_474 : memref<80xi32, #tpu.memory_space<vmem>>) semaphore(%arg23 : memref<!tpu.dma_semaphore, #tpu.memory_space<semaphore_mem>>) {add = true}
      %dma_wait3A_478 = arith.constant 10 : i32
      %dma_wait3A_479 = arith.constant 0 : i32
      %dma_wait3A_480 = tpu.memref_slice %arg11[%dma_wait3A_478, %dma_wait3A_479] : memref<25x80xi32, #tpu.memory_space<vmem>> -> memref<1x80xi32, #tpu.memory_space<vmem>>
      %dma_wait3A_481 = tpu.memref_squeeze %dma_wait3A_480 : memref<1x80xi32, #tpu.memory_space<vmem>> -> memref<80xi32, #tpu.memory_space<vmem>>
      %dma_wait3A_482 = arith.constant 0 : i32
      %dma_wait3A_483 = arith.constant 0 : i32
      %dma_wait3A_484 = tpu.memref_slice %arg6[%dma_wait3A_482, %dma_wait3A_483] : memref<20480x64xf32, #tpu.memory_space<vmem_shared>> -> memref<20480x64xf32, #tpu.memory_space<vmem_shared>>
      tpu.wait_indirect_dma semaphore(%arg23 : memref<!tpu.dma_semaphore, #tpu.memory_space<semaphore_mem>>) src(%arg14 : memref<80x64xf32, #tpu.memory_space<vmem>>) dst(%dma_wait3A_484 : memref<20480x64xf32, #tpu.memory_space<vmem_shared>>)
      %dma_start3A_485 = arith.constant 14 : i32
      %dma_start3A_486 = arith.constant 0 : i32
      %dma_start3A_487 = tpu.memref_slice %arg10[%dma_start3A_485, %dma_start3A_486] : memref<25x80xi32, #tpu.memory_space<vmem>> -> memref<1x80xi32, #tpu.memory_space<vmem>>
      %dma_start3A_488 = tpu.memref_squeeze %dma_start3A_487 : memref<1x80xi32, #tpu.memory_space<vmem>> -> memref<80xi32, #tpu.memory_space<vmem>>
      %dma_start3A_489 = arith.constant 0 : i32
      %dma_start3A_490 = arith.constant 0 : i32
      %dma_start3A_491 = tpu.memref_slice %arg2[%arg0, %dma_start3A_489, %dma_start3A_490] : memref<2x10000x64xf32, #tpu.memory_space<hbm>> -> memref<1x10000x64xf32, #tpu.memory_space<hbm>>
      %dma_start3A_492 = tpu.memref_squeeze %dma_start3A_491 : memref<1x10000x64xf32, #tpu.memory_space<hbm>> -> memref<10000x64xf32, #tpu.memory_space<hbm>>
      %dma_start3A_493 = arith.constant 0 : i32
      %dma_start3A_494 = arith.constant 0 : i32
      %dma_start3A_495 = tpu.memref_slice %dma_start3A_492[%dma_start3A_493, %dma_start3A_494] : memref<10000x64xf32, #tpu.memory_space<hbm>> -> memref<10000x64xf32, #tpu.memory_space<hbm>>
      tpu.enqueue_indirect_dma source(%dma_start3A_495 : memref<10000x64xf32, #tpu.memory_space<hbm>>) target(%arg14 : memref<80x64xf32, #tpu.memory_space<vmem>>) offsets(%dma_start3A_488 : memref<80xi32, #tpu.memory_space<vmem>>) semaphore(%arg19 : memref<!tpu.dma_semaphore, #tpu.memory_space<semaphore_mem>>)
      %dma_wait3A_496 = arith.constant 11 : i32
      %dma_wait3A_497 = arith.constant 0 : i32
      %dma_wait3A_498 = tpu.memref_slice %arg10[%dma_wait3A_496, %dma_wait3A_497] : memref<25x80xi32, #tpu.memory_space<vmem>> -> memref<1x80xi32, #tpu.memory_space<vmem>>
      %dma_wait3A_499 = tpu.memref_squeeze %dma_wait3A_498 : memref<1x80xi32, #tpu.memory_space<vmem>> -> memref<80xi32, #tpu.memory_space<vmem>>
      %dma_wait3A_500 = arith.constant 0 : i32
      %dma_wait3A_501 = arith.constant 0 : i32
      %dma_wait3A_502 = tpu.memref_slice %arg2[%arg0, %dma_wait3A_500, %dma_wait3A_501] : memref<2x10000x64xf32, #tpu.memory_space<hbm>> -> memref<1x10000x64xf32, #tpu.memory_space<hbm>>
      %dma_wait3A_503 = tpu.memref_squeeze %dma_wait3A_502 : memref<1x10000x64xf32, #tpu.memory_space<hbm>> -> memref<10000x64xf32, #tpu.memory_space<hbm>>
      %dma_wait3A_504 = arith.constant 0 : i32
      %dma_wait3A_505 = arith.constant 0 : i32
      %dma_wait3A_506 = tpu.memref_slice %dma_wait3A_503[%dma_wait3A_504, %dma_wait3A_505] : memref<10000x64xf32, #tpu.memory_space<hbm>> -> memref<10000x64xf32, #tpu.memory_space<hbm>>
      tpu.wait_indirect_dma semaphore(%arg20 : memref<!tpu.dma_semaphore, #tpu.memory_space<semaphore_mem>>) src(%dma_wait3A_506 : memref<10000x64xf32, #tpu.memory_space<hbm>>) dst(%arg15 : memref<80x64xf32, #tpu.memory_space<vmem>>)
      %dma_start3A_507 = arith.constant 11 : i32
      %dma_start3A_508 = arith.constant 0 : i32
      %dma_start3A_509 = tpu.memref_slice %arg11[%dma_start3A_507, %dma_start3A_508] : memref<25x80xi32, #tpu.memory_space<vmem>> -> memref<1x80xi32, #tpu.memory_space<vmem>>
      %dma_start3A_510 = tpu.memref_squeeze %dma_start3A_509 : memref<1x80xi32, #tpu.memory_space<vmem>> -> memref<80xi32, #tpu.memory_space<vmem>>
      %dma_start3A_511 = arith.constant 0 : i32
      %dma_start3A_512 = arith.constant 0 : i32
      %dma_start3A_513 = tpu.memref_slice %arg6[%dma_start3A_511, %dma_start3A_512] : memref<20480x64xf32, #tpu.memory_space<vmem_shared>> -> memref<20480x64xf32, #tpu.memory_space<vmem_shared>>
      tpu.enqueue_indirect_dma source(%arg15 : memref<80x64xf32, #tpu.memory_space<vmem>>) target(%dma_start3A_513 : memref<20480x64xf32, #tpu.memory_space<vmem_shared>>) offsets(%dma_start3A_510 : memref<80xi32, #tpu.memory_space<vmem>>) semaphore(%arg24 : memref<!tpu.dma_semaphore, #tpu.memory_space<semaphore_mem>>) {add = true}
      %dma_wait3A_514 = arith.constant 11 : i32
      %dma_wait3A_515 = arith.constant 0 : i32
      %dma_wait3A_516 = tpu.memref_slice %arg11[%dma_wait3A_514, %dma_wait3A_515] : memref<25x80xi32, #tpu.memory_space<vmem>> -> memref<1x80xi32, #tpu.memory_space<vmem>>
      %dma_wait3A_517 = tpu.memref_squeeze %dma_wait3A_516 : memref<1x80xi32, #tpu.memory_space<vmem>> -> memref<80xi32, #tpu.memory_space<vmem>>
      %dma_wait3A_518 = arith.constant 0 : i32
      %dma_wait3A_519 = arith.constant 0 : i32
      %dma_wait3A_520 = tpu.memref_slice %arg6[%dma_wait3A_518, %dma_wait3A_519] : memref<20480x64xf32, #tpu.memory_space<vmem_shared>> -> memref<20480x64xf32, #tpu.memory_space<vmem_shared>>
      tpu.wait_indirect_dma semaphore(%arg24 : memref<!tpu.dma_semaphore, #tpu.memory_space<semaphore_mem>>) src(%arg15 : memref<80x64xf32, #tpu.memory_space<vmem>>) dst(%dma_wait3A_520 : memref<20480x64xf32, #tpu.memory_space<vmem_shared>>)
      %dma_start3A_521 = arith.constant 15 : i32
      %dma_start3A_522 = arith.constant 0 : i32
      %dma_start3A_523 = tpu.memref_slice %arg10[%dma_start3A_521, %dma_start3A_522] : memref<25x80xi32, #tpu.memory_space<vmem>> -> memref<1x80xi32, #tpu.memory_space<vmem>>
      %dma_start3A_524 = tpu.memref_squeeze %dma_start3A_523 : memref<1x80xi32, #tpu.memory_space<vmem>> -> memref<80xi32, #tpu.memory_space<vmem>>
      %dma_start3A_525 = arith.constant 0 : i32
      %dma_start3A_526 = arith.constant 0 : i32
      %dma_start3A_527 = tpu.memref_slice %arg2[%arg0, %dma_start3A_525, %dma_start3A_526] : memref<2x10000x64xf32, #tpu.memory_space<hbm>> -> memref<1x10000x64xf32, #tpu.memory_space<hbm>>
      %dma_start3A_528 = tpu.memref_squeeze %dma_start3A_527 : memref<1x10000x64xf32, #tpu.memory_space<hbm>> -> memref<10000x64xf32, #tpu.memory_space<hbm>>
      %dma_start3A_529 = arith.constant 0 : i32
      %dma_start3A_530 = arith.constant 0 : i32
      %dma_start3A_531 = tpu.memref_slice %dma_start3A_528[%dma_start3A_529, %dma_start3A_530] : memref<10000x64xf32, #tpu.memory_space<hbm>> -> memref<10000x64xf32, #tpu.memory_space<hbm>>
      tpu.enqueue_indirect_dma source(%dma_start3A_531 : memref<10000x64xf32, #tpu.memory_space<hbm>>) target(%arg15 : memref<80x64xf32, #tpu.memory_space<vmem>>) offsets(%dma_start3A_524 : memref<80xi32, #tpu.memory_space<vmem>>) semaphore(%arg20 : memref<!tpu.dma_semaphore, #tpu.memory_space<semaphore_mem>>)
      %dma_wait3A_532 = arith.constant 12 : i32
      %dma_wait3A_533 = arith.constant 0 : i32
      %dma_wait3A_534 = tpu.memref_slice %arg10[%dma_wait3A_532, %dma_wait3A_533] : memref<25x80xi32, #tpu.memory_space<vmem>> -> memref<1x80xi32, #tpu.memory_space<vmem>>
      %dma_wait3A_535 = tpu.memref_squeeze %dma_wait3A_534 : memref<1x80xi32, #tpu.memory_space<vmem>> -> memref<80xi32, #tpu.memory_space<vmem>>
      %dma_wait3A_536 = arith.constant 0 : i32
      %dma_wait3A_537 = arith.constant 0 : i32
      %dma_wait3A_538 = tpu.memref_slice %arg2[%arg0, %dma_wait3A_536, %dma_wait3A_537] : memref<2x10000x64xf32, #tpu.memory_space<hbm>> -> memref<1x10000x64xf32, #tpu.memory_space<hbm>>
      %dma_wait3A_539 = tpu.memref_squeeze %dma_wait3A_538 : memref<1x10000x64xf32, #tpu.memory_space<hbm>> -> memref<10000x64xf32, #tpu.memory_space<hbm>>
      %dma_wait3A_540 = arith.constant 0 : i32
      %dma_wait3A_541 = arith.constant 0 : i32
      %dma_wait3A_542 = tpu.memref_slice %dma_wait3A_539[%dma_wait3A_540, %dma_wait3A_541] : memref<10000x64xf32, #tpu.memory_space<hbm>> -> memref<10000x64xf32, #tpu.memory_space<hbm>>
      tpu.wait_indirect_dma semaphore(%arg17 : memref<!tpu.dma_semaphore, #tpu.memory_space<semaphore_mem>>) src(%dma_wait3A_542 : memref<10000x64xf32, #tpu.memory_space<hbm>>) dst(%arg12 : memref<80x64xf32, #tpu.memory_space<vmem>>)
      %dma_start3A_543 = arith.constant 12 : i32
      %dma_start3A_544 = arith.constant 0 : i32
      %dma_start3A_545 = tpu.memref_slice %arg11[%dma_start3A_543, %dma_start3A_544] : memref<25x80xi32, #tpu.memory_space<vmem>> -> memref<1x80xi32, #tpu.memory_space<vmem>>
      %dma_start3A_546 = tpu.memref_squeeze %dma_start3A_545 : memref<1x80xi32, #tpu.memory_space<vmem>> -> memref<80xi32, #tpu.memory_space<vmem>>
      %dma_start3A_547 = arith.constant 0 : i32
      %dma_start3A_548 = arith.constant 0 : i32
      %dma_start3A_549 = tpu.memref_slice %arg6[%dma_start3A_547, %dma_start3A_548] : memref<20480x64xf32, #tpu.memory_space<vmem_shared>> -> memref<20480x64xf32, #tpu.memory_space<vmem_shared>>
      tpu.enqueue_indirect_dma source(%arg12 : memref<80x64xf32, #tpu.memory_space<vmem>>) target(%dma_start3A_549 : memref<20480x64xf32, #tpu.memory_space<vmem_shared>>) offsets(%dma_start3A_546 : memref<80xi32, #tpu.memory_space<vmem>>) semaphore(%arg21 : memref<!tpu.dma_semaphore, #tpu.memory_space<semaphore_mem>>) {add = true}
      %dma_wait3A_550 = arith.constant 12 : i32
      %dma_wait3A_551 = arith.constant 0 : i32
      %dma_wait3A_552 = tpu.memref_slice %arg11[%dma_wait3A_550, %dma_wait3A_551] : memref<25x80xi32, #tpu.memory_space<vmem>> -> memref<1x80xi32, #tpu.memory_space<vmem>>
      %dma_wait3A_553 = tpu.memref_squeeze %dma_wait3A_552 : memref<1x80xi32, #tpu.memory_space<vmem>> -> memref<80xi32, #tpu.memory_space<vmem>>
      %dma_wait3A_554 = arith.constant 0 : i32
      %dma_wait3A_555 = arith.constant 0 : i32
      %dma_wait3A_556 = tpu.memref_slice %arg6[%dma_wait3A_554, %dma_wait3A_555] : memref<20480x64xf32, #tpu.memory_space<vmem_shared>> -> memref<20480x64xf32, #tpu.memory_space<vmem_shared>>
      tpu.wait_indirect_dma semaphore(%arg21 : memref<!tpu.dma_semaphore, #tpu.memory_space<semaphore_mem>>) src(%arg12 : memref<80x64xf32, #tpu.memory_space<vmem>>) dst(%dma_wait3A_556 : memref<20480x64xf32, #tpu.memory_space<vmem_shared>>)
      %dma_start3A_557 = arith.constant 16 : i32
      %dma_start3A_558 = arith.constant 0 : i32
      %dma_start3A_559 = tpu.memref_slice %arg10[%dma_start3A_557, %dma_start3A_558] : memref<25x80xi32, #tpu.memory_space<vmem>> -> memref<1x80xi32, #tpu.memory_space<vmem>>
      %dma_start3A_560 = tpu.memref_squeeze %dma_start3A_559 : memref<1x80xi32, #tpu.memory_space<vmem>> -> memref<80xi32, #tpu.memory_space<vmem>>
      %dma_start3A_561 = arith.constant 0 : i32
      %dma_start3A_562 = arith.constant 0 : i32
      %dma_start3A_563 = tpu.memref_slice %arg2[%arg0, %dma_start3A_561, %dma_start3A_562] : memref<2x10000x64xf32, #tpu.memory_space<hbm>> -> memref<1x10000x64xf32, #tpu.memory_space<hbm>>
      %dma_start3A_564 = tpu.memref_squeeze %dma_start3A_563 : memref<1x10000x64xf32, #tpu.memory_space<hbm>> -> memref<10000x64xf32, #tpu.memory_space<hbm>>
      %dma_start3A_565 = arith.constant 0 : i32
      %dma_start3A_566 = arith.constant 0 : i32
      %dma_start3A_567 = tpu.memref_slice %dma_start3A_564[%dma_start3A_565, %dma_start3A_566] : memref<10000x64xf32, #tpu.memory_space<hbm>> -> memref<10000x64xf32, #tpu.memory_space<hbm>>
      tpu.enqueue_indirect_dma source(%dma_start3A_567 : memref<10000x64xf32, #tpu.memory_space<hbm>>) target(%arg12 : memref<80x64xf32, #tpu.memory_space<vmem>>) offsets(%dma_start3A_560 : memref<80xi32, #tpu.memory_space<vmem>>) semaphore(%arg17 : memref<!tpu.dma_semaphore, #tpu.memory_space<semaphore_mem>>)
      %dma_wait3A_568 = arith.constant 13 : i32
      %dma_wait3A_569 = arith.constant 0 : i32
      %dma_wait3A_570 = tpu.memref_slice %arg10[%dma_wait3A_568, %dma_wait3A_569] : memref<25x80xi32, #tpu.memory_space<vmem>> -> memref<1x80xi32, #tpu.memory_space<vmem>>
      %dma_wait3A_571 = tpu.memref_squeeze %dma_wait3A_570 : memref<1x80xi32, #tpu.memory_space<vmem>> -> memref<80xi32, #tpu.memory_space<vmem>>
      %dma_wait3A_572 = arith.constant 0 : i32
      %dma_wait3A_573 = arith.constant 0 : i32
      %dma_wait3A_574 = tpu.memref_slice %arg2[%arg0, %dma_wait3A_572, %dma_wait3A_573] : memref<2x10000x64xf32, #tpu.memory_space<hbm>> -> memref<1x10000x64xf32, #tpu.memory_space<hbm>>
      %dma_wait3A_575 = tpu.memref_squeeze %dma_wait3A_574 : memref<1x10000x64xf32, #tpu.memory_space<hbm>> -> memref<10000x64xf32, #tpu.memory_space<hbm>>
      %dma_wait3A_576 = arith.constant 0 : i32
      %dma_wait3A_577 = arith.constant 0 : i32
      %dma_wait3A_578 = tpu.memref_slice %dma_wait3A_575[%dma_wait3A_576, %dma_wait3A_577] : memref<10000x64xf32, #tpu.memory_space<hbm>> -> memref<10000x64xf32, #tpu.memory_space<hbm>>
      tpu.wait_indirect_dma semaphore(%arg18 : memref<!tpu.dma_semaphore, #tpu.memory_space<semaphore_mem>>) src(%dma_wait3A_578 : memref<10000x64xf32, #tpu.memory_space<hbm>>) dst(%arg13 : memref<80x64xf32, #tpu.memory_space<vmem>>)
      %dma_start3A_579 = arith.constant 13 : i32
      %dma_start3A_580 = arith.constant 0 : i32
      %dma_start3A_581 = tpu.memref_slice %arg11[%dma_start3A_579, %dma_start3A_580] : memref<25x80xi32, #tpu.memory_space<vmem>> -> memref<1x80xi32, #tpu.memory_space<vmem>>
      %dma_start3A_582 = tpu.memref_squeeze %dma_start3A_581 : memref<1x80xi32, #tpu.memory_space<vmem>> -> memref<80xi32, #tpu.memory_space<vmem>>
      %dma_start3A_583 = arith.constant 0 : i32
      %dma_start3A_584 = arith.constant 0 : i32
      %dma_start3A_585 = tpu.memref_slice %arg6[%dma_start3A_583, %dma_start3A_584] : memref<20480x64xf32, #tpu.memory_space<vmem_shared>> -> memref<20480x64xf32, #tpu.memory_space<vmem_shared>>
      tpu.enqueue_indirect_dma source(%arg13 : memref<80x64xf32, #tpu.memory_space<vmem>>) target(%dma_start3A_585 : memref<20480x64xf32, #tpu.memory_space<vmem_shared>>) offsets(%dma_start3A_582 : memref<80xi32, #tpu.memory_space<vmem>>) semaphore(%arg22 : memref<!tpu.dma_semaphore, #tpu.memory_space<semaphore_mem>>) {add = true}
      %dma_wait3A_586 = arith.constant 13 : i32
      %dma_wait3A_587 = arith.constant 0 : i32
      %dma_wait3A_588 = tpu.memref_slice %arg11[%dma_wait3A_586, %dma_wait3A_587] : memref<25x80xi32, #tpu.memory_space<vmem>> -> memref<1x80xi32, #tpu.memory_space<vmem>>
      %dma_wait3A_589 = tpu.memref_squeeze %dma_wait3A_588 : memref<1x80xi32, #tpu.memory_space<vmem>> -> memref<80xi32, #tpu.memory_space<vmem>>
      %dma_wait3A_590 = arith.constant 0 : i32
      %dma_wait3A_591 = arith.constant 0 : i32
      %dma_wait3A_592 = tpu.memref_slice %arg6[%dma_wait3A_590, %dma_wait3A_591] : memref<20480x64xf32, #tpu.memory_space<vmem_shared>> -> memref<20480x64xf32, #tpu.memory_space<vmem_shared>>
      tpu.wait_indirect_dma semaphore(%arg22 : memref<!tpu.dma_semaphore, #tpu.memory_space<semaphore_mem>>) src(%arg13 : memref<80x64xf32, #tpu.memory_space<vmem>>) dst(%dma_wait3A_592 : memref<20480x64xf32, #tpu.memory_space<vmem_shared>>)
      %dma_start3A_593 = arith.constant 17 : i32
      %dma_start3A_594 = arith.constant 0 : i32
      %dma_start3A_595 = tpu.memref_slice %arg10[%dma_start3A_593, %dma_start3A_594] : memref<25x80xi32, #tpu.memory_space<vmem>> -> memref<1x80xi32, #tpu.memory_space<vmem>>
      %dma_start3A_596 = tpu.memref_squeeze %dma_start3A_595 : memref<1x80xi32, #tpu.memory_space<vmem>> -> memref<80xi32, #tpu.memory_space<vmem>>
      %dma_start3A_597 = arith.constant 0 : i32
      %dma_start3A_598 = arith.constant 0 : i32
      %dma_start3A_599 = tpu.memref_slice %arg2[%arg0, %dma_start3A_597, %dma_start3A_598] : memref<2x10000x64xf32, #tpu.memory_space<hbm>> -> memref<1x10000x64xf32, #tpu.memory_space<hbm>>
      %dma_start3A_600 = tpu.memref_squeeze %dma_start3A_599 : memref<1x10000x64xf32, #tpu.memory_space<hbm>> -> memref<10000x64xf32, #tpu.memory_space<hbm>>
      %dma_start3A_601 = arith.constant 0 : i32
      %dma_start3A_602 = arith.constant 0 : i32
      %dma_start3A_603 = tpu.memref_slice %dma_start3A_600[%dma_start3A_601, %dma_start3A_602] : memref<10000x64xf32, #tpu.memory_space<hbm>> -> memref<10000x64xf32, #tpu.memory_space<hbm>>
      tpu.enqueue_indirect_dma source(%dma_start3A_603 : memref<10000x64xf32, #tpu.memory_space<hbm>>) target(%arg13 : memref<80x64xf32, #tpu.memory_space<vmem>>) offsets(%dma_start3A_596 : memref<80xi32, #tpu.memory_space<vmem>>) semaphore(%arg18 : memref<!tpu.dma_semaphore, #tpu.memory_space<semaphore_mem>>)
      %dma_wait3A_604 = arith.constant 14 : i32
      %dma_wait3A_605 = arith.constant 0 : i32
      %dma_wait3A_606 = tpu.memref_slice %arg10[%dma_wait3A_604, %dma_wait3A_605] : memref<25x80xi32, #tpu.memory_space<vmem>> -> memref<1x80xi32, #tpu.memory_space<vmem>>
      %dma_wait3A_607 = tpu.memref_squeeze %dma_wait3A_606 : memref<1x80xi32, #tpu.memory_space<vmem>> -> memref<80xi32, #tpu.memory_space<vmem>>
      %dma_wait3A_608 = arith.constant 0 : i32
      %dma_wait3A_609 = arith.constant 0 : i32
      %dma_wait3A_610 = tpu.memref_slice %arg2[%arg0, %dma_wait3A_608, %dma_wait3A_609] : memref<2x10000x64xf32, #tpu.memory_space<hbm>> -> memref<1x10000x64xf32, #tpu.memory_space<hbm>>
      %dma_wait3A_611 = tpu.memref_squeeze %dma_wait3A_610 : memref<1x10000x64xf32, #tpu.memory_space<hbm>> -> memref<10000x64xf32, #tpu.memory_space<hbm>>
      %dma_wait3A_612 = arith.constant 0 : i32
      %dma_wait3A_613 = arith.constant 0 : i32
      %dma_wait3A_614 = tpu.memref_slice %dma_wait3A_611[%dma_wait3A_612, %dma_wait3A_613] : memref<10000x64xf32, #tpu.memory_space<hbm>> -> memref<10000x64xf32, #tpu.memory_space<hbm>>
      tpu.wait_indirect_dma semaphore(%arg19 : memref<!tpu.dma_semaphore, #tpu.memory_space<semaphore_mem>>) src(%dma_wait3A_614 : memref<10000x64xf32, #tpu.memory_space<hbm>>) dst(%arg14 : memref<80x64xf32, #tpu.memory_space<vmem>>)
      %dma_start3A_615 = arith.constant 14 : i32
      %dma_start3A_616 = arith.constant 0 : i32
      %dma_start3A_617 = tpu.memref_slice %arg11[%dma_start3A_615, %dma_start3A_616] : memref<25x80xi32, #tpu.memory_space<vmem>> -> memref<1x80xi32, #tpu.memory_space<vmem>>
      %dma_start3A_618 = tpu.memref_squeeze %dma_start3A_617 : memref<1x80xi32, #tpu.memory_space<vmem>> -> memref<80xi32, #tpu.memory_space<vmem>>
      %dma_start3A_619 = arith.constant 0 : i32
      %dma_start3A_620 = arith.constant 0 : i32
      %dma_start3A_621 = tpu.memref_slice %arg6[%dma_start3A_619, %dma_start3A_620] : memref<20480x64xf32, #tpu.memory_space<vmem_shared>> -> memref<20480x64xf32, #tpu.memory_space<vmem_shared>>
      tpu.enqueue_indirect_dma source(%arg14 : memref<80x64xf32, #tpu.memory_space<vmem>>) target(%dma_start3A_621 : memref<20480x64xf32, #tpu.memory_space<vmem_shared>>) offsets(%dma_start3A_618 : memref<80xi32, #tpu.memory_space<vmem>>) semaphore(%arg23 : memref<!tpu.dma_semaphore, #tpu.memory_space<semaphore_mem>>) {add = true}
      %dma_wait3A_622 = arith.constant 14 : i32
      %dma_wait3A_623 = arith.constant 0 : i32
      %dma_wait3A_624 = tpu.memref_slice %arg11[%dma_wait3A_622, %dma_wait3A_623] : memref<25x80xi32, #tpu.memory_space<vmem>> -> memref<1x80xi32, #tpu.memory_space<vmem>>
      %dma_wait3A_625 = tpu.memref_squeeze %dma_wait3A_624 : memref<1x80xi32, #tpu.memory_space<vmem>> -> memref<80xi32, #tpu.memory_space<vmem>>
      %dma_wait3A_626 = arith.constant 0 : i32
      %dma_wait3A_627 = arith.constant 0 : i32
      %dma_wait3A_628 = tpu.memref_slice %arg6[%dma_wait3A_626, %dma_wait3A_627] : memref<20480x64xf32, #tpu.memory_space<vmem_shared>> -> memref<20480x64xf32, #tpu.memory_space<vmem_shared>>
      tpu.wait_indirect_dma semaphore(%arg23 : memref<!tpu.dma_semaphore, #tpu.memory_space<semaphore_mem>>) src(%arg14 : memref<80x64xf32, #tpu.memory_space<vmem>>) dst(%dma_wait3A_628 : memref<20480x64xf32, #tpu.memory_space<vmem_shared>>)
      %dma_start3A_629 = arith.constant 18 : i32
      %dma_start3A_630 = arith.constant 0 : i32
      %dma_start3A_631 = tpu.memref_slice %arg10[%dma_start3A_629, %dma_start3A_630] : memref<25x80xi32, #tpu.memory_space<vmem>> -> memref<1x80xi32, #tpu.memory_space<vmem>>
      %dma_start3A_632 = tpu.memref_squeeze %dma_start3A_631 : memref<1x80xi32, #tpu.memory_space<vmem>> -> memref<80xi32, #tpu.memory_space<vmem>>
      %dma_start3A_633 = arith.constant 0 : i32
      %dma_start3A_634 = arith.constant 0 : i32
      %dma_start3A_635 = tpu.memref_slice %arg2[%arg0, %dma_start3A_633, %dma_start3A_634] : memref<2x10000x64xf32, #tpu.memory_space<hbm>> -> memref<1x10000x64xf32, #tpu.memory_space<hbm>>
      %dma_start3A_636 = tpu.memref_squeeze %dma_start3A_635 : memref<1x10000x64xf32, #tpu.memory_space<hbm>> -> memref<10000x64xf32, #tpu.memory_space<hbm>>
      %dma_start3A_637 = arith.constant 0 : i32
      %dma_start3A_638 = arith.constant 0 : i32
      %dma_start3A_639 = tpu.memref_slice %dma_start3A_636[%dma_start3A_637, %dma_start3A_638] : memref<10000x64xf32, #tpu.memory_space<hbm>> -> memref<10000x64xf32, #tpu.memory_space<hbm>>
      tpu.enqueue_indirect_dma source(%dma_start3A_639 : memref<10000x64xf32, #tpu.memory_space<hbm>>) target(%arg14 : memref<80x64xf32, #tpu.memory_space<vmem>>) offsets(%dma_start3A_632 : memref<80xi32, #tpu.memory_space<vmem>>) semaphore(%arg19 : memref<!tpu.dma_semaphore, #tpu.memory_space<semaphore_mem>>)
      %dma_wait3A_640 = arith.constant 15 : i32
      %dma_wait3A_641 = arith.constant 0 : i32
      %dma_wait3A_642 = tpu.memref_slice %arg10[%dma_wait3A_640, %dma_wait3A_641] : memref<25x80xi32, #tpu.memory_space<vmem>> -> memref<1x80xi32, #tpu.memory_space<vmem>>
      %dma_wait3A_643 = tpu.memref_squeeze %dma_wait3A_642 : memref<1x80xi32, #tpu.memory_space<vmem>> -> memref<80xi32, #tpu.memory_space<vmem>>
      %dma_wait3A_644 = arith.constant 0 : i32
      %dma_wait3A_645 = arith.constant 0 : i32
      %dma_wait3A_646 = tpu.memref_slice %arg2[%arg0, %dma_wait3A_644, %dma_wait3A_645] : memref<2x10000x64xf32, #tpu.memory_space<hbm>> -> memref<1x10000x64xf32, #tpu.memory_space<hbm>>
      %dma_wait3A_647 = tpu.memref_squeeze %dma_wait3A_646 : memref<1x10000x64xf32, #tpu.memory_space<hbm>> -> memref<10000x64xf32, #tpu.memory_space<hbm>>
      %dma_wait3A_648 = arith.constant 0 : i32
      %dma_wait3A_649 = arith.constant 0 : i32
      %dma_wait3A_650 = tpu.memref_slice %dma_wait3A_647[%dma_wait3A_648, %dma_wait3A_649] : memref<10000x64xf32, #tpu.memory_space<hbm>> -> memref<10000x64xf32, #tpu.memory_space<hbm>>
      tpu.wait_indirect_dma semaphore(%arg20 : memref<!tpu.dma_semaphore, #tpu.memory_space<semaphore_mem>>) src(%dma_wait3A_650 : memref<10000x64xf32, #tpu.memory_space<hbm>>) dst(%arg15 : memref<80x64xf32, #tpu.memory_space<vmem>>)
      %dma_start3A_651 = arith.constant 15 : i32
      %dma_start3A_652 = arith.constant 0 : i32
      %dma_start3A_653 = tpu.memref_slice %arg11[%dma_start3A_651, %dma_start3A_652] : memref<25x80xi32, #tpu.memory_space<vmem>> -> memref<1x80xi32, #tpu.memory_space<vmem>>
      %dma_start3A_654 = tpu.memref_squeeze %dma_start3A_653 : memref<1x80xi32, #tpu.memory_space<vmem>> -> memref<80xi32, #tpu.memory_space<vmem>>
      %dma_start3A_655 = arith.constant 0 : i32
      %dma_start3A_656 = arith.constant 0 : i32
      %dma_start3A_657 = tpu.memref_slice %arg6[%dma_start3A_655, %dma_start3A_656] : memref<20480x64xf32, #tpu.memory_space<vmem_shared>> -> memref<20480x64xf32, #tpu.memory_space<vmem_shared>>
      tpu.enqueue_indirect_dma source(%arg15 : memref<80x64xf32, #tpu.memory_space<vmem>>) target(%dma_start3A_657 : memref<20480x64xf32, #tpu.memory_space<vmem_shared>>) offsets(%dma_start3A_654 : memref<80xi32, #tpu.memory_space<vmem>>) semaphore(%arg24 : memref<!tpu.dma_semaphore, #tpu.memory_space<semaphore_mem>>) {add = true}
      %dma_wait3A_658 = arith.constant 15 : i32
      %dma_wait3A_659 = arith.constant 0 : i32
      %dma_wait3A_660 = tpu.memref_slice %arg11[%dma_wait3A_658, %dma_wait3A_659] : memref<25x80xi32, #tpu.memory_space<vmem>> -> memref<1x80xi32, #tpu.memory_space<vmem>>
      %dma_wait3A_661 = tpu.memref_squeeze %dma_wait3A_660 : memref<1x80xi32, #tpu.memory_space<vmem>> -> memref<80xi32, #tpu.memory_space<vmem>>
      %dma_wait3A_662 = arith.constant 0 : i32
      %dma_wait3A_663 = arith.constant 0 : i32
      %dma_wait3A_664 = tpu.memref_slice %arg6[%dma_wait3A_662, %dma_wait3A_663] : memref<20480x64xf32, #tpu.memory_space<vmem_shared>> -> memref<20480x64xf32, #tpu.memory_space<vmem_shared>>
      tpu.wait_indirect_dma semaphore(%arg24 : memref<!tpu.dma_semaphore, #tpu.memory_space<semaphore_mem>>) src(%arg15 : memref<80x64xf32, #tpu.memory_space<vmem>>) dst(%dma_wait3A_664 : memref<20480x64xf32, #tpu.memory_space<vmem_shared>>)
      %dma_start3A_665 = arith.constant 19 : i32
      %dma_start3A_666 = arith.constant 0 : i32
      %dma_start3A_667 = tpu.memref_slice %arg10[%dma_start3A_665, %dma_start3A_666] : memref<25x80xi32, #tpu.memory_space<vmem>> -> memref<1x80xi32, #tpu.memory_space<vmem>>
      %dma_start3A_668 = tpu.memref_squeeze %dma_start3A_667 : memref<1x80xi32, #tpu.memory_space<vmem>> -> memref<80xi32, #tpu.memory_space<vmem>>
      %dma_start3A_669 = arith.constant 0 : i32
      %dma_start3A_670 = arith.constant 0 : i32
      %dma_start3A_671 = tpu.memref_slice %arg2[%arg0, %dma_start3A_669, %dma_start3A_670] : memref<2x10000x64xf32, #tpu.memory_space<hbm>> -> memref<1x10000x64xf32, #tpu.memory_space<hbm>>
      %dma_start3A_672 = tpu.memref_squeeze %dma_start3A_671 : memref<1x10000x64xf32, #tpu.memory_space<hbm>> -> memref<10000x64xf32, #tpu.memory_space<hbm>>
      %dma_start3A_673 = arith.constant 0 : i32
      %dma_start3A_674 = arith.constant 0 : i32
      %dma_start3A_675 = tpu.memref_slice %dma_start3A_672[%dma_start3A_673, %dma_start3A_674] : memref<10000x64xf32, #tpu.memory_space<hbm>> -> memref<10000x64xf32, #tpu.memory_space<hbm>>
      tpu.enqueue_indirect_dma source(%dma_start3A_675 : memref<10000x64xf32, #tpu.memory_space<hbm>>) target(%arg15 : memref<80x64xf32, #tpu.memory_space<vmem>>) offsets(%dma_start3A_668 : memref<80xi32, #tpu.memory_space<vmem>>) semaphore(%arg20 : memref<!tpu.dma_semaphore, #tpu.memory_space<semaphore_mem>>)
      %dma_wait3A_676 = arith.constant 16 : i32
      %dma_wait3A_677 = arith.constant 0 : i32
      %dma_wait3A_678 = tpu.memref_slice %arg10[%dma_wait3A_676, %dma_wait3A_677] : memref<25x80xi32, #tpu.memory_space<vmem>> -> memref<1x80xi32, #tpu.memory_space<vmem>>
      %dma_wait3A_679 = tpu.memref_squeeze %dma_wait3A_678 : memref<1x80xi32, #tpu.memory_space<vmem>> -> memref<80xi32, #tpu.memory_space<vmem>>
      %dma_wait3A_680 = arith.constant 0 : i32
      %dma_wait3A_681 = arith.constant 0 : i32
      %dma_wait3A_682 = tpu.memref_slice %arg2[%arg0, %dma_wait3A_680, %dma_wait3A_681] : memref<2x10000x64xf32, #tpu.memory_space<hbm>> -> memref<1x10000x64xf32, #tpu.memory_space<hbm>>
      %dma_wait3A_683 = tpu.memref_squeeze %dma_wait3A_682 : memref<1x10000x64xf32, #tpu.memory_space<hbm>> -> memref<10000x64xf32, #tpu.memory_space<hbm>>
      %dma_wait3A_684 = arith.constant 0 : i32
      %dma_wait3A_685 = arith.constant 0 : i32
      %dma_wait3A_686 = tpu.memref_slice %dma_wait3A_683[%dma_wait3A_684, %dma_wait3A_685] : memref<10000x64xf32, #tpu.memory_space<hbm>> -> memref<10000x64xf32, #tpu.memory_space<hbm>>
      tpu.wait_indirect_dma semaphore(%arg17 : memref<!tpu.dma_semaphore, #tpu.memory_space<semaphore_mem>>) src(%dma_wait3A_686 : memref<10000x64xf32, #tpu.memory_space<hbm>>) dst(%arg12 : memref<80x64xf32, #tpu.memory_space<vmem>>)
      %dma_start3A_687 = arith.constant 16 : i32
      %dma_start3A_688 = arith.constant 0 : i32
      %dma_start3A_689 = tpu.memref_slice %arg11[%dma_start3A_687, %dma_start3A_688] : memref<25x80xi32, #tpu.memory_space<vmem>> -> memref<1x80xi32, #tpu.memory_space<vmem>>
      %dma_start3A_690 = tpu.memref_squeeze %dma_start3A_689 : memref<1x80xi32, #tpu.memory_space<vmem>> -> memref<80xi32, #tpu.memory_space<vmem>>
      %dma_start3A_691 = arith.constant 0 : i32
      %dma_start3A_692 = arith.constant 0 : i32
      %dma_start3A_693 = tpu.memref_slice %arg6[%dma_start3A_691, %dma_start3A_692] : memref<20480x64xf32, #tpu.memory_space<vmem_shared>> -> memref<20480x64xf32, #tpu.memory_space<vmem_shared>>
      tpu.enqueue_indirect_dma source(%arg12 : memref<80x64xf32, #tpu.memory_space<vmem>>) target(%dma_start3A_693 : memref<20480x64xf32, #tpu.memory_space<vmem_shared>>) offsets(%dma_start3A_690 : memref<80xi32, #tpu.memory_space<vmem>>) semaphore(%arg21 : memref<!tpu.dma_semaphore, #tpu.memory_space<semaphore_mem>>) {add = true}
      %dma_wait3A_694 = arith.constant 16 : i32
      %dma_wait3A_695 = arith.constant 0 : i32
      %dma_wait3A_696 = tpu.memref_slice %arg11[%dma_wait3A_694, %dma_wait3A_695] : memref<25x80xi32, #tpu.memory_space<vmem>> -> memref<1x80xi32, #tpu.memory_space<vmem>>
      %dma_wait3A_697 = tpu.memref_squeeze %dma_wait3A_696 : memref<1x80xi32, #tpu.memory_space<vmem>> -> memref<80xi32, #tpu.memory_space<vmem>>
      %dma_wait3A_698 = arith.constant 0 : i32
      %dma_wait3A_699 = arith.constant 0 : i32
      %dma_wait3A_700 = tpu.memref_slice %arg6[%dma_wait3A_698, %dma_wait3A_699] : memref<20480x64xf32, #tpu.memory_space<vmem_shared>> -> memref<20480x64xf32, #tpu.memory_space<vmem_shared>>
      tpu.wait_indirect_dma semaphore(%arg21 : memref<!tpu.dma_semaphore, #tpu.memory_space<semaphore_mem>>) src(%arg12 : memref<80x64xf32, #tpu.memory_space<vmem>>) dst(%dma_wait3A_700 : memref<20480x64xf32, #tpu.memory_space<vmem_shared>>)
      %dma_start3A_701 = arith.constant 20 : i32
      %dma_start3A_702 = arith.constant 0 : i32
      %dma_start3A_703 = tpu.memref_slice %arg10[%dma_start3A_701, %dma_start3A_702] : memref<25x80xi32, #tpu.memory_space<vmem>> -> memref<1x80xi32, #tpu.memory_space<vmem>>
      %dma_start3A_704 = tpu.memref_squeeze %dma_start3A_703 : memref<1x80xi32, #tpu.memory_space<vmem>> -> memref<80xi32, #tpu.memory_space<vmem>>
      %dma_start3A_705 = arith.constant 0 : i32
      %dma_start3A_706 = arith.constant 0 : i32
      %dma_start3A_707 = tpu.memref_slice %arg2[%arg0, %dma_start3A_705, %dma_start3A_706] : memref<2x10000x64xf32, #tpu.memory_space<hbm>> -> memref<1x10000x64xf32, #tpu.memory_space<hbm>>
      %dma_start3A_708 = tpu.memref_squeeze %dma_start3A_707 : memref<1x10000x64xf32, #tpu.memory_space<hbm>> -> memref<10000x64xf32, #tpu.memory_space<hbm>>
      %dma_start3A_709 = arith.constant 0 : i32
      %dma_start3A_710 = arith.constant 0 : i32
      %dma_start3A_711 = tpu.memref_slice %dma_start3A_708[%dma_start3A_709, %dma_start3A_710] : memref<10000x64xf32, #tpu.memory_space<hbm>> -> memref<10000x64xf32, #tpu.memory_space<hbm>>
      tpu.enqueue_indirect_dma source(%dma_start3A_711 : memref<10000x64xf32, #tpu.memory_space<hbm>>) target(%arg12 : memref<80x64xf32, #tpu.memory_space<vmem>>) offsets(%dma_start3A_704 : memref<80xi32, #tpu.memory_space<vmem>>) semaphore(%arg17 : memref<!tpu.dma_semaphore, #tpu.memory_space<semaphore_mem>>)
      %dma_wait3A_712 = arith.constant 17 : i32
      %dma_wait3A_713 = arith.constant 0 : i32
      %dma_wait3A_714 = tpu.memref_slice %arg10[%dma_wait3A_712, %dma_wait3A_713] : memref<25x80xi32, #tpu.memory_space<vmem>> -> memref<1x80xi32, #tpu.memory_space<vmem>>
      %dma_wait3A_715 = tpu.memref_squeeze %dma_wait3A_714 : memref<1x80xi32, #tpu.memory_space<vmem>> -> memref<80xi32, #tpu.memory_space<vmem>>
      %dma_wait3A_716 = arith.constant 0 : i32
      %dma_wait3A_717 = arith.constant 0 : i32
      %dma_wait3A_718 = tpu.memref_slice %arg2[%arg0, %dma_wait3A_716, %dma_wait3A_717] : memref<2x10000x64xf32, #tpu.memory_space<hbm>> -> memref<1x10000x64xf32, #tpu.memory_space<hbm>>
      %dma_wait3A_719 = tpu.memref_squeeze %dma_wait3A_718 : memref<1x10000x64xf32, #tpu.memory_space<hbm>> -> memref<10000x64xf32, #tpu.memory_space<hbm>>
      %dma_wait3A_720 = arith.constant 0 : i32
      %dma_wait3A_721 = arith.constant 0 : i32
      %dma_wait3A_722 = tpu.memref_slice %dma_wait3A_719[%dma_wait3A_720, %dma_wait3A_721] : memref<10000x64xf32, #tpu.memory_space<hbm>> -> memref<10000x64xf32, #tpu.memory_space<hbm>>
      tpu.wait_indirect_dma semaphore(%arg18 : memref<!tpu.dma_semaphore, #tpu.memory_space<semaphore_mem>>) src(%dma_wait3A_722 : memref<10000x64xf32, #tpu.memory_space<hbm>>) dst(%arg13 : memref<80x64xf32, #tpu.memory_space<vmem>>)
      %dma_start3A_723 = arith.constant 17 : i32
      %dma_start3A_724 = arith.constant 0 : i32
      %dma_start3A_725 = tpu.memref_slice %arg11[%dma_start3A_723, %dma_start3A_724] : memref<25x80xi32, #tpu.memory_space<vmem>> -> memref<1x80xi32, #tpu.memory_space<vmem>>
      %dma_start3A_726 = tpu.memref_squeeze %dma_start3A_725 : memref<1x80xi32, #tpu.memory_space<vmem>> -> memref<80xi32, #tpu.memory_space<vmem>>
      %dma_start3A_727 = arith.constant 0 : i32
      %dma_start3A_728 = arith.constant 0 : i32
      %dma_start3A_729 = tpu.memref_slice %arg6[%dma_start3A_727, %dma_start3A_728] : memref<20480x64xf32, #tpu.memory_space<vmem_shared>> -> memref<20480x64xf32, #tpu.memory_space<vmem_shared>>
      tpu.enqueue_indirect_dma source(%arg13 : memref<80x64xf32, #tpu.memory_space<vmem>>) target(%dma_start3A_729 : memref<20480x64xf32, #tpu.memory_space<vmem_shared>>) offsets(%dma_start3A_726 : memref<80xi32, #tpu.memory_space<vmem>>) semaphore(%arg22 : memref<!tpu.dma_semaphore, #tpu.memory_space<semaphore_mem>>) {add = true}
      %dma_wait3A_730 = arith.constant 17 : i32
      %dma_wait3A_731 = arith.constant 0 : i32
      %dma_wait3A_732 = tpu.memref_slice %arg11[%dma_wait3A_730, %dma_wait3A_731] : memref<25x80xi32, #tpu.memory_space<vmem>> -> memref<1x80xi32, #tpu.memory_space<vmem>>
      %dma_wait3A_733 = tpu.memref_squeeze %dma_wait3A_732 : memref<1x80xi32, #tpu.memory_space<vmem>> -> memref<80xi32, #tpu.memory_space<vmem>>
      %dma_wait3A_734 = arith.constant 0 : i32
      %dma_wait3A_735 = arith.constant 0 : i32
      %dma_wait3A_736 = tpu.memref_slice %arg6[%dma_wait3A_734, %dma_wait3A_735] : memref<20480x64xf32, #tpu.memory_space<vmem_shared>> -> memref<20480x64xf32, #tpu.memory_space<vmem_shared>>
      tpu.wait_indirect_dma semaphore(%arg22 : memref<!tpu.dma_semaphore, #tpu.memory_space<semaphore_mem>>) src(%arg13 : memref<80x64xf32, #tpu.memory_space<vmem>>) dst(%dma_wait3A_736 : memref<20480x64xf32, #tpu.memory_space<vmem_shared>>)
      %dma_start3A_737 = arith.constant 21 : i32
      %dma_start3A_738 = arith.constant 0 : i32
      %dma_start3A_739 = tpu.memref_slice %arg10[%dma_start3A_737, %dma_start3A_738] : memref<25x80xi32, #tpu.memory_space<vmem>> -> memref<1x80xi32, #tpu.memory_space<vmem>>
      %dma_start3A_740 = tpu.memref_squeeze %dma_start3A_739 : memref<1x80xi32, #tpu.memory_space<vmem>> -> memref<80xi32, #tpu.memory_space<vmem>>
      %dma_start3A_741 = arith.constant 0 : i32
      %dma_start3A_742 = arith.constant 0 : i32
      %dma_start3A_743 = tpu.memref_slice %arg2[%arg0, %dma_start3A_741, %dma_start3A_742] : memref<2x10000x64xf32, #tpu.memory_space<hbm>> -> memref<1x10000x64xf32, #tpu.memory_space<hbm>>
      %dma_start3A_744 = tpu.memref_squeeze %dma_start3A_743 : memref<1x10000x64xf32, #tpu.memory_space<hbm>> -> memref<10000x64xf32, #tpu.memory_space<hbm>>
      %dma_start3A_745 = arith.constant 0 : i32
      %dma_start3A_746 = arith.constant 0 : i32
      %dma_start3A_747 = tpu.memref_slice %dma_start3A_744[%dma_start3A_745, %dma_start3A_746] : memref<10000x64xf32, #tpu.memory_space<hbm>> -> memref<10000x64xf32, #tpu.memory_space<hbm>>
      tpu.enqueue_indirect_dma source(%dma_start3A_747 : memref<10000x64xf32, #tpu.memory_space<hbm>>) target(%arg13 : memref<80x64xf32, #tpu.memory_space<vmem>>) offsets(%dma_start3A_740 : memref<80xi32, #tpu.memory_space<vmem>>) semaphore(%arg18 : memref<!tpu.dma_semaphore, #tpu.memory_space<semaphore_mem>>)
      %dma_wait3A_748 = arith.constant 18 : i32
      %dma_wait3A_749 = arith.constant 0 : i32
      %dma_wait3A_750 = tpu.memref_slice %arg10[%dma_wait3A_748, %dma_wait3A_749] : memref<25x80xi32, #tpu.memory_space<vmem>> -> memref<1x80xi32, #tpu.memory_space<vmem>>
      %dma_wait3A_751 = tpu.memref_squeeze %dma_wait3A_750 : memref<1x80xi32, #tpu.memory_space<vmem>> -> memref<80xi32, #tpu.memory_space<vmem>>
      %dma_wait3A_752 = arith.constant 0 : i32
      %dma_wait3A_753 = arith.constant 0 : i32
      %dma_wait3A_754 = tpu.memref_slice %arg2[%arg0, %dma_wait3A_752, %dma_wait3A_753] : memref<2x10000x64xf32, #tpu.memory_space<hbm>> -> memref<1x10000x64xf32, #tpu.memory_space<hbm>>
      %dma_wait3A_755 = tpu.memref_squeeze %dma_wait3A_754 : memref<1x10000x64xf32, #tpu.memory_space<hbm>> -> memref<10000x64xf32, #tpu.memory_space<hbm>>
      %dma_wait3A_756 = arith.constant 0 : i32
      %dma_wait3A_757 = arith.constant 0 : i32
      %dma_wait3A_758 = tpu.memref_slice %dma_wait3A_755[%dma_wait3A_756, %dma_wait3A_757] : memref<10000x64xf32, #tpu.memory_space<hbm>> -> memref<10000x64xf32, #tpu.memory_space<hbm>>
      tpu.wait_indirect_dma semaphore(%arg19 : memref<!tpu.dma_semaphore, #tpu.memory_space<semaphore_mem>>) src(%dma_wait3A_758 : memref<10000x64xf32, #tpu.memory_space<hbm>>) dst(%arg14 : memref<80x64xf32, #tpu.memory_space<vmem>>)
      %dma_start3A_759 = arith.constant 18 : i32
      %dma_start3A_760 = arith.constant 0 : i32
      %dma_start3A_761 = tpu.memref_slice %arg11[%dma_start3A_759, %dma_start3A_760] : memref<25x80xi32, #tpu.memory_space<vmem>> -> memref<1x80xi32, #tpu.memory_space<vmem>>
      %dma_start3A_762 = tpu.memref_squeeze %dma_start3A_761 : memref<1x80xi32, #tpu.memory_space<vmem>> -> memref<80xi32, #tpu.memory_space<vmem>>
      %dma_start3A_763 = arith.constant 0 : i32
      %dma_start3A_764 = arith.constant 0 : i32
      %dma_start3A_765 = tpu.memref_slice %arg6[%dma_start3A_763, %dma_start3A_764] : memref<20480x64xf32, #tpu.memory_space<vmem_shared>> -> memref<20480x64xf32, #tpu.memory_space<vmem_shared>>
      tpu.enqueue_indirect_dma source(%arg14 : memref<80x64xf32, #tpu.memory_space<vmem>>) target(%dma_start3A_765 : memref<20480x64xf32, #tpu.memory_space<vmem_shared>>) offsets(%dma_start3A_762 : memref<80xi32, #tpu.memory_space<vmem>>) semaphore(%arg23 : memref<!tpu.dma_semaphore, #tpu.memory_space<semaphore_mem>>) {add = true}
      %dma_wait3A_766 = arith.constant 18 : i32
      %dma_wait3A_767 = arith.constant 0 : i32
      %dma_wait3A_768 = tpu.memref_slice %arg11[%dma_wait3A_766, %dma_wait3A_767] : memref<25x80xi32, #tpu.memory_space<vmem>> -> memref<1x80xi32, #tpu.memory_space<vmem>>
      %dma_wait3A_769 = tpu.memref_squeeze %dma_wait3A_768 : memref<1x80xi32, #tpu.memory_space<vmem>> -> memref<80xi32, #tpu.memory_space<vmem>>
      %dma_wait3A_770 = arith.constant 0 : i32
      %dma_wait3A_771 = arith.constant 0 : i32
      %dma_wait3A_772 = tpu.memref_slice %arg6[%dma_wait3A_770, %dma_wait3A_771] : memref<20480x64xf32, #tpu.memory_space<vmem_shared>> -> memref<20480x64xf32, #tpu.memory_space<vmem_shared>>
      tpu.wait_indirect_dma semaphore(%arg23 : memref<!tpu.dma_semaphore, #tpu.memory_space<semaphore_mem>>) src(%arg14 : memref<80x64xf32, #tpu.memory_space<vmem>>) dst(%dma_wait3A_772 : memref<20480x64xf32, #tpu.memory_space<vmem_shared>>)
      %dma_start3A_773 = arith.constant 22 : i32
      %dma_start3A_774 = arith.constant 0 : i32
      %dma_start3A_775 = tpu.memref_slice %arg10[%dma_start3A_773, %dma_start3A_774] : memref<25x80xi32, #tpu.memory_space<vmem>> -> memref<1x80xi32, #tpu.memory_space<vmem>>
      %dma_start3A_776 = tpu.memref_squeeze %dma_start3A_775 : memref<1x80xi32, #tpu.memory_space<vmem>> -> memref<80xi32, #tpu.memory_space<vmem>>
      %dma_start3A_777 = arith.constant 0 : i32
      %dma_start3A_778 = arith.constant 0 : i32
      %dma_start3A_779 = tpu.memref_slice %arg2[%arg0, %dma_start3A_777, %dma_start3A_778] : memref<2x10000x64xf32, #tpu.memory_space<hbm>> -> memref<1x10000x64xf32, #tpu.memory_space<hbm>>
      %dma_start3A_780 = tpu.memref_squeeze %dma_start3A_779 : memref<1x10000x64xf32, #tpu.memory_space<hbm>> -> memref<10000x64xf32, #tpu.memory_space<hbm>>
      %dma_start3A_781 = arith.constant 0 : i32
      %dma_start3A_782 = arith.constant 0 : i32
      %dma_start3A_783 = tpu.memref_slice %dma_start3A_780[%dma_start3A_781, %dma_start3A_782] : memref<10000x64xf32, #tpu.memory_space<hbm>> -> memref<10000x64xf32, #tpu.memory_space<hbm>>
      tpu.enqueue_indirect_dma source(%dma_start3A_783 : memref<10000x64xf32, #tpu.memory_space<hbm>>) target(%arg14 : memref<80x64xf32, #tpu.memory_space<vmem>>) offsets(%dma_start3A_776 : memref<80xi32, #tpu.memory_space<vmem>>) semaphore(%arg19 : memref<!tpu.dma_semaphore, #tpu.memory_space<semaphore_mem>>)
      %dma_wait3A_784 = arith.constant 19 : i32
      %dma_wait3A_785 = arith.constant 0 : i32
      %dma_wait3A_786 = tpu.memref_slice %arg10[%dma_wait3A_784, %dma_wait3A_785] : memref<25x80xi32, #tpu.memory_space<vmem>> -> memref<1x80xi32, #tpu.memory_space<vmem>>
      %dma_wait3A_787 = tpu.memref_squeeze %dma_wait3A_786 : memref<1x80xi32, #tpu.memory_space<vmem>> -> memref<80xi32, #tpu.memory_space<vmem>>
      %dma_wait3A_788 = arith.constant 0 : i32
      %dma_wait3A_789 = arith.constant 0 : i32
      %dma_wait3A_790 = tpu.memref_slice %arg2[%arg0, %dma_wait3A_788, %dma_wait3A_789] : memref<2x10000x64xf32, #tpu.memory_space<hbm>> -> memref<1x10000x64xf32, #tpu.memory_space<hbm>>
      %dma_wait3A_791 = tpu.memref_squeeze %dma_wait3A_790 : memref<1x10000x64xf32, #tpu.memory_space<hbm>> -> memref<10000x64xf32, #tpu.memory_space<hbm>>
      %dma_wait3A_792 = arith.constant 0 : i32
      %dma_wait3A_793 = arith.constant 0 : i32
      %dma_wait3A_794 = tpu.memref_slice %dma_wait3A_791[%dma_wait3A_792, %dma_wait3A_793] : memref<10000x64xf32, #tpu.memory_space<hbm>> -> memref<10000x64xf32, #tpu.memory_space<hbm>>
      tpu.wait_indirect_dma semaphore(%arg20 : memref<!tpu.dma_semaphore, #tpu.memory_space<semaphore_mem>>) src(%dma_wait3A_794 : memref<10000x64xf32, #tpu.memory_space<hbm>>) dst(%arg15 : memref<80x64xf32, #tpu.memory_space<vmem>>)
      %dma_start3A_795 = arith.constant 19 : i32
      %dma_start3A_796 = arith.constant 0 : i32
      %dma_start3A_797 = tpu.memref_slice %arg11[%dma_start3A_795, %dma_start3A_796] : memref<25x80xi32, #tpu.memory_space<vmem>> -> memref<1x80xi32, #tpu.memory_space<vmem>>
      %dma_start3A_798 = tpu.memref_squeeze %dma_start3A_797 : memref<1x80xi32, #tpu.memory_space<vmem>> -> memref<80xi32, #tpu.memory_space<vmem>>
      %dma_start3A_799 = arith.constant 0 : i32
      %dma_start3A_800 = arith.constant 0 : i32
      %dma_start3A_801 = tpu.memref_slice %arg6[%dma_start3A_799, %dma_start3A_800] : memref<20480x64xf32, #tpu.memory_space<vmem_shared>> -> memref<20480x64xf32, #tpu.memory_space<vmem_shared>>
      tpu.enqueue_indirect_dma source(%arg15 : memref<80x64xf32, #tpu.memory_space<vmem>>) target(%dma_start3A_801 : memref<20480x64xf32, #tpu.memory_space<vmem_shared>>) offsets(%dma_start3A_798 : memref<80xi32, #tpu.memory_space<vmem>>) semaphore(%arg24 : memref<!tpu.dma_semaphore, #tpu.memory_space<semaphore_mem>>) {add = true}
      %dma_wait3A_802 = arith.constant 19 : i32
      %dma_wait3A_803 = arith.constant 0 : i32
      %dma_wait3A_804 = tpu.memref_slice %arg11[%dma_wait3A_802, %dma_wait3A_803] : memref<25x80xi32, #tpu.memory_space<vmem>> -> memref<1x80xi32, #tpu.memory_space<vmem>>
      %dma_wait3A_805 = tpu.memref_squeeze %dma_wait3A_804 : memref<1x80xi32, #tpu.memory_space<vmem>> -> memref<80xi32, #tpu.memory_space<vmem>>
      %dma_wait3A_806 = arith.constant 0 : i32
      %dma_wait3A_807 = arith.constant 0 : i32
      %dma_wait3A_808 = tpu.memref_slice %arg6[%dma_wait3A_806, %dma_wait3A_807] : memref<20480x64xf32, #tpu.memory_space<vmem_shared>> -> memref<20480x64xf32, #tpu.memory_space<vmem_shared>>
      tpu.wait_indirect_dma semaphore(%arg24 : memref<!tpu.dma_semaphore, #tpu.memory_space<semaphore_mem>>) src(%arg15 : memref<80x64xf32, #tpu.memory_space<vmem>>) dst(%dma_wait3A_808 : memref<20480x64xf32, #tpu.memory_space<vmem_shared>>)
      %dma_start3A_809 = arith.constant 23 : i32
      %dma_start3A_810 = arith.constant 0 : i32
      %dma_start3A_811 = tpu.memref_slice %arg10[%dma_start3A_809, %dma_start3A_810] : memref<25x80xi32, #tpu.memory_space<vmem>> -> memref<1x80xi32, #tpu.memory_space<vmem>>
      %dma_start3A_812 = tpu.memref_squeeze %dma_start3A_811 : memref<1x80xi32, #tpu.memory_space<vmem>> -> memref<80xi32, #tpu.memory_space<vmem>>
      %dma_start3A_813 = arith.constant 0 : i32
      %dma_start3A_814 = arith.constant 0 : i32
      %dma_start3A_815 = tpu.memref_slice %arg2[%arg0, %dma_start3A_813, %dma_start3A_814] : memref<2x10000x64xf32, #tpu.memory_space<hbm>> -> memref<1x10000x64xf32, #tpu.memory_space<hbm>>
      %dma_start3A_816 = tpu.memref_squeeze %dma_start3A_815 : memref<1x10000x64xf32, #tpu.memory_space<hbm>> -> memref<10000x64xf32, #tpu.memory_space<hbm>>
      %dma_start3A_817 = arith.constant 0 : i32
      %dma_start3A_818 = arith.constant 0 : i32
      %dma_start3A_819 = tpu.memref_slice %dma_start3A_816[%dma_start3A_817, %dma_start3A_818] : memref<10000x64xf32, #tpu.memory_space<hbm>> -> memref<10000x64xf32, #tpu.memory_space<hbm>>
      tpu.enqueue_indirect_dma source(%dma_start3A_819 : memref<10000x64xf32, #tpu.memory_space<hbm>>) target(%arg15 : memref<80x64xf32, #tpu.memory_space<vmem>>) offsets(%dma_start3A_812 : memref<80xi32, #tpu.memory_space<vmem>>) semaphore(%arg20 : memref<!tpu.dma_semaphore, #tpu.memory_space<semaphore_mem>>)
      %dma_wait3A_820 = arith.constant 20 : i32
      %dma_wait3A_821 = arith.constant 0 : i32
      %dma_wait3A_822 = tpu.memref_slice %arg10[%dma_wait3A_820, %dma_wait3A_821] : memref<25x80xi32, #tpu.memory_space<vmem>> -> memref<1x80xi32, #tpu.memory_space<vmem>>
      %dma_wait3A_823 = tpu.memref_squeeze %dma_wait3A_822 : memref<1x80xi32, #tpu.memory_space<vmem>> -> memref<80xi32, #tpu.memory_space<vmem>>
      %dma_wait3A_824 = arith.constant 0 : i32
      %dma_wait3A_825 = arith.constant 0 : i32
      %dma_wait3A_826 = tpu.memref_slice %arg2[%arg0, %dma_wait3A_824, %dma_wait3A_825] : memref<2x10000x64xf32, #tpu.memory_space<hbm>> -> memref<1x10000x64xf32, #tpu.memory_space<hbm>>
      %dma_wait3A_827 = tpu.memref_squeeze %dma_wait3A_826 : memref<1x10000x64xf32, #tpu.memory_space<hbm>> -> memref<10000x64xf32, #tpu.memory_space<hbm>>
      %dma_wait3A_828 = arith.constant 0 : i32
      %dma_wait3A_829 = arith.constant 0 : i32
      %dma_wait3A_830 = tpu.memref_slice %dma_wait3A_827[%dma_wait3A_828, %dma_wait3A_829] : memref<10000x64xf32, #tpu.memory_space<hbm>> -> memref<10000x64xf32, #tpu.memory_space<hbm>>
      tpu.wait_indirect_dma semaphore(%arg17 : memref<!tpu.dma_semaphore, #tpu.memory_space<semaphore_mem>>) src(%dma_wait3A_830 : memref<10000x64xf32, #tpu.memory_space<hbm>>) dst(%arg12 : memref<80x64xf32, #tpu.memory_space<vmem>>)
      %dma_start3A_831 = arith.constant 20 : i32
      %dma_start3A_832 = arith.constant 0 : i32
      %dma_start3A_833 = tpu.memref_slice %arg11[%dma_start3A_831, %dma_start3A_832] : memref<25x80xi32, #tpu.memory_space<vmem>> -> memref<1x80xi32, #tpu.memory_space<vmem>>
      %dma_start3A_834 = tpu.memref_squeeze %dma_start3A_833 : memref<1x80xi32, #tpu.memory_space<vmem>> -> memref<80xi32, #tpu.memory_space<vmem>>
      %dma_start3A_835 = arith.constant 0 : i32
      %dma_start3A_836 = arith.constant 0 : i32
      %dma_start3A_837 = tpu.memref_slice %arg6[%dma_start3A_835, %dma_start3A_836] : memref<20480x64xf32, #tpu.memory_space<vmem_shared>> -> memref<20480x64xf32, #tpu.memory_space<vmem_shared>>
      tpu.enqueue_indirect_dma source(%arg12 : memref<80x64xf32, #tpu.memory_space<vmem>>) target(%dma_start3A_837 : memref<20480x64xf32, #tpu.memory_space<vmem_shared>>) offsets(%dma_start3A_834 : memref<80xi32, #tpu.memory_space<vmem>>) semaphore(%arg21 : memref<!tpu.dma_semaphore, #tpu.memory_space<semaphore_mem>>) {add = true}
      %dma_wait3A_838 = arith.constant 20 : i32
      %dma_wait3A_839 = arith.constant 0 : i32
      %dma_wait3A_840 = tpu.memref_slice %arg11[%dma_wait3A_838, %dma_wait3A_839] : memref<25x80xi32, #tpu.memory_space<vmem>> -> memref<1x80xi32, #tpu.memory_space<vmem>>
      %dma_wait3A_841 = tpu.memref_squeeze %dma_wait3A_840 : memref<1x80xi32, #tpu.memory_space<vmem>> -> memref<80xi32, #tpu.memory_space<vmem>>
      %dma_wait3A_842 = arith.constant 0 : i32
      %dma_wait3A_843 = arith.constant 0 : i32
      %dma_wait3A_844 = tpu.memref_slice %arg6[%dma_wait3A_842, %dma_wait3A_843] : memref<20480x64xf32, #tpu.memory_space<vmem_shared>> -> memref<20480x64xf32, #tpu.memory_space<vmem_shared>>
      tpu.wait_indirect_dma semaphore(%arg21 : memref<!tpu.dma_semaphore, #tpu.memory_space<semaphore_mem>>) src(%arg12 : memref<80x64xf32, #tpu.memory_space<vmem>>) dst(%dma_wait3A_844 : memref<20480x64xf32, #tpu.memory_space<vmem_shared>>)
      %dma_start3A_845 = arith.constant 24 : i32
      %dma_start3A_846 = arith.constant 0 : i32
      %dma_start3A_847 = tpu.memref_slice %arg10[%dma_start3A_845, %dma_start3A_846] : memref<25x80xi32, #tpu.memory_space<vmem>> -> memref<1x80xi32, #tpu.memory_space<vmem>>
      %dma_start3A_848 = tpu.memref_squeeze %dma_start3A_847 : memref<1x80xi32, #tpu.memory_space<vmem>> -> memref<80xi32, #tpu.memory_space<vmem>>
      %dma_start3A_849 = arith.constant 0 : i32
      %dma_start3A_850 = arith.constant 0 : i32
      %dma_start3A_851 = tpu.memref_slice %arg2[%arg0, %dma_start3A_849, %dma_start3A_850] : memref<2x10000x64xf32, #tpu.memory_space<hbm>> -> memref<1x10000x64xf32, #tpu.memory_space<hbm>>
      %dma_start3A_852 = tpu.memref_squeeze %dma_start3A_851 : memref<1x10000x64xf32, #tpu.memory_space<hbm>> -> memref<10000x64xf32, #tpu.memory_space<hbm>>
      %dma_start3A_853 = arith.constant 0 : i32
      %dma_start3A_854 = arith.constant 0 : i32
      %dma_start3A_855 = tpu.memref_slice %dma_start3A_852[%dma_start3A_853, %dma_start3A_854] : memref<10000x64xf32, #tpu.memory_space<hbm>> -> memref<10000x64xf32, #tpu.memory_space<hbm>>
      tpu.enqueue_indirect_dma source(%dma_start3A_855 : memref<10000x64xf32, #tpu.memory_space<hbm>>) target(%arg12 : memref<80x64xf32, #tpu.memory_space<vmem>>) offsets(%dma_start3A_848 : memref<80xi32, #tpu.memory_space<vmem>>) semaphore(%arg17 : memref<!tpu.dma_semaphore, #tpu.memory_space<semaphore_mem>>)
      %dma_wait3A_856 = arith.constant 21 : i32
      %dma_wait3A_857 = arith.constant 0 : i32
      %dma_wait3A_858 = tpu.memref_slice %arg10[%dma_wait3A_856, %dma_wait3A_857] : memref<25x80xi32, #tpu.memory_space<vmem>> -> memref<1x80xi32, #tpu.memory_space<vmem>>
      %dma_wait3A_859 = tpu.memref_squeeze %dma_wait3A_858 : memref<1x80xi32, #tpu.memory_space<vmem>> -> memref<80xi32, #tpu.memory_space<vmem>>
      %dma_wait3A_860 = arith.constant 0 : i32
      %dma_wait3A_861 = arith.constant 0 : i32
      %dma_wait3A_862 = tpu.memref_slice %arg2[%arg0, %dma_wait3A_860, %dma_wait3A_861] : memref<2x10000x64xf32, #tpu.memory_space<hbm>> -> memref<1x10000x64xf32, #tpu.memory_space<hbm>>
      %dma_wait3A_863 = tpu.memref_squeeze %dma_wait3A_862 : memref<1x10000x64xf32, #tpu.memory_space<hbm>> -> memref<10000x64xf32, #tpu.memory_space<hbm>>
      %dma_wait3A_864 = arith.constant 0 : i32
      %dma_wait3A_865 = arith.constant 0 : i32
      %dma_wait3A_866 = tpu.memref_slice %dma_wait3A_863[%dma_wait3A_864, %dma_wait3A_865] : memref<10000x64xf32, #tpu.memory_space<hbm>> -> memref<10000x64xf32, #tpu.memory_space<hbm>>
      tpu.wait_indirect_dma semaphore(%arg18 : memref<!tpu.dma_semaphore, #tpu.memory_space<semaphore_mem>>) src(%dma_wait3A_866 : memref<10000x64xf32, #tpu.memory_space<hbm>>) dst(%arg13 : memref<80x64xf32, #tpu.memory_space<vmem>>)
      %dma_start3A_867 = arith.constant 21 : i32
      %dma_start3A_868 = arith.constant 0 : i32
      %dma_start3A_869 = tpu.memref_slice %arg11[%dma_start3A_867, %dma_start3A_868] : memref<25x80xi32, #tpu.memory_space<vmem>> -> memref<1x80xi32, #tpu.memory_space<vmem>>
      %dma_start3A_870 = tpu.memref_squeeze %dma_start3A_869 : memref<1x80xi32, #tpu.memory_space<vmem>> -> memref<80xi32, #tpu.memory_space<vmem>>
      %dma_start3A_871 = arith.constant 0 : i32
      %dma_start3A_872 = arith.constant 0 : i32
      %dma_start3A_873 = tpu.memref_slice %arg6[%dma_start3A_871, %dma_start3A_872] : memref<20480x64xf32, #tpu.memory_space<vmem_shared>> -> memref<20480x64xf32, #tpu.memory_space<vmem_shared>>
      tpu.enqueue_indirect_dma source(%arg13 : memref<80x64xf32, #tpu.memory_space<vmem>>) target(%dma_start3A_873 : memref<20480x64xf32, #tpu.memory_space<vmem_shared>>) offsets(%dma_start3A_870 : memref<80xi32, #tpu.memory_space<vmem>>) semaphore(%arg22 : memref<!tpu.dma_semaphore, #tpu.memory_space<semaphore_mem>>) {add = true}
      %dma_wait3A_874 = arith.constant 22 : i32
      %dma_wait3A_875 = arith.constant 0 : i32
      %dma_wait3A_876 = tpu.memref_slice %arg10[%dma_wait3A_874, %dma_wait3A_875] : memref<25x80xi32, #tpu.memory_space<vmem>> -> memref<1x80xi32, #tpu.memory_space<vmem>>
      %dma_wait3A_877 = tpu.memref_squeeze %dma_wait3A_876 : memref<1x80xi32, #tpu.memory_space<vmem>> -> memref<80xi32, #tpu.memory_space<vmem>>
      %dma_wait3A_878 = arith.constant 0 : i32
      %dma_wait3A_879 = arith.constant 0 : i32
      %dma_wait3A_880 = tpu.memref_slice %arg2[%arg0, %dma_wait3A_878, %dma_wait3A_879] : memref<2x10000x64xf32, #tpu.memory_space<hbm>> -> memref<1x10000x64xf32, #tpu.memory_space<hbm>>
      %dma_wait3A_881 = tpu.memref_squeeze %dma_wait3A_880 : memref<1x10000x64xf32, #tpu.memory_space<hbm>> -> memref<10000x64xf32, #tpu.memory_space<hbm>>
      %dma_wait3A_882 = arith.constant 0 : i32
      %dma_wait3A_883 = arith.constant 0 : i32
      %dma_wait3A_884 = tpu.memref_slice %dma_wait3A_881[%dma_wait3A_882, %dma_wait3A_883] : memref<10000x64xf32, #tpu.memory_space<hbm>> -> memref<10000x64xf32, #tpu.memory_space<hbm>>
      tpu.wait_indirect_dma semaphore(%arg19 : memref<!tpu.dma_semaphore, #tpu.memory_space<semaphore_mem>>) src(%dma_wait3A_884 : memref<10000x64xf32, #tpu.memory_space<hbm>>) dst(%arg14 : memref<80x64xf32, #tpu.memory_space<vmem>>)
      %dma_start3A_885 = arith.constant 22 : i32
      %dma_start3A_886 = arith.constant 0 : i32
      %dma_start3A_887 = tpu.memref_slice %arg11[%dma_start3A_885, %dma_start3A_886] : memref<25x80xi32, #tpu.memory_space<vmem>> -> memref<1x80xi32, #tpu.memory_space<vmem>>
      %dma_start3A_888 = tpu.memref_squeeze %dma_start3A_887 : memref<1x80xi32, #tpu.memory_space<vmem>> -> memref<80xi32, #tpu.memory_space<vmem>>
      %dma_start3A_889 = arith.constant 0 : i32
      %dma_start3A_890 = arith.constant 0 : i32
      %dma_start3A_891 = tpu.memref_slice %arg6[%dma_start3A_889, %dma_start3A_890] : memref<20480x64xf32, #tpu.memory_space<vmem_shared>> -> memref<20480x64xf32, #tpu.memory_space<vmem_shared>>
      tpu.enqueue_indirect_dma source(%arg14 : memref<80x64xf32, #tpu.memory_space<vmem>>) target(%dma_start3A_891 : memref<20480x64xf32, #tpu.memory_space<vmem_shared>>) offsets(%dma_start3A_888 : memref<80xi32, #tpu.memory_space<vmem>>) semaphore(%arg23 : memref<!tpu.dma_semaphore, #tpu.memory_space<semaphore_mem>>) {add = true}
      %dma_wait3A_892 = arith.constant 23 : i32
      %dma_wait3A_893 = arith.constant 0 : i32
      %dma_wait3A_894 = tpu.memref_slice %arg10[%dma_wait3A_892, %dma_wait3A_893] : memref<25x80xi32, #tpu.memory_space<vmem>> -> memref<1x80xi32, #tpu.memory_space<vmem>>
      %dma_wait3A_895 = tpu.memref_squeeze %dma_wait3A_894 : memref<1x80xi32, #tpu.memory_space<vmem>> -> memref<80xi32, #tpu.memory_space<vmem>>
      %dma_wait3A_896 = arith.constant 0 : i32
      %dma_wait3A_897 = arith.constant 0 : i32
      %dma_wait3A_898 = tpu.memref_slice %arg2[%arg0, %dma_wait3A_896, %dma_wait3A_897] : memref<2x10000x64xf32, #tpu.memory_space<hbm>> -> memref<1x10000x64xf32, #tpu.memory_space<hbm>>
      %dma_wait3A_899 = tpu.memref_squeeze %dma_wait3A_898 : memref<1x10000x64xf32, #tpu.memory_space<hbm>> -> memref<10000x64xf32, #tpu.memory_space<hbm>>
      %dma_wait3A_900 = arith.constant 0 : i32
      %dma_wait3A_901 = arith.constant 0 : i32
      %dma_wait3A_902 = tpu.memref_slice %dma_wait3A_899[%dma_wait3A_900, %dma_wait3A_901] : memref<10000x64xf32, #tpu.memory_space<hbm>> -> memref<10000x64xf32, #tpu.memory_space<hbm>>
      tpu.wait_indirect_dma semaphore(%arg20 : memref<!tpu.dma_semaphore, #tpu.memory_space<semaphore_mem>>) src(%dma_wait3A_902 : memref<10000x64xf32, #tpu.memory_space<hbm>>) dst(%arg15 : memref<80x64xf32, #tpu.memory_space<vmem>>)
      %dma_start3A_903 = arith.constant 23 : i32
      %dma_start3A_904 = arith.constant 0 : i32
      %dma_start3A_905 = tpu.memref_slice %arg11[%dma_start3A_903, %dma_start3A_904] : memref<25x80xi32, #tpu.memory_space<vmem>> -> memref<1x80xi32, #tpu.memory_space<vmem>>
      %dma_start3A_906 = tpu.memref_squeeze %dma_start3A_905 : memref<1x80xi32, #tpu.memory_space<vmem>> -> memref<80xi32, #tpu.memory_space<vmem>>
      %dma_start3A_907 = arith.constant 0 : i32
      %dma_start3A_908 = arith.constant 0 : i32
      %dma_start3A_909 = tpu.memref_slice %arg6[%dma_start3A_907, %dma_start3A_908] : memref<20480x64xf32, #tpu.memory_space<vmem_shared>> -> memref<20480x64xf32, #tpu.memory_space<vmem_shared>>
      tpu.enqueue_indirect_dma source(%arg15 : memref<80x64xf32, #tpu.memory_space<vmem>>) target(%dma_start3A_909 : memref<20480x64xf32, #tpu.memory_space<vmem_shared>>) offsets(%dma_start3A_906 : memref<80xi32, #tpu.memory_space<vmem>>) semaphore(%arg24 : memref<!tpu.dma_semaphore, #tpu.memory_space<semaphore_mem>>) {add = true}
      %dma_wait3A_910 = arith.constant 24 : i32
      %dma_wait3A_911 = arith.constant 0 : i32
      %dma_wait3A_912 = tpu.memref_slice %arg10[%dma_wait3A_910, %dma_wait3A_911] : memref<25x80xi32, #tpu.memory_space<vmem>> -> memref<1x80xi32, #tpu.memory_space<vmem>>
      %dma_wait3A_913 = tpu.memref_squeeze %dma_wait3A_912 : memref<1x80xi32, #tpu.memory_space<vmem>> -> memref<80xi32, #tpu.memory_space<vmem>>
      %dma_wait3A_914 = arith.constant 0 : i32
      %dma_wait3A_915 = arith.constant 0 : i32
      %dma_wait3A_916 = tpu.memref_slice %arg2[%arg0, %dma_wait3A_914, %dma_wait3A_915] : memref<2x10000x64xf32, #tpu.memory_space<hbm>> -> memref<1x10000x64xf32, #tpu.memory_space<hbm>>
      %dma_wait3A_917 = tpu.memref_squeeze %dma_wait3A_916 : memref<1x10000x64xf32, #tpu.memory_space<hbm>> -> memref<10000x64xf32, #tpu.memory_space<hbm>>
      %dma_wait3A_918 = arith.constant 0 : i32
      %dma_wait3A_919 = arith.constant 0 : i32
      %dma_wait3A_920 = tpu.memref_slice %dma_wait3A_917[%dma_wait3A_918, %dma_wait3A_919] : memref<10000x64xf32, #tpu.memory_space<hbm>> -> memref<10000x64xf32, #tpu.memory_space<hbm>>
      tpu.wait_indirect_dma semaphore(%arg17 : memref<!tpu.dma_semaphore, #tpu.memory_space<semaphore_mem>>) src(%dma_wait3A_920 : memref<10000x64xf32, #tpu.memory_space<hbm>>) dst(%arg12 : memref<80x64xf32, #tpu.memory_space<vmem>>)
      %dma_start3A_921 = arith.constant 24 : i32
      %dma_start3A_922 = arith.constant 0 : i32
      %dma_start3A_923 = tpu.memref_slice %arg11[%dma_start3A_921, %dma_start3A_922] : memref<25x80xi32, #tpu.memory_space<vmem>> -> memref<1x80xi32, #tpu.memory_space<vmem>>
      %dma_start3A_924 = tpu.memref_squeeze %dma_start3A_923 : memref<1x80xi32, #tpu.memory_space<vmem>> -> memref<80xi32, #tpu.memory_space<vmem>>
      %dma_start3A_925 = arith.constant 0 : i32
      %dma_start3A_926 = arith.constant 0 : i32
      %dma_start3A_927 = tpu.memref_slice %arg6[%dma_start3A_925, %dma_start3A_926] : memref<20480x64xf32, #tpu.memory_space<vmem_shared>> -> memref<20480x64xf32, #tpu.memory_space<vmem_shared>>
      tpu.enqueue_indirect_dma source(%arg12 : memref<80x64xf32, #tpu.memory_space<vmem>>) target(%dma_start3A_927 : memref<20480x64xf32, #tpu.memory_space<vmem_shared>>) offsets(%dma_start3A_924 : memref<80xi32, #tpu.memory_space<vmem>>) semaphore(%arg21 : memref<!tpu.dma_semaphore, #tpu.memory_space<semaphore_mem>>) {add = true}
      %dma_wait3A_928 = arith.constant 21 : i32
      %dma_wait3A_929 = arith.constant 0 : i32
      %dma_wait3A_930 = tpu.memref_slice %arg11[%dma_wait3A_928, %dma_wait3A_929] : memref<25x80xi32, #tpu.memory_space<vmem>> -> memref<1x80xi32, #tpu.memory_space<vmem>>
      %dma_wait3A_931 = tpu.memref_squeeze %dma_wait3A_930 : memref<1x80xi32, #tpu.memory_space<vmem>> -> memref<80xi32, #tpu.memory_space<vmem>>
      %dma_wait3A_932 = arith.constant 0 : i32
      %dma_wait3A_933 = arith.constant 0 : i32
      %dma_wait3A_934 = tpu.memref_slice %arg6[%dma_wait3A_932, %dma_wait3A_933] : memref<20480x64xf32, #tpu.memory_space<vmem_shared>> -> memref<20480x64xf32, #tpu.memory_space<vmem_shared>>
      tpu.wait_indirect_dma semaphore(%arg22 : memref<!tpu.dma_semaphore, #tpu.memory_space<semaphore_mem>>) src(%arg13 : memref<80x64xf32, #tpu.memory_space<vmem>>) dst(%dma_wait3A_934 : memref<20480x64xf32, #tpu.memory_space<vmem_shared>>)
      %dma_wait3A_935 = arith.constant 22 : i32
      %dma_wait3A_936 = arith.constant 0 : i32
      %dma_wait3A_937 = tpu.memref_slice %arg11[%dma_wait3A_935, %dma_wait3A_936] : memref<25x80xi32, #tpu.memory_space<vmem>> -> memref<1x80xi32, #tpu.memory_space<vmem>>
      %dma_wait3A_938 = tpu.memref_squeeze %dma_wait3A_937 : memref<1x80xi32, #tpu.memory_space<vmem>> -> memref<80xi32, #tpu.memory_space<vmem>>
      %dma_wait3A_939 = arith.constant 0 : i32
      %dma_wait3A_940 = arith.constant 0 : i32
      %dma_wait3A_941 = tpu.memref_slice %arg6[%dma_wait3A_939, %dma_wait3A_940] : memref<20480x64xf32, #tpu.memory_space<vmem_shared>> -> memref<20480x64xf32, #tpu.memory_space<vmem_shared>>
      tpu.wait_indirect_dma semaphore(%arg23 : memref<!tpu.dma_semaphore, #tpu.memory_space<semaphore_mem>>) src(%arg14 : memref<80x64xf32, #tpu.memory_space<vmem>>) dst(%dma_wait3A_941 : memref<20480x64xf32, #tpu.memory_space<vmem_shared>>)
      %dma_wait3A_942 = arith.constant 23 : i32
      %dma_wait3A_943 = arith.constant 0 : i32
      %dma_wait3A_944 = tpu.memref_slice %arg11[%dma_wait3A_942, %dma_wait3A_943] : memref<25x80xi32, #tpu.memory_space<vmem>> -> memref<1x80xi32, #tpu.memory_space<vmem>>
      %dma_wait3A_945 = tpu.memref_squeeze %dma_wait3A_944 : memref<1x80xi32, #tpu.memory_space<vmem>> -> memref<80xi32, #tpu.memory_space<vmem>>
      %dma_wait3A_946 = arith.constant 0 : i32
      %dma_wait3A_947 = arith.constant 0 : i32
      %dma_wait3A_948 = tpu.memref_slice %arg6[%dma_wait3A_946, %dma_wait3A_947] : memref<20480x64xf32, #tpu.memory_space<vmem_shared>> -> memref<20480x64xf32, #tpu.memory_space<vmem_shared>>
      tpu.wait_indirect_dma semaphore(%arg24 : memref<!tpu.dma_semaphore, #tpu.memory_space<semaphore_mem>>) src(%arg15 : memref<80x64xf32, #tpu.memory_space<vmem>>) dst(%dma_wait3A_948 : memref<20480x64xf32, #tpu.memory_space<vmem_shared>>)
      %dma_wait3A_949 = arith.constant 24 : i32
      %dma_wait3A_950 = arith.constant 0 : i32
      %dma_wait3A_951 = tpu.memref_slice %arg11[%dma_wait3A_949, %dma_wait3A_950] : memref<25x80xi32, #tpu.memory_space<vmem>> -> memref<1x80xi32, #tpu.memory_space<vmem>>
      %dma_wait3A_952 = tpu.memref_squeeze %dma_wait3A_951 : memref<1x80xi32, #tpu.memory_space<vmem>> -> memref<80xi32, #tpu.memory_space<vmem>>
      %dma_wait3A_953 = arith.constant 0 : i32
      %dma_wait3A_954 = arith.constant 0 : i32
      %dma_wait3A_955 = tpu.memref_slice %arg6[%dma_wait3A_953, %dma_wait3A_954] : memref<20480x64xf32, #tpu.memory_space<vmem_shared>> -> memref<20480x64xf32, #tpu.memory_space<vmem_shared>>
      tpu.wait_indirect_dma semaphore(%arg21 : memref<!tpu.dma_semaphore, #tpu.memory_space<semaphore_mem>>) src(%arg12 : memref<80x64xf32, #tpu.memory_space<vmem>>) dst(%dma_wait3A_955 : memref<20480x64xf32, #tpu.memory_space<vmem_shared>>)
      %scan3A_956 = arith.constant 0 : i32
      scf.yield %scan3A_956 : i32
    }
    %scan3A_23 = arith.constant 10 : i32
    %barrier3A_24 = arith.constant 0 : index
    tpu.barrier barrier_id(%barrier3A_24)
    %jit3A = arith.constant 8 : i32
    %div3A = arith.divsi %arg1, %jit3A : i32
    %sign3A = arith.constant 0 : i32
    %sign3A_25 = arith.cmpi sgt, %arg1, %sign3A : i32
    %sign3A_26 = arith.extui %sign3A_25 : i1 to i32
    %sign3A_27 = arith.constant 0 : i32
    %sign3A_28 = arith.cmpi slt, %arg1, %sign3A_27 : i32
    %sign3A_29 = arith.extui %sign3A_28 : i1 to i32
    %sign3A_30 = arith.subi %sign3A_26, %sign3A_29 : i32
    %sign3A_31 = arith.constant 0 : i32
    %sign3A_32 = arith.cmpi sgt, %jit3A, %sign3A_31 : i32
    %sign3A_33 = arith.extui %sign3A_32 : i1 to i32
    %sign3A_34 = arith.constant 0 : i32
    %sign3A_35 = arith.cmpi slt, %jit3A, %sign3A_34 : i32
    %sign3A_36 = arith.extui %sign3A_35 : i1 to i32
    %sign3A_37 = arith.subi %sign3A_33, %sign3A_36 : i32
    %ne3A = arith.cmpi ne, %sign3A_30, %sign3A_37 : i32
    %rem3A = arith.remsi %arg1, %jit3A : i32
    %ne3A_38 = arith.constant 0 : i32
    %ne3A_39 = arith.cmpi ne, %rem3A, %ne3A_38 : i32
    %and3A = arith.andi %ne3A, %ne3A_39 : i1
    %sub3A = arith.constant 1 : i32
    %sub3A_40 = arith.subi %div3A, %sub3A : i32
    %select_n3A = arith.select %and3A, %sub3A_40, %div3A : i32
    %mul3A_41 = arith.constant 8 : i32
    %mul3A_42 = arith.muli %select_n3A, %mul3A_41 : i32
    %sub3A_43 = arith.subi %arg1, %mul3A_42 : i32
    %mul3A_44 = arith.constant 1280 : i32
    %mul3A_45 = arith.muli %sub3A_43, %mul3A_44 : i32
    "tpu.region"() ({
      %run_scoped3A = tpu.sem_alloc : memref<!tpu.dma_semaphore, #tpu.memory_space<semaphore_mem>>
      %dma_start3A = arith.constant 0 : i32
      %dma_start3A_46 = arith.constant 0 : i32
      %dma_start3A_47 = arith.constant 0 : i32
      %dma_start3A_48 = tpu.memref_slice %arg5[%arg0, %dma_start3A, %dma_start3A_46, %dma_start3A_47] : memref<2x2x10240x64xf32, #tpu.memory_space<hbm>> -> memref<1x2x10240x64xf32, #tpu.memory_space<hbm>>
      %dma_start3A_49 = tpu.memref_squeeze %dma_start3A_48 : memref<1x2x10240x64xf32, #tpu.memory_space<hbm>> -> memref<2x10240x64xf32, #tpu.memory_space<hbm>>
      %dma_start3A_50 = arith.constant 0 : i32
      %dma_start3A_51 = arith.constant 0 : i32
      %dma_start3A_52 = tpu.memref_slice %dma_start3A_49[%select_n3A, %dma_start3A_50, %dma_start3A_51] : memref<2x10240x64xf32, #tpu.memory_space<hbm>> -> memref<1x10240x64xf32, #tpu.memory_space<hbm>>
      %dma_start3A_53 = tpu.memref_squeeze %dma_start3A_52 : memref<1x10240x64xf32, #tpu.memory_space<hbm>> -> memref<10240x64xf32, #tpu.memory_space<hbm>>
      %dma_start3A_54 = arith.constant 0 : i32
      %dma_start3A_55 = tpu.memref_slice %dma_start3A_53[%mul3A_45, %dma_start3A_54] : memref<10240x64xf32, #tpu.memory_space<hbm>> -> memref<1280x64xf32, #tpu.memory_space<hbm>>
      %dma_start3A_56 = arith.constant 0 : i32
      %dma_start3A_57 = tpu.memref_slice %arg6[%mul3A_7, %dma_start3A_56] : memref<20480x64xf32, #tpu.memory_space<vmem_shared>> -> memref<1280x64xf32, #tpu.memory_space<vmem_shared>>
      tpu.enqueue_dma source(%dma_start3A_57 : memref<1280x64xf32, #tpu.memory_space<vmem_shared>>) target(%dma_start3A_55 : memref<1280x64xf32, #tpu.memory_space<hbm>>) target_semaphore(%run_scoped3A : memref<!tpu.dma_semaphore, #tpu.memory_space<semaphore_mem>>)
      %dma_wait3A = arith.constant 0 : i32
      %dma_wait3A_58 = arith.constant 0 : i32
      %dma_wait3A_59 = arith.constant 0 : i32
      %dma_wait3A_60 = tpu.memref_slice %arg5[%arg0, %dma_wait3A, %dma_wait3A_58, %dma_wait3A_59] : memref<2x2x10240x64xf32, #tpu.memory_space<hbm>> -> memref<1x2x10240x64xf32, #tpu.memory_space<hbm>>
      %dma_wait3A_61 = tpu.memref_squeeze %dma_wait3A_60 : memref<1x2x10240x64xf32, #tpu.memory_space<hbm>> -> memref<2x10240x64xf32, #tpu.memory_space<hbm>>
      %dma_wait3A_62 = arith.constant 0 : i32
      %dma_wait3A_63 = arith.constant 0 : i32
      %dma_wait3A_64 = tpu.memref_slice %dma_wait3A_61[%select_n3A, %dma_wait3A_62, %dma_wait3A_63] : memref<2x10240x64xf32, #tpu.memory_space<hbm>> -> memref<1x10240x64xf32, #tpu.memory_space<hbm>>
      %dma_wait3A_65 = tpu.memref_squeeze %dma_wait3A_64 : memref<1x10240x64xf32, #tpu.memory_space<hbm>> -> memref<10240x64xf32, #tpu.memory_space<hbm>>
      %dma_wait3A_66 = arith.constant 0 : i32
      %dma_wait3A_67 = tpu.memref_slice %dma_wait3A_65[%mul3A_45, %dma_wait3A_66] : memref<10240x64xf32, #tpu.memory_space<hbm>> -> memref<1280x64xf32, #tpu.memory_space<hbm>>
      %dma_wait3A_68 = arith.constant 0 : i32
      %dma_wait3A_69 = tpu.memref_slice %arg6[%mul3A_7, %dma_wait3A_68] : memref<20480x64xf32, #tpu.memory_space<vmem_shared>> -> memref<1280x64xf32, #tpu.memory_space<vmem_shared>>
      tpu.wait_dma2 semaphore(%run_scoped3A : memref<!tpu.dma_semaphore, #tpu.memory_space<semaphore_mem>>) src(%dma_wait3A_69 : memref<1280x64xf32, #tpu.memory_space<vmem_shared>>) dst(%dma_wait3A_67 : memref<1280x64xf32, #tpu.memory_space<hbm>>)
      tpu.yield
    }) : () -> ()
    return
  }
}

#map = affine_map<(d0, d1) -> (0, 0, 0)>
#map1 = affine_map<(d0, d1) -> (0, 0)>
#map2 = affine_map<(d0, d1) -> (0)>
#map3 = affine_map<(d0, d1) -> (0, 0, 0, 0)>
module attributes {stable_mosaic.version = 14 : i64} {
  func.func @body(%arg0: i32, %arg1: i32, %arg2: memref<2x10000x64xf32, #tpu.memory_space<hbm>>, %arg3: memref<2x320000xi32, #tpu.memory_space<hbm>>, %arg4: memref<320000xi32, #tpu.memory_space<hbm>>, %arg5: memref<2x2x10240x64xf32, #tpu.memory_space<hbm>>, %arg6: memref<20480x64xf32, #tpu.memory_space<vmem_shared>>, %arg7: memref<2000xi32, #tpu.memory_space<vmem>>, %arg8: memref<2000xi32, #tpu.memory_space<vmem>>, %arg9: memref<2000xi32, #tpu.memory_space<vmem>>, %arg10: memref<25x80xi32, #tpu.memory_space<vmem>>, %arg11: memref<25x80xi32, #tpu.memory_space<vmem>>, %arg12: memref<80x64xf32, #tpu.memory_space<vmem>>, %arg13: memref<80x64xf32, #tpu.memory_space<vmem>>, %arg14: memref<80x64xf32, #tpu.memory_space<vmem>>, %arg15: memref<80x64xf32, #tpu.memory_space<vmem>>, %arg16: memref<256x64xf32, #tpu.memory_space<vmem>>, %arg17: memref<!tpu.dma_semaphore, #tpu.memory_space<semaphore_mem>>, %arg18: memref<!tpu.dma_semaphore, #tpu.memory_space<semaphore_mem>>, %arg19: memref<!tpu.dma_semaphore, #tpu.memory_space<semaphore_mem>>, %arg20: memref<!tpu.dma_semaphore, #tpu.memory_space<semaphore_mem>>, %arg21: memref<!tpu.dma_semaphore, #tpu.memory_space<semaphore_mem>>, %arg22: memref<!tpu.dma_semaphore, #tpu.memory_space<semaphore_mem>>, %arg23: memref<!tpu.dma_semaphore, #tpu.memory_space<semaphore_mem>>, %arg24: memref<!tpu.dma_semaphore, #tpu.memory_space<semaphore_mem>>) attributes {dimension_semantics = [#tpu.dimension_semantics<core_parallel>, #tpu.dimension_semantics<subcore_parallel>], iteration_bounds = array<i64: 2, 16>, scalar_prefetch = 0 : i64, scratch_operands = 19 : i64, tpu.core_type = #tpu.core_type<sc_vector_subcore>, window_params = [{transform_indices = #map}, {transform_indices = #map1}, {transform_indices = #map2}, {transform_indices = #map3}]} {
    %broadcast_in_dim3A = arith.constant 0.000000e+00 : f32
    %broadcast_in_dim3A_0 = vector.broadcast %broadcast_in_dim3A : f32 to vector<16xf32>
    %scan3A = arith.constant 0 : i32
    %scan3A_1 = arith.constant 0 : i32
    %scan3A_2 = arith.constant 256 : i32
    %scan3A_3 = arith.addi %scan3A_1, %scan3A_2 : i32
    %scan3A_4 = arith.constant 1 : i32
    %scan3A_5 = scf.for %scan3A_46 = %scan3A_1 to %scan3A_3 step %scan3A_4 iter_args(%scan3A_47 = %scan3A) -> (i32)  : i32 {
      %swap3A = arith.index_cast %scan3A_46 : i32 to index
      %swap3A_48 = arith.constant 0 : index
      %swap3A_49 = tpu.vector_load %arg16[%swap3A, %swap3A_48] {strides = array<i32>} : memref<256x64xf32, #tpu.memory_space<vmem>>, vector<1x16xf32>,
      %swap3A_50 = vector.shape_cast %swap3A_49 : vector<1x16xf32> to vector<16xf32>
      %swap3A_51 = vector.shape_cast %broadcast_in_dim3A_0 : vector<16xf32> to vector<1x16xf32>
      tpu.vector_store %arg16[%swap3A, %swap3A_48], %swap3A_51 {strides = array<i32>} : memref<256x64xf32, #tpu.memory_space<vmem>>, vector<1x16xf32>,
      %swap3A_52 = arith.index_cast %scan3A_46 : i32 to index
      %swap3A_53 = arith.constant 16 : index
      %swap3A_54 = tpu.vector_load %arg16[%swap3A_52, %swap3A_53] {strides = array<i32>} : memref<256x64xf32, #tpu.memory_space<vmem>>, vector<1x16xf32>,
      %swap3A_55 = vector.shape_cast %swap3A_54 : vector<1x16xf32> to vector<16xf32>
      %swap3A_56 = vector.shape_cast %broadcast_in_dim3A_0 : vector<16xf32> to vector<1x16xf32>
      tpu.vector_store %arg16[%swap3A_52, %swap3A_53], %swap3A_56 {strides = array<i32>} : memref<256x64xf32, #tpu.memory_space<vmem>>, vector<1x16xf32>,
      %swap3A_57 = arith.index_cast %scan3A_46 : i32 to index
      %swap3A_58 = arith.constant 32 : index
      %swap3A_59 = tpu.vector_load %arg16[%swap3A_57, %swap3A_58] {strides = array<i32>} : memref<256x64xf32, #tpu.memory_space<vmem>>, vector<1x16xf32>,
      %swap3A_60 = vector.shape_cast %swap3A_59 : vector<1x16xf32> to vector<16xf32>
      %swap3A_61 = vector.shape_cast %broadcast_in_dim3A_0 : vector<16xf32> to vector<1x16xf32>
      tpu.vector_store %arg16[%swap3A_57, %swap3A_58], %swap3A_61 {strides = array<i32>} : memref<256x64xf32, #tpu.memory_space<vmem>>, vector<1x16xf32>,
      %swap3A_62 = arith.index_cast %scan3A_46 : i32 to index
      %swap3A_63 = arith.constant 48 : index
      %swap3A_64 = tpu.vector_load %arg16[%swap3A_62, %swap3A_63] {strides = array<i32>} : memref<256x64xf32, #tpu.memory_space<vmem>>, vector<1x16xf32>,
      %swap3A_65 = vector.shape_cast %swap3A_64 : vector<1x16xf32> to vector<16xf32>
      %swap3A_66 = vector.shape_cast %broadcast_in_dim3A_0 : vector<16xf32> to vector<1x16xf32>
      tpu.vector_store %arg16[%swap3A_62, %swap3A_63], %swap3A_66 {strides = array<i32>} : memref<256x64xf32, #tpu.memory_space<vmem>>, vector<1x16xf32>,
      %scan3A_67 = arith.constant 0 : i32
      scf.yield %scan3A_67 : i32
    }
    %scan3A_6 = arith.constant 256 : i32
    %mul3A = arith.constant 1280 : i32
    %mul3A_7 = arith.muli %arg1, %mul3A : i32
    %scan3A_8 = arith.constant 0 : i32
    %scan3A_9 = arith.constant 0 : i32
    %scan3A_10 = arith.constant 5 : i32
    %scan3A_11 = arith.addi %scan3A_9, %scan3A_10 : i32
    %scan3A_12 = arith.constant 1 : i32
    %scan3A_13 = scf.for %scan3A_46 = %scan3A_9 to %scan3A_11 step %scan3A_12 iter_args(%scan3A_47 = %scan3A_8) -> (i32)  : i32 {
      %mul3A_48 = arith.constant 256 : i32
      %mul3A_49 = arith.muli %scan3A_46, %mul3A_48 : i32
      %add3A = arith.addi %mul3A_7, %mul3A_49 : i32
      "tpu.region"() ({
        %run_scoped3A = tpu.sem_alloc : memref<!tpu.dma_semaphore, #tpu.memory_space<semaphore_mem>>
        %dma_start3A = arith.constant 0 : i32
        %dma_start3A_51 = tpu.memref_slice %arg6[%add3A, %dma_start3A] : memref<20480x64xf32, #tpu.memory_space<vmem_shared>> -> memref<256x64xf32, #tpu.memory_space<vmem_shared>>
        %dma_start3A_52 = arith.constant 0 : i32
        %dma_start3A_53 = tpu.memref_slice %arg6[%add3A, %dma_start3A_52] : memref<20480x64xf32, #tpu.memory_space<vmem_shared>> -> memref<256x64xf32, #tpu.memory_space<vmem_shared>>
        tpu.enqueue_dma source(%arg16 : memref<256x64xf32, #tpu.memory_space<vmem>>) target(%dma_start3A_53 : memref<256x64xf32, #tpu.memory_space<vmem_shared>>) target_semaphore(%run_scoped3A : memref<!tpu.dma_semaphore, #tpu.memory_space<semaphore_mem>>)
        %dma_wait3A = arith.constant 0 : i32
        %dma_wait3A_54 = tpu.memref_slice %arg6[%add3A, %dma_wait3A] : memref<20480x64xf32, #tpu.memory_space<vmem_shared>> -> memref<256x64xf32, #tpu.memory_space<vmem_shared>>
        %dma_wait3A_55 = arith.constant 0 : i32
        %dma_wait3A_56 = tpu.memref_slice %arg6[%add3A, %dma_wait3A_55] : memref<20480x64xf32, #tpu.memory_space<vmem_shared>> -> memref<256x64xf32, #tpu.memory_space<vmem_shared>>
        tpu.wait_dma2 semaphore(%run_scoped3A : memref<!tpu.dma_semaphore, #tpu.memory_space<semaphore_mem>>) src(%arg16 : memref<256x64xf32, #tpu.memory_space<vmem>>) dst(%dma_wait3A_56 : memref<256x64xf32, #tpu.memory_space<vmem_shared>>)
        tpu.yield
      }) : () -> ()
      %scan3A_50 = arith.constant 0 : i32
      scf.yield %scan3A_50 : i32
    }
    %scan3A_14 = arith.constant 5 : i32
    %barrier3A = arith.constant 0 : index
    tpu.barrier barrier_id(%barrier3A)
    %mul3A_15 = arith.constant 20000 : i32
    %mul3A_16 = arith.muli %arg1, %mul3A_15 : i32
    %scan3A_17 = arith.constant 0 : i32
    %scan3A_18 = arith.constant 0 : i32
    %scan3A_19 = arith.constant 10 : i32
    %scan3A_20 = arith.addi %scan3A_18, %scan3A_19 : i32
    %scan3A_21 = arith.constant 1 : i32
    %scan3A_22 = scf.for %scan3A_46 = %scan3A_18 to %scan3A_20 step %scan3A_21 iter_args(%scan3A_47 = %scan3A_17) -> (i32)  : i32 {
      %mul3A_48 = arith.constant 2000 : i32
      %mul3A_49 = arith.muli %scan3A_46, %mul3A_48 : i32
      %add3A = arith.addi %mul3A_16, %mul3A_49 : i32
      %run_scoped3A = arith.constant 0 : i32
      "tpu.region"() ({
        %run_scoped3A_957 = tpu.sem_alloc : memref<!tpu.dma_semaphore, #tpu.memory_space<semaphore_mem>>
        %dma_start3A_958 = arith.constant 0 : i32
        %dma_start3A_959 = tpu.memref_slice %arg3[%run_scoped3A, %dma_start3A_958] : memref<2x320000xi32, #tpu.memory_space<hbm>> -> memref<1x320000xi32, #tpu.memory_space<hbm>>
        %dma_start3A_960 = tpu.memref_squeeze %dma_start3A_959 : memref<1x320000xi32, #tpu.memory_space<hbm>> -> memref<320000xi32, #tpu.memory_space<hbm>>
        %dma_start3A_961 = tpu.memref_slice %dma_start3A_960[%add3A] : memref<320000xi32, #tpu.memory_space<hbm>> -> memref<2000xi32, #tpu.memory_space<hbm>>
        %dma_start3A_962 = arith.constant 0 : i32
        %dma_start3A_963 = tpu.memref_slice %arg3[%run_scoped3A, %dma_start3A_962] : memref<2x320000xi32, #tpu.memory_space<hbm>> -> memref<1x320000xi32, #tpu.memory_space<hbm>>
        %dma_start3A_964 = tpu.memref_squeeze %dma_start3A_963 : memref<1x320000xi32, #tpu.memory_space<hbm>> -> memref<320000xi32, #tpu.memory_space<hbm>>
        %dma_start3A_965 = tpu.memref_slice %dma_start3A_964[%add3A] : memref<320000xi32, #tpu.memory_space<hbm>> -> memref<2000xi32, #tpu.memory_space<hbm>>
        tpu.enqueue_dma source(%dma_start3A_965 : memref<2000xi32, #tpu.memory_space<hbm>>) target(%arg7 : memref<2000xi32, #tpu.memory_space<vmem>>) target_semaphore(%run_scoped3A_957 : memref<!tpu.dma_semaphore, #tpu.memory_space<semaphore_mem>>)
        %dma_wait3A_966 = arith.constant 0 : i32
        %dma_wait3A_967 = tpu.memref_slice %arg3[%run_scoped3A, %dma_wait3A_966] : memref<2x320000xi32, #tpu.memory_space<hbm>> -> memref<1x320000xi32, #tpu.memory_space<hbm>>
        %dma_wait3A_968 = tpu.memref_squeeze %dma_wait3A_967 : memref<1x320000xi32, #tpu.memory_space<hbm>> -> memref<320000xi32, #tpu.memory_space<hbm>>
        %dma_wait3A_969 = tpu.memref_slice %dma_wait3A_968[%add3A] : memref<320000xi32, #tpu.memory_space<hbm>> -> memref<2000xi32, #tpu.memory_space<hbm>>
        %dma_wait3A_970 = arith.constant 0 : i32
        %dma_wait3A_971 = tpu.memref_slice %arg3[%run_scoped3A, %dma_wait3A_970] : memref<2x320000xi32, #tpu.memory_space<hbm>> -> memref<1x320000xi32, #tpu.memory_space<hbm>>
        %dma_wait3A_972 = tpu.memref_squeeze %dma_wait3A_971 : memref<1x320000xi32, #tpu.memory_space<hbm>> -> memref<320000xi32, #tpu.memory_space<hbm>>
        %dma_wait3A_973 = tpu.memref_slice %dma_wait3A_972[%add3A] : memref<320000xi32, #tpu.memory_space<hbm>> -> memref<2000xi32, #tpu.memory_space<hbm>>
        tpu.wait_dma2 semaphore(%run_scoped3A_957 : memref<!tpu.dma_semaphore, #tpu.memory_space<semaphore_mem>>) src(%dma_wait3A_973 : memref<2000xi32, #tpu.memory_space<hbm>>) dst(%arg7 : memref<2000xi32, #tpu.memory_space<vmem>>)
        tpu.yield
      }) : () -> ()
      %run_scoped3A_50 = arith.constant 1 : i32
      "tpu.region"() ({
        %run_scoped3A_957 = tpu.sem_alloc : memref<!tpu.dma_semaphore, #tpu.memory_space<semaphore_mem>>
        %dma_start3A_958 = arith.constant 0 : i32
        %dma_start3A_959 = tpu.memref_slice %arg3[%run_scoped3A_50, %dma_start3A_958] : memref<2x320000xi32, #tpu.memory_space<hbm>> -> memref<1x320000xi32, #tpu.memory_space<hbm>>
        %dma_start3A_960 = tpu.memref_squeeze %dma_start3A_959 : memref<1x320000xi32, #tpu.memory_space<hbm>> -> memref<320000xi32, #tpu.memory_space<hbm>>
        %dma_start3A_961 = tpu.memref_slice %dma_start3A_960[%add3A] : memref<320000xi32, #tpu.memory_space<hbm>> -> memref<2000xi32, #tpu.memory_space<hbm>>
        %dma_start3A_962 = arith.constant 0 : i32
        %dma_start3A_963 = tpu.memref_slice %arg3[%run_scoped3A_50, %dma_start3A_962] : memref<2x320000xi32, #tpu.memory_space<hbm>> -> memref<1x320000xi32, #tpu.memory_space<hbm>>
        %dma_start3A_964 = tpu.memref_squeeze %dma_start3A_963 : memref<1x320000xi32, #tpu.memory_space<hbm>> -> memref<320000xi32, #tpu.memory_space<hbm>>
        %dma_start3A_965 = tpu.memref_slice %dma_start3A_964[%add3A] : memref<320000xi32, #tpu.memory_space<hbm>> -> memref<2000xi32, #tpu.memory_space<hbm>>
        tpu.enqueue_dma source(%dma_start3A_965 : memref<2000xi32, #tpu.memory_space<hbm>>) target(%arg8 : memref<2000xi32, #tpu.memory_space<vmem>>) target_semaphore(%run_scoped3A_957 : memref<!tpu.dma_semaphore, #tpu.memory_space<semaphore_mem>>)
        %dma_wait3A_966 = arith.constant 0 : i32
        %dma_wait3A_967 = tpu.memref_slice %arg3[%run_scoped3A_50, %dma_wait3A_966] : memref<2x320000xi32, #tpu.memory_space<hbm>> -> memref<1x320000xi32, #tpu.memory_space<hbm>>
        %dma_wait3A_968 = tpu.memref_squeeze %dma_wait3A_967 : memref<1x320000xi32, #tpu.memory_space<hbm>> -> memref<320000xi32, #tpu.memory_space<hbm>>
        %dma_wait3A_969 = tpu.memref_slice %dma_wait3A_968[%add3A] : memref<320000xi32, #tpu.memory_space<hbm>> -> memref<2000xi32, #tpu.memory_space<hbm>>
        %dma_wait3A_970 = arith.constant 0 : i32
        %dma_wait3A_971 = tpu.memref_slice %arg3[%run_scoped3A_50, %dma_wait3A_970] : memref<2x320000xi32, #tpu.memory_space<hbm>> -> memref<1x320000xi32, #tpu.memory_space<hbm>>
        %dma_wait3A_972 = tpu.memref_squeeze %dma_wait3A_971 : memref<1x320000xi32, #tpu.memory_space<hbm>> -> memref<320000xi32, #tpu.memory_space<hbm>>
        %dma_wait3A_973 = tpu.memref_slice %dma_wait3A_972[%add3A] : memref<320000xi32, #tpu.memory_space<hbm>> -> memref<2000xi32, #tpu.memory_space<hbm>>
        tpu.wait_dma2 semaphore(%run_scoped3A_957 : memref<!tpu.dma_semaphore, #tpu.memory_space<semaphore_mem>>) src(%dma_wait3A_973 : memref<2000xi32, #tpu.memory_space<hbm>>) dst(%arg8 : memref<2000xi32, #tpu.memory_space<vmem>>)
        tpu.yield
      }) : () -> ()
      "tpu.region"() ({
        %run_scoped3A_957 = tpu.sem_alloc : memref<!tpu.dma_semaphore, #tpu.memory_space<semaphore_mem>>
        %dma_start3A_958 = tpu.memref_slice %arg4[%add3A] : memref<320000xi32, #tpu.memory_space<hbm>> -> memref<2000xi32, #tpu.memory_space<hbm>>
        %dma_start3A_959 = tpu.memref_slice %arg4[%add3A] : memref<320000xi32, #tpu.memory_space<hbm>> -> memref<2000xi32, #tpu.memory_space<hbm>>
        tpu.enqueue_dma source(%dma_start3A_959 : memref<2000xi32, #tpu.memory_space<hbm>>) target(%arg9 : memref<2000xi32, #tpu.memory_space<vmem>>) target_semaphore(%run_scoped3A_957 : memref<!tpu.dma_semaphore, #tpu.memory_space<semaphore_mem>>)
        %dma_wait3A_960 = tpu.memref_slice %arg4[%add3A] : memref<320000xi32, #tpu.memory_space<hbm>> -> memref<2000xi32, #tpu.memory_space<hbm>>
        %dma_wait3A_961 = tpu.memref_slice %arg4[%add3A] : memref<320000xi32, #tpu.memory_space<hbm>> -> memref<2000xi32, #tpu.memory_space<hbm>>
        tpu.wait_dma2 semaphore(%run_scoped3A_957 : memref<!tpu.dma_semaphore, #tpu.memory_space<semaphore_mem>>) src(%dma_wait3A_961 : memref<2000xi32, #tpu.memory_space<hbm>>) dst(%arg9 : memref<2000xi32, #tpu.memory_space<vmem>>)
        tpu.yield
      }) : () -> ()
      %scan3A_51 = arith.constant 0 : i32
      %scan3A_52 = arith.constant 0 : i32
      %scan3A_53 = arith.constant 25 : i32
      %scan3A_54 = arith.addi %scan3A_52, %scan3A_53 : i32
      %scan3A_55 = arith.constant 1 : i32
      %scan3A_56 = scf.for %scan3A_957 = %scan3A_52 to %scan3A_54 step %scan3A_55 iter_args(%scan3A_958 = %scan3A_51) -> (i32)  : i32 {
        %mul3A_959 = arith.constant 80 : i32
        %mul3A_960 = arith.muli %scan3A_957, %mul3A_959 : i32
        %add3A_961 = arith.constant 0 : i32
        %add3A_962 = arith.addi %mul3A_960, %add3A_961 : i32
        %get3A = arith.index_cast %add3A_962 : i32 to index
        %get3A_963 = tpu.vector_load %arg7[%get3A] {strides = array<i32>} : memref<2000xi32, #tpu.memory_space<vmem>>, vector<16xi32>,
        %get3A_964 = vector.shape_cast %get3A_963 : vector<16xi32> to vector<16xi32>
        %swap3A = arith.index_cast %scan3A_957 : i32 to index
        %swap3A_965 = arith.constant 0 : index
        %swap3A_966 = tpu.vector_load %arg10[%swap3A, %swap3A_965] {strides = array<i32>} : memref<25x80xi32, #tpu.memory_space<vmem>>, vector<1x16xi32>,
        %swap3A_967 = vector.shape_cast %swap3A_966 : vector<1x16xi32> to vector<16xi32>
        %swap3A_968 = vector.shape_cast %get3A_964 : vector<16xi32> to vector<1x16xi32>
        tpu.vector_store %arg10[%swap3A, %swap3A_965], %swap3A_968 {strides = array<i32>} : memref<25x80xi32, #tpu.memory_space<vmem>>, vector<1x16xi32>,
        %get3A_969 = arith.index_cast %add3A_962 : i32 to index
        %get3A_970 = tpu.vector_load %arg9[%get3A_969] {strides = array<i32>} : memref<2000xi32, #tpu.memory_space<vmem>>, vector<16xi32>,
        %get3A_971 = vector.shape_cast %get3A_970 : vector<16xi32> to vector<16xi32>
        %mul3A_972 = arith.constant 10240 : i32
        %mul3A_973 = vector.broadcast %mul3A_972 : i32 to vector<16xi32>
        %mul3A_974 = arith.muli %get3A_971, %mul3A_973 : vector<16xi32>
        %get3A_975 = arith.index_cast %add3A_962 : i32 to index
        %get3A_976 = tpu.vector_load %arg8[%get3A_975] {strides = array<i32>} : memref<2000xi32, #tpu.memory_space<vmem>>, vector<16xi32>,
        %get3A_977 = vector.shape_cast %get3A_976 : vector<16xi32> to vector<16xi32>
        %add3A_978 = arith.addi %mul3A_974, %get3A_977 : vector<16xi32>
        %swap3A_979 = arith.index_cast %scan3A_957 : i32 to index
        %swap3A_980 = arith.constant 0 : index
        %swap3A_981 = tpu.vector_load %arg11[%swap3A_979, %swap3A_980] {strides = array<i32>} : memref<25x80xi32, #tpu.memory_space<vmem>>, vector<1x16xi32>,
        %swap3A_982 = vector.shape_cast %swap3A_981 : vector<1x16xi32> to vector<16xi32>
        %swap3A_983 = vector.shape_cast %add3A_978 : vector<16xi32> to vector<1x16xi32>
        tpu.vector_store %arg11[%swap3A_979, %swap3A_980], %swap3A_983 {strides = array<i32>} : memref<25x80xi32, #tpu.memory_space<vmem>>, vector<1x16xi32>,
        %mul3A_984 = arith.constant 80 : i32
        %mul3A_985 = arith.muli %scan3A_957, %mul3A_984 : i32
        %add3A_986 = arith.constant 16 : i32
        %add3A_987 = arith.addi %mul3A_985, %add3A_986 : i32
        %get3A_988 = arith.index_cast %add3A_987 : i32 to index
        %get3A_989 = tpu.vector_load %arg7[%get3A_988] {strides = array<i32>} : memref<2000xi32, #tpu.memory_space<vmem>>, vector<16xi32>,
        %get3A_990 = vector.shape_cast %get3A_989 : vector<16xi32> to vector<16xi32>
        %swap3A_991 = arith.index_cast %scan3A_957 : i32 to index
        %swap3A_992 = arith.constant 16 : index
        %swap3A_993 = tpu.vector_load %arg10[%swap3A_991, %swap3A_992] {strides = array<i32>} : memref<25x80xi32, #tpu.memory_space<vmem>>, vector<1x16xi32>,
        %swap3A_994 = vector.shape_cast %swap3A_993 : vector<1x16xi32> to vector<16xi32>
        %swap3A_995 = vector.shape_cast %get3A_990 : vector<16xi32> to vector<1x16xi32>
        tpu.vector_store %arg10[%swap3A_991, %swap3A_992], %swap3A_995 {strides = array<i32>} : memref<25x80xi32, #tpu.memory_space<vmem>>, vector<1x16xi32>,
        %get3A_996 = arith.index_cast %add3A_987 : i32 to index
        %get3A_997 = tpu.vector_load %arg9[%get3A_996] {strides = array<i32>} : memref<2000xi32, #tpu.memory_space<vmem>>, vector<16xi32>,
        %get3A_998 = vector.shape_cast %get3A_997 : vector<16xi32> to vector<16xi32>
        %mul3A_999 = arith.constant 10240 : i32
        %mul3A_1000 = vector.broadcast %mul3A_999 : i32 to vector<16xi32>
        %mul3A_1001 = arith.muli %get3A_998, %mul3A_1000 : vector<16xi32>
        %get3A_1002 = arith.index_cast %add3A_987 : i32 to index
        %get3A_1003 = tpu.vector_load %arg8[%get3A_1002] {strides = array<i32>} : memref<2000xi32, #tpu.memory_space<vmem>>, vector<16xi32>,
        %get3A_1004 = vector.shape_cast %get3A_1003 : vector<16xi32> to vector<16xi32>
        %add3A_1005 = arith.addi %mul3A_1001, %get3A_1004 : vector<16xi32>
        %swap3A_1006 = arith.index_cast %scan3A_957 : i32 to index
        %swap3A_1007 = arith.constant 16 : index
        %swap3A_1008 = tpu.vector_load %arg11[%swap3A_1006, %swap3A_1007] {strides = array<i32>} : memref<25x80xi32, #tpu.memory_space<vmem>>, vector<1x16xi32>,
        %swap3A_1009 = vector.shape_cast %swap3A_1008 : vector<1x16xi32> to vector<16xi32>
        %swap3A_1010 = vector.shape_cast %add3A_1005 : vector<16xi32> to vector<1x16xi32>
        tpu.vector_store %arg11[%swap3A_1006, %swap3A_1007], %swap3A_1010 {strides = array<i32>} : memref<25x80xi32, #tpu.memory_space<vmem>>, vector<1x16xi32>,
        %mul3A_1011 = arith.constant 80 : i32
        %mul3A_1012 = arith.muli %scan3A_957, %mul3A_1011 : i32
        %add3A_1013 = arith.constant 32 : i32
        %add3A_1014 = arith.addi %mul3A_1012, %add3A_1013 : i32
        %get3A_1015 = arith.index_cast %add3A_1014 : i32 to index
        %get3A_1016 = tpu.vector_load %arg7[%get3A_1015] {strides = array<i32>} : memref<2000xi32, #tpu.memory_space<vmem>>, vector<16xi32>,
        %get3A_1017 = vector.shape_cast %get3A_1016 : vector<16xi32> to vector<16xi32>
        %swap3A_1018 = arith.index_cast %scan3A_957 : i32 to index
        %swap3A_1019 = arith.constant 32 : index
        %swap3A_1020 = tpu.vector_load %arg10[%swap3A_1018, %swap3A_1019] {strides = array<i32>} : memref<25x80xi32, #tpu.memory_space<vmem>>, vector<1x16xi32>,
        %swap3A_1021 = vector.shape_cast %swap3A_1020 : vector<1x16xi32> to vector<16xi32>
        %swap3A_1022 = vector.shape_cast %get3A_1017 : vector<16xi32> to vector<1x16xi32>
        tpu.vector_store %arg10[%swap3A_1018, %swap3A_1019], %swap3A_1022 {strides = array<i32>} : memref<25x80xi32, #tpu.memory_space<vmem>>, vector<1x16xi32>,
        %get3A_1023 = arith.index_cast %add3A_1014 : i32 to index
        %get3A_1024 = tpu.vector_load %arg9[%get3A_1023] {strides = array<i32>} : memref<2000xi32, #tpu.memory_space<vmem>>, vector<16xi32>,
        %get3A_1025 = vector.shape_cast %get3A_1024 : vector<16xi32> to vector<16xi32>
        %mul3A_1026 = arith.constant 10240 : i32
        %mul3A_1027 = vector.broadcast %mul3A_1026 : i32 to vector<16xi32>
        %mul3A_1028 = arith.muli %get3A_1025, %mul3A_1027 : vector<16xi32>
        %get3A_1029 = arith.index_cast %add3A_1014 : i32 to index
        %get3A_1030 = tpu.vector_load %arg8[%get3A_1029] {strides = array<i32>} : memref<2000xi32, #tpu.memory_space<vmem>>, vector<16xi32>,
        %get3A_1031 = vector.shape_cast %get3A_1030 : vector<16xi32> to vector<16xi32>
        %add3A_1032 = arith.addi %mul3A_1028, %get3A_1031 : vector<16xi32>
        %swap3A_1033 = arith.index_cast %scan3A_957 : i32 to index
        %swap3A_1034 = arith.constant 32 : index
        %swap3A_1035 = tpu.vector_load %arg11[%swap3A_1033, %swap3A_1034] {strides = array<i32>} : memref<25x80xi32, #tpu.memory_space<vmem>>, vector<1x16xi32>,
        %swap3A_1036 = vector.shape_cast %swap3A_1035 : vector<1x16xi32> to vector<16xi32>
        %swap3A_1037 = vector.shape_cast %add3A_1032 : vector<16xi32> to vector<1x16xi32>
        tpu.vector_store %arg11[%swap3A_1033, %swap3A_1034], %swap3A_1037 {strides = array<i32>} : memref<25x80xi32, #tpu.memory_space<vmem>>, vector<1x16xi32>,
        %mul3A_1038 = arith.constant 80 : i32
        %mul3A_1039 = arith.muli %scan3A_957, %mul3A_1038 : i32
        %add3A_1040 = arith.constant 48 : i32
        %add3A_1041 = arith.addi %mul3A_1039, %add3A_1040 : i32
        %get3A_1042 = arith.index_cast %add3A_1041 : i32 to index
        %get3A_1043 = tpu.vector_load %arg7[%get3A_1042] {strides = array<i32>} : memref<2000xi32, #tpu.memory_space<vmem>>, vector<16xi32>,
        %get3A_1044 = vector.shape_cast %get3A_1043 : vector<16xi32> to vector<16xi32>
        %swap3A_1045 = arith.index_cast %scan3A_957 : i32 to index
        %swap3A_1046 = arith.constant 48 : index
        %swap3A_1047 = tpu.vector_load %arg10[%swap3A_1045, %swap3A_1046] {strides = array<i32>} : memref<25x80xi32, #tpu.memory_space<vmem>>, vector<1x16xi32>,
        %swap3A_1048 = vector.shape_cast %swap3A_1047 : vector<1x16xi32> to vector<16xi32>
        %swap3A_1049 = vector.shape_cast %get3A_1044 : vector<16xi32> to vector<1x16xi32>
        tpu.vector_store %arg10[%swap3A_1045, %swap3A_1046], %swap3A_1049 {strides = array<i32>} : memref<25x80xi32, #tpu.memory_space<vmem>>, vector<1x16xi32>,
        %get3A_1050 = arith.index_cast %add3A_1041 : i32 to index
        %get3A_1051 = tpu.vector_load %arg9[%get3A_1050] {strides = array<i32>} : memref<2000xi32, #tpu.memory_space<vmem>>, vector<16xi32>,
        %get3A_1052 = vector.shape_cast %get3A_1051 : vector<16xi32> to vector<16xi32>
        %mul3A_1053 = arith.constant 10240 : i32
        %mul3A_1054 = vector.broadcast %mul3A_1053 : i32 to vector<16xi32>
        %mul3A_1055 = arith.muli %get3A_1052, %mul3A_1054 : vector<16xi32>
        %get3A_1056 = arith.index_cast %add3A_1041 : i32 to index
        %get3A_1057 = tpu.vector_load %arg8[%get3A_1056] {strides = array<i32>} : memref<2000xi32, #tpu.memory_space<vmem>>, vector<16xi32>,
        %get3A_1058 = vector.shape_cast %get3A_1057 : vector<16xi32> to vector<16xi32>
        %add3A_1059 = arith.addi %mul3A_1055, %get3A_1058 : vector<16xi32>
        %swap3A_1060 = arith.index_cast %scan3A_957 : i32 to index
        %swap3A_1061 = arith.constant 48 : index
        %swap3A_1062 = tpu.vector_load %arg11[%swap3A_1060, %swap3A_1061] {strides = array<i32>} : memref<25x80xi32, #tpu.memory_space<vmem>>, vector<1x16xi32>,
        %swap3A_1063 = vector.shape_cast %swap3A_1062 : vector<1x16xi32> to vector<16xi32>
        %swap3A_1064 = vector.shape_cast %add3A_1059 : vector<16xi32> to vector<1x16xi32>
        tpu.vector_store %arg11[%swap3A_1060, %swap3A_1061], %swap3A_1064 {strides = array<i32>} : memref<25x80xi32, #tpu.memory_space<vmem>>, vector<1x16xi32>,
        %mul3A_1065 = arith.constant 80 : i32
        %mul3A_1066 = arith.muli %scan3A_957, %mul3A_1065 : i32
        %add3A_1067 = arith.constant 64 : i32
        %add3A_1068 = arith.addi %mul3A_1066, %add3A_1067 : i32
        %get3A_1069 = arith.index_cast %add3A_1068 : i32 to index
        %get3A_1070 = tpu.vector_load %arg7[%get3A_1069] {strides = array<i32>} : memref<2000xi32, #tpu.memory_space<vmem>>, vector<16xi32>,
        %get3A_1071 = vector.shape_cast %get3A_1070 : vector<16xi32> to vector<16xi32>
        %swap3A_1072 = arith.index_cast %scan3A_957 : i32 to index
        %swap3A_1073 = arith.constant 64 : index
        %swap3A_1074 = tpu.vector_load %arg10[%swap3A_1072, %swap3A_1073] {strides = array<i32>} : memref<25x80xi32, #tpu.memory_space<vmem>>, vector<1x16xi32>,
        %swap3A_1075 = vector.shape_cast %swap3A_1074 : vector<1x16xi32> to vector<16xi32>
        %swap3A_1076 = vector.shape_cast %get3A_1071 : vector<16xi32> to vector<1x16xi32>
        tpu.vector_store %arg10[%swap3A_1072, %swap3A_1073], %swap3A_1076 {strides = array<i32>} : memref<25x80xi32, #tpu.memory_space<vmem>>, vector<1x16xi32>,
        %get3A_1077 = arith.index_cast %add3A_1068 : i32 to index
        %get3A_1078 = tpu.vector_load %arg9[%get3A_1077] {strides = array<i32>} : memref<2000xi32, #tpu.memory_space<vmem>>, vector<16xi32>,
        %get3A_1079 = vector.shape_cast %get3A_1078 : vector<16xi32> to vector<16xi32>
        %mul3A_1080 = arith.constant 10240 : i32
        %mul3A_1081 = vector.broadcast %mul3A_1080 : i32 to vector<16xi32>
        %mul3A_1082 = arith.muli %get3A_1079, %mul3A_1081 : vector<16xi32>
        %get3A_1083 = arith.index_cast %add3A_1068 : i32 to index
        %get3A_1084 = tpu.vector_load %arg8[%get3A_1083] {strides = array<i32>} : memref<2000xi32, #tpu.memory_space<vmem>>, vector<16xi32>,
        %get3A_1085 = vector.shape_cast %get3A_1084 : vector<16xi32> to vector<16xi32>
        %add3A_1086 = arith.addi %mul3A_1082, %get3A_1085 : vector<16xi32>
        %swap3A_1087 = arith.index_cast %scan3A_957 : i32 to index
        %swap3A_1088 = arith.constant 64 : index
        %swap3A_1089 = tpu.vector_load %arg11[%swap3A_1087, %swap3A_1088] {strides = array<i32>} : memref<25x80xi32, #tpu.memory_space<vmem>>, vector<1x16xi32>,
        %swap3A_1090 = vector.shape_cast %swap3A_1089 : vector<1x16xi32> to vector<16xi32>
        %swap3A_1091 = vector.shape_cast %add3A_1086 : vector<16xi32> to vector<1x16xi32>
        tpu.vector_store %arg11[%swap3A_1087, %swap3A_1088], %swap3A_1091 {strides = array<i32>} : memref<25x80xi32, #tpu.memory_space<vmem>>, vector<1x16xi32>,
        %scan3A_1092 = arith.constant 0 : i32
        scf.yield %scan3A_1092 : i32
      }
      %scan3A_57 = arith.constant 25 : i32
      %dma_start3A = arith.constant 0 : i32
      %dma_start3A_58 = arith.constant 0 : i32
      %dma_start3A_59 = tpu.memref_slice %arg10[%dma_start3A, %dma_start3A_58] : memref<25x80xi32, #tpu.memory_space<vmem>> -> memref<1x80xi32, #tpu.memory_space<vmem>>
      %dma_start3A_60 = tpu.memref_squeeze %dma_start3A_59 : memref<1x80xi32, #tpu.memory_space<vmem>> -> memref<80xi32, #tpu.memory_space<vmem>>
      %dma_start3A_61 = arith.constant 0 : i32
      %dma_start3A_62 = arith.constant 0 : i32
      %dma_start3A_63 = tpu.memref_slice %arg2[%arg0, %dma_start3A_61, %dma_start3A_62] : memref<2x10000x64xf32, #tpu.memory_space<hbm>> -> memref<1x10000x64xf32, #tpu.memory_space<hbm>>
      %dma_start3A_64 = tpu.memref_squeeze %dma_start3A_63 : memref<1x10000x64xf32, #tpu.memory_space<hbm>> -> memref<10000x64xf32, #tpu.memory_space<hbm>>
      %dma_start3A_65 = arith.constant 0 : i32
      %dma_start3A_66 = arith.constant 0 : i32
      %dma_start3A_67 = tpu.memref_slice %dma_start3A_64[%dma_start3A_65, %dma_start3A_66] : memref<10000x64xf32, #tpu.memory_space<hbm>> -> memref<10000x64xf32, #tpu.memory_space<hbm>>
      tpu.enqueue_indirect_dma source(%dma_start3A_67 : memref<10000x64xf32, #tpu.memory_space<hbm>>) target(%arg12 : memref<80x64xf32, #tpu.memory_space<vmem>>) offsets(%dma_start3A_60 : memref<80xi32, #tpu.memory_space<vmem>>) semaphore(%arg17 : memref<!tpu.dma_semaphore, #tpu.memory_space<semaphore_mem>>)
      %dma_start3A_68 = arith.constant 1 : i32
      %dma_start3A_69 = arith.constant 0 : i32
      %dma_start3A_70 = tpu.memref_slice %arg10[%dma_start3A_68, %dma_start3A_69] : memref<25x80xi32, #tpu.memory_space<vmem>> -> memref<1x80xi32, #tpu.memory_space<vmem>>
      %dma_start3A_71 = tpu.memref_squeeze %dma_start3A_70 : memref<1x80xi32, #tpu.memory_space<vmem>> -> memref<80xi32, #tpu.memory_space<vmem>>
      %dma_start3A_72 = arith.constant 0 : i32
      %dma_start3A_73 = arith.constant 0 : i32
      %dma_start3A_74 = tpu.memref_slice %arg2[%arg0, %dma_start3A_72, %dma_start3A_73] : memref<2x10000x64xf32, #tpu.memory_space<hbm>> -> memref<1x10000x64xf32, #tpu.memory_space<hbm>>
      %dma_start3A_75 = tpu.memref_squeeze %dma_start3A_74 : memref<1x10000x64xf32, #tpu.memory_space<hbm>> -> memref<10000x64xf32, #tpu.memory_space<hbm>>
      %dma_start3A_76 = arith.constant 0 : i32
      %dma_start3A_77 = arith.constant 0 : i32
      %dma_start3A_78 = tpu.memref_slice %dma_start3A_75[%dma_start3A_76, %dma_start3A_77] : memref<10000x64xf32, #tpu.memory_space<hbm>> -> memref<10000x64xf32, #tpu.memory_space<hbm>>
      tpu.enqueue_indirect_dma source(%dma_start3A_78 : memref<10000x64xf32, #tpu.memory_space<hbm>>) target(%arg13 : memref<80x64xf32, #tpu.memory_space<vmem>>) offsets(%dma_start3A_71 : memref<80xi32, #tpu.memory_space<vmem>>) semaphore(%arg18 : memref<!tpu.dma_semaphore, #tpu.memory_space<semaphore_mem>>)
      %dma_start3A_79 = arith.constant 2 : i32
      %dma_start3A_80 = arith.constant 0 : i32
      %dma_start3A_81 = tpu.memref_slice %arg10[%dma_start3A_79, %dma_start3A_80] : memref<25x80xi32, #tpu.memory_space<vmem>> -> memref<1x80xi32, #tpu.memory_space<vmem>>
      %dma_start3A_82 = tpu.memref_squeeze %dma_start3A_81 : memref<1x80xi32, #tpu.memory_space<vmem>> -> memref<80xi32, #tpu.memory_space<vmem>>
      %dma_start3A_83 = arith.constant 0 : i32
      %dma_start3A_84 = arith.constant 0 : i32
      %dma_start3A_85 = tpu.memref_slice %arg2[%arg0, %dma_start3A_83, %dma_start3A_84] : memref<2x10000x64xf32, #tpu.memory_space<hbm>> -> memref<1x10000x64xf32, #tpu.memory_space<hbm>>
      %dma_start3A_86 = tpu.memref_squeeze %dma_start3A_85 : memref<1x10000x64xf32, #tpu.memory_space<hbm>> -> memref<10000x64xf32, #tpu.memory_space<hbm>>
      %dma_start3A_87 = arith.constant 0 : i32
      %dma_start3A_88 = arith.constant 0 : i32
      %dma_start3A_89 = tpu.memref_slice %dma_start3A_86[%dma_start3A_87, %dma_start3A_88] : memref<10000x64xf32, #tpu.memory_space<hbm>> -> memref<10000x64xf32, #tpu.memory_space<hbm>>
      tpu.enqueue_indirect_dma source(%dma_start3A_89 : memref<10000x64xf32, #tpu.memory_space<hbm>>) target(%arg14 : memref<80x64xf32, #tpu.memory_space<vmem>>) offsets(%dma_start3A_82 : memref<80xi32, #tpu.memory_space<vmem>>) semaphore(%arg19 : memref<!tpu.dma_semaphore, #tpu.memory_space<semaphore_mem>>)
      %dma_start3A_90 = arith.constant 3 : i32
      %dma_start3A_91 = arith.constant 0 : i32
      %dma_start3A_92 = tpu.memref_slice %arg10[%dma_start3A_90, %dma_start3A_91] : memref<25x80xi32, #tpu.memory_space<vmem>> -> memref<1x80xi32, #tpu.memory_space<vmem>>
      %dma_start3A_93 = tpu.memref_squeeze %dma_start3A_92 : memref<1x80xi32, #tpu.memory_space<vmem>> -> memref<80xi32, #tpu.memory_space<vmem>>
      %dma_start3A_94 = arith.constant 0 : i32
      %dma_start3A_95 = arith.constant 0 : i32
      %dma_start3A_96 = tpu.memref_slice %arg2[%arg0, %dma_start3A_94, %dma_start3A_95] : memref<2x10000x64xf32, #tpu.memory_space<hbm>> -> memref<1x10000x64xf32, #tpu.memory_space<hbm>>
      %dma_start3A_97 = tpu.memref_squeeze %dma_start3A_96 : memref<1x10000x64xf32, #tpu.memory_space<hbm>> -> memref<10000x64xf32, #tpu.memory_space<hbm>>
      %dma_start3A_98 = arith.constant 0 : i32
      %dma_start3A_99 = arith.constant 0 : i32
      %dma_start3A_100 = tpu.memref_slice %dma_start3A_97[%dma_start3A_98, %dma_start3A_99] : memref<10000x64xf32, #tpu.memory_space<hbm>> -> memref<10000x64xf32, #tpu.memory_space<hbm>>
      tpu.enqueue_indirect_dma source(%dma_start3A_100 : memref<10000x64xf32, #tpu.memory_space<hbm>>) target(%arg15 : memref<80x64xf32, #tpu.memory_space<vmem>>) offsets(%dma_start3A_93 : memref<80xi32, #tpu.memory_space<vmem>>) semaphore(%arg20 : memref<!tpu.dma_semaphore, #tpu.memory_space<semaphore_mem>>)
      %dma_wait3A = arith.constant 0 : i32
      %dma_wait3A_101 = arith.constant 0 : i32
      %dma_wait3A_102 = tpu.memref_slice %arg10[%dma_wait3A, %dma_wait3A_101] : memref<25x80xi32, #tpu.memory_space<vmem>> -> memref<1x80xi32, #tpu.memory_space<vmem>>
      %dma_wait3A_103 = tpu.memref_squeeze %dma_wait3A_102 : memref<1x80xi32, #tpu.memory_space<vmem>> -> memref<80xi32, #tpu.memory_space<vmem>>
      %dma_wait3A_104 = arith.constant 0 : i32
      %dma_wait3A_105 = arith.constant 0 : i32
      %dma_wait3A_106 = tpu.memref_slice %arg2[%arg0, %dma_wait3A_104, %dma_wait3A_105] : memref<2x10000x64xf32, #tpu.memory_space<hbm>> -> memref<1x10000x64xf32, #tpu.memory_space<hbm>>
      %dma_wait3A_107 = tpu.memref_squeeze %dma_wait3A_106 : memref<1x10000x64xf32, #tpu.memory_space<hbm>> -> memref<10000x64xf32, #tpu.memory_space<hbm>>
      %dma_wait3A_108 = arith.constant 0 : i32
      %dma_wait3A_109 = arith.constant 0 : i32
      %dma_wait3A_110 = tpu.memref_slice %dma_wait3A_107[%dma_wait3A_108, %dma_wait3A_109] : memref<10000x64xf32, #tpu.memory_space<hbm>> -> memref<10000x64xf32, #tpu.memory_space<hbm>>
      tpu.wait_indirect_dma semaphore(%arg17 : memref<!tpu.dma_semaphore, #tpu.memory_space<semaphore_mem>>) src(%dma_wait3A_110 : memref<10000x64xf32, #tpu.memory_space<hbm>>) dst(%arg12 : memref<80x64xf32, #tpu.memory_space<vmem>>)
      %dma_start3A_111 = arith.constant 0 : i32
      %dma_start3A_112 = arith.constant 0 : i32
      %dma_start3A_113 = tpu.memref_slice %arg11[%dma_start3A_111, %dma_start3A_112] : memref<25x80xi32, #tpu.memory_space<vmem>> -> memref<1x80xi32, #tpu.memory_space<vmem>>
      %dma_start3A_114 = tpu.memref_squeeze %dma_start3A_113 : memref<1x80xi32, #tpu.memory_space<vmem>> -> memref<80xi32, #tpu.memory_space<vmem>>
      %dma_start3A_115 = arith.constant 0 : i32
      %dma_start3A_116 = arith.constant 0 : i32
      %dma_start3A_117 = tpu.memref_slice %arg6[%dma_start3A_115, %dma_start3A_116] : memref<20480x64xf32, #tpu.memory_space<vmem_shared>> -> memref<20480x64xf32, #tpu.memory_space<vmem_shared>>
      tpu.enqueue_indirect_dma source(%arg12 : memref<80x64xf32, #tpu.memory_space<vmem>>) target(%dma_start3A_117 : memref<20480x64xf32, #tpu.memory_space<vmem_shared>>) offsets(%dma_start3A_114 : memref<80xi32, #tpu.memory_space<vmem>>) semaphore(%arg21 : memref<!tpu.dma_semaphore, #tpu.memory_space<semaphore_mem>>) {add = true}
      %dma_wait3A_118 = arith.constant 0 : i32
      %dma_wait3A_119 = arith.constant 0 : i32
      %dma_wait3A_120 = tpu.memref_slice %arg11[%dma_wait3A_118, %dma_wait3A_119] : memref<25x80xi32, #tpu.memory_space<vmem>> -> memref<1x80xi32, #tpu.memory_space<vmem>>
      %dma_wait3A_121 = tpu.memref_squeeze %dma_wait3A_120 : memref<1x80xi32, #tpu.memory_space<vmem>> -> memref<80xi32, #tpu.memory_space<vmem>>
      %dma_wait3A_122 = arith.constant 0 : i32
      %dma_wait3A_123 = arith.constant 0 : i32
      %dma_wait3A_124 = tpu.memref_slice %arg6[%dma_wait3A_122, %dma_wait3A_123] : memref<20480x64xf32, #tpu.memory_space<vmem_shared>> -> memref<20480x64xf32, #tpu.memory_space<vmem_shared>>
      tpu.wait_indirect_dma semaphore(%arg21 : memref<!tpu.dma_semaphore, #tpu.memory_space<semaphore_mem>>) src(%arg12 : memref<80x64xf32, #tpu.memory_space<vmem>>) dst(%dma_wait3A_124 : memref<20480x64xf32, #tpu.memory_space<vmem_shared>>)
      %dma_start3A_125 = arith.constant 4 : i32
      %dma_start3A_126 = arith.constant 0 : i32
      %dma_start3A_127 = tpu.memref_slice %arg10[%dma_start3A_125, %dma_start3A_126] : memref<25x80xi32, #tpu.memory_space<vmem>> -> memref<1x80xi32, #tpu.memory_space<vmem>>
      %dma_start3A_128 = tpu.memref_squeeze %dma_start3A_127 : memref<1x80xi32, #tpu.memory_space<vmem>> -> memref<80xi32, #tpu.memory_space<vmem>>
      %dma_start3A_129 = arith.constant 0 : i32
      %dma_start3A_130 = arith.constant 0 : i32
      %dma_start3A_131 = tpu.memref_slice %arg2[%arg0, %dma_start3A_129, %dma_start3A_130] : memref<2x10000x64xf32, #tpu.memory_space<hbm>> -> memref<1x10000x64xf32, #tpu.memory_space<hbm>>
      %dma_start3A_132 = tpu.memref_squeeze %dma_start3A_131 : memref<1x10000x64xf32, #tpu.memory_space<hbm>> -> memref<10000x64xf32, #tpu.memory_space<hbm>>
      %dma_start3A_133 = arith.constant 0 : i32
      %dma_start3A_134 = arith.constant 0 : i32
      %dma_start3A_135 = tpu.memref_slice %dma_start3A_132[%dma_start3A_133, %dma_start3A_134] : memref<10000x64xf32, #tpu.memory_space<hbm>> -> memref<10000x64xf32, #tpu.memory_space<hbm>>
      tpu.enqueue_indirect_dma source(%dma_start3A_135 : memref<10000x64xf32, #tpu.memory_space<hbm>>) target(%arg12 : memref<80x64xf32, #tpu.memory_space<vmem>>) offsets(%dma_start3A_128 : memref<80xi32, #tpu.memory_space<vmem>>) semaphore(%arg17 : memref<!tpu.dma_semaphore, #tpu.memory_space<semaphore_mem>>)
      %dma_wait3A_136 = arith.constant 1 : i32
      %dma_wait3A_137 = arith.constant 0 : i32
      %dma_wait3A_138 = tpu.memref_slice %arg10[%dma_wait3A_136, %dma_wait3A_137] : memref<25x80xi32, #tpu.memory_space<vmem>> -> memref<1x80xi32, #tpu.memory_space<vmem>>
      %dma_wait3A_139 = tpu.memref_squeeze %dma_wait3A_138 : memref<1x80xi32, #tpu.memory_space<vmem>> -> memref<80xi32, #tpu.memory_space<vmem>>
      %dma_wait3A_140 = arith.constant 0 : i32
      %dma_wait3A_141 = arith.constant 0 : i32
      %dma_wait3A_142 = tpu.memref_slice %arg2[%arg0, %dma_wait3A_140, %dma_wait3A_141] : memref<2x10000x64xf32, #tpu.memory_space<hbm>> -> memref<1x10000x64xf32, #tpu.memory_space<hbm>>
      %dma_wait3A_143 = tpu.memref_squeeze %dma_wait3A_142 : memref<1x10000x64xf32, #tpu.memory_space<hbm>> -> memref<10000x64xf32, #tpu.memory_space<hbm>>
      %dma_wait3A_144 = arith.constant 0 : i32
      %dma_wait3A_145 = arith.constant 0 : i32
      %dma_wait3A_146 = tpu.memref_slice %dma_wait3A_143[%dma_wait3A_144, %dma_wait3A_145] : memref<10000x64xf32, #tpu.memory_space<hbm>> -> memref<10000x64xf32, #tpu.memory_space<hbm>>
      tpu.wait_indirect_dma semaphore(%arg18 : memref<!tpu.dma_semaphore, #tpu.memory_space<semaphore_mem>>) src(%dma_wait3A_146 : memref<10000x64xf32, #tpu.memory_space<hbm>>) dst(%arg13 : memref<80x64xf32, #tpu.memory_space<vmem>>)
      %dma_start3A_147 = arith.constant 1 : i32
      %dma_start3A_148 = arith.constant 0 : i32
      %dma_start3A_149 = tpu.memref_slice %arg11[%dma_start3A_147, %dma_start3A_148] : memref<25x80xi32, #tpu.memory_space<vmem>> -> memref<1x80xi32, #tpu.memory_space<vmem>>
      %dma_start3A_150 = tpu.memref_squeeze %dma_start3A_149 : memref<1x80xi32, #tpu.memory_space<vmem>> -> memref<80xi32, #tpu.memory_space<vmem>>
      %dma_start3A_151 = arith.constant 0 : i32
      %dma_start3A_152 = arith.constant 0 : i32
      %dma_start3A_153 = tpu.memref_slice %arg6[%dma_start3A_151, %dma_start3A_152] : memref<20480x64xf32, #tpu.memory_space<vmem_shared>> -> memref<20480x64xf32, #tpu.memory_space<vmem_shared>>
      tpu.enqueue_indirect_dma source(%arg13 : memref<80x64xf32, #tpu.memory_space<vmem>>) target(%dma_start3A_153 : memref<20480x64xf32, #tpu.memory_space<vmem_shared>>) offsets(%dma_start3A_150 : memref<80xi32, #tpu.memory_space<vmem>>) semaphore(%arg22 : memref<!tpu.dma_semaphore, #tpu.memory_space<semaphore_mem>>) {add = true}
      %dma_wait3A_154 = arith.constant 1 : i32
      %dma_wait3A_155 = arith.constant 0 : i32
      %dma_wait3A_156 = tpu.memref_slice %arg11[%dma_wait3A_154, %dma_wait3A_155] : memref<25x80xi32, #tpu.memory_space<vmem>> -> memref<1x80xi32, #tpu.memory_space<vmem>>
      %dma_wait3A_157 = tpu.memref_squeeze %dma_wait3A_156 : memref<1x80xi32, #tpu.memory_space<vmem>> -> memref<80xi32, #tpu.memory_space<vmem>>
      %dma_wait3A_158 = arith.constant 0 : i32
      %dma_wait3A_159 = arith.constant 0 : i32
      %dma_wait3A_160 = tpu.memref_slice %arg6[%dma_wait3A_158, %dma_wait3A_159] : memref<20480x64xf32, #tpu.memory_space<vmem_shared>> -> memref<20480x64xf32, #tpu.memory_space<vmem_shared>>
      tpu.wait_indirect_dma semaphore(%arg22 : memref<!tpu.dma_semaphore, #tpu.memory_space<semaphore_mem>>) src(%arg13 : memref<80x64xf32, #tpu.memory_space<vmem>>) dst(%dma_wait3A_160 : memref<20480x64xf32, #tpu.memory_space<vmem_shared>>)
      %dma_start3A_161 = arith.constant 5 : i32
      %dma_start3A_162 = arith.constant 0 : i32
      %dma_start3A_163 = tpu.memref_slice %arg10[%dma_start3A_161, %dma_start3A_162] : memref<25x80xi32, #tpu.memory_space<vmem>> -> memref<1x80xi32, #tpu.memory_space<vmem>>
      %dma_start3A_164 = tpu.memref_squeeze %dma_start3A_163 : memref<1x80xi32, #tpu.memory_space<vmem>> -> memref<80xi32, #tpu.memory_space<vmem>>
      %dma_start3A_165 = arith.constant 0 : i32
      %dma_start3A_166 = arith.constant 0 : i32
      %dma_start3A_167 = tpu.memref_slice %arg2[%arg0, %dma_start3A_165, %dma_start3A_166] : memref<2x10000x64xf32, #tpu.memory_space<hbm>> -> memref<1x10000x64xf32, #tpu.memory_space<hbm>>
      %dma_start3A_168 = tpu.memref_squeeze %dma_start3A_167 : memref<1x10000x64xf32, #tpu.memory_space<hbm>> -> memref<10000x64xf32, #tpu.memory_space<hbm>>
      %dma_start3A_169 = arith.constant 0 : i32
      %dma_start3A_170 = arith.constant 0 : i32
      %dma_start3A_171 = tpu.memref_slice %dma_start3A_168[%dma_start3A_169, %dma_start3A_170] : memref<10000x64xf32, #tpu.memory_space<hbm>> -> memref<10000x64xf32, #tpu.memory_space<hbm>>
      tpu.enqueue_indirect_dma source(%dma_start3A_171 : memref<10000x64xf32, #tpu.memory_space<hbm>>) target(%arg13 : memref<80x64xf32, #tpu.memory_space<vmem>>) offsets(%dma_start3A_164 : memref<80xi32, #tpu.memory_space<vmem>>) semaphore(%arg18 : memref<!tpu.dma_semaphore, #tpu.memory_space<semaphore_mem>>)
      %dma_wait3A_172 = arith.constant 2 : i32
      %dma_wait3A_173 = arith.constant 0 : i32
      %dma_wait3A_174 = tpu.memref_slice %arg10[%dma_wait3A_172, %dma_wait3A_173] : memref<25x80xi32, #tpu.memory_space<vmem>> -> memref<1x80xi32, #tpu.memory_space<vmem>>
      %dma_wait3A_175 = tpu.memref_squeeze %dma_wait3A_174 : memref<1x80xi32, #tpu.memory_space<vmem>> -> memref<80xi32, #tpu.memory_space<vmem>>
      %dma_wait3A_176 = arith.constant 0 : i32
      %dma_wait3A_177 = arith.constant 0 : i32
      %dma_wait3A_178 = tpu.memref_slice %arg2[%arg0, %dma_wait3A_176, %dma_wait3A_177] : memref<2x10000x64xf32, #tpu.memory_space<hbm>> -> memref<1x10000x64xf32, #tpu.memory_space<hbm>>
      %dma_wait3A_179 = tpu.memref_squeeze %dma_wait3A_178 : memref<1x10000x64xf32, #tpu.memory_space<hbm>> -> memref<10000x64xf32, #tpu.memory_space<hbm>>
      %dma_wait3A_180 = arith.constant 0 : i32
      %dma_wait3A_181 = arith.constant 0 : i32
      %dma_wait3A_182 = tpu.memref_slice %dma_wait3A_179[%dma_wait3A_180, %dma_wait3A_181] : memref<10000x64xf32, #tpu.memory_space<hbm>> -> memref<10000x64xf32, #tpu.memory_space<hbm>>
      tpu.wait_indirect_dma semaphore(%arg19 : memref<!tpu.dma_semaphore, #tpu.memory_space<semaphore_mem>>) src(%dma_wait3A_182 : memref<10000x64xf32, #tpu.memory_space<hbm>>) dst(%arg14 : memref<80x64xf32, #tpu.memory_space<vmem>>)
      %dma_start3A_183 = arith.constant 2 : i32
      %dma_start3A_184 = arith.constant 0 : i32
      %dma_start3A_185 = tpu.memref_slice %arg11[%dma_start3A_183, %dma_start3A_184] : memref<25x80xi32, #tpu.memory_space<vmem>> -> memref<1x80xi32, #tpu.memory_space<vmem>>
      %dma_start3A_186 = tpu.memref_squeeze %dma_start3A_185 : memref<1x80xi32, #tpu.memory_space<vmem>> -> memref<80xi32, #tpu.memory_space<vmem>>
      %dma_start3A_187 = arith.constant 0 : i32
      %dma_start3A_188 = arith.constant 0 : i32
      %dma_start3A_189 = tpu.memref_slice %arg6[%dma_start3A_187, %dma_start3A_188] : memref<20480x64xf32, #tpu.memory_space<vmem_shared>> -> memref<20480x64xf32, #tpu.memory_space<vmem_shared>>
      tpu.enqueue_indirect_dma source(%arg14 : memref<80x64xf32, #tpu.memory_space<vmem>>) target(%dma_start3A_189 : memref<20480x64xf32, #tpu.memory_space<vmem_shared>>) offsets(%dma_start3A_186 : memref<80xi32, #tpu.memory_space<vmem>>) semaphore(%arg23 : memref<!tpu.dma_semaphore, #tpu.memory_space<semaphore_mem>>) {add = true}
      %dma_wait3A_190 = arith.constant 2 : i32
      %dma_wait3A_191 = arith.constant 0 : i32
      %dma_wait3A_192 = tpu.memref_slice %arg11[%dma_wait3A_190, %dma_wait3A_191] : memref<25x80xi32, #tpu.memory_space<vmem>> -> memref<1x80xi32, #tpu.memory_space<vmem>>
      %dma_wait3A_193 = tpu.memref_squeeze %dma_wait3A_192 : memref<1x80xi32, #tpu.memory_space<vmem>> -> memref<80xi32, #tpu.memory_space<vmem>>
      %dma_wait3A_194 = arith.constant 0 : i32
      %dma_wait3A_195 = arith.constant 0 : i32
      %dma_wait3A_196 = tpu.memref_slice %arg6[%dma_wait3A_194, %dma_wait3A_195] : memref<20480x64xf32, #tpu.memory_space<vmem_shared>> -> memref<20480x64xf32, #tpu.memory_space<vmem_shared>>
      tpu.wait_indirect_dma semaphore(%arg23 : memref<!tpu.dma_semaphore, #tpu.memory_space<semaphore_mem>>) src(%arg14 : memref<80x64xf32, #tpu.memory_space<vmem>>) dst(%dma_wait3A_196 : memref<20480x64xf32, #tpu.memory_space<vmem_shared>>)
      %dma_start3A_197 = arith.constant 6 : i32
      %dma_start3A_198 = arith.constant 0 : i32
      %dma_start3A_199 = tpu.memref_slice %arg10[%dma_start3A_197, %dma_start3A_198] : memref<25x80xi32, #tpu.memory_space<vmem>> -> memref<1x80xi32, #tpu.memory_space<vmem>>
      %dma_start3A_200 = tpu.memref_squeeze %dma_start3A_199 : memref<1x80xi32, #tpu.memory_space<vmem>> -> memref<80xi32, #tpu.memory_space<vmem>>
      %dma_start3A_201 = arith.constant 0 : i32
      %dma_start3A_202 = arith.constant 0 : i32
      %dma_start3A_203 = tpu.memref_slice %arg2[%arg0, %dma_start3A_201, %dma_start3A_202] : memref<2x10000x64xf32, #tpu.memory_space<hbm>> -> memref<1x10000x64xf32, #tpu.memory_space<hbm>>
      %dma_start3A_204 = tpu.memref_squeeze %dma_start3A_203 : memref<1x10000x64xf32, #tpu.memory_space<hbm>> -> memref<10000x64xf32, #tpu.memory_space<hbm>>
      %dma_start3A_205 = arith.constant 0 : i32
      %dma_start3A_206 = arith.constant 0 : i32
      %dma_start3A_207 = tpu.memref_slice %dma_start3A_204[%dma_start3A_205, %dma_start3A_206] : memref<10000x64xf32, #tpu.memory_space<hbm>> -> memref<10000x64xf32, #tpu.memory_space<hbm>>
      tpu.enqueue_indirect_dma source(%dma_start3A_207 : memref<10000x64xf32, #tpu.memory_space<hbm>>) target(%arg14 : memref<80x64xf32, #tpu.memory_space<vmem>>) offsets(%dma_start3A_200 : memref<80xi32, #tpu.memory_space<vmem>>) semaphore(%arg19 : memref<!tpu.dma_semaphore, #tpu.memory_space<semaphore_mem>>)
      %dma_wait3A_208 = arith.constant 3 : i32
      %dma_wait3A_209 = arith.constant 0 : i32
      %dma_wait3A_210 = tpu.memref_slice %arg10[%dma_wait3A_208, %dma_wait3A_209] : memref<25x80xi32, #tpu.memory_space<vmem>> -> memref<1x80xi32, #tpu.memory_space<vmem>>
      %dma_wait3A_211 = tpu.memref_squeeze %dma_wait3A_210 : memref<1x80xi32, #tpu.memory_space<vmem>> -> memref<80xi32, #tpu.memory_space<vmem>>
      %dma_wait3A_212 = arith.constant 0 : i32
      %dma_wait3A_213 = arith.constant 0 : i32
      %dma_wait3A_214 = tpu.memref_slice %arg2[%arg0, %dma_wait3A_212, %dma_wait3A_213] : memref<2x10000x64xf32, #tpu.memory_space<hbm>> -> memref<1x10000x64xf32, #tpu.memory_space<hbm>>
      %dma_wait3A_215 = tpu.memref_squeeze %dma_wait3A_214 : memref<1x10000x64xf32, #tpu.memory_space<hbm>> -> memref<10000x64xf32, #tpu.memory_space<hbm>>
      %dma_wait3A_216 = arith.constant 0 : i32
      %dma_wait3A_217 = arith.constant 0 : i32
      %dma_wait3A_218 = tpu.memref_slice %dma_wait3A_215[%dma_wait3A_216, %dma_wait3A_217] : memref<10000x64xf32, #tpu.memory_space<hbm>> -> memref<10000x64xf32, #tpu.memory_space<hbm>>
      tpu.wait_indirect_dma semaphore(%arg20 : memref<!tpu.dma_semaphore, #tpu.memory_space<semaphore_mem>>) src(%dma_wait3A_218 : memref<10000x64xf32, #tpu.memory_space<hbm>>) dst(%arg15 : memref<80x64xf32, #tpu.memory_space<vmem>>)
      %dma_start3A_219 = arith.constant 3 : i32
      %dma_start3A_220 = arith.constant 0 : i32
      %dma_start3A_221 = tpu.memref_slice %arg11[%dma_start3A_219, %dma_start3A_220] : memref<25x80xi32, #tpu.memory_space<vmem>> -> memref<1x80xi32, #tpu.memory_space<vmem>>
      %dma_start3A_222 = tpu.memref_squeeze %dma_start3A_221 : memref<1x80xi32, #tpu.memory_space<vmem>> -> memref<80xi32, #tpu.memory_space<vmem>>
      %dma_start3A_223 = arith.constant 0 : i32
      %dma_start3A_224 = arith.constant 0 : i32
      %dma_start3A_225 = tpu.memref_slice %arg6[%dma_start3A_223, %dma_start3A_224] : memref<20480x64xf32, #tpu.memory_space<vmem_shared>> -> memref<20480x64xf32, #tpu.memory_space<vmem_shared>>
      tpu.enqueue_indirect_dma source(%arg15 : memref<80x64xf32, #tpu.memory_space<vmem>>) target(%dma_start3A_225 : memref<20480x64xf32, #tpu.memory_space<vmem_shared>>) offsets(%dma_start3A_222 : memref<80xi32, #tpu.memory_space<vmem>>) semaphore(%arg24 : memref<!tpu.dma_semaphore, #tpu.memory_space<semaphore_mem>>) {add = true}
      %dma_wait3A_226 = arith.constant 3 : i32
      %dma_wait3A_227 = arith.constant 0 : i32
      %dma_wait3A_228 = tpu.memref_slice %arg11[%dma_wait3A_226, %dma_wait3A_227] : memref<25x80xi32, #tpu.memory_space<vmem>> -> memref<1x80xi32, #tpu.memory_space<vmem>>
      %dma_wait3A_229 = tpu.memref_squeeze %dma_wait3A_228 : memref<1x80xi32, #tpu.memory_space<vmem>> -> memref<80xi32, #tpu.memory_space<vmem>>
      %dma_wait3A_230 = arith.constant 0 : i32
      %dma_wait3A_231 = arith.constant 0 : i32
      %dma_wait3A_232 = tpu.memref_slice %arg6[%dma_wait3A_230, %dma_wait3A_231] : memref<20480x64xf32, #tpu.memory_space<vmem_shared>> -> memref<20480x64xf32, #tpu.memory_space<vmem_shared>>
      tpu.wait_indirect_dma semaphore(%arg24 : memref<!tpu.dma_semaphore, #tpu.memory_space<semaphore_mem>>) src(%arg15 : memref<80x64xf32, #tpu.memory_space<vmem>>) dst(%dma_wait3A_232 : memref<20480x64xf32, #tpu.memory_space<vmem_shared>>)
      %dma_start3A_233 = arith.constant 7 : i32
      %dma_start3A_234 = arith.constant 0 : i32
      %dma_start3A_235 = tpu.memref_slice %arg10[%dma_start3A_233, %dma_start3A_234] : memref<25x80xi32, #tpu.memory_space<vmem>> -> memref<1x80xi32, #tpu.memory_space<vmem>>
      %dma_start3A_236 = tpu.memref_squeeze %dma_start3A_235 : memref<1x80xi32, #tpu.memory_space<vmem>> -> memref<80xi32, #tpu.memory_space<vmem>>
      %dma_start3A_237 = arith.constant 0 : i32
      %dma_start3A_238 = arith.constant 0 : i32
      %dma_start3A_239 = tpu.memref_slice %arg2[%arg0, %dma_start3A_237, %dma_start3A_238] : memref<2x10000x64xf32, #tpu.memory_space<hbm>> -> memref<1x10000x64xf32, #tpu.memory_space<hbm>>
      %dma_start3A_240 = tpu.memref_squeeze %dma_start3A_239 : memref<1x10000x64xf32, #tpu.memory_space<hbm>> -> memref<10000x64xf32, #tpu.memory_space<hbm>>
      %dma_start3A_241 = arith.constant 0 : i32
      %dma_start3A_242 = arith.constant 0 : i32
      %dma_start3A_243 = tpu.memref_slice %dma_start3A_240[%dma_start3A_241, %dma_start3A_242] : memref<10000x64xf32, #tpu.memory_space<hbm>> -> memref<10000x64xf32, #tpu.memory_space<hbm>>
      tpu.enqueue_indirect_dma source(%dma_start3A_243 : memref<10000x64xf32, #tpu.memory_space<hbm>>) target(%arg15 : memref<80x64xf32, #tpu.memory_space<vmem>>) offsets(%dma_start3A_236 : memref<80xi32, #tpu.memory_space<vmem>>) semaphore(%arg20 : memref<!tpu.dma_semaphore, #tpu.memory_space<semaphore_mem>>)
      %dma_wait3A_244 = arith.constant 4 : i32
      %dma_wait3A_245 = arith.constant 0 : i32
      %dma_wait3A_246 = tpu.memref_slice %arg10[%dma_wait3A_244, %dma_wait3A_245] : memref<25x80xi32, #tpu.memory_space<vmem>> -> memref<1x80xi32, #tpu.memory_space<vmem>>
      %dma_wait3A_247 = tpu.memref_squeeze %dma_wait3A_246 : memref<1x80xi32, #tpu.memory_space<vmem>> -> memref<80xi32, #tpu.memory_space<vmem>>
      %dma_wait3A_248 = arith.constant 0 : i32
      %dma_wait3A_249 = arith.constant 0 : i32
      %dma_wait3A_250 = tpu.memref_slice %arg2[%arg0, %dma_wait3A_248, %dma_wait3A_249] : memref<2x10000x64xf32, #tpu.memory_space<hbm>> -> memref<1x10000x64xf32, #tpu.memory_space<hbm>>
      %dma_wait3A_251 = tpu.memref_squeeze %dma_wait3A_250 : memref<1x10000x64xf32, #tpu.memory_space<hbm>> -> memref<10000x64xf32, #tpu.memory_space<hbm>>
      %dma_wait3A_252 = arith.constant 0 : i32
      %dma_wait3A_253 = arith.constant 0 : i32
      %dma_wait3A_254 = tpu.memref_slice %dma_wait3A_251[%dma_wait3A_252, %dma_wait3A_253] : memref<10000x64xf32, #tpu.memory_space<hbm>> -> memref<10000x64xf32, #tpu.memory_space<hbm>>
      tpu.wait_indirect_dma semaphore(%arg17 : memref<!tpu.dma_semaphore, #tpu.memory_space<semaphore_mem>>) src(%dma_wait3A_254 : memref<10000x64xf32, #tpu.memory_space<hbm>>) dst(%arg12 : memref<80x64xf32, #tpu.memory_space<vmem>>)
      %dma_start3A_255 = arith.constant 4 : i32
      %dma_start3A_256 = arith.constant 0 : i32
      %dma_start3A_257 = tpu.memref_slice %arg11[%dma_start3A_255, %dma_start3A_256] : memref<25x80xi32, #tpu.memory_space<vmem>> -> memref<1x80xi32, #tpu.memory_space<vmem>>
      %dma_start3A_258 = tpu.memref_squeeze %dma_start3A_257 : memref<1x80xi32, #tpu.memory_space<vmem>> -> memref<80xi32, #tpu.memory_space<vmem>>
      %dma_start3A_259 = arith.constant 0 : i32
      %dma_start3A_260 = arith.constant 0 : i32
      %dma_start3A_261 = tpu.memref_slice %arg6[%dma_start3A_259, %dma_start3A_260] : memref<20480x64xf32, #tpu.memory_space<vmem_shared>> -> memref<20480x64xf32, #tpu.memory_space<vmem_shared>>
      tpu.enqueue_indirect_dma source(%arg12 : memref<80x64xf32, #tpu.memory_space<vmem>>) target(%dma_start3A_261 : memref<20480x64xf32, #tpu.memory_space<vmem_shared>>) offsets(%dma_start3A_258 : memref<80xi32, #tpu.memory_space<vmem>>) semaphore(%arg21 : memref<!tpu.dma_semaphore, #tpu.memory_space<semaphore_mem>>) {add = true}
      %dma_wait3A_262 = arith.constant 4 : i32
      %dma_wait3A_263 = arith.constant 0 : i32
      %dma_wait3A_264 = tpu.memref_slice %arg11[%dma_wait3A_262, %dma_wait3A_263] : memref<25x80xi32, #tpu.memory_space<vmem>> -> memref<1x80xi32, #tpu.memory_space<vmem>>
      %dma_wait3A_265 = tpu.memref_squeeze %dma_wait3A_264 : memref<1x80xi32, #tpu.memory_space<vmem>> -> memref<80xi32, #tpu.memory_space<vmem>>
      %dma_wait3A_266 = arith.constant 0 : i32
      %dma_wait3A_267 = arith.constant 0 : i32
      %dma_wait3A_268 = tpu.memref_slice %arg6[%dma_wait3A_266, %dma_wait3A_267] : memref<20480x64xf32, #tpu.memory_space<vmem_shared>> -> memref<20480x64xf32, #tpu.memory_space<vmem_shared>>
      tpu.wait_indirect_dma semaphore(%arg21 : memref<!tpu.dma_semaphore, #tpu.memory_space<semaphore_mem>>) src(%arg12 : memref<80x64xf32, #tpu.memory_space<vmem>>) dst(%dma_wait3A_268 : memref<20480x64xf32, #tpu.memory_space<vmem_shared>>)
      %dma_start3A_269 = arith.constant 8 : i32
      %dma_start3A_270 = arith.constant 0 : i32
      %dma_start3A_271 = tpu.memref_slice %arg10[%dma_start3A_269, %dma_start3A_270] : memref<25x80xi32, #tpu.memory_space<vmem>> -> memref<1x80xi32, #tpu.memory_space<vmem>>
      %dma_start3A_272 = tpu.memref_squeeze %dma_start3A_271 : memref<1x80xi32, #tpu.memory_space<vmem>> -> memref<80xi32, #tpu.memory_space<vmem>>
      %dma_start3A_273 = arith.constant 0 : i32
      %dma_start3A_274 = arith.constant 0 : i32
      %dma_start3A_275 = tpu.memref_slice %arg2[%arg0, %dma_start3A_273, %dma_start3A_274] : memref<2x10000x64xf32, #tpu.memory_space<hbm>> -> memref<1x10000x64xf32, #tpu.memory_space<hbm>>
      %dma_start3A_276 = tpu.memref_squeeze %dma_start3A_275 : memref<1x10000x64xf32, #tpu.memory_space<hbm>> -> memref<10000x64xf32, #tpu.memory_space<hbm>>
      %dma_start3A_277 = arith.constant 0 : i32
      %dma_start3A_278 = arith.constant 0 : i32
      %dma_start3A_279 = tpu.memref_slice %dma_start3A_276[%dma_start3A_277, %dma_start3A_278] : memref<10000x64xf32, #tpu.memory_space<hbm>> -> memref<10000x64xf32, #tpu.memory_space<hbm>>
      tpu.enqueue_indirect_dma source(%dma_start3A_279 : memref<10000x64xf32, #tpu.memory_space<hbm>>) target(%arg12 : memref<80x64xf32, #tpu.memory_space<vmem>>) offsets(%dma_start3A_272 : memref<80xi32, #tpu.memory_space<vmem>>) semaphore(%arg17 : memref<!tpu.dma_semaphore, #tpu.memory_space<semaphore_mem>>)
      %dma_wait3A_280 = arith.constant 5 : i32
      %dma_wait3A_281 = arith.constant 0 : i32
      %dma_wait3A_282 = tpu.memref_slice %arg10[%dma_wait3A_280, %dma_wait3A_281] : memref<25x80xi32, #tpu.memory_space<vmem>> -> memref<1x80xi32, #tpu.memory_space<vmem>>
      %dma_wait3A_283 = tpu.memref_squeeze %dma_wait3A_282 : memref<1x80xi32, #tpu.memory_space<vmem>> -> memref<80xi32, #tpu.memory_space<vmem>>
      %dma_wait3A_284 = arith.constant 0 : i32
      %dma_wait3A_285 = arith.constant 0 : i32
      %dma_wait3A_286 = tpu.memref_slice %arg2[%arg0, %dma_wait3A_284, %dma_wait3A_285] : memref<2x10000x64xf32, #tpu.memory_space<hbm>> -> memref<1x10000x64xf32, #tpu.memory_space<hbm>>
      %dma_wait3A_287 = tpu.memref_squeeze %dma_wait3A_286 : memref<1x10000x64xf32, #tpu.memory_space<hbm>> -> memref<10000x64xf32, #tpu.memory_space<hbm>>
      %dma_wait3A_288 = arith.constant 0 : i32
      %dma_wait3A_289 = arith.constant 0 : i32
      %dma_wait3A_290 = tpu.memref_slice %dma_wait3A_287[%dma_wait3A_288, %dma_wait3A_289] : memref<10000x64xf32, #tpu.memory_space<hbm>> -> memref<10000x64xf32, #tpu.memory_space<hbm>>
      tpu.wait_indirect_dma semaphore(%arg18 : memref<!tpu.dma_semaphore, #tpu.memory_space<semaphore_mem>>) src(%dma_wait3A_290 : memref<10000x64xf32, #tpu.memory_space<hbm>>) dst(%arg13 : memref<80x64xf32, #tpu.memory_space<vmem>>)
      %dma_start3A_291 = arith.constant 5 : i32
      %dma_start3A_292 = arith.constant 0 : i32
      %dma_start3A_293 = tpu.memref_slice %arg11[%dma_start3A_291, %dma_start3A_292] : memref<25x80xi32, #tpu.memory_space<vmem>> -> memref<1x80xi32, #tpu.memory_space<vmem>>
      %dma_start3A_294 = tpu.memref_squeeze %dma_start3A_293 : memref<1x80xi32, #tpu.memory_space<vmem>> -> memref<80xi32, #tpu.memory_space<vmem>>
      %dma_start3A_295 = arith.constant 0 : i32
      %dma_start3A_296 = arith.constant 0 : i32
      %dma_start3A_297 = tpu.memref_slice %arg6[%dma_start3A_295, %dma_start3A_296] : memref<20480x64xf32, #tpu.memory_space<vmem_shared>> -> memref<20480x64xf32, #tpu.memory_space<vmem_shared>>
      tpu.enqueue_indirect_dma source(%arg13 : memref<80x64xf32, #tpu.memory_space<vmem>>) target(%dma_start3A_297 : memref<20480x64xf32, #tpu.memory_space<vmem_shared>>) offsets(%dma_start3A_294 : memref<80xi32, #tpu.memory_space<vmem>>) semaphore(%arg22 : memref<!tpu.dma_semaphore, #tpu.memory_space<semaphore_mem>>) {add = true}
      %dma_wait3A_298 = arith.constant 5 : i32
      %dma_wait3A_299 = arith.constant 0 : i32
      %dma_wait3A_300 = tpu.memref_slice %arg11[%dma_wait3A_298, %dma_wait3A_299] : memref<25x80xi32, #tpu.memory_space<vmem>> -> memref<1x80xi32, #tpu.memory_space<vmem>>
      %dma_wait3A_301 = tpu.memref_squeeze %dma_wait3A_300 : memref<1x80xi32, #tpu.memory_space<vmem>> -> memref<80xi32, #tpu.memory_space<vmem>>
      %dma_wait3A_302 = arith.constant 0 : i32
      %dma_wait3A_303 = arith.constant 0 : i32
      %dma_wait3A_304 = tpu.memref_slice %arg6[%dma_wait3A_302, %dma_wait3A_303] : memref<20480x64xf32, #tpu.memory_space<vmem_shared>> -> memref<20480x64xf32, #tpu.memory_space<vmem_shared>>
      tpu.wait_indirect_dma semaphore(%arg22 : memref<!tpu.dma_semaphore, #tpu.memory_space<semaphore_mem>>) src(%arg13 : memref<80x64xf32, #tpu.memory_space<vmem>>) dst(%dma_wait3A_304 : memref<20480x64xf32, #tpu.memory_space<vmem_shared>>)
      %dma_start3A_305 = arith.constant 9 : i32
      %dma_start3A_306 = arith.constant 0 : i32
      %dma_start3A_307 = tpu.memref_slice %arg10[%dma_start3A_305, %dma_start3A_306] : memref<25x80xi32, #tpu.memory_space<vmem>> -> memref<1x80xi32, #tpu.memory_space<vmem>>
      %dma_start3A_308 = tpu.memref_squeeze %dma_start3A_307 : memref<1x80xi32, #tpu.memory_space<vmem>> -> memref<80xi32, #tpu.memory_space<vmem>>
      %dma_start3A_309 = arith.constant 0 : i32
      %dma_start3A_310 = arith.constant 0 : i32
      %dma_start3A_311 = tpu.memref_slice %arg2[%arg0, %dma_start3A_309, %dma_start3A_310] : memref<2x10000x64xf32, #tpu.memory_space<hbm>> -> memref<1x10000x64xf32, #tpu.memory_space<hbm>>
      %dma_start3A_312 = tpu.memref_squeeze %dma_start3A_311 : memref<1x10000x64xf32, #tpu.memory_space<hbm>> -> memref<10000x64xf32, #tpu.memory_space<hbm>>
      %dma_start3A_313 = arith.constant 0 : i32
      %dma_start3A_314 = arith.constant 0 : i32
      %dma_start3A_315 = tpu.memref_slice %dma_start3A_312[%dma_start3A_313, %dma_start3A_314] : memref<10000x64xf32, #tpu.memory_space<hbm>> -> memref<10000x64xf32, #tpu.memory_space<hbm>>
      tpu.enqueue_indirect_dma source(%dma_start3A_315 : memref<10000x64xf32, #tpu.memory_space<hbm>>) target(%arg13 : memref<80x64xf32, #tpu.memory_space<vmem>>) offsets(%dma_start3A_308 : memref<80xi32, #tpu.memory_space<vmem>>) semaphore(%arg18 : memref<!tpu.dma_semaphore, #tpu.memory_space<semaphore_mem>>)
      %dma_wait3A_316 = arith.constant 6 : i32
      %dma_wait3A_317 = arith.constant 0 : i32
      %dma_wait3A_318 = tpu.memref_slice %arg10[%dma_wait3A_316, %dma_wait3A_317] : memref<25x80xi32, #tpu.memory_space<vmem>> -> memref<1x80xi32, #tpu.memory_space<vmem>>
      %dma_wait3A_319 = tpu.memref_squeeze %dma_wait3A_318 : memref<1x80xi32, #tpu.memory_space<vmem>> -> memref<80xi32, #tpu.memory_space<vmem>>
      %dma_wait3A_320 = arith.constant 0 : i32
      %dma_wait3A_321 = arith.constant 0 : i32
      %dma_wait3A_322 = tpu.memref_slice %arg2[%arg0, %dma_wait3A_320, %dma_wait3A_321] : memref<2x10000x64xf32, #tpu.memory_space<hbm>> -> memref<1x10000x64xf32, #tpu.memory_space<hbm>>
      %dma_wait3A_323 = tpu.memref_squeeze %dma_wait3A_322 : memref<1x10000x64xf32, #tpu.memory_space<hbm>> -> memref<10000x64xf32, #tpu.memory_space<hbm>>
      %dma_wait3A_324 = arith.constant 0 : i32
      %dma_wait3A_325 = arith.constant 0 : i32
      %dma_wait3A_326 = tpu.memref_slice %dma_wait3A_323[%dma_wait3A_324, %dma_wait3A_325] : memref<10000x64xf32, #tpu.memory_space<hbm>> -> memref<10000x64xf32, #tpu.memory_space<hbm>>
      tpu.wait_indirect_dma semaphore(%arg19 : memref<!tpu.dma_semaphore, #tpu.memory_space<semaphore_mem>>) src(%dma_wait3A_326 : memref<10000x64xf32, #tpu.memory_space<hbm>>) dst(%arg14 : memref<80x64xf32, #tpu.memory_space<vmem>>)
      %dma_start3A_327 = arith.constant 6 : i32
      %dma_start3A_328 = arith.constant 0 : i32
      %dma_start3A_329 = tpu.memref_slice %arg11[%dma_start3A_327, %dma_start3A_328] : memref<25x80xi32, #tpu.memory_space<vmem>> -> memref<1x80xi32, #tpu.memory_space<vmem>>
      %dma_start3A_330 = tpu.memref_squeeze %dma_start3A_329 : memref<1x80xi32, #tpu.memory_space<vmem>> -> memref<80xi32, #tpu.memory_space<vmem>>
      %dma_start3A_331 = arith.constant 0 : i32
      %dma_start3A_332 = arith.constant 0 : i32
      %dma_start3A_333 = tpu.memref_slice %arg6[%dma_start3A_331, %dma_start3A_332] : memref<20480x64xf32, #tpu.memory_space<vmem_shared>> -> memref<20480x64xf32, #tpu.memory_space<vmem_shared>>
      tpu.enqueue_indirect_dma source(%arg14 : memref<80x64xf32, #tpu.memory_space<vmem>>) target(%dma_start3A_333 : memref<20480x64xf32, #tpu.memory_space<vmem_shared>>) offsets(%dma_start3A_330 : memref<80xi32, #tpu.memory_space<vmem>>) semaphore(%arg23 : memref<!tpu.dma_semaphore, #tpu.memory_space<semaphore_mem>>) {add = true}
      %dma_wait3A_334 = arith.constant 6 : i32
      %dma_wait3A_335 = arith.constant 0 : i32
      %dma_wait3A_336 = tpu.memref_slice %arg11[%dma_wait3A_334, %dma_wait3A_335] : memref<25x80xi32, #tpu.memory_space<vmem>> -> memref<1x80xi32, #tpu.memory_space<vmem>>
      %dma_wait3A_337 = tpu.memref_squeeze %dma_wait3A_336 : memref<1x80xi32, #tpu.memory_space<vmem>> -> memref<80xi32, #tpu.memory_space<vmem>>
      %dma_wait3A_338 = arith.constant 0 : i32
      %dma_wait3A_339 = arith.constant 0 : i32
      %dma_wait3A_340 = tpu.memref_slice %arg6[%dma_wait3A_338, %dma_wait3A_339] : memref<20480x64xf32, #tpu.memory_space<vmem_shared>> -> memref<20480x64xf32, #tpu.memory_space<vmem_shared>>
      tpu.wait_indirect_dma semaphore(%arg23 : memref<!tpu.dma_semaphore, #tpu.memory_space<semaphore_mem>>) src(%arg14 : memref<80x64xf32, #tpu.memory_space<vmem>>) dst(%dma_wait3A_340 : memref<20480x64xf32, #tpu.memory_space<vmem_shared>>)
      %dma_start3A_341 = arith.constant 10 : i32
      %dma_start3A_342 = arith.constant 0 : i32
      %dma_start3A_343 = tpu.memref_slice %arg10[%dma_start3A_341, %dma_start3A_342] : memref<25x80xi32, #tpu.memory_space<vmem>> -> memref<1x80xi32, #tpu.memory_space<vmem>>
      %dma_start3A_344 = tpu.memref_squeeze %dma_start3A_343 : memref<1x80xi32, #tpu.memory_space<vmem>> -> memref<80xi32, #tpu.memory_space<vmem>>
      %dma_start3A_345 = arith.constant 0 : i32
      %dma_start3A_346 = arith.constant 0 : i32
      %dma_start3A_347 = tpu.memref_slice %arg2[%arg0, %dma_start3A_345, %dma_start3A_346] : memref<2x10000x64xf32, #tpu.memory_space<hbm>> -> memref<1x10000x64xf32, #tpu.memory_space<hbm>>
      %dma_start3A_348 = tpu.memref_squeeze %dma_start3A_347 : memref<1x10000x64xf32, #tpu.memory_space<hbm>> -> memref<10000x64xf32, #tpu.memory_space<hbm>>
      %dma_start3A_349 = arith.constant 0 : i32
      %dma_start3A_350 = arith.constant 0 : i32
      %dma_start3A_351 = tpu.memref_slice %dma_start3A_348[%dma_start3A_349, %dma_start3A_350] : memref<10000x64xf32, #tpu.memory_space<hbm>> -> memref<10000x64xf32, #tpu.memory_space<hbm>>
      tpu.enqueue_indirect_dma source(%dma_start3A_351 : memref<10000x64xf32, #tpu.memory_space<hbm>>) target(%arg14 : memref<80x64xf32, #tpu.memory_space<vmem>>) offsets(%dma_start3A_344 : memref<80xi32, #tpu.memory_space<vmem>>) semaphore(%arg19 : memref<!tpu.dma_semaphore, #tpu.memory_space<semaphore_mem>>)
      %dma_wait3A_352 = arith.constant 7 : i32
      %dma_wait3A_353 = arith.constant 0 : i32
      %dma_wait3A_354 = tpu.memref_slice %arg10[%dma_wait3A_352, %dma_wait3A_353] : memref<25x80xi32, #tpu.memory_space<vmem>> -> memref<1x80xi32, #tpu.memory_space<vmem>>
      %dma_wait3A_355 = tpu.memref_squeeze %dma_wait3A_354 : memref<1x80xi32, #tpu.memory_space<vmem>> -> memref<80xi32, #tpu.memory_space<vmem>>
      %dma_wait3A_356 = arith.constant 0 : i32
      %dma_wait3A_357 = arith.constant 0 : i32
      %dma_wait3A_358 = tpu.memref_slice %arg2[%arg0, %dma_wait3A_356, %dma_wait3A_357] : memref<2x10000x64xf32, #tpu.memory_space<hbm>> -> memref<1x10000x64xf32, #tpu.memory_space<hbm>>
      %dma_wait3A_359 = tpu.memref_squeeze %dma_wait3A_358 : memref<1x10000x64xf32, #tpu.memory_space<hbm>> -> memref<10000x64xf32, #tpu.memory_space<hbm>>
      %dma_wait3A_360 = arith.constant 0 : i32
      %dma_wait3A_361 = arith.constant 0 : i32
      %dma_wait3A_362 = tpu.memref_slice %dma_wait3A_359[%dma_wait3A_360, %dma_wait3A_361] : memref<10000x64xf32, #tpu.memory_space<hbm>> -> memref<10000x64xf32, #tpu.memory_space<hbm>>
      tpu.wait_indirect_dma semaphore(%arg20 : memref<!tpu.dma_semaphore, #tpu.memory_space<semaphore_mem>>) src(%dma_wait3A_362 : memref<10000x64xf32, #tpu.memory_space<hbm>>) dst(%arg15 : memref<80x64xf32, #tpu.memory_space<vmem>>)
      %dma_start3A_363 = arith.constant 7 : i32
      %dma_start3A_364 = arith.constant 0 : i32
      %dma_start3A_365 = tpu.memref_slice %arg11[%dma_start3A_363, %dma_start3A_364] : memref<25x80xi32, #tpu.memory_space<vmem>> -> memref<1x80xi32, #tpu.memory_space<vmem>>
      %dma_start3A_366 = tpu.memref_squeeze %dma_start3A_365 : memref<1x80xi32, #tpu.memory_space<vmem>> -> memref<80xi32, #tpu.memory_space<vmem>>
      %dma_start3A_367 = arith.constant 0 : i32
      %dma_start3A_368 = arith.constant 0 : i32
      %dma_start3A_369 = tpu.memref_slice %arg6[%dma_start3A_367, %dma_start3A_368] : memref<20480x64xf32, #tpu.memory_space<vmem_shared>> -> memref<20480x64xf32, #tpu.memory_space<vmem_shared>>
      tpu.enqueue_indirect_dma source(%arg15 : memref<80x64xf32, #tpu.memory_space<vmem>>) target(%dma_start3A_369 : memref<20480x64xf32, #tpu.memory_space<vmem_shared>>) offsets(%dma_start3A_366 : memref<80xi32, #tpu.memory_space<vmem>>) semaphore(%arg24 : memref<!tpu.dma_semaphore, #tpu.memory_space<semaphore_mem>>) {add = true}
      %dma_wait3A_370 = arith.constant 7 : i32
      %dma_wait3A_371 = arith.constant 0 : i32
      %dma_wait3A_372 = tpu.memref_slice %arg11[%dma_wait3A_370, %dma_wait3A_371] : memref<25x80xi32, #tpu.memory_space<vmem>> -> memref<1x80xi32, #tpu.memory_space<vmem>>
      %dma_wait3A_373 = tpu.memref_squeeze %dma_wait3A_372 : memref<1x80xi32, #tpu.memory_space<vmem>> -> memref<80xi32, #tpu.memory_space<vmem>>
      %dma_wait3A_374 = arith.constant 0 : i32
      %dma_wait3A_375 = arith.constant 0 : i32
      %dma_wait3A_376 = tpu.memref_slice %arg6[%dma_wait3A_374, %dma_wait3A_375] : memref<20480x64xf32, #tpu.memory_space<vmem_shared>> -> memref<20480x64xf32, #tpu.memory_space<vmem_shared>>
      tpu.wait_indirect_dma semaphore(%arg24 : memref<!tpu.dma_semaphore, #tpu.memory_space<semaphore_mem>>) src(%arg15 : memref<80x64xf32, #tpu.memory_space<vmem>>) dst(%dma_wait3A_376 : memref<20480x64xf32, #tpu.memory_space<vmem_shared>>)
      %dma_start3A_377 = arith.constant 11 : i32
      %dma_start3A_378 = arith.constant 0 : i32
      %dma_start3A_379 = tpu.memref_slice %arg10[%dma_start3A_377, %dma_start3A_378] : memref<25x80xi32, #tpu.memory_space<vmem>> -> memref<1x80xi32, #tpu.memory_space<vmem>>
      %dma_start3A_380 = tpu.memref_squeeze %dma_start3A_379 : memref<1x80xi32, #tpu.memory_space<vmem>> -> memref<80xi32, #tpu.memory_space<vmem>>
      %dma_start3A_381 = arith.constant 0 : i32
      %dma_start3A_382 = arith.constant 0 : i32
      %dma_start3A_383 = tpu.memref_slice %arg2[%arg0, %dma_start3A_381, %dma_start3A_382] : memref<2x10000x64xf32, #tpu.memory_space<hbm>> -> memref<1x10000x64xf32, #tpu.memory_space<hbm>>
      %dma_start3A_384 = tpu.memref_squeeze %dma_start3A_383 : memref<1x10000x64xf32, #tpu.memory_space<hbm>> -> memref<10000x64xf32, #tpu.memory_space<hbm>>
      %dma_start3A_385 = arith.constant 0 : i32
      %dma_start3A_386 = arith.constant 0 : i32
      %dma_start3A_387 = tpu.memref_slice %dma_start3A_384[%dma_start3A_385, %dma_start3A_386] : memref<10000x64xf32, #tpu.memory_space<hbm>> -> memref<10000x64xf32, #tpu.memory_space<hbm>>
      tpu.enqueue_indirect_dma source(%dma_start3A_387 : memref<10000x64xf32, #tpu.memory_space<hbm>>) target(%arg15 : memref<80x64xf32, #tpu.memory_space<vmem>>) offsets(%dma_start3A_380 : memref<80xi32, #tpu.memory_space<vmem>>) semaphore(%arg20 : memref<!tpu.dma_semaphore, #tpu.memory_space<semaphore_mem>>)
      %dma_wait3A_388 = arith.constant 8 : i32
      %dma_wait3A_389 = arith.constant 0 : i32
      %dma_wait3A_390 = tpu.memref_slice %arg10[%dma_wait3A_388, %dma_wait3A_389] : memref<25x80xi32, #tpu.memory_space<vmem>> -> memref<1x80xi32, #tpu.memory_space<vmem>>
      %dma_wait3A_391 = tpu.memref_squeeze %dma_wait3A_390 : memref<1x80xi32, #tpu.memory_space<vmem>> -> memref<80xi32, #tpu.memory_space<vmem>>
      %dma_wait3A_392 = arith.constant 0 : i32
      %dma_wait3A_393 = arith.constant 0 : i32
      %dma_wait3A_394 = tpu.memref_slice %arg2[%arg0, %dma_wait3A_392, %dma_wait3A_393] : memref<2x10000x64xf32, #tpu.memory_space<hbm>> -> memref<1x10000x64xf32, #tpu.memory_space<hbm>>
      %dma_wait3A_395 = tpu.memref_squeeze %dma_wait3A_394 : memref<1x10000x64xf32, #tpu.memory_space<hbm>> -> memref<10000x64xf32, #tpu.memory_space<hbm>>
      %dma_wait3A_396 = arith.constant 0 : i32
      %dma_wait3A_397 = arith.constant 0 : i32
      %dma_wait3A_398 = tpu.memref_slice %dma_wait3A_395[%dma_wait3A_396, %dma_wait3A_397] : memref<10000x64xf32, #tpu.memory_space<hbm>> -> memref<10000x64xf32, #tpu.memory_space<hbm>>
      tpu.wait_indirect_dma semaphore(%arg17 : memref<!tpu.dma_semaphore, #tpu.memory_space<semaphore_mem>>) src(%dma_wait3A_398 : memref<10000x64xf32, #tpu.memory_space<hbm>>) dst(%arg12 : memref<80x64xf32, #tpu.memory_space<vmem>>)
      %dma_start3A_399 = arith.constant 8 : i32
      %dma_start3A_400 = arith.constant 0 : i32
      %dma_start3A_401 = tpu.memref_slice %arg11[%dma_start3A_399, %dma_start3A_400] : memref<25x80xi32, #tpu.memory_space<vmem>> -> memref<1x80xi32, #tpu.memory_space<vmem>>
      %dma_start3A_402 = tpu.memref_squeeze %dma_start3A_401 : memref<1x80xi32, #tpu.memory_space<vmem>> -> memref<80xi32, #tpu.memory_space<vmem>>
      %dma_start3A_403 = arith.constant 0 : i32
      %dma_start3A_404 = arith.constant 0 : i32
      %dma_start3A_405 = tpu.memref_slice %arg6[%dma_start3A_403, %dma_start3A_404] : memref<20480x64xf32, #tpu.memory_space<vmem_shared>> -> memref<20480x64xf32, #tpu.memory_space<vmem_shared>>
      tpu.enqueue_indirect_dma source(%arg12 : memref<80x64xf32, #tpu.memory_space<vmem>>) target(%dma_start3A_405 : memref<20480x64xf32, #tpu.memory_space<vmem_shared>>) offsets(%dma_start3A_402 : memref<80xi32, #tpu.memory_space<vmem>>) semaphore(%arg21 : memref<!tpu.dma_semaphore, #tpu.memory_space<semaphore_mem>>) {add = true}
      %dma_wait3A_406 = arith.constant 8 : i32
      %dma_wait3A_407 = arith.constant 0 : i32
      %dma_wait3A_408 = tpu.memref_slice %arg11[%dma_wait3A_406, %dma_wait3A_407] : memref<25x80xi32, #tpu.memory_space<vmem>> -> memref<1x80xi32, #tpu.memory_space<vmem>>
      %dma_wait3A_409 = tpu.memref_squeeze %dma_wait3A_408 : memref<1x80xi32, #tpu.memory_space<vmem>> -> memref<80xi32, #tpu.memory_space<vmem>>
      %dma_wait3A_410 = arith.constant 0 : i32
      %dma_wait3A_411 = arith.constant 0 : i32
      %dma_wait3A_412 = tpu.memref_slice %arg6[%dma_wait3A_410, %dma_wait3A_411] : memref<20480x64xf32, #tpu.memory_space<vmem_shared>> -> memref<20480x64xf32, #tpu.memory_space<vmem_shared>>
      tpu.wait_indirect_dma semaphore(%arg21 : memref<!tpu.dma_semaphore, #tpu.memory_space<semaphore_mem>>) src(%arg12 : memref<80x64xf32, #tpu.memory_space<vmem>>) dst(%dma_wait3A_412 : memref<20480x64xf32, #tpu.memory_space<vmem_shared>>)
      %dma_start3A_413 = arith.constant 12 : i32
      %dma_start3A_414 = arith.constant 0 : i32
      %dma_start3A_415 = tpu.memref_slice %arg10[%dma_start3A_413, %dma_start3A_414] : memref<25x80xi32, #tpu.memory_space<vmem>> -> memref<1x80xi32, #tpu.memory_space<vmem>>
      %dma_start3A_416 = tpu.memref_squeeze %dma_start3A_415 : memref<1x80xi32, #tpu.memory_space<vmem>> -> memref<80xi32, #tpu.memory_space<vmem>>
      %dma_start3A_417 = arith.constant 0 : i32
      %dma_start3A_418 = arith.constant 0 : i32
      %dma_start3A_419 = tpu.memref_slice %arg2[%arg0, %dma_start3A_417, %dma_start3A_418] : memref<2x10000x64xf32, #tpu.memory_space<hbm>> -> memref<1x10000x64xf32, #tpu.memory_space<hbm>>
      %dma_start3A_420 = tpu.memref_squeeze %dma_start3A_419 : memref<1x10000x64xf32, #tpu.memory_space<hbm>> -> memref<10000x64xf32, #tpu.memory_space<hbm>>
      %dma_start3A_421 = arith.constant 0 : i32
      %dma_start3A_422 = arith.constant 0 : i32
      %dma_start3A_423 = tpu.memref_slice %dma_start3A_420[%dma_start3A_421, %dma_start3A_422] : memref<10000x64xf32, #tpu.memory_space<hbm>> -> memref<10000x64xf32, #tpu.memory_space<hbm>>
      tpu.enqueue_indirect_dma source(%dma_start3A_423 : memref<10000x64xf32, #tpu.memory_space<hbm>>) target(%arg12 : memref<80x64xf32, #tpu.memory_space<vmem>>) offsets(%dma_start3A_416 : memref<80xi32, #tpu.memory_space<vmem>>) semaphore(%arg17 : memref<!tpu.dma_semaphore, #tpu.memory_space<semaphore_mem>>)
      %dma_wait3A_424 = arith.constant 9 : i32
      %dma_wait3A_425 = arith.constant 0 : i32
      %dma_wait3A_426 = tpu.memref_slice %arg10[%dma_wait3A_424, %dma_wait3A_425] : memref<25x80xi32, #tpu.memory_space<vmem>> -> memref<1x80xi32, #tpu.memory_space<vmem>>
      %dma_wait3A_427 = tpu.memref_squeeze %dma_wait3A_426 : memref<1x80xi32, #tpu.memory_space<vmem>> -> memref<80xi32, #tpu.memory_space<vmem>>
      %dma_wait3A_428 = arith.constant 0 : i32
      %dma_wait3A_429 = arith.constant 0 : i32
      %dma_wait3A_430 = tpu.memref_slice %arg2[%arg0, %dma_wait3A_428, %dma_wait3A_429] : memref<2x10000x64xf32, #tpu.memory_space<hbm>> -> memref<1x10000x64xf32, #tpu.memory_space<hbm>>
      %dma_wait3A_431 = tpu.memref_squeeze %dma_wait3A_430 : memref<1x10000x64xf32, #tpu.memory_space<hbm>> -> memref<10000x64xf32, #tpu.memory_space<hbm>>
      %dma_wait3A_432 = arith.constant 0 : i32
      %dma_wait3A_433 = arith.constant 0 : i32
      %dma_wait3A_434 = tpu.memref_slice %dma_wait3A_431[%dma_wait3A_432, %dma_wait3A_433] : memref<10000x64xf32, #tpu.memory_space<hbm>> -> memref<10000x64xf32, #tpu.memory_space<hbm>>
      tpu.wait_indirect_dma semaphore(%arg18 : memref<!tpu.dma_semaphore, #tpu.memory_space<semaphore_mem>>) src(%dma_wait3A_434 : memref<10000x64xf32, #tpu.memory_space<hbm>>) dst(%arg13 : memref<80x64xf32, #tpu.memory_space<vmem>>)
      %dma_start3A_435 = arith.constant 9 : i32
      %dma_start3A_436 = arith.constant 0 : i32
      %dma_start3A_437 = tpu.memref_slice %arg11[%dma_start3A_435, %dma_start3A_436] : memref<25x80xi32, #tpu.memory_space<vmem>> -> memref<1x80xi32, #tpu.memory_space<vmem>>
      %dma_start3A_438 = tpu.memref_squeeze %dma_start3A_437 : memref<1x80xi32, #tpu.memory_space<vmem>> -> memref<80xi32, #tpu.memory_space<vmem>>
      %dma_start3A_439 = arith.constant 0 : i32
      %dma_start3A_440 = arith.constant 0 : i32
      %dma_start3A_441 = tpu.memref_slice %arg6[%dma_start3A_439, %dma_start3A_440] : memref<20480x64xf32, #tpu.memory_space<vmem_shared>> -> memref<20480x64xf32, #tpu.memory_space<vmem_shared>>
      tpu.enqueue_indirect_dma source(%arg13 : memref<80x64xf32, #tpu.memory_space<vmem>>) target(%dma_start3A_441 : memref<20480x64xf32, #tpu.memory_space<vmem_shared>>) offsets(%dma_start3A_438 : memref<80xi32, #tpu.memory_space<vmem>>) semaphore(%arg22 : memref<!tpu.dma_semaphore, #tpu.memory_space<semaphore_mem>>) {add = true}
      %dma_wait3A_442 = arith.constant 9 : i32
      %dma_wait3A_443 = arith.constant 0 : i32
      %dma_wait3A_444 = tpu.memref_slice %arg11[%dma_wait3A_442, %dma_wait3A_443] : memref<25x80xi32, #tpu.memory_space<vmem>> -> memref<1x80xi32, #tpu.memory_space<vmem>>
      %dma_wait3A_445 = tpu.memref_squeeze %dma_wait3A_444 : memref<1x80xi32, #tpu.memory_space<vmem>> -> memref<80xi32, #tpu.memory_space<vmem>>
      %dma_wait3A_446 = arith.constant 0 : i32
      %dma_wait3A_447 = arith.constant 0 : i32
      %dma_wait3A_448 = tpu.memref_slice %arg6[%dma_wait3A_446, %dma_wait3A_447] : memref<20480x64xf32, #tpu.memory_space<vmem_shared>> -> memref<20480x64xf32, #tpu.memory_space<vmem_shared>>
      tpu.wait_indirect_dma semaphore(%arg22 : memref<!tpu.dma_semaphore, #tpu.memory_space<semaphore_mem>>) src(%arg13 : memref<80x64xf32, #tpu.memory_space<vmem>>) dst(%dma_wait3A_448 : memref<20480x64xf32, #tpu.memory_space<vmem_shared>>)
      %dma_start3A_449 = arith.constant 13 : i32
      %dma_start3A_450 = arith.constant 0 : i32
      %dma_start3A_451 = tpu.memref_slice %arg10[%dma_start3A_449, %dma_start3A_450] : memref<25x80xi32, #tpu.memory_space<vmem>> -> memref<1x80xi32, #tpu.memory_space<vmem>>
      %dma_start3A_452 = tpu.memref_squeeze %dma_start3A_451 : memref<1x80xi32, #tpu.memory_space<vmem>> -> memref<80xi32, #tpu.memory_space<vmem>>
      %dma_start3A_453 = arith.constant 0 : i32
      %dma_start3A_454 = arith.constant 0 : i32
      %dma_start3A_455 = tpu.memref_slice %arg2[%arg0, %dma_start3A_453, %dma_start3A_454] : memref<2x10000x64xf32, #tpu.memory_space<hbm>> -> memref<1x10000x64xf32, #tpu.memory_space<hbm>>
      %dma_start3A_456 = tpu.memref_squeeze %dma_start3A_455 : memref<1x10000x64xf32, #tpu.memory_space<hbm>> -> memref<10000x64xf32, #tpu.memory_space<hbm>>
      %dma_start3A_457 = arith.constant 0 : i32
      %dma_start3A_458 = arith.constant 0 : i32
      %dma_start3A_459 = tpu.memref_slice %dma_start3A_456[%dma_start3A_457, %dma_start3A_458] : memref<10000x64xf32, #tpu.memory_space<hbm>> -> memref<10000x64xf32, #tpu.memory_space<hbm>>
      tpu.enqueue_indirect_dma source(%dma_start3A_459 : memref<10000x64xf32, #tpu.memory_space<hbm>>) target(%arg13 : memref<80x64xf32, #tpu.memory_space<vmem>>) offsets(%dma_start3A_452 : memref<80xi32, #tpu.memory_space<vmem>>) semaphore(%arg18 : memref<!tpu.dma_semaphore, #tpu.memory_space<semaphore_mem>>)
      %dma_wait3A_460 = arith.constant 10 : i32
      %dma_wait3A_461 = arith.constant 0 : i32
      %dma_wait3A_462 = tpu.memref_slice %arg10[%dma_wait3A_460, %dma_wait3A_461] : memref<25x80xi32, #tpu.memory_space<vmem>> -> memref<1x80xi32, #tpu.memory_space<vmem>>
      %dma_wait3A_463 = tpu.memref_squeeze %dma_wait3A_462 : memref<1x80xi32, #tpu.memory_space<vmem>> -> memref<80xi32, #tpu.memory_space<vmem>>
      %dma_wait3A_464 = arith.constant 0 : i32
      %dma_wait3A_465 = arith.constant 0 : i32
      %dma_wait3A_466 = tpu.memref_slice %arg2[%arg0, %dma_wait3A_464, %dma_wait3A_465] : memref<2x10000x64xf32, #tpu.memory_space<hbm>> -> memref<1x10000x64xf32, #tpu.memory_space<hbm>>
      %dma_wait3A_467 = tpu.memref_squeeze %dma_wait3A_466 : memref<1x10000x64xf32, #tpu.memory_space<hbm>> -> memref<10000x64xf32, #tpu.memory_space<hbm>>
      %dma_wait3A_468 = arith.constant 0 : i32
      %dma_wait3A_469 = arith.constant 0 : i32
      %dma_wait3A_470 = tpu.memref_slice %dma_wait3A_467[%dma_wait3A_468, %dma_wait3A_469] : memref<10000x64xf32, #tpu.memory_space<hbm>> -> memref<10000x64xf32, #tpu.memory_space<hbm>>
      tpu.wait_indirect_dma semaphore(%arg19 : memref<!tpu.dma_semaphore, #tpu.memory_space<semaphore_mem>>) src(%dma_wait3A_470 : memref<10000x64xf32, #tpu.memory_space<hbm>>) dst(%arg14 : memref<80x64xf32, #tpu.memory_space<vmem>>)
      %dma_start3A_471 = arith.constant 10 : i32
      %dma_start3A_472 = arith.constant 0 : i32
      %dma_start3A_473 = tpu.memref_slice %arg11[%dma_start3A_471, %dma_start3A_472] : memref<25x80xi32, #tpu.memory_space<vmem>> -> memref<1x80xi32, #tpu.memory_space<vmem>>
      %dma_start3A_474 = tpu.memref_squeeze %dma_start3A_473 : memref<1x80xi32, #tpu.memory_space<vmem>> -> memref<80xi32, #tpu.memory_space<vmem>>
      %dma_start3A_475 = arith.constant 0 : i32
      %dma_start3A_476 = arith.constant 0 : i32
      %dma_start3A_477 = tpu.memref_slice %arg6[%dma_start3A_475, %dma_start3A_476] : memref<20480x64xf32, #tpu.memory_space<vmem_shared>> -> memref<20480x64xf32, #tpu.memory_space<vmem_shared>>
      tpu.enqueue_indirect_dma source(%arg14 : memref<80x64xf32, #tpu.memory_space<vmem>>) target(%dma_start3A_477 : memref<20480x64xf32, #tpu.memory_space<vmem_shared>>) offsets(%dma_start3A_474 : memref<80xi32, #tpu.memory_space<vmem>>) semaphore(%arg23 : memref<!tpu.dma_semaphore, #tpu.memory_space<semaphore_mem>>) {add = true}
      %dma_wait3A_478 = arith.constant 10 : i32
      %dma_wait3A_479 = arith.constant 0 : i32
      %dma_wait3A_480 = tpu.memref_slice %arg11[%dma_wait3A_478, %dma_wait3A_479] : memref<25x80xi32, #tpu.memory_space<vmem>> -> memref<1x80xi32, #tpu.memory_space<vmem>>
      %dma_wait3A_481 = tpu.memref_squeeze %dma_wait3A_480 : memref<1x80xi32, #tpu.memory_space<vmem>> -> memref<80xi32, #tpu.memory_space<vmem>>
      %dma_wait3A_482 = arith.constant 0 : i32
      %dma_wait3A_483 = arith.constant 0 : i32
      %dma_wait3A_484 = tpu.memref_slice %arg6[%dma_wait3A_482, %dma_wait3A_483] : memref<20480x64xf32, #tpu.memory_space<vmem_shared>> -> memref<20480x64xf32, #tpu.memory_space<vmem_shared>>
      tpu.wait_indirect_dma semaphore(%arg23 : memref<!tpu.dma_semaphore, #tpu.memory_space<semaphore_mem>>) src(%arg14 : memref<80x64xf32, #tpu.memory_space<vmem>>) dst(%dma_wait3A_484 : memref<20480x64xf32, #tpu.memory_space<vmem_shared>>)
      %dma_start3A_485 = arith.constant 14 : i32
      %dma_start3A_486 = arith.constant 0 : i32
      %dma_start3A_487 = tpu.memref_slice %arg10[%dma_start3A_485, %dma_start3A_486] : memref<25x80xi32, #tpu.memory_space<vmem>> -> memref<1x80xi32, #tpu.memory_space<vmem>>
      %dma_start3A_488 = tpu.memref_squeeze %dma_start3A_487 : memref<1x80xi32, #tpu.memory_space<vmem>> -> memref<80xi32, #tpu.memory_space<vmem>>
      %dma_start3A_489 = arith.constant 0 : i32
      %dma_start3A_490 = arith.constant 0 : i32
      %dma_start3A_491 = tpu.memref_slice %arg2[%arg0, %dma_start3A_489, %dma_start3A_490] : memref<2x10000x64xf32, #tpu.memory_space<hbm>> -> memref<1x10000x64xf32, #tpu.memory_space<hbm>>
      %dma_start3A_492 = tpu.memref_squeeze %dma_start3A_491 : memref<1x10000x64xf32, #tpu.memory_space<hbm>> -> memref<10000x64xf32, #tpu.memory_space<hbm>>
      %dma_start3A_493 = arith.constant 0 : i32
      %dma_start3A_494 = arith.constant 0 : i32
      %dma_start3A_495 = tpu.memref_slice %dma_start3A_492[%dma_start3A_493, %dma_start3A_494] : memref<10000x64xf32, #tpu.memory_space<hbm>> -> memref<10000x64xf32, #tpu.memory_space<hbm>>
      tpu.enqueue_indirect_dma source(%dma_start3A_495 : memref<10000x64xf32, #tpu.memory_space<hbm>>) target(%arg14 : memref<80x64xf32, #tpu.memory_space<vmem>>) offsets(%dma_start3A_488 : memref<80xi32, #tpu.memory_space<vmem>>) semaphore(%arg19 : memref<!tpu.dma_semaphore, #tpu.memory_space<semaphore_mem>>)
      %dma_wait3A_496 = arith.constant 11 : i32
      %dma_wait3A_497 = arith.constant 0 : i32
      %dma_wait3A_498 = tpu.memref_slice %arg10[%dma_wait3A_496, %dma_wait3A_497] : memref<25x80xi32, #tpu.memory_space<vmem>> -> memref<1x80xi32, #tpu.memory_space<vmem>>
      %dma_wait3A_499 = tpu.memref_squeeze %dma_wait3A_498 : memref<1x80xi32, #tpu.memory_space<vmem>> -> memref<80xi32, #tpu.memory_space<vmem>>
      %dma_wait3A_500 = arith.constant 0 : i32
      %dma_wait3A_501 = arith.constant 0 : i32
      %dma_wait3A_502 = tpu.memref_slice %arg2[%arg0, %dma_wait3A_500, %dma_wait3A_501] : memref<2x10000x64xf32, #tpu.memory_space<hbm>> -> memref<1x10000x64xf32, #tpu.memory_space<hbm>>
      %dma_wait3A_503 = tpu.memref_squeeze %dma_wait3A_502 : memref<1x10000x64xf32, #tpu.memory_space<hbm>> -> memref<10000x64xf32, #tpu.memory_space<hbm>>
      %dma_wait3A_504 = arith.constant 0 : i32
      %dma_wait3A_505 = arith.constant 0 : i32
      %dma_wait3A_506 = tpu.memref_slice %dma_wait3A_503[%dma_wait3A_504, %dma_wait3A_505] : memref<10000x64xf32, #tpu.memory_space<hbm>> -> memref<10000x64xf32, #tpu.memory_space<hbm>>
      tpu.wait_indirect_dma semaphore(%arg20 : memref<!tpu.dma_semaphore, #tpu.memory_space<semaphore_mem>>) src(%dma_wait3A_506 : memref<10000x64xf32, #tpu.memory_space<hbm>>) dst(%arg15 : memref<80x64xf32, #tpu.memory_space<vmem>>)
      %dma_start3A_507 = arith.constant 11 : i32
      %dma_start3A_508 = arith.constant 0 : i32
      %dma_start3A_509 = tpu.memref_slice %arg11[%dma_start3A_507, %dma_start3A_508] : memref<25x80xi32, #tpu.memory_space<vmem>> -> memref<1x80xi32, #tpu.memory_space<vmem>>
      %dma_start3A_510 = tpu.memref_squeeze %dma_start3A_509 : memref<1x80xi32, #tpu.memory_space<vmem>> -> memref<80xi32, #tpu.memory_space<vmem>>
      %dma_start3A_511 = arith.constant 0 : i32
      %dma_start3A_512 = arith.constant 0 : i32
      %dma_start3A_513 = tpu.memref_slice %arg6[%dma_start3A_511, %dma_start3A_512] : memref<20480x64xf32, #tpu.memory_space<vmem_shared>> -> memref<20480x64xf32, #tpu.memory_space<vmem_shared>>
      tpu.enqueue_indirect_dma source(%arg15 : memref<80x64xf32, #tpu.memory_space<vmem>>) target(%dma_start3A_513 : memref<20480x64xf32, #tpu.memory_space<vmem_shared>>) offsets(%dma_start3A_510 : memref<80xi32, #tpu.memory_space<vmem>>) semaphore(%arg24 : memref<!tpu.dma_semaphore, #tpu.memory_space<semaphore_mem>>) {add = true}
      %dma_wait3A_514 = arith.constant 11 : i32
      %dma_wait3A_515 = arith.constant 0 : i32
      %dma_wait3A_516 = tpu.memref_slice %arg11[%dma_wait3A_514, %dma_wait3A_515] : memref<25x80xi32, #tpu.memory_space<vmem>> -> memref<1x80xi32, #tpu.memory_space<vmem>>
      %dma_wait3A_517 = tpu.memref_squeeze %dma_wait3A_516 : memref<1x80xi32, #tpu.memory_space<vmem>> -> memref<80xi32, #tpu.memory_space<vmem>>
      %dma_wait3A_518 = arith.constant 0 : i32
      %dma_wait3A_519 = arith.constant 0 : i32
      %dma_wait3A_520 = tpu.memref_slice %arg6[%dma_wait3A_518, %dma_wait3A_519] : memref<20480x64xf32, #tpu.memory_space<vmem_shared>> -> memref<20480x64xf32, #tpu.memory_space<vmem_shared>>
      tpu.wait_indirect_dma semaphore(%arg24 : memref<!tpu.dma_semaphore, #tpu.memory_space<semaphore_mem>>) src(%arg15 : memref<80x64xf32, #tpu.memory_space<vmem>>) dst(%dma_wait3A_520 : memref<20480x64xf32, #tpu.memory_space<vmem_shared>>)
      %dma_start3A_521 = arith.constant 15 : i32
      %dma_start3A_522 = arith.constant 0 : i32
      %dma_start3A_523 = tpu.memref_slice %arg10[%dma_start3A_521, %dma_start3A_522] : memref<25x80xi32, #tpu.memory_space<vmem>> -> memref<1x80xi32, #tpu.memory_space<vmem>>
      %dma_start3A_524 = tpu.memref_squeeze %dma_start3A_523 : memref<1x80xi32, #tpu.memory_space<vmem>> -> memref<80xi32, #tpu.memory_space<vmem>>
      %dma_start3A_525 = arith.constant 0 : i32
      %dma_start3A_526 = arith.constant 0 : i32
      %dma_start3A_527 = tpu.memref_slice %arg2[%arg0, %dma_start3A_525, %dma_start3A_526] : memref<2x10000x64xf32, #tpu.memory_space<hbm>> -> memref<1x10000x64xf32, #tpu.memory_space<hbm>>
      %dma_start3A_528 = tpu.memref_squeeze %dma_start3A_527 : memref<1x10000x64xf32, #tpu.memory_space<hbm>> -> memref<10000x64xf32, #tpu.memory_space<hbm>>
      %dma_start3A_529 = arith.constant 0 : i32
      %dma_start3A_530 = arith.constant 0 : i32
      %dma_start3A_531 = tpu.memref_slice %dma_start3A_528[%dma_start3A_529, %dma_start3A_530] : memref<10000x64xf32, #tpu.memory_space<hbm>> -> memref<10000x64xf32, #tpu.memory_space<hbm>>
      tpu.enqueue_indirect_dma source(%dma_start3A_531 : memref<10000x64xf32, #tpu.memory_space<hbm>>) target(%arg15 : memref<80x64xf32, #tpu.memory_space<vmem>>) offsets(%dma_start3A_524 : memref<80xi32, #tpu.memory_space<vmem>>) semaphore(%arg20 : memref<!tpu.dma_semaphore, #tpu.memory_space<semaphore_mem>>)
      %dma_wait3A_532 = arith.constant 12 : i32
      %dma_wait3A_533 = arith.constant 0 : i32
      %dma_wait3A_534 = tpu.memref_slice %arg10[%dma_wait3A_532, %dma_wait3A_533] : memref<25x80xi32, #tpu.memory_space<vmem>> -> memref<1x80xi32, #tpu.memory_space<vmem>>
      %dma_wait3A_535 = tpu.memref_squeeze %dma_wait3A_534 : memref<1x80xi32, #tpu.memory_space<vmem>> -> memref<80xi32, #tpu.memory_space<vmem>>
      %dma_wait3A_536 = arith.constant 0 : i32
      %dma_wait3A_537 = arith.constant 0 : i32
      %dma_wait3A_538 = tpu.memref_slice %arg2[%arg0, %dma_wait3A_536, %dma_wait3A_537] : memref<2x10000x64xf32, #tpu.memory_space<hbm>> -> memref<1x10000x64xf32, #tpu.memory_space<hbm>>
      %dma_wait3A_539 = tpu.memref_squeeze %dma_wait3A_538 : memref<1x10000x64xf32, #tpu.memory_space<hbm>> -> memref<10000x64xf32, #tpu.memory_space<hbm>>
      %dma_wait3A_540 = arith.constant 0 : i32
      %dma_wait3A_541 = arith.constant 0 : i32
      %dma_wait3A_542 = tpu.memref_slice %dma_wait3A_539[%dma_wait3A_540, %dma_wait3A_541] : memref<10000x64xf32, #tpu.memory_space<hbm>> -> memref<10000x64xf32, #tpu.memory_space<hbm>>
      tpu.wait_indirect_dma semaphore(%arg17 : memref<!tpu.dma_semaphore, #tpu.memory_space<semaphore_mem>>) src(%dma_wait3A_542 : memref<10000x64xf32, #tpu.memory_space<hbm>>) dst(%arg12 : memref<80x64xf32, #tpu.memory_space<vmem>>)
      %dma_start3A_543 = arith.constant 12 : i32
      %dma_start3A_544 = arith.constant 0 : i32
      %dma_start3A_545 = tpu.memref_slice %arg11[%dma_start3A_543, %dma_start3A_544] : memref<25x80xi32, #tpu.memory_space<vmem>> -> memref<1x80xi32, #tpu.memory_space<vmem>>
      %dma_start3A_546 = tpu.memref_squeeze %dma_start3A_545 : memref<1x80xi32, #tpu.memory_space<vmem>> -> memref<80xi32, #tpu.memory_space<vmem>>
      %dma_start3A_547 = arith.constant 0 : i32
      %dma_start3A_548 = arith.constant 0 : i32
      %dma_start3A_549 = tpu.memref_slice %arg6[%dma_start3A_547, %dma_start3A_548] : memref<20480x64xf32, #tpu.memory_space<vmem_shared>> -> memref<20480x64xf32, #tpu.memory_space<vmem_shared>>
      tpu.enqueue_indirect_dma source(%arg12 : memref<80x64xf32, #tpu.memory_space<vmem>>) target(%dma_start3A_549 : memref<20480x64xf32, #tpu.memory_space<vmem_shared>>) offsets(%dma_start3A_546 : memref<80xi32, #tpu.memory_space<vmem>>) semaphore(%arg21 : memref<!tpu.dma_semaphore, #tpu.memory_space<semaphore_mem>>) {add = true}
      %dma_wait3A_550 = arith.constant 12 : i32
      %dma_wait3A_551 = arith.constant 0 : i32
      %dma_wait3A_552 = tpu.memref_slice %arg11[%dma_wait3A_550, %dma_wait3A_551] : memref<25x80xi32, #tpu.memory_space<vmem>> -> memref<1x80xi32, #tpu.memory_space<vmem>>
      %dma_wait3A_553 = tpu.memref_squeeze %dma_wait3A_552 : memref<1x80xi32, #tpu.memory_space<vmem>> -> memref<80xi32, #tpu.memory_space<vmem>>
      %dma_wait3A_554 = arith.constant 0 : i32
      %dma_wait3A_555 = arith.constant 0 : i32
      %dma_wait3A_556 = tpu.memref_slice %arg6[%dma_wait3A_554, %dma_wait3A_555] : memref<20480x64xf32, #tpu.memory_space<vmem_shared>> -> memref<20480x64xf32, #tpu.memory_space<vmem_shared>>
      tpu.wait_indirect_dma semaphore(%arg21 : memref<!tpu.dma_semaphore, #tpu.memory_space<semaphore_mem>>) src(%arg12 : memref<80x64xf32, #tpu.memory_space<vmem>>) dst(%dma_wait3A_556 : memref<20480x64xf32, #tpu.memory_space<vmem_shared>>)
      %dma_start3A_557 = arith.constant 16 : i32
      %dma_start3A_558 = arith.constant 0 : i32
      %dma_start3A_559 = tpu.memref_slice %arg10[%dma_start3A_557, %dma_start3A_558] : memref<25x80xi32, #tpu.memory_space<vmem>> -> memref<1x80xi32, #tpu.memory_space<vmem>>
      %dma_start3A_560 = tpu.memref_squeeze %dma_start3A_559 : memref<1x80xi32, #tpu.memory_space<vmem>> -> memref<80xi32, #tpu.memory_space<vmem>>
      %dma_start3A_561 = arith.constant 0 : i32
      %dma_start3A_562 = arith.constant 0 : i32
      %dma_start3A_563 = tpu.memref_slice %arg2[%arg0, %dma_start3A_561, %dma_start3A_562] : memref<2x10000x64xf32, #tpu.memory_space<hbm>> -> memref<1x10000x64xf32, #tpu.memory_space<hbm>>
      %dma_start3A_564 = tpu.memref_squeeze %dma_start3A_563 : memref<1x10000x64xf32, #tpu.memory_space<hbm>> -> memref<10000x64xf32, #tpu.memory_space<hbm>>
      %dma_start3A_565 = arith.constant 0 : i32
      %dma_start3A_566 = arith.constant 0 : i32
      %dma_start3A_567 = tpu.memref_slice %dma_start3A_564[%dma_start3A_565, %dma_start3A_566] : memref<10000x64xf32, #tpu.memory_space<hbm>> -> memref<10000x64xf32, #tpu.memory_space<hbm>>
      tpu.enqueue_indirect_dma source(%dma_start3A_567 : memref<10000x64xf32, #tpu.memory_space<hbm>>) target(%arg12 : memref<80x64xf32, #tpu.memory_space<vmem>>) offsets(%dma_start3A_560 : memref<80xi32, #tpu.memory_space<vmem>>) semaphore(%arg17 : memref<!tpu.dma_semaphore, #tpu.memory_space<semaphore_mem>>)
      %dma_wait3A_568 = arith.constant 13 : i32
      %dma_wait3A_569 = arith.constant 0 : i32
      %dma_wait3A_570 = tpu.memref_slice %arg10[%dma_wait3A_568, %dma_wait3A_569] : memref<25x80xi32, #tpu.memory_space<vmem>> -> memref<1x80xi32, #tpu.memory_space<vmem>>
      %dma_wait3A_571 = tpu.memref_squeeze %dma_wait3A_570 : memref<1x80xi32, #tpu.memory_space<vmem>> -> memref<80xi32, #tpu.memory_space<vmem>>
      %dma_wait3A_572 = arith.constant 0 : i32
      %dma_wait3A_573 = arith.constant 0 : i32
      %dma_wait3A_574 = tpu.memref_slice %arg2[%arg0, %dma_wait3A_572, %dma_wait3A_573] : memref<2x10000x64xf32, #tpu.memory_space<hbm>> -> memref<1x10000x64xf32, #tpu.memory_space<hbm>>
      %dma_wait3A_575 = tpu.memref_squeeze %dma_wait3A_574 : memref<1x10000x64xf32, #tpu.memory_space<hbm>> -> memref<10000x64xf32, #tpu.memory_space<hbm>>
      %dma_wait3A_576 = arith.constant 0 : i32
      %dma_wait3A_577 = arith.constant 0 : i32
      %dma_wait3A_578 = tpu.memref_slice %dma_wait3A_575[%dma_wait3A_576, %dma_wait3A_577] : memref<10000x64xf32, #tpu.memory_space<hbm>> -> memref<10000x64xf32, #tpu.memory_space<hbm>>
      tpu.wait_indirect_dma semaphore(%arg18 : memref<!tpu.dma_semaphore, #tpu.memory_space<semaphore_mem>>) src(%dma_wait3A_578 : memref<10000x64xf32, #tpu.memory_space<hbm>>) dst(%arg13 : memref<80x64xf32, #tpu.memory_space<vmem>>)
      %dma_start3A_579 = arith.constant 13 : i32
      %dma_start3A_580 = arith.constant 0 : i32
      %dma_start3A_581 = tpu.memref_slice %arg11[%dma_start3A_579, %dma_start3A_580] : memref<25x80xi32, #tpu.memory_space<vmem>> -> memref<1x80xi32, #tpu.memory_space<vmem>>
      %dma_start3A_582 = tpu.memref_squeeze %dma_start3A_581 : memref<1x80xi32, #tpu.memory_space<vmem>> -> memref<80xi32, #tpu.memory_space<vmem>>
      %dma_start3A_583 = arith.constant 0 : i32
      %dma_start3A_584 = arith.constant 0 : i32
      %dma_start3A_585 = tpu.memref_slice %arg6[%dma_start3A_583, %dma_start3A_584] : memref<20480x64xf32, #tpu.memory_space<vmem_shared>> -> memref<20480x64xf32, #tpu.memory_space<vmem_shared>>
      tpu.enqueue_indirect_dma source(%arg13 : memref<80x64xf32, #tpu.memory_space<vmem>>) target(%dma_start3A_585 : memref<20480x64xf32, #tpu.memory_space<vmem_shared>>) offsets(%dma_start3A_582 : memref<80xi32, #tpu.memory_space<vmem>>) semaphore(%arg22 : memref<!tpu.dma_semaphore, #tpu.memory_space<semaphore_mem>>) {add = true}
      %dma_wait3A_586 = arith.constant 13 : i32
      %dma_wait3A_587 = arith.constant 0 : i32
      %dma_wait3A_588 = tpu.memref_slice %arg11[%dma_wait3A_586, %dma_wait3A_587] : memref<25x80xi32, #tpu.memory_space<vmem>> -> memref<1x80xi32, #tpu.memory_space<vmem>>
      %dma_wait3A_589 = tpu.memref_squeeze %dma_wait3A_588 : memref<1x80xi32, #tpu.memory_space<vmem>> -> memref<80xi32, #tpu.memory_space<vmem>>
      %dma_wait3A_590 = arith.constant 0 : i32
      %dma_wait3A_591 = arith.constant 0 : i32
      %dma_wait3A_592 = tpu.memref_slice %arg6[%dma_wait3A_590, %dma_wait3A_591] : memref<20480x64xf32, #tpu.memory_space<vmem_shared>> -> memref<20480x64xf32, #tpu.memory_space<vmem_shared>>
      tpu.wait_indirect_dma semaphore(%arg22 : memref<!tpu.dma_semaphore, #tpu.memory_space<semaphore_mem>>) src(%arg13 : memref<80x64xf32, #tpu.memory_space<vmem>>) dst(%dma_wait3A_592 : memref<20480x64xf32, #tpu.memory_space<vmem_shared>>)
      %dma_start3A_593 = arith.constant 17 : i32
      %dma_start3A_594 = arith.constant 0 : i32
      %dma_start3A_595 = tpu.memref_slice %arg10[%dma_start3A_593, %dma_start3A_594] : memref<25x80xi32, #tpu.memory_space<vmem>> -> memref<1x80xi32, #tpu.memory_space<vmem>>
      %dma_start3A_596 = tpu.memref_squeeze %dma_start3A_595 : memref<1x80xi32, #tpu.memory_space<vmem>> -> memref<80xi32, #tpu.memory_space<vmem>>
      %dma_start3A_597 = arith.constant 0 : i32
      %dma_start3A_598 = arith.constant 0 : i32
      %dma_start3A_599 = tpu.memref_slice %arg2[%arg0, %dma_start3A_597, %dma_start3A_598] : memref<2x10000x64xf32, #tpu.memory_space<hbm>> -> memref<1x10000x64xf32, #tpu.memory_space<hbm>>
      %dma_start3A_600 = tpu.memref_squeeze %dma_start3A_599 : memref<1x10000x64xf32, #tpu.memory_space<hbm>> -> memref<10000x64xf32, #tpu.memory_space<hbm>>
      %dma_start3A_601 = arith.constant 0 : i32
      %dma_start3A_602 = arith.constant 0 : i32
      %dma_start3A_603 = tpu.memref_slice %dma_start3A_600[%dma_start3A_601, %dma_start3A_602] : memref<10000x64xf32, #tpu.memory_space<hbm>> -> memref<10000x64xf32, #tpu.memory_space<hbm>>
      tpu.enqueue_indirect_dma source(%dma_start3A_603 : memref<10000x64xf32, #tpu.memory_space<hbm>>) target(%arg13 : memref<80x64xf32, #tpu.memory_space<vmem>>) offsets(%dma_start3A_596 : memref<80xi32, #tpu.memory_space<vmem>>) semaphore(%arg18 : memref<!tpu.dma_semaphore, #tpu.memory_space<semaphore_mem>>)
      %dma_wait3A_604 = arith.constant 14 : i32
      %dma_wait3A_605 = arith.constant 0 : i32
      %dma_wait3A_606 = tpu.memref_slice %arg10[%dma_wait3A_604, %dma_wait3A_605] : memref<25x80xi32, #tpu.memory_space<vmem>> -> memref<1x80xi32, #tpu.memory_space<vmem>>
      %dma_wait3A_607 = tpu.memref_squeeze %dma_wait3A_606 : memref<1x80xi32, #tpu.memory_space<vmem>> -> memref<80xi32, #tpu.memory_space<vmem>>
      %dma_wait3A_608 = arith.constant 0 : i32
      %dma_wait3A_609 = arith.constant 0 : i32
      %dma_wait3A_610 = tpu.memref_slice %arg2[%arg0, %dma_wait3A_608, %dma_wait3A_609] : memref<2x10000x64xf32, #tpu.memory_space<hbm>> -> memref<1x10000x64xf32, #tpu.memory_space<hbm>>
      %dma_wait3A_611 = tpu.memref_squeeze %dma_wait3A_610 : memref<1x10000x64xf32, #tpu.memory_space<hbm>> -> memref<10000x64xf32, #tpu.memory_space<hbm>>
      %dma_wait3A_612 = arith.constant 0 : i32
      %dma_wait3A_613 = arith.constant 0 : i32
      %dma_wait3A_614 = tpu.memref_slice %dma_wait3A_611[%dma_wait3A_612, %dma_wait3A_613] : memref<10000x64xf32, #tpu.memory_space<hbm>> -> memref<10000x64xf32, #tpu.memory_space<hbm>>
      tpu.wait_indirect_dma semaphore(%arg19 : memref<!tpu.dma_semaphore, #tpu.memory_space<semaphore_mem>>) src(%dma_wait3A_614 : memref<10000x64xf32, #tpu.memory_space<hbm>>) dst(%arg14 : memref<80x64xf32, #tpu.memory_space<vmem>>)
      %dma_start3A_615 = arith.constant 14 : i32
      %dma_start3A_616 = arith.constant 0 : i32
      %dma_start3A_617 = tpu.memref_slice %arg11[%dma_start3A_615, %dma_start3A_616] : memref<25x80xi32, #tpu.memory_space<vmem>> -> memref<1x80xi32, #tpu.memory_space<vmem>>
      %dma_start3A_618 = tpu.memref_squeeze %dma_start3A_617 : memref<1x80xi32, #tpu.memory_space<vmem>> -> memref<80xi32, #tpu.memory_space<vmem>>
      %dma_start3A_619 = arith.constant 0 : i32
      %dma_start3A_620 = arith.constant 0 : i32
      %dma_start3A_621 = tpu.memref_slice %arg6[%dma_start3A_619, %dma_start3A_620] : memref<20480x64xf32, #tpu.memory_space<vmem_shared>> -> memref<20480x64xf32, #tpu.memory_space<vmem_shared>>
      tpu.enqueue_indirect_dma source(%arg14 : memref<80x64xf32, #tpu.memory_space<vmem>>) target(%dma_start3A_621 : memref<20480x64xf32, #tpu.memory_space<vmem_shared>>) offsets(%dma_start3A_618 : memref<80xi32, #tpu.memory_space<vmem>>) semaphore(%arg23 : memref<!tpu.dma_semaphore, #tpu.memory_space<semaphore_mem>>) {add = true}
      %dma_wait3A_622 = arith.constant 14 : i32
      %dma_wait3A_623 = arith.constant 0 : i32
      %dma_wait3A_624 = tpu.memref_slice %arg11[%dma_wait3A_622, %dma_wait3A_623] : memref<25x80xi32, #tpu.memory_space<vmem>> -> memref<1x80xi32, #tpu.memory_space<vmem>>
      %dma_wait3A_625 = tpu.memref_squeeze %dma_wait3A_624 : memref<1x80xi32, #tpu.memory_space<vmem>> -> memref<80xi32, #tpu.memory_space<vmem>>
      %dma_wait3A_626 = arith.constant 0 : i32
      %dma_wait3A_627 = arith.constant 0 : i32
      %dma_wait3A_628 = tpu.memref_slice %arg6[%dma_wait3A_626, %dma_wait3A_627] : memref<20480x64xf32, #tpu.memory_space<vmem_shared>> -> memref<20480x64xf32, #tpu.memory_space<vmem_shared>>
      tpu.wait_indirect_dma semaphore(%arg23 : memref<!tpu.dma_semaphore, #tpu.memory_space<semaphore_mem>>) src(%arg14 : memref<80x64xf32, #tpu.memory_space<vmem>>) dst(%dma_wait3A_628 : memref<20480x64xf32, #tpu.memory_space<vmem_shared>>)
      %dma_start3A_629 = arith.constant 18 : i32
      %dma_start3A_630 = arith.constant 0 : i32
      %dma_start3A_631 = tpu.memref_slice %arg10[%dma_start3A_629, %dma_start3A_630] : memref<25x80xi32, #tpu.memory_space<vmem>> -> memref<1x80xi32, #tpu.memory_space<vmem>>
      %dma_start3A_632 = tpu.memref_squeeze %dma_start3A_631 : memref<1x80xi32, #tpu.memory_space<vmem>> -> memref<80xi32, #tpu.memory_space<vmem>>
      %dma_start3A_633 = arith.constant 0 : i32
      %dma_start3A_634 = arith.constant 0 : i32
      %dma_start3A_635 = tpu.memref_slice %arg2[%arg0, %dma_start3A_633, %dma_start3A_634] : memref<2x10000x64xf32, #tpu.memory_space<hbm>> -> memref<1x10000x64xf32, #tpu.memory_space<hbm>>
      %dma_start3A_636 = tpu.memref_squeeze %dma_start3A_635 : memref<1x10000x64xf32, #tpu.memory_space<hbm>> -> memref<10000x64xf32, #tpu.memory_space<hbm>>
      %dma_start3A_637 = arith.constant 0 : i32
      %dma_start3A_638 = arith.constant 0 : i32
      %dma_start3A_639 = tpu.memref_slice %dma_start3A_636[%dma_start3A_637, %dma_start3A_638] : memref<10000x64xf32, #tpu.memory_space<hbm>> -> memref<10000x64xf32, #tpu.memory_space<hbm>>
      tpu.enqueue_indirect_dma source(%dma_start3A_639 : memref<10000x64xf32, #tpu.memory_space<hbm>>) target(%arg14 : memref<80x64xf32, #tpu.memory_space<vmem>>) offsets(%dma_start3A_632 : memref<80xi32, #tpu.memory_space<vmem>>) semaphore(%arg19 : memref<!tpu.dma_semaphore, #tpu.memory_space<semaphore_mem>>)
      %dma_wait3A_640 = arith.constant 15 : i32
      %dma_wait3A_641 = arith.constant 0 : i32
      %dma_wait3A_642 = tpu.memref_slice %arg10[%dma_wait3A_640, %dma_wait3A_641] : memref<25x80xi32, #tpu.memory_space<vmem>> -> memref<1x80xi32, #tpu.memory_space<vmem>>
      %dma_wait3A_643 = tpu.memref_squeeze %dma_wait3A_642 : memref<1x80xi32, #tpu.memory_space<vmem>> -> memref<80xi32, #tpu.memory_space<vmem>>
      %dma_wait3A_644 = arith.constant 0 : i32
      %dma_wait3A_645 = arith.constant 0 : i32
      %dma_wait3A_646 = tpu.memref_slice %arg2[%arg0, %dma_wait3A_644, %dma_wait3A_645] : memref<2x10000x64xf32, #tpu.memory_space<hbm>> -> memref<1x10000x64xf32, #tpu.memory_space<hbm>>
      %dma_wait3A_647 = tpu.memref_squeeze %dma_wait3A_646 : memref<1x10000x64xf32, #tpu.memory_space<hbm>> -> memref<10000x64xf32, #tpu.memory_space<hbm>>
      %dma_wait3A_648 = arith.constant 0 : i32
      %dma_wait3A_649 = arith.constant 0 : i32
      %dma_wait3A_650 = tpu.memref_slice %dma_wait3A_647[%dma_wait3A_648, %dma_wait3A_649] : memref<10000x64xf32, #tpu.memory_space<hbm>> -> memref<10000x64xf32, #tpu.memory_space<hbm>>
      tpu.wait_indirect_dma semaphore(%arg20 : memref<!tpu.dma_semaphore, #tpu.memory_space<semaphore_mem>>) src(%dma_wait3A_650 : memref<10000x64xf32, #tpu.memory_space<hbm>>) dst(%arg15 : memref<80x64xf32, #tpu.memory_space<vmem>>)
      %dma_start3A_651 = arith.constant 15 : i32
      %dma_start3A_652 = arith.constant 0 : i32
      %dma_start3A_653 = tpu.memref_slice %arg11[%dma_start3A_651, %dma_start3A_652] : memref<25x80xi32, #tpu.memory_space<vmem>> -> memref<1x80xi32, #tpu.memory_space<vmem>>
      %dma_start3A_654 = tpu.memref_squeeze %dma_start3A_653 : memref<1x80xi32, #tpu.memory_space<vmem>> -> memref<80xi32, #tpu.memory_space<vmem>>
      %dma_start3A_655 = arith.constant 0 : i32
      %dma_start3A_656 = arith.constant 0 : i32
      %dma_start3A_657 = tpu.memref_slice %arg6[%dma_start3A_655, %dma_start3A_656] : memref<20480x64xf32, #tpu.memory_space<vmem_shared>> -> memref<20480x64xf32, #tpu.memory_space<vmem_shared>>
      tpu.enqueue_indirect_dma source(%arg15 : memref<80x64xf32, #tpu.memory_space<vmem>>) target(%dma_start3A_657 : memref<20480x64xf32, #tpu.memory_space<vmem_shared>>) offsets(%dma_start3A_654 : memref<80xi32, #tpu.memory_space<vmem>>) semaphore(%arg24 : memref<!tpu.dma_semaphore, #tpu.memory_space<semaphore_mem>>) {add = true}
      %dma_wait3A_658 = arith.constant 15 : i32
      %dma_wait3A_659 = arith.constant 0 : i32
      %dma_wait3A_660 = tpu.memref_slice %arg11[%dma_wait3A_658, %dma_wait3A_659] : memref<25x80xi32, #tpu.memory_space<vmem>> -> memref<1x80xi32, #tpu.memory_space<vmem>>
      %dma_wait3A_661 = tpu.memref_squeeze %dma_wait3A_660 : memref<1x80xi32, #tpu.memory_space<vmem>> -> memref<80xi32, #tpu.memory_space<vmem>>
      %dma_wait3A_662 = arith.constant 0 : i32
      %dma_wait3A_663 = arith.constant 0 : i32
      %dma_wait3A_664 = tpu.memref_slice %arg6[%dma_wait3A_662, %dma_wait3A_663] : memref<20480x64xf32, #tpu.memory_space<vmem_shared>> -> memref<20480x64xf32, #tpu.memory_space<vmem_shared>>
      tpu.wait_indirect_dma semaphore(%arg24 : memref<!tpu.dma_semaphore, #tpu.memory_space<semaphore_mem>>) src(%arg15 : memref<80x64xf32, #tpu.memory_space<vmem>>) dst(%dma_wait3A_664 : memref<20480x64xf32, #tpu.memory_space<vmem_shared>>)
      %dma_start3A_665 = arith.constant 19 : i32
      %dma_start3A_666 = arith.constant 0 : i32
      %dma_start3A_667 = tpu.memref_slice %arg10[%dma_start3A_665, %dma_start3A_666] : memref<25x80xi32, #tpu.memory_space<vmem>> -> memref<1x80xi32, #tpu.memory_space<vmem>>
      %dma_start3A_668 = tpu.memref_squeeze %dma_start3A_667 : memref<1x80xi32, #tpu.memory_space<vmem>> -> memref<80xi32, #tpu.memory_space<vmem>>
      %dma_start3A_669 = arith.constant 0 : i32
      %dma_start3A_670 = arith.constant 0 : i32
      %dma_start3A_671 = tpu.memref_slice %arg2[%arg0, %dma_start3A_669, %dma_start3A_670] : memref<2x10000x64xf32, #tpu.memory_space<hbm>> -> memref<1x10000x64xf32, #tpu.memory_space<hbm>>
      %dma_start3A_672 = tpu.memref_squeeze %dma_start3A_671 : memref<1x10000x64xf32, #tpu.memory_space<hbm>> -> memref<10000x64xf32, #tpu.memory_space<hbm>>
      %dma_start3A_673 = arith.constant 0 : i32
      %dma_start3A_674 = arith.constant 0 : i32
      %dma_start3A_675 = tpu.memref_slice %dma_start3A_672[%dma_start3A_673, %dma_start3A_674] : memref<10000x64xf32, #tpu.memory_space<hbm>> -> memref<10000x64xf32, #tpu.memory_space<hbm>>
      tpu.enqueue_indirect_dma source(%dma_start3A_675 : memref<10000x64xf32, #tpu.memory_space<hbm>>) target(%arg15 : memref<80x64xf32, #tpu.memory_space<vmem>>) offsets(%dma_start3A_668 : memref<80xi32, #tpu.memory_space<vmem>>) semaphore(%arg20 : memref<!tpu.dma_semaphore, #tpu.memory_space<semaphore_mem>>)
      %dma_wait3A_676 = arith.constant 16 : i32
      %dma_wait3A_677 = arith.constant 0 : i32
      %dma_wait3A_678 = tpu.memref_slice %arg10[%dma_wait3A_676, %dma_wait3A_677] : memref<25x80xi32, #tpu.memory_space<vmem>> -> memref<1x80xi32, #tpu.memory_space<vmem>>
      %dma_wait3A_679 = tpu.memref_squeeze %dma_wait3A_678 : memref<1x80xi32, #tpu.memory_space<vmem>> -> memref<80xi32, #tpu.memory_space<vmem>>
      %dma_wait3A_680 = arith.constant 0 : i32
      %dma_wait3A_681 = arith.constant 0 : i32
      %dma_wait3A_682 = tpu.memref_slice %arg2[%arg0, %dma_wait3A_680, %dma_wait3A_681] : memref<2x10000x64xf32, #tpu.memory_space<hbm>> -> memref<1x10000x64xf32, #tpu.memory_space<hbm>>
      %dma_wait3A_683 = tpu.memref_squeeze %dma_wait3A_682 : memref<1x10000x64xf32, #tpu.memory_space<hbm>> -> memref<10000x64xf32, #tpu.memory_space<hbm>>
      %dma_wait3A_684 = arith.constant 0 : i32
      %dma_wait3A_685 = arith.constant 0 : i32
      %dma_wait3A_686 = tpu.memref_slice %dma_wait3A_683[%dma_wait3A_684, %dma_wait3A_685] : memref<10000x64xf32, #tpu.memory_space<hbm>> -> memref<10000x64xf32, #tpu.memory_space<hbm>>
      tpu.wait_indirect_dma semaphore(%arg17 : memref<!tpu.dma_semaphore, #tpu.memory_space<semaphore_mem>>) src(%dma_wait3A_686 : memref<10000x64xf32, #tpu.memory_space<hbm>>) dst(%arg12 : memref<80x64xf32, #tpu.memory_space<vmem>>)
      %dma_start3A_687 = arith.constant 16 : i32
      %dma_start3A_688 = arith.constant 0 : i32
      %dma_start3A_689 = tpu.memref_slice %arg11[%dma_start3A_687, %dma_start3A_688] : memref<25x80xi32, #tpu.memory_space<vmem>> -> memref<1x80xi32, #tpu.memory_space<vmem>>
      %dma_start3A_690 = tpu.memref_squeeze %dma_start3A_689 : memref<1x80xi32, #tpu.memory_space<vmem>> -> memref<80xi32, #tpu.memory_space<vmem>>
      %dma_start3A_691 = arith.constant 0 : i32
      %dma_start3A_692 = arith.constant 0 : i32
      %dma_start3A_693 = tpu.memref_slice %arg6[%dma_start3A_691, %dma_start3A_692] : memref<20480x64xf32, #tpu.memory_space<vmem_shared>> -> memref<20480x64xf32, #tpu.memory_space<vmem_shared>>
      tpu.enqueue_indirect_dma source(%arg12 : memref<80x64xf32, #tpu.memory_space<vmem>>) target(%dma_start3A_693 : memref<20480x64xf32, #tpu.memory_space<vmem_shared>>) offsets(%dma_start3A_690 : memref<80xi32, #tpu.memory_space<vmem>>) semaphore(%arg21 : memref<!tpu.dma_semaphore, #tpu.memory_space<semaphore_mem>>) {add = true}
      %dma_wait3A_694 = arith.constant 16 : i32
      %dma_wait3A_695 = arith.constant 0 : i32
      %dma_wait3A_696 = tpu.memref_slice %arg11[%dma_wait3A_694, %dma_wait3A_695] : memref<25x80xi32, #tpu.memory_space<vmem>> -> memref<1x80xi32, #tpu.memory_space<vmem>>
      %dma_wait3A_697 = tpu.memref_squeeze %dma_wait3A_696 : memref<1x80xi32, #tpu.memory_space<vmem>> -> memref<80xi32, #tpu.memory_space<vmem>>
      %dma_wait3A_698 = arith.constant 0 : i32
      %dma_wait3A_699 = arith.constant 0 : i32
      %dma_wait3A_700 = tpu.memref_slice %arg6[%dma_wait3A_698, %dma_wait3A_699] : memref<20480x64xf32, #tpu.memory_space<vmem_shared>> -> memref<20480x64xf32, #tpu.memory_space<vmem_shared>>
      tpu.wait_indirect_dma semaphore(%arg21 : memref<!tpu.dma_semaphore, #tpu.memory_space<semaphore_mem>>) src(%arg12 : memref<80x64xf32, #tpu.memory_space<vmem>>) dst(%dma_wait3A_700 : memref<20480x64xf32, #tpu.memory_space<vmem_shared>>)
      %dma_start3A_701 = arith.constant 20 : i32
      %dma_start3A_702 = arith.constant 0 : i32
      %dma_start3A_703 = tpu.memref_slice %arg10[%dma_start3A_701, %dma_start3A_702] : memref<25x80xi32, #tpu.memory_space<vmem>> -> memref<1x80xi32, #tpu.memory_space<vmem>>
      %dma_start3A_704 = tpu.memref_squeeze %dma_start3A_703 : memref<1x80xi32, #tpu.memory_space<vmem>> -> memref<80xi32, #tpu.memory_space<vmem>>
      %dma_start3A_705 = arith.constant 0 : i32
      %dma_start3A_706 = arith.constant 0 : i32
      %dma_start3A_707 = tpu.memref_slice %arg2[%arg0, %dma_start3A_705, %dma_start3A_706] : memref<2x10000x64xf32, #tpu.memory_space<hbm>> -> memref<1x10000x64xf32, #tpu.memory_space<hbm>>
      %dma_start3A_708 = tpu.memref_squeeze %dma_start3A_707 : memref<1x10000x64xf32, #tpu.memory_space<hbm>> -> memref<10000x64xf32, #tpu.memory_space<hbm>>
      %dma_start3A_709 = arith.constant 0 : i32
      %dma_start3A_710 = arith.constant 0 : i32
      %dma_start3A_711 = tpu.memref_slice %dma_start3A_708[%dma_start3A_709, %dma_start3A_710] : memref<10000x64xf32, #tpu.memory_space<hbm>> -> memref<10000x64xf32, #tpu.memory_space<hbm>>
      tpu.enqueue_indirect_dma source(%dma_start3A_711 : memref<10000x64xf32, #tpu.memory_space<hbm>>) target(%arg12 : memref<80x64xf32, #tpu.memory_space<vmem>>) offsets(%dma_start3A_704 : memref<80xi32, #tpu.memory_space<vmem>>) semaphore(%arg17 : memref<!tpu.dma_semaphore, #tpu.memory_space<semaphore_mem>>)
      %dma_wait3A_712 = arith.constant 17 : i32
      %dma_wait3A_713 = arith.constant 0 : i32
      %dma_wait3A_714 = tpu.memref_slice %arg10[%dma_wait3A_712, %dma_wait3A_713] : memref<25x80xi32, #tpu.memory_space<vmem>> -> memref<1x80xi32, #tpu.memory_space<vmem>>
      %dma_wait3A_715 = tpu.memref_squeeze %dma_wait3A_714 : memref<1x80xi32, #tpu.memory_space<vmem>> -> memref<80xi32, #tpu.memory_space<vmem>>
      %dma_wait3A_716 = arith.constant 0 : i32
      %dma_wait3A_717 = arith.constant 0 : i32
      %dma_wait3A_718 = tpu.memref_slice %arg2[%arg0, %dma_wait3A_716, %dma_wait3A_717] : memref<2x10000x64xf32, #tpu.memory_space<hbm>> -> memref<1x10000x64xf32, #tpu.memory_space<hbm>>
      %dma_wait3A_719 = tpu.memref_squeeze %dma_wait3A_718 : memref<1x10000x64xf32, #tpu.memory_space<hbm>> -> memref<10000x64xf32, #tpu.memory_space<hbm>>
      %dma_wait3A_720 = arith.constant 0 : i32
      %dma_wait3A_721 = arith.constant 0 : i32
      %dma_wait3A_722 = tpu.memref_slice %dma_wait3A_719[%dma_wait3A_720, %dma_wait3A_721] : memref<10000x64xf32, #tpu.memory_space<hbm>> -> memref<10000x64xf32, #tpu.memory_space<hbm>>
      tpu.wait_indirect_dma semaphore(%arg18 : memref<!tpu.dma_semaphore, #tpu.memory_space<semaphore_mem>>) src(%dma_wait3A_722 : memref<10000x64xf32, #tpu.memory_space<hbm>>) dst(%arg13 : memref<80x64xf32, #tpu.memory_space<vmem>>)
      %dma_start3A_723 = arith.constant 17 : i32
      %dma_start3A_724 = arith.constant 0 : i32
      %dma_start3A_725 = tpu.memref_slice %arg11[%dma_start3A_723, %dma_start3A_724] : memref<25x80xi32, #tpu.memory_space<vmem>> -> memref<1x80xi32, #tpu.memory_space<vmem>>
      %dma_start3A_726 = tpu.memref_squeeze %dma_start3A_725 : memref<1x80xi32, #tpu.memory_space<vmem>> -> memref<80xi32, #tpu.memory_space<vmem>>
      %dma_start3A_727 = arith.constant 0 : i32
      %dma_start3A_728 = arith.constant 0 : i32
      %dma_start3A_729 = tpu.memref_slice %arg6[%dma_start3A_727, %dma_start3A_728] : memref<20480x64xf32, #tpu.memory_space<vmem_shared>> -> memref<20480x64xf32, #tpu.memory_space<vmem_shared>>
      tpu.enqueue_indirect_dma source(%arg13 : memref<80x64xf32, #tpu.memory_space<vmem>>) target(%dma_start3A_729 : memref<20480x64xf32, #tpu.memory_space<vmem_shared>>) offsets(%dma_start3A_726 : memref<80xi32, #tpu.memory_space<vmem>>) semaphore(%arg22 : memref<!tpu.dma_semaphore, #tpu.memory_space<semaphore_mem>>) {add = true}
      %dma_wait3A_730 = arith.constant 17 : i32
      %dma_wait3A_731 = arith.constant 0 : i32
      %dma_wait3A_732 = tpu.memref_slice %arg11[%dma_wait3A_730, %dma_wait3A_731] : memref<25x80xi32, #tpu.memory_space<vmem>> -> memref<1x80xi32, #tpu.memory_space<vmem>>
      %dma_wait3A_733 = tpu.memref_squeeze %dma_wait3A_732 : memref<1x80xi32, #tpu.memory_space<vmem>> -> memref<80xi32, #tpu.memory_space<vmem>>
      %dma_wait3A_734 = arith.constant 0 : i32
      %dma_wait3A_735 = arith.constant 0 : i32
      %dma_wait3A_736 = tpu.memref_slice %arg6[%dma_wait3A_734, %dma_wait3A_735] : memref<20480x64xf32, #tpu.memory_space<vmem_shared>> -> memref<20480x64xf32, #tpu.memory_space<vmem_shared>>
      tpu.wait_indirect_dma semaphore(%arg22 : memref<!tpu.dma_semaphore, #tpu.memory_space<semaphore_mem>>) src(%arg13 : memref<80x64xf32, #tpu.memory_space<vmem>>) dst(%dma_wait3A_736 : memref<20480x64xf32, #tpu.memory_space<vmem_shared>>)
      %dma_start3A_737 = arith.constant 21 : i32
      %dma_start3A_738 = arith.constant 0 : i32
      %dma_start3A_739 = tpu.memref_slice %arg10[%dma_start3A_737, %dma_start3A_738] : memref<25x80xi32, #tpu.memory_space<vmem>> -> memref<1x80xi32, #tpu.memory_space<vmem>>
      %dma_start3A_740 = tpu.memref_squeeze %dma_start3A_739 : memref<1x80xi32, #tpu.memory_space<vmem>> -> memref<80xi32, #tpu.memory_space<vmem>>
      %dma_start3A_741 = arith.constant 0 : i32
      %dma_start3A_742 = arith.constant 0 : i32
      %dma_start3A_743 = tpu.memref_slice %arg2[%arg0, %dma_start3A_741, %dma_start3A_742] : memref<2x10000x64xf32, #tpu.memory_space<hbm>> -> memref<1x10000x64xf32, #tpu.memory_space<hbm>>
      %dma_start3A_744 = tpu.memref_squeeze %dma_start3A_743 : memref<1x10000x64xf32, #tpu.memory_space<hbm>> -> memref<10000x64xf32, #tpu.memory_space<hbm>>
      %dma_start3A_745 = arith.constant 0 : i32
      %dma_start3A_746 = arith.constant 0 : i32
      %dma_start3A_747 = tpu.memref_slice %dma_start3A_744[%dma_start3A_745, %dma_start3A_746] : memref<10000x64xf32, #tpu.memory_space<hbm>> -> memref<10000x64xf32, #tpu.memory_space<hbm>>
      tpu.enqueue_indirect_dma source(%dma_start3A_747 : memref<10000x64xf32, #tpu.memory_space<hbm>>) target(%arg13 : memref<80x64xf32, #tpu.memory_space<vmem>>) offsets(%dma_start3A_740 : memref<80xi32, #tpu.memory_space<vmem>>) semaphore(%arg18 : memref<!tpu.dma_semaphore, #tpu.memory_space<semaphore_mem>>)
      %dma_wait3A_748 = arith.constant 18 : i32
      %dma_wait3A_749 = arith.constant 0 : i32
      %dma_wait3A_750 = tpu.memref_slice %arg10[%dma_wait3A_748, %dma_wait3A_749] : memref<25x80xi32, #tpu.memory_space<vmem>> -> memref<1x80xi32, #tpu.memory_space<vmem>>
      %dma_wait3A_751 = tpu.memref_squeeze %dma_wait3A_750 : memref<1x80xi32, #tpu.memory_space<vmem>> -> memref<80xi32, #tpu.memory_space<vmem>>
      %dma_wait3A_752 = arith.constant 0 : i32
      %dma_wait3A_753 = arith.constant 0 : i32
      %dma_wait3A_754 = tpu.memref_slice %arg2[%arg0, %dma_wait3A_752, %dma_wait3A_753] : memref<2x10000x64xf32, #tpu.memory_space<hbm>> -> memref<1x10000x64xf32, #tpu.memory_space<hbm>>
      %dma_wait3A_755 = tpu.memref_squeeze %dma_wait3A_754 : memref<1x10000x64xf32, #tpu.memory_space<hbm>> -> memref<10000x64xf32, #tpu.memory_space<hbm>>
      %dma_wait3A_756 = arith.constant 0 : i32
      %dma_wait3A_757 = arith.constant 0 : i32
      %dma_wait3A_758 = tpu.memref_slice %dma_wait3A_755[%dma_wait3A_756, %dma_wait3A_757] : memref<10000x64xf32, #tpu.memory_space<hbm>> -> memref<10000x64xf32, #tpu.memory_space<hbm>>
      tpu.wait_indirect_dma semaphore(%arg19 : memref<!tpu.dma_semaphore, #tpu.memory_space<semaphore_mem>>) src(%dma_wait3A_758 : memref<10000x64xf32, #tpu.memory_space<hbm>>) dst(%arg14 : memref<80x64xf32, #tpu.memory_space<vmem>>)
      %dma_start3A_759 = arith.constant 18 : i32
      %dma_start3A_760 = arith.constant 0 : i32
      %dma_start3A_761 = tpu.memref_slice %arg11[%dma_start3A_759, %dma_start3A_760] : memref<25x80xi32, #tpu.memory_space<vmem>> -> memref<1x80xi32, #tpu.memory_space<vmem>>
      %dma_start3A_762 = tpu.memref_squeeze %dma_start3A_761 : memref<1x80xi32, #tpu.memory_space<vmem>> -> memref<80xi32, #tpu.memory_space<vmem>>
      %dma_start3A_763 = arith.constant 0 : i32
      %dma_start3A_764 = arith.constant 0 : i32
      %dma_start3A_765 = tpu.memref_slice %arg6[%dma_start3A_763, %dma_start3A_764] : memref<20480x64xf32, #tpu.memory_space<vmem_shared>> -> memref<20480x64xf32, #tpu.memory_space<vmem_shared>>
      tpu.enqueue_indirect_dma source(%arg14 : memref<80x64xf32, #tpu.memory_space<vmem>>) target(%dma_start3A_765 : memref<20480x64xf32, #tpu.memory_space<vmem_shared>>) offsets(%dma_start3A_762 : memref<80xi32, #tpu.memory_space<vmem>>) semaphore(%arg23 : memref<!tpu.dma_semaphore, #tpu.memory_space<semaphore_mem>>) {add = true}
      %dma_wait3A_766 = arith.constant 18 : i32
      %dma_wait3A_767 = arith.constant 0 : i32
      %dma_wait3A_768 = tpu.memref_slice %arg11[%dma_wait3A_766, %dma_wait3A_767] : memref<25x80xi32, #tpu.memory_space<vmem>> -> memref<1x80xi32, #tpu.memory_space<vmem>>
      %dma_wait3A_769 = tpu.memref_squeeze %dma_wait3A_768 : memref<1x80xi32, #tpu.memory_space<vmem>> -> memref<80xi32, #tpu.memory_space<vmem>>
      %dma_wait3A_770 = arith.constant 0 : i32
      %dma_wait3A_771 = arith.constant 0 : i32
      %dma_wait3A_772 = tpu.memref_slice %arg6[%dma_wait3A_770, %dma_wait3A_771] : memref<20480x64xf32, #tpu.memory_space<vmem_shared>> -> memref<20480x64xf32, #tpu.memory_space<vmem_shared>>
      tpu.wait_indirect_dma semaphore(%arg23 : memref<!tpu.dma_semaphore, #tpu.memory_space<semaphore_mem>>) src(%arg14 : memref<80x64xf32, #tpu.memory_space<vmem>>) dst(%dma_wait3A_772 : memref<20480x64xf32, #tpu.memory_space<vmem_shared>>)
      %dma_start3A_773 = arith.constant 22 : i32
      %dma_start3A_774 = arith.constant 0 : i32
      %dma_start3A_775 = tpu.memref_slice %arg10[%dma_start3A_773, %dma_start3A_774] : memref<25x80xi32, #tpu.memory_space<vmem>> -> memref<1x80xi32, #tpu.memory_space<vmem>>
      %dma_start3A_776 = tpu.memref_squeeze %dma_start3A_775 : memref<1x80xi32, #tpu.memory_space<vmem>> -> memref<80xi32, #tpu.memory_space<vmem>>
      %dma_start3A_777 = arith.constant 0 : i32
      %dma_start3A_778 = arith.constant 0 : i32
      %dma_start3A_779 = tpu.memref_slice %arg2[%arg0, %dma_start3A_777, %dma_start3A_778] : memref<2x10000x64xf32, #tpu.memory_space<hbm>> -> memref<1x10000x64xf32, #tpu.memory_space<hbm>>
      %dma_start3A_780 = tpu.memref_squeeze %dma_start3A_779 : memref<1x10000x64xf32, #tpu.memory_space<hbm>> -> memref<10000x64xf32, #tpu.memory_space<hbm>>
      %dma_start3A_781 = arith.constant 0 : i32
      %dma_start3A_782 = arith.constant 0 : i32
      %dma_start3A_783 = tpu.memref_slice %dma_start3A_780[%dma_start3A_781, %dma_start3A_782] : memref<10000x64xf32, #tpu.memory_space<hbm>> -> memref<10000x64xf32, #tpu.memory_space<hbm>>
      tpu.enqueue_indirect_dma source(%dma_start3A_783 : memref<10000x64xf32, #tpu.memory_space<hbm>>) target(%arg14 : memref<80x64xf32, #tpu.memory_space<vmem>>) offsets(%dma_start3A_776 : memref<80xi32, #tpu.memory_space<vmem>>) semaphore(%arg19 : memref<!tpu.dma_semaphore, #tpu.memory_space<semaphore_mem>>)
      %dma_wait3A_784 = arith.constant 19 : i32
      %dma_wait3A_785 = arith.constant 0 : i32
      %dma_wait3A_786 = tpu.memref_slice %arg10[%dma_wait3A_784, %dma_wait3A_785] : memref<25x80xi32, #tpu.memory_space<vmem>> -> memref<1x80xi32, #tpu.memory_space<vmem>>
      %dma_wait3A_787 = tpu.memref_squeeze %dma_wait3A_786 : memref<1x80xi32, #tpu.memory_space<vmem>> -> memref<80xi32, #tpu.memory_space<vmem>>
      %dma_wait3A_788 = arith.constant 0 : i32
      %dma_wait3A_789 = arith.constant 0 : i32
      %dma_wait3A_790 = tpu.memref_slice %arg2[%arg0, %dma_wait3A_788, %dma_wait3A_789] : memref<2x10000x64xf32, #tpu.memory_space<hbm>> -> memref<1x10000x64xf32, #tpu.memory_space<hbm>>
      %dma_wait3A_791 = tpu.memref_squeeze %dma_wait3A_790 : memref<1x10000x64xf32, #tpu.memory_space<hbm>> -> memref<10000x64xf32, #tpu.memory_space<hbm>>
      %dma_wait3A_792 = arith.constant 0 : i32
      %dma_wait3A_793 = arith.constant 0 : i32
      %dma_wait3A_794 = tpu.memref_slice %dma_wait3A_791[%dma_wait3A_792, %dma_wait3A_793] : memref<10000x64xf32, #tpu.memory_space<hbm>> -> memref<10000x64xf32, #tpu.memory_space<hbm>>
      tpu.wait_indirect_dma semaphore(%arg20 : memref<!tpu.dma_semaphore, #tpu.memory_space<semaphore_mem>>) src(%dma_wait3A_794 : memref<10000x64xf32, #tpu.memory_space<hbm>>) dst(%arg15 : memref<80x64xf32, #tpu.memory_space<vmem>>)
      %dma_start3A_795 = arith.constant 19 : i32
      %dma_start3A_796 = arith.constant 0 : i32
      %dma_start3A_797 = tpu.memref_slice %arg11[%dma_start3A_795, %dma_start3A_796] : memref<25x80xi32, #tpu.memory_space<vmem>> -> memref<1x80xi32, #tpu.memory_space<vmem>>
      %dma_start3A_798 = tpu.memref_squeeze %dma_start3A_797 : memref<1x80xi32, #tpu.memory_space<vmem>> -> memref<80xi32, #tpu.memory_space<vmem>>
      %dma_start3A_799 = arith.constant 0 : i32
      %dma_start3A_800 = arith.constant 0 : i32
      %dma_start3A_801 = tpu.memref_slice %arg6[%dma_start3A_799, %dma_start3A_800] : memref<20480x64xf32, #tpu.memory_space<vmem_shared>> -> memref<20480x64xf32, #tpu.memory_space<vmem_shared>>
      tpu.enqueue_indirect_dma source(%arg15 : memref<80x64xf32, #tpu.memory_space<vmem>>) target(%dma_start3A_801 : memref<20480x64xf32, #tpu.memory_space<vmem_shared>>) offsets(%dma_start3A_798 : memref<80xi32, #tpu.memory_space<vmem>>) semaphore(%arg24 : memref<!tpu.dma_semaphore, #tpu.memory_space<semaphore_mem>>) {add = true}
      %dma_wait3A_802 = arith.constant 19 : i32
      %dma_wait3A_803 = arith.constant 0 : i32
      %dma_wait3A_804 = tpu.memref_slice %arg11[%dma_wait3A_802, %dma_wait3A_803] : memref<25x80xi32, #tpu.memory_space<vmem>> -> memref<1x80xi32, #tpu.memory_space<vmem>>
      %dma_wait3A_805 = tpu.memref_squeeze %dma_wait3A_804 : memref<1x80xi32, #tpu.memory_space<vmem>> -> memref<80xi32, #tpu.memory_space<vmem>>
      %dma_wait3A_806 = arith.constant 0 : i32
      %dma_wait3A_807 = arith.constant 0 : i32
      %dma_wait3A_808 = tpu.memref_slice %arg6[%dma_wait3A_806, %dma_wait3A_807] : memref<20480x64xf32, #tpu.memory_space<vmem_shared>> -> memref<20480x64xf32, #tpu.memory_space<vmem_shared>>
      tpu.wait_indirect_dma semaphore(%arg24 : memref<!tpu.dma_semaphore, #tpu.memory_space<semaphore_mem>>) src(%arg15 : memref<80x64xf32, #tpu.memory_space<vmem>>) dst(%dma_wait3A_808 : memref<20480x64xf32, #tpu.memory_space<vmem_shared>>)
      %dma_start3A_809 = arith.constant 23 : i32
      %dma_start3A_810 = arith.constant 0 : i32
      %dma_start3A_811 = tpu.memref_slice %arg10[%dma_start3A_809, %dma_start3A_810] : memref<25x80xi32, #tpu.memory_space<vmem>> -> memref<1x80xi32, #tpu.memory_space<vmem>>
      %dma_start3A_812 = tpu.memref_squeeze %dma_start3A_811 : memref<1x80xi32, #tpu.memory_space<vmem>> -> memref<80xi32, #tpu.memory_space<vmem>>
      %dma_start3A_813 = arith.constant 0 : i32
      %dma_start3A_814 = arith.constant 0 : i32
      %dma_start3A_815 = tpu.memref_slice %arg2[%arg0, %dma_start3A_813, %dma_start3A_814] : memref<2x10000x64xf32, #tpu.memory_space<hbm>> -> memref<1x10000x64xf32, #tpu.memory_space<hbm>>
      %dma_start3A_816 = tpu.memref_squeeze %dma_start3A_815 : memref<1x10000x64xf32, #tpu.memory_space<hbm>> -> memref<10000x64xf32, #tpu.memory_space<hbm>>
      %dma_start3A_817 = arith.constant 0 : i32
      %dma_start3A_818 = arith.constant 0 : i32
      %dma_start3A_819 = tpu.memref_slice %dma_start3A_816[%dma_start3A_817, %dma_start3A_818] : memref<10000x64xf32, #tpu.memory_space<hbm>> -> memref<10000x64xf32, #tpu.memory_space<hbm>>
      tpu.enqueue_indirect_dma source(%dma_start3A_819 : memref<10000x64xf32, #tpu.memory_space<hbm>>) target(%arg15 : memref<80x64xf32, #tpu.memory_space<vmem>>) offsets(%dma_start3A_812 : memref<80xi32, #tpu.memory_space<vmem>>) semaphore(%arg20 : memref<!tpu.dma_semaphore, #tpu.memory_space<semaphore_mem>>)
      %dma_wait3A_820 = arith.constant 20 : i32
      %dma_wait3A_821 = arith.constant 0 : i32
      %dma_wait3A_822 = tpu.memref_slice %arg10[%dma_wait3A_820, %dma_wait3A_821] : memref<25x80xi32, #tpu.memory_space<vmem>> -> memref<1x80xi32, #tpu.memory_space<vmem>>
      %dma_wait3A_823 = tpu.memref_squeeze %dma_wait3A_822 : memref<1x80xi32, #tpu.memory_space<vmem>> -> memref<80xi32, #tpu.memory_space<vmem>>
      %dma_wait3A_824 = arith.constant 0 : i32
      %dma_wait3A_825 = arith.constant 0 : i32
      %dma_wait3A_826 = tpu.memref_slice %arg2[%arg0, %dma_wait3A_824, %dma_wait3A_825] : memref<2x10000x64xf32, #tpu.memory_space<hbm>> -> memref<1x10000x64xf32, #tpu.memory_space<hbm>>
      %dma_wait3A_827 = tpu.memref_squeeze %dma_wait3A_826 : memref<1x10000x64xf32, #tpu.memory_space<hbm>> -> memref<10000x64xf32, #tpu.memory_space<hbm>>
      %dma_wait3A_828 = arith.constant 0 : i32
      %dma_wait3A_829 = arith.constant 0 : i32
      %dma_wait3A_830 = tpu.memref_slice %dma_wait3A_827[%dma_wait3A_828, %dma_wait3A_829] : memref<10000x64xf32, #tpu.memory_space<hbm>> -> memref<10000x64xf32, #tpu.memory_space<hbm>>
      tpu.wait_indirect_dma semaphore(%arg17 : memref<!tpu.dma_semaphore, #tpu.memory_space<semaphore_mem>>) src(%dma_wait3A_830 : memref<10000x64xf32, #tpu.memory_space<hbm>>) dst(%arg12 : memref<80x64xf32, #tpu.memory_space<vmem>>)
      %dma_start3A_831 = arith.constant 20 : i32
      %dma_start3A_832 = arith.constant 0 : i32
      %dma_start3A_833 = tpu.memref_slice %arg11[%dma_start3A_831, %dma_start3A_832] : memref<25x80xi32, #tpu.memory_space<vmem>> -> memref<1x80xi32, #tpu.memory_space<vmem>>
      %dma_start3A_834 = tpu.memref_squeeze %dma_start3A_833 : memref<1x80xi32, #tpu.memory_space<vmem>> -> memref<80xi32, #tpu.memory_space<vmem>>
      %dma_start3A_835 = arith.constant 0 : i32
      %dma_start3A_836 = arith.constant 0 : i32
      %dma_start3A_837 = tpu.memref_slice %arg6[%dma_start3A_835, %dma_start3A_836] : memref<20480x64xf32, #tpu.memory_space<vmem_shared>> -> memref<20480x64xf32, #tpu.memory_space<vmem_shared>>
      tpu.enqueue_indirect_dma source(%arg12 : memref<80x64xf32, #tpu.memory_space<vmem>>) target(%dma_start3A_837 : memref<20480x64xf32, #tpu.memory_space<vmem_shared>>) offsets(%dma_start3A_834 : memref<80xi32, #tpu.memory_space<vmem>>) semaphore(%arg21 : memref<!tpu.dma_semaphore, #tpu.memory_space<semaphore_mem>>) {add = true}
      %dma_wait3A_838 = arith.constant 20 : i32
      %dma_wait3A_839 = arith.constant 0 : i32
      %dma_wait3A_840 = tpu.memref_slice %arg11[%dma_wait3A_838, %dma_wait3A_839] : memref<25x80xi32, #tpu.memory_space<vmem>> -> memref<1x80xi32, #tpu.memory_space<vmem>>
      %dma_wait3A_841 = tpu.memref_squeeze %dma_wait3A_840 : memref<1x80xi32, #tpu.memory_space<vmem>> -> memref<80xi32, #tpu.memory_space<vmem>>
      %dma_wait3A_842 = arith.constant 0 : i32
      %dma_wait3A_843 = arith.constant 0 : i32
      %dma_wait3A_844 = tpu.memref_slice %arg6[%dma_wait3A_842, %dma_wait3A_843] : memref<20480x64xf32, #tpu.memory_space<vmem_shared>> -> memref<20480x64xf32, #tpu.memory_space<vmem_shared>>
      tpu.wait_indirect_dma semaphore(%arg21 : memref<!tpu.dma_semaphore, #tpu.memory_space<semaphore_mem>>) src(%arg12 : memref<80x64xf32, #tpu.memory_space<vmem>>) dst(%dma_wait3A_844 : memref<20480x64xf32, #tpu.memory_space<vmem_shared>>)
      %dma_start3A_845 = arith.constant 24 : i32
      %dma_start3A_846 = arith.constant 0 : i32
      %dma_start3A_847 = tpu.memref_slice %arg10[%dma_start3A_845, %dma_start3A_846] : memref<25x80xi32, #tpu.memory_space<vmem>> -> memref<1x80xi32, #tpu.memory_space<vmem>>
      %dma_start3A_848 = tpu.memref_squeeze %dma_start3A_847 : memref<1x80xi32, #tpu.memory_space<vmem>> -> memref<80xi32, #tpu.memory_space<vmem>>
      %dma_start3A_849 = arith.constant 0 : i32
      %dma_start3A_850 = arith.constant 0 : i32
      %dma_start3A_851 = tpu.memref_slice %arg2[%arg0, %dma_start3A_849, %dma_start3A_850] : memref<2x10000x64xf32, #tpu.memory_space<hbm>> -> memref<1x10000x64xf32, #tpu.memory_space<hbm>>
      %dma_start3A_852 = tpu.memref_squeeze %dma_start3A_851 : memref<1x10000x64xf32, #tpu.memory_space<hbm>> -> memref<10000x64xf32, #tpu.memory_space<hbm>>
      %dma_start3A_853 = arith.constant 0 : i32
      %dma_start3A_854 = arith.constant 0 : i32
      %dma_start3A_855 = tpu.memref_slice %dma_start3A_852[%dma_start3A_853, %dma_start3A_854] : memref<10000x64xf32, #tpu.memory_space<hbm>> -> memref<10000x64xf32, #tpu.memory_space<hbm>>
      tpu.enqueue_indirect_dma source(%dma_start3A_855 : memref<10000x64xf32, #tpu.memory_space<hbm>>) target(%arg12 : memref<80x64xf32, #tpu.memory_space<vmem>>) offsets(%dma_start3A_848 : memref<80xi32, #tpu.memory_space<vmem>>) semaphore(%arg17 : memref<!tpu.dma_semaphore, #tpu.memory_space<semaphore_mem>>)
      %dma_wait3A_856 = arith.constant 21 : i32
      %dma_wait3A_857 = arith.constant 0 : i32
      %dma_wait3A_858 = tpu.memref_slice %arg10[%dma_wait3A_856, %dma_wait3A_857] : memref<25x80xi32, #tpu.memory_space<vmem>> -> memref<1x80xi32, #tpu.memory_space<vmem>>
      %dma_wait3A_859 = tpu.memref_squeeze %dma_wait3A_858 : memref<1x80xi32, #tpu.memory_space<vmem>> -> memref<80xi32, #tpu.memory_space<vmem>>
      %dma_wait3A_860 = arith.constant 0 : i32
      %dma_wait3A_861 = arith.constant 0 : i32
      %dma_wait3A_862 = tpu.memref_slice %arg2[%arg0, %dma_wait3A_860, %dma_wait3A_861] : memref<2x10000x64xf32, #tpu.memory_space<hbm>> -> memref<1x10000x64xf32, #tpu.memory_space<hbm>>
      %dma_wait3A_863 = tpu.memref_squeeze %dma_wait3A_862 : memref<1x10000x64xf32, #tpu.memory_space<hbm>> -> memref<10000x64xf32, #tpu.memory_space<hbm>>
      %dma_wait3A_864 = arith.constant 0 : i32
      %dma_wait3A_865 = arith.constant 0 : i32
      %dma_wait3A_866 = tpu.memref_slice %dma_wait3A_863[%dma_wait3A_864, %dma_wait3A_865] : memref<10000x64xf32, #tpu.memory_space<hbm>> -> memref<10000x64xf32, #tpu.memory_space<hbm>>
      tpu.wait_indirect_dma semaphore(%arg18 : memref<!tpu.dma_semaphore, #tpu.memory_space<semaphore_mem>>) src(%dma_wait3A_866 : memref<10000x64xf32, #tpu.memory_space<hbm>>) dst(%arg13 : memref<80x64xf32, #tpu.memory_space<vmem>>)
      %dma_start3A_867 = arith.constant 21 : i32
      %dma_start3A_868 = arith.constant 0 : i32
      %dma_start3A_869 = tpu.memref_slice %arg11[%dma_start3A_867, %dma_start3A_868] : memref<25x80xi32, #tpu.memory_space<vmem>> -> memref<1x80xi32, #tpu.memory_space<vmem>>
      %dma_start3A_870 = tpu.memref_squeeze %dma_start3A_869 : memref<1x80xi32, #tpu.memory_space<vmem>> -> memref<80xi32, #tpu.memory_space<vmem>>
      %dma_start3A_871 = arith.constant 0 : i32
      %dma_start3A_872 = arith.constant 0 : i32
      %dma_start3A_873 = tpu.memref_slice %arg6[%dma_start3A_871, %dma_start3A_872] : memref<20480x64xf32, #tpu.memory_space<vmem_shared>> -> memref<20480x64xf32, #tpu.memory_space<vmem_shared>>
      tpu.enqueue_indirect_dma source(%arg13 : memref<80x64xf32, #tpu.memory_space<vmem>>) target(%dma_start3A_873 : memref<20480x64xf32, #tpu.memory_space<vmem_shared>>) offsets(%dma_start3A_870 : memref<80xi32, #tpu.memory_space<vmem>>) semaphore(%arg22 : memref<!tpu.dma_semaphore, #tpu.memory_space<semaphore_mem>>) {add = true}
      %dma_wait3A_874 = arith.constant 22 : i32
      %dma_wait3A_875 = arith.constant 0 : i32
      %dma_wait3A_876 = tpu.memref_slice %arg10[%dma_wait3A_874, %dma_wait3A_875] : memref<25x80xi32, #tpu.memory_space<vmem>> -> memref<1x80xi32, #tpu.memory_space<vmem>>
      %dma_wait3A_877 = tpu.memref_squeeze %dma_wait3A_876 : memref<1x80xi32, #tpu.memory_space<vmem>> -> memref<80xi32, #tpu.memory_space<vmem>>
      %dma_wait3A_878 = arith.constant 0 : i32
      %dma_wait3A_879 = arith.constant 0 : i32
      %dma_wait3A_880 = tpu.memref_slice %arg2[%arg0, %dma_wait3A_878, %dma_wait3A_879] : memref<2x10000x64xf32, #tpu.memory_space<hbm>> -> memref<1x10000x64xf32, #tpu.memory_space<hbm>>
      %dma_wait3A_881 = tpu.memref_squeeze %dma_wait3A_880 : memref<1x10000x64xf32, #tpu.memory_space<hbm>> -> memref<10000x64xf32, #tpu.memory_space<hbm>>
      %dma_wait3A_882 = arith.constant 0 : i32
      %dma_wait3A_883 = arith.constant 0 : i32
      %dma_wait3A_884 = tpu.memref_slice %dma_wait3A_881[%dma_wait3A_882, %dma_wait3A_883] : memref<10000x64xf32, #tpu.memory_space<hbm>> -> memref<10000x64xf32, #tpu.memory_space<hbm>>
      tpu.wait_indirect_dma semaphore(%arg19 : memref<!tpu.dma_semaphore, #tpu.memory_space<semaphore_mem>>) src(%dma_wait3A_884 : memref<10000x64xf32, #tpu.memory_space<hbm>>) dst(%arg14 : memref<80x64xf32, #tpu.memory_space<vmem>>)
      %dma_start3A_885 = arith.constant 22 : i32
      %dma_start3A_886 = arith.constant 0 : i32
      %dma_start3A_887 = tpu.memref_slice %arg11[%dma_start3A_885, %dma_start3A_886] : memref<25x80xi32, #tpu.memory_space<vmem>> -> memref<1x80xi32, #tpu.memory_space<vmem>>
      %dma_start3A_888 = tpu.memref_squeeze %dma_start3A_887 : memref<1x80xi32, #tpu.memory_space<vmem>> -> memref<80xi32, #tpu.memory_space<vmem>>
      %dma_start3A_889 = arith.constant 0 : i32
      %dma_start3A_890 = arith.constant 0 : i32
      %dma_start3A_891 = tpu.memref_slice %arg6[%dma_start3A_889, %dma_start3A_890] : memref<20480x64xf32, #tpu.memory_space<vmem_shared>> -> memref<20480x64xf32, #tpu.memory_space<vmem_shared>>
      tpu.enqueue_indirect_dma source(%arg14 : memref<80x64xf32, #tpu.memory_space<vmem>>) target(%dma_start3A_891 : memref<20480x64xf32, #tpu.memory_space<vmem_shared>>) offsets(%dma_start3A_888 : memref<80xi32, #tpu.memory_space<vmem>>) semaphore(%arg23 : memref<!tpu.dma_semaphore, #tpu.memory_space<semaphore_mem>>) {add = true}
      %dma_wait3A_892 = arith.constant 23 : i32
      %dma_wait3A_893 = arith.constant 0 : i32
      %dma_wait3A_894 = tpu.memref_slice %arg10[%dma_wait3A_892, %dma_wait3A_893] : memref<25x80xi32, #tpu.memory_space<vmem>> -> memref<1x80xi32, #tpu.memory_space<vmem>>
      %dma_wait3A_895 = tpu.memref_squeeze %dma_wait3A_894 : memref<1x80xi32, #tpu.memory_space<vmem>> -> memref<80xi32, #tpu.memory_space<vmem>>
      %dma_wait3A_896 = arith.constant 0 : i32
      %dma_wait3A_897 = arith.constant 0 : i32
      %dma_wait3A_898 = tpu.memref_slice %arg2[%arg0, %dma_wait3A_896, %dma_wait3A_897] : memref<2x10000x64xf32, #tpu.memory_space<hbm>> -> memref<1x10000x64xf32, #tpu.memory_space<hbm>>
      %dma_wait3A_899 = tpu.memref_squeeze %dma_wait3A_898 : memref<1x10000x64xf32, #tpu.memory_space<hbm>> -> memref<10000x64xf32, #tpu.memory_space<hbm>>
      %dma_wait3A_900 = arith.constant 0 : i32
      %dma_wait3A_901 = arith.constant 0 : i32
      %dma_wait3A_902 = tpu.memref_slice %dma_wait3A_899[%dma_wait3A_900, %dma_wait3A_901] : memref<10000x64xf32, #tpu.memory_space<hbm>> -> memref<10000x64xf32, #tpu.memory_space<hbm>>
      tpu.wait_indirect_dma semaphore(%arg20 : memref<!tpu.dma_semaphore, #tpu.memory_space<semaphore_mem>>) src(%dma_wait3A_902 : memref<10000x64xf32, #tpu.memory_space<hbm>>) dst(%arg15 : memref<80x64xf32, #tpu.memory_space<vmem>>)
      %dma_start3A_903 = arith.constant 23 : i32
      %dma_start3A_904 = arith.constant 0 : i32
      %dma_start3A_905 = tpu.memref_slice %arg11[%dma_start3A_903, %dma_start3A_904] : memref<25x80xi32, #tpu.memory_space<vmem>> -> memref<1x80xi32, #tpu.memory_space<vmem>>
      %dma_start3A_906 = tpu.memref_squeeze %dma_start3A_905 : memref<1x80xi32, #tpu.memory_space<vmem>> -> memref<80xi32, #tpu.memory_space<vmem>>
      %dma_start3A_907 = arith.constant 0 : i32
      %dma_start3A_908 = arith.constant 0 : i32
      %dma_start3A_909 = tpu.memref_slice %arg6[%dma_start3A_907, %dma_start3A_908] : memref<20480x64xf32, #tpu.memory_space<vmem_shared>> -> memref<20480x64xf32, #tpu.memory_space<vmem_shared>>
      tpu.enqueue_indirect_dma source(%arg15 : memref<80x64xf32, #tpu.memory_space<vmem>>) target(%dma_start3A_909 : memref<20480x64xf32, #tpu.memory_space<vmem_shared>>) offsets(%dma_start3A_906 : memref<80xi32, #tpu.memory_space<vmem>>) semaphore(%arg24 : memref<!tpu.dma_semaphore, #tpu.memory_space<semaphore_mem>>) {add = true}
      %dma_wait3A_910 = arith.constant 24 : i32
      %dma_wait3A_911 = arith.constant 0 : i32
      %dma_wait3A_912 = tpu.memref_slice %arg10[%dma_wait3A_910, %dma_wait3A_911] : memref<25x80xi32, #tpu.memory_space<vmem>> -> memref<1x80xi32, #tpu.memory_space<vmem>>
      %dma_wait3A_913 = tpu.memref_squeeze %dma_wait3A_912 : memref<1x80xi32, #tpu.memory_space<vmem>> -> memref<80xi32, #tpu.memory_space<vmem>>
      %dma_wait3A_914 = arith.constant 0 : i32
      %dma_wait3A_915 = arith.constant 0 : i32
      %dma_wait3A_916 = tpu.memref_slice %arg2[%arg0, %dma_wait3A_914, %dma_wait3A_915] : memref<2x10000x64xf32, #tpu.memory_space<hbm>> -> memref<1x10000x64xf32, #tpu.memory_space<hbm>>
      %dma_wait3A_917 = tpu.memref_squeeze %dma_wait3A_916 : memref<1x10000x64xf32, #tpu.memory_space<hbm>> -> memref<10000x64xf32, #tpu.memory_space<hbm>>
      %dma_wait3A_918 = arith.constant 0 : i32
      %dma_wait3A_919 = arith.constant 0 : i32
      %dma_wait3A_920 = tpu.memref_slice %dma_wait3A_917[%dma_wait3A_918, %dma_wait3A_919] : memref<10000x64xf32, #tpu.memory_space<hbm>> -> memref<10000x64xf32, #tpu.memory_space<hbm>>
      tpu.wait_indirect_dma semaphore(%arg17 : memref<!tpu.dma_semaphore, #tpu.memory_space<semaphore_mem>>) src(%dma_wait3A_920 : memref<10000x64xf32, #tpu.memory_space<hbm>>) dst(%arg12 : memref<80x64xf32, #tpu.memory_space<vmem>>)
      %dma_start3A_921 = arith.constant 24 : i32
      %dma_start3A_922 = arith.constant 0 : i32
      %dma_start3A_923 = tpu.memref_slice %arg11[%dma_start3A_921, %dma_start3A_922] : memref<25x80xi32, #tpu.memory_space<vmem>> -> memref<1x80xi32, #tpu.memory_space<vmem>>
      %dma_start3A_924 = tpu.memref_squeeze %dma_start3A_923 : memref<1x80xi32, #tpu.memory_space<vmem>> -> memref<80xi32, #tpu.memory_space<vmem>>
      %dma_start3A_925 = arith.constant 0 : i32
      %dma_start3A_926 = arith.constant 0 : i32
      %dma_start3A_927 = tpu.memref_slice %arg6[%dma_start3A_925, %dma_start3A_926] : memref<20480x64xf32, #tpu.memory_space<vmem_shared>> -> memref<20480x64xf32, #tpu.memory_space<vmem_shared>>
      tpu.enqueue_indirect_dma source(%arg12 : memref<80x64xf32, #tpu.memory_space<vmem>>) target(%dma_start3A_927 : memref<20480x64xf32, #tpu.memory_space<vmem_shared>>) offsets(%dma_start3A_924 : memref<80xi32, #tpu.memory_space<vmem>>) semaphore(%arg21 : memref<!tpu.dma_semaphore, #tpu.memory_space<semaphore_mem>>) {add = true}
      %dma_wait3A_928 = arith.constant 21 : i32
      %dma_wait3A_929 = arith.constant 0 : i32
      %dma_wait3A_930 = tpu.memref_slice %arg11[%dma_wait3A_928, %dma_wait3A_929] : memref<25x80xi32, #tpu.memory_space<vmem>> -> memref<1x80xi32, #tpu.memory_space<vmem>>
      %dma_wait3A_931 = tpu.memref_squeeze %dma_wait3A_930 : memref<1x80xi32, #tpu.memory_space<vmem>> -> memref<80xi32, #tpu.memory_space<vmem>>
      %dma_wait3A_932 = arith.constant 0 : i32
      %dma_wait3A_933 = arith.constant 0 : i32
      %dma_wait3A_934 = tpu.memref_slice %arg6[%dma_wait3A_932, %dma_wait3A_933] : memref<20480x64xf32, #tpu.memory_space<vmem_shared>> -> memref<20480x64xf32, #tpu.memory_space<vmem_shared>>
      tpu.wait_indirect_dma semaphore(%arg22 : memref<!tpu.dma_semaphore, #tpu.memory_space<semaphore_mem>>) src(%arg13 : memref<80x64xf32, #tpu.memory_space<vmem>>) dst(%dma_wait3A_934 : memref<20480x64xf32, #tpu.memory_space<vmem_shared>>)
      %dma_wait3A_935 = arith.constant 22 : i32
      %dma_wait3A_936 = arith.constant 0 : i32
      %dma_wait3A_937 = tpu.memref_slice %arg11[%dma_wait3A_935, %dma_wait3A_936] : memref<25x80xi32, #tpu.memory_space<vmem>> -> memref<1x80xi32, #tpu.memory_space<vmem>>
      %dma_wait3A_938 = tpu.memref_squeeze %dma_wait3A_937 : memref<1x80xi32, #tpu.memory_space<vmem>> -> memref<80xi32, #tpu.memory_space<vmem>>
      %dma_wait3A_939 = arith.constant 0 : i32
      %dma_wait3A_940 = arith.constant 0 : i32
      %dma_wait3A_941 = tpu.memref_slice %arg6[%dma_wait3A_939, %dma_wait3A_940] : memref<20480x64xf32, #tpu.memory_space<vmem_shared>> -> memref<20480x64xf32, #tpu.memory_space<vmem_shared>>
      tpu.wait_indirect_dma semaphore(%arg23 : memref<!tpu.dma_semaphore, #tpu.memory_space<semaphore_mem>>) src(%arg14 : memref<80x64xf32, #tpu.memory_space<vmem>>) dst(%dma_wait3A_941 : memref<20480x64xf32, #tpu.memory_space<vmem_shared>>)
      %dma_wait3A_942 = arith.constant 23 : i32
      %dma_wait3A_943 = arith.constant 0 : i32
      %dma_wait3A_944 = tpu.memref_slice %arg11[%dma_wait3A_942, %dma_wait3A_943] : memref<25x80xi32, #tpu.memory_space<vmem>> -> memref<1x80xi32, #tpu.memory_space<vmem>>
      %dma_wait3A_945 = tpu.memref_squeeze %dma_wait3A_944 : memref<1x80xi32, #tpu.memory_space<vmem>> -> memref<80xi32, #tpu.memory_space<vmem>>
      %dma_wait3A_946 = arith.constant 0 : i32
      %dma_wait3A_947 = arith.constant 0 : i32
      %dma_wait3A_948 = tpu.memref_slice %arg6[%dma_wait3A_946, %dma_wait3A_947] : memref<20480x64xf32, #tpu.memory_space<vmem_shared>> -> memref<20480x64xf32, #tpu.memory_space<vmem_shared>>
      tpu.wait_indirect_dma semaphore(%arg24 : memref<!tpu.dma_semaphore, #tpu.memory_space<semaphore_mem>>) src(%arg15 : memref<80x64xf32, #tpu.memory_space<vmem>>) dst(%dma_wait3A_948 : memref<20480x64xf32, #tpu.memory_space<vmem_shared>>)
      %dma_wait3A_949 = arith.constant 24 : i32
      %dma_wait3A_950 = arith.constant 0 : i32
      %dma_wait3A_951 = tpu.memref_slice %arg11[%dma_wait3A_949, %dma_wait3A_950] : memref<25x80xi32, #tpu.memory_space<vmem>> -> memref<1x80xi32, #tpu.memory_space<vmem>>
      %dma_wait3A_952 = tpu.memref_squeeze %dma_wait3A_951 : memref<1x80xi32, #tpu.memory_space<vmem>> -> memref<80xi32, #tpu.memory_space<vmem>>
      %dma_wait3A_953 = arith.constant 0 : i32
      %dma_wait3A_954 = arith.constant 0 : i32
      %dma_wait3A_955 = tpu.memref_slice %arg6[%dma_wait3A_953, %dma_wait3A_954] : memref<20480x64xf32, #tpu.memory_space<vmem_shared>> -> memref<20480x64xf32, #tpu.memory_space<vmem_shared>>
      tpu.wait_indirect_dma semaphore(%arg21 : memref<!tpu.dma_semaphore, #tpu.memory_space<semaphore_mem>>) src(%arg12 : memref<80x64xf32, #tpu.memory_space<vmem>>) dst(%dma_wait3A_955 : memref<20480x64xf32, #tpu.memory_space<vmem_shared>>)
      %scan3A_956 = arith.constant 0 : i32
      scf.yield %scan3A_956 : i32
    }
    %scan3A_23 = arith.constant 10 : i32
    %barrier3A_24 = arith.constant 0 : index
    tpu.barrier barrier_id(%barrier3A_24)
    %jit3A = arith.constant 8 : i32
    %div3A = arith.divsi %arg1, %jit3A : i32
    %sign3A = arith.constant 0 : i32
    %sign3A_25 = arith.cmpi sgt, %arg1, %sign3A : i32
    %sign3A_26 = arith.extui %sign3A_25 : i1 to i32
    %sign3A_27 = arith.constant 0 : i32
    %sign3A_28 = arith.cmpi slt, %arg1, %sign3A_27 : i32
    %sign3A_29 = arith.extui %sign3A_28 : i1 to i32
    %sign3A_30 = arith.subi %sign3A_26, %sign3A_29 : i32
    %sign3A_31 = arith.constant 0 : i32
    %sign3A_32 = arith.cmpi sgt, %jit3A, %sign3A_31 : i32
    %sign3A_33 = arith.extui %sign3A_32 : i1 to i32
    %sign3A_34 = arith.constant 0 : i32
    %sign3A_35 = arith.cmpi slt, %jit3A, %sign3A_34 : i32
    %sign3A_36 = arith.extui %sign3A_35 : i1 to i32
    %sign3A_37 = arith.subi %sign3A_33, %sign3A_36 : i32
    %ne3A = arith.cmpi ne, %sign3A_30, %sign3A_37 : i32
    %rem3A = arith.remsi %arg1, %jit3A : i32
    %ne3A_38 = arith.constant 0 : i32
    %ne3A_39 = arith.cmpi ne, %rem3A, %ne3A_38 : i32
    %and3A = arith.andi %ne3A, %ne3A_39 : i1
    %sub3A = arith.constant 1 : i32
    %sub3A_40 = arith.subi %div3A, %sub3A : i32
    %select_n3A = arith.select %and3A, %sub3A_40, %div3A : i32
    %mul3A_41 = arith.constant 8 : i32
    %mul3A_42 = arith.muli %select_n3A, %mul3A_41 : i32
    %sub3A_43 = arith.subi %arg1, %mul3A_42 : i32
    %mul3A_44 = arith.constant 1280 : i32
    %mul3A_45 = arith.muli %sub3A_43, %mul3A_44 : i32
    "tpu.region"() ({
      %run_scoped3A = tpu.sem_alloc : memref<!tpu.dma_semaphore, #tpu.memory_space<semaphore_mem>>
      %dma_start3A = arith.constant 0 : i32
      %dma_start3A_46 = arith.constant 0 : i32
      %dma_start3A_47 = arith.constant 0 : i32
      %dma_start3A_48 = tpu.memref_slice %arg5[%arg0, %dma_start3A, %dma_start3A_46, %dma_start3A_47] : memref<2x2x10240x64xf32, #tpu.memory_space<hbm>> -> memref<1x2x10240x64xf32, #tpu.memory_space<hbm>>
      %dma_start3A_49 = tpu.memref_squeeze %dma_start3A_48 : memref<1x2x10240x64xf32, #tpu.memory_space<hbm>> -> memref<2x10240x64xf32, #tpu.memory_space<hbm>>
      %dma_start3A_50 = arith.constant 0 : i32
      %dma_start3A_51 = arith.constant 0 : i32
      %dma_start3A_52 = tpu.memref_slice %dma_start3A_49[%select_n3A, %dma_start3A_50, %dma_start3A_51] : memref<2x10240x64xf32, #tpu.memory_space<hbm>> -> memref<1x10240x64xf32, #tpu.memory_space<hbm>>
      %dma_start3A_53 = tpu.memref_squeeze %dma_start3A_52 : memref<1x10240x64xf32, #tpu.memory_space<hbm>> -> memref<10240x64xf32, #tpu.memory_space<hbm>>
      %dma_start3A_54 = arith.constant 0 : i32
      %dma_start3A_55 = tpu.memref_slice %dma_start3A_53[%mul3A_45, %dma_start3A_54] : memref<10240x64xf32, #tpu.memory_space<hbm>> -> memref<1280x64xf32, #tpu.memory_space<hbm>>
      %dma_start3A_56 = arith.constant 0 : i32
      %dma_start3A_57 = tpu.memref_slice %arg6[%mul3A_7, %dma_start3A_56] : memref<20480x64xf32, #tpu.memory_space<vmem_shared>> -> memref<1280x64xf32, #tpu.memory_space<vmem_shared>>
      tpu.enqueue_dma source(%dma_start3A_57 : memref<1280x64xf32, #tpu.memory_space<vmem_shared>>) target(%dma_start3A_55 : memref<1280x64xf32, #tpu.memory_space<hbm>>) target_semaphore(%run_scoped3A : memref<!tpu.dma_semaphore, #tpu.memory_space<semaphore_mem>>)
      %dma_wait3A = arith.constant 0 : i32
      %dma_wait3A_58 = arith.constant 0 : i32
      %dma_wait3A_59 = arith.constant 0 : i32
      %dma_wait3A_60 = tpu.memref_slice %arg5[%arg0, %dma_wait3A, %dma_wait3A_58, %dma_wait3A_59] : memref<2x2x10240x64xf32, #tpu.memory_space<hbm>> -> memref<1x2x10240x64xf32, #tpu.memory_space<hbm>>
      %dma_wait3A_61 = tpu.memref_squeeze %dma_wait3A_60 : memref<1x2x10240x64xf32, #tpu.memory_space<hbm>> -> memref<2x10240x64xf32, #tpu.memory_space<hbm>>
      %dma_wait3A_62 = arith.constant 0 : i32
      %dma_wait3A_63 = arith.constant 0 : i32
      %dma_wait3A_64 = tpu.memref_slice %dma_wait3A_61[%select_n3A, %dma_wait3A_62, %dma_wait3A_63] : memref<2x10240x64xf32, #tpu.memory_space<hbm>> -> memref<1x10240x64xf32, #tpu.memory_space<hbm>>
      %dma_wait3A_65 = tpu.memref_squeeze %dma_wait3A_64 : memref<1x10240x64xf32, #tpu.memory_space<hbm>> -> memref<10240x64xf32, #tpu.memory_space<hbm>>
      %dma_wait3A_66 = arith.constant 0 : i32
      %dma_wait3A_67 = tpu.memref_slice %dma_wait3A_65[%mul3A_45, %dma_wait3A_66] : memref<10240x64xf32, #tpu.memory_space<hbm>> -> memref<1280x64xf32, #tpu.memory_space<hbm>>
      %dma_wait3A_68 = arith.constant 0 : i32
      %dma_wait3A_69 = tpu.memref_slice %arg6[%mul3A_7, %dma_wait3A_68] : memref<20480x64xf32, #tpu.memory_space<vmem_shared>> -> memref<1280x64xf32, #tpu.memory_space<vmem_shared>>
      tpu.wait_dma2 semaphore(%run_scoped3A : memref<!tpu.dma_semaphore, #tpu.memory_space<semaphore_mem>>) src(%dma_wait3A_69 : memref<1280x64xf32, #tpu.memory_space<vmem_shared>>) dst(%dma_wait3A_67 : memref<1280x64xf32, #tpu.memory_space<hbm>>)
      tpu.yield
    }) : () -> ()
    return
  }
}

#map = affine_map<(d0, d1) -> (0, 0)>
#map1 = affine_map<(d0, d1) -> (0)>
#map2 = affine_map<(d0, d1) -> (0, 0, 0, 0)>
module attributes {stable_mosaic.version = 14 : i64} {
  func.func @body(%arg0: i32, %arg1: i32, %arg2: memref<2x320000xi32, #tpu.memory_space<hbm>>, %arg3: memref<320000xi32, #tpu.memory_space<hbm>>, %arg4: memref<2x2x10240x16xf32, #tpu.memory_space<hbm>>, %arg5: memref<20480x16xf32, #tpu.memory_space<vmem_shared>>, %arg6: memref<2000xi32, #tpu.memory_space<vmem>>, %arg7: memref<2000xi32, #tpu.memory_space<vmem>>, %arg8: memref<25x80xi32, #tpu.memory_space<vmem>>, %arg9: memref<80x16xf32, #tpu.memory_space<vmem>>, %arg10: memref<256x16xf32, #tpu.memory_space<vmem>>, %arg11: memref<!tpu.dma_semaphore, #tpu.memory_space<semaphore_mem>>, %arg12: memref<!tpu.dma_semaphore, #tpu.memory_space<semaphore_mem>>, %arg13: memref<!tpu.dma_semaphore, #tpu.memory_space<semaphore_mem>>, %arg14: memref<!tpu.dma_semaphore, #tpu.memory_space<semaphore_mem>>) attributes {dimension_semantics = [#tpu.dimension_semantics<core_parallel>, #tpu.dimension_semantics<subcore_parallel>], iteration_bounds = array<i64: 2, 16>, scalar_prefetch = 0 : i64, scratch_operands = 10 : i64, tpu.core_type = #tpu.core_type<sc_vector_subcore>, window_params = [{transform_indices = #map}, {transform_indices = #map1}, {transform_indices = #map2}]} {
    %broadcast_in_dim3A = arith.constant 0.000000e+00 : f32
    %broadcast_in_dim3A_0 = vector.broadcast %broadcast_in_dim3A : f32 to vector<16xf32>
    %broadcast_in_dim3A_1 = arith.constant 1.000000e+00 : f32
    %broadcast_in_dim3A_2 = vector.broadcast %broadcast_in_dim3A_1 : f32 to vector<16xf32>
    %scan3A = arith.constant 0 : i32
    %scan3A_3 = arith.constant 0 : i32
    %scan3A_4 = arith.constant 256 : i32
    %scan3A_5 = arith.addi %scan3A_3, %scan3A_4 : i32
    %scan3A_6 = arith.constant 1 : i32
    %scan3A_7 = scf.for %scan3A_57 = %scan3A_3 to %scan3A_5 step %scan3A_6 iter_args(%scan3A_58 = %scan3A) -> (i32)  : i32 {
      %swap3A = arith.index_cast %scan3A_57 : i32 to index
      %swap3A_59 = arith.constant 0 : index
      %swap3A_60 = tpu.vector_load %arg10[%swap3A, %swap3A_59] {strides = array<i32>} : memref<256x16xf32, #tpu.memory_space<vmem>>, vector<1x16xf32>,
      %swap3A_61 = vector.shape_cast %swap3A_60 : vector<1x16xf32> to vector<16xf32>
      %swap3A_62 = vector.shape_cast %broadcast_in_dim3A_0 : vector<16xf32> to vector<1x16xf32>
      tpu.vector_store %arg10[%swap3A, %swap3A_59], %swap3A_62 {strides = array<i32>} : memref<256x16xf32, #tpu.memory_space<vmem>>, vector<1x16xf32>,
      %scan3A_63 = arith.constant 0 : i32
      scf.yield %scan3A_63 : i32
    }
    %scan3A_8 = arith.constant 256 : i32
    %scan3A_9 = arith.constant 0 : i32
    %scan3A_10 = arith.constant 0 : i32
    %scan3A_11 = arith.constant 80 : i32
    %scan3A_12 = arith.addi %scan3A_10, %scan3A_11 : i32
    %scan3A_13 = arith.constant 1 : i32
    %scan3A_14 = scf.for %scan3A_57 = %scan3A_10 to %scan3A_12 step %scan3A_13 iter_args(%scan3A_58 = %scan3A_9) -> (i32)  : i32 {
      %swap3A = arith.index_cast %scan3A_57 : i32 to index
      %swap3A_59 = arith.constant 0 : index
      %swap3A_60 = tpu.vector_load %arg9[%swap3A, %swap3A_59] {strides = array<i32>} : memref<80x16xf32, #tpu.memory_space<vmem>>, vector<1x16xf32>,
      %swap3A_61 = vector.shape_cast %swap3A_60 : vector<1x16xf32> to vector<16xf32>
      %swap3A_62 = vector.shape_cast %broadcast_in_dim3A_2 : vector<16xf32> to vector<1x16xf32>
      tpu.vector_store %arg9[%swap3A, %swap3A_59], %swap3A_62 {strides = array<i32>} : memref<80x16xf32, #tpu.memory_space<vmem>>, vector<1x16xf32>,
      %scan3A_63 = arith.constant 0 : i32
      scf.yield %scan3A_63 : i32
    }
    %scan3A_15 = arith.constant 80 : i32
    %mul3A = arith.constant 1280 : i32
    %mul3A_16 = arith.muli %arg1, %mul3A : i32
    %scan3A_17 = arith.constant 0 : i32
    %scan3A_18 = arith.constant 0 : i32
    %scan3A_19 = arith.constant 5 : i32
    %scan3A_20 = arith.addi %scan3A_18, %scan3A_19 : i32
    %scan3A_21 = arith.constant 1 : i32
    %scan3A_22 = scf.for %scan3A_57 = %scan3A_18 to %scan3A_20 step %scan3A_21 iter_args(%scan3A_58 = %scan3A_17) -> (i32)  : i32 {
      %mul3A_59 = arith.constant 256 : i32
      %mul3A_60 = arith.muli %scan3A_57, %mul3A_59 : i32
      %add3A_61 = arith.addi %mul3A_16, %mul3A_60 : i32
      "tpu.region"() ({
        %run_scoped3A = tpu.sem_alloc : memref<!tpu.dma_semaphore, #tpu.memory_space<semaphore_mem>>
        %dma_start3A = arith.constant 0 : i32
        %dma_start3A_63 = tpu.memref_slice %arg5[%add3A_61, %dma_start3A] : memref<20480x16xf32, #tpu.memory_space<vmem_shared>> -> memref<256x16xf32, #tpu.memory_space<vmem_shared>>
        %dma_start3A_64 = arith.constant 0 : i32
        %dma_start3A_65 = tpu.memref_slice %arg5[%add3A_61, %dma_start3A_64] : memref<20480x16xf32, #tpu.memory_space<vmem_shared>> -> memref<256x16xf32, #tpu.memory_space<vmem_shared>>
        tpu.enqueue_dma source(%arg10 : memref<256x16xf32, #tpu.memory_space<vmem>>) target(%dma_start3A_65 : memref<256x16xf32, #tpu.memory_space<vmem_shared>>) target_semaphore(%run_scoped3A : memref<!tpu.dma_semaphore, #tpu.memory_space<semaphore_mem>>)
        %dma_wait3A = arith.constant 0 : i32
        %dma_wait3A_66 = tpu.memref_slice %arg5[%add3A_61, %dma_wait3A] : memref<20480x16xf32, #tpu.memory_space<vmem_shared>> -> memref<256x16xf32, #tpu.memory_space<vmem_shared>>
        %dma_wait3A_67 = arith.constant 0 : i32
        %dma_wait3A_68 = tpu.memref_slice %arg5[%add3A_61, %dma_wait3A_67] : memref<20480x16xf32, #tpu.memory_space<vmem_shared>> -> memref<256x16xf32, #tpu.memory_space<vmem_shared>>
        tpu.wait_dma2 semaphore(%run_scoped3A : memref<!tpu.dma_semaphore, #tpu.memory_space<semaphore_mem>>) src(%arg10 : memref<256x16xf32, #tpu.memory_space<vmem>>) dst(%dma_wait3A_68 : memref<256x16xf32, #tpu.memory_space<vmem_shared>>)
        tpu.yield
      }) : () -> ()
      %scan3A_62 = arith.constant 0 : i32
      scf.yield %scan3A_62 : i32
    }
    %scan3A_23 = arith.constant 5 : i32
    %barrier3A = arith.constant 0 : index
    tpu.barrier barrier_id(%barrier3A)
    %mul3A_24 = arith.constant 16 : i32
    %mul3A_25 = arith.muli %arg0, %mul3A_24 : i32
    %add3A = arith.addi %mul3A_25, %arg1 : i32
    %mul3A_26 = arith.constant 10000 : i32
    %mul3A_27 = arith.muli %add3A, %mul3A_26 : i32
    %scan3A_28 = arith.constant 0 : i32
    %scan3A_29 = arith.constant 0 : i32
    %scan3A_30 = arith.constant 5 : i32
    %scan3A_31 = arith.addi %scan3A_29, %scan3A_30 : i32
    %scan3A_32 = arith.constant 1 : i32
    %scan3A_33 = scf.for %scan3A_57 = %scan3A_29 to %scan3A_31 step %scan3A_32 iter_args(%scan3A_58 = %scan3A_28) -> (i32)  : i32 {
      %mul3A_59 = arith.constant 2000 : i32
      %mul3A_60 = arith.muli %scan3A_57, %mul3A_59 : i32
      %add3A_61 = arith.addi %mul3A_27, %mul3A_60 : i32
      %run_scoped3A = arith.constant 1 : i32
      "tpu.region"() ({
        %run_scoped3A_418 = tpu.sem_alloc : memref<!tpu.dma_semaphore, #tpu.memory_space<semaphore_mem>>
        %dma_start3A_419 = arith.constant 0 : i32
        %dma_start3A_420 = tpu.memref_slice %arg2[%run_scoped3A, %dma_start3A_419] : memref<2x320000xi32, #tpu.memory_space<hbm>> -> memref<1x320000xi32, #tpu.memory_space<hbm>>
        %dma_start3A_421 = tpu.memref_squeeze %dma_start3A_420 : memref<1x320000xi32, #tpu.memory_space<hbm>> -> memref<320000xi32, #tpu.memory_space<hbm>>
        %dma_start3A_422 = tpu.memref_slice %dma_start3A_421[%add3A_61] : memref<320000xi32, #tpu.memory_space<hbm>> -> memref<2000xi32, #tpu.memory_space<hbm>>
        %dma_start3A_423 = arith.constant 0 : i32
        %dma_start3A_424 = tpu.memref_slice %arg2[%run_scoped3A, %dma_start3A_423] : memref<2x320000xi32, #tpu.memory_space<hbm>> -> memref<1x320000xi32, #tpu.memory_space<hbm>>
        %dma_start3A_425 = tpu.memref_squeeze %dma_start3A_424 : memref<1x320000xi32, #tpu.memory_space<hbm>> -> memref<320000xi32, #tpu.memory_space<hbm>>
        %dma_start3A_426 = tpu.memref_slice %dma_start3A_425[%add3A_61] : memref<320000xi32, #tpu.memory_space<hbm>> -> memref<2000xi32, #tpu.memory_space<hbm>>
        tpu.enqueue_dma source(%dma_start3A_426 : memref<2000xi32, #tpu.memory_space<hbm>>) target(%arg6 : memref<2000xi32, #tpu.memory_space<vmem>>) target_semaphore(%run_scoped3A_418 : memref<!tpu.dma_semaphore, #tpu.memory_space<semaphore_mem>>)
        %dma_wait3A_427 = arith.constant 0 : i32
        %dma_wait3A_428 = tpu.memref_slice %arg2[%run_scoped3A, %dma_wait3A_427] : memref<2x320000xi32, #tpu.memory_space<hbm>> -> memref<1x320000xi32, #tpu.memory_space<hbm>>
        %dma_wait3A_429 = tpu.memref_squeeze %dma_wait3A_428 : memref<1x320000xi32, #tpu.memory_space<hbm>> -> memref<320000xi32, #tpu.memory_space<hbm>>
        %dma_wait3A_430 = tpu.memref_slice %dma_wait3A_429[%add3A_61] : memref<320000xi32, #tpu.memory_space<hbm>> -> memref<2000xi32, #tpu.memory_space<hbm>>
        %dma_wait3A_431 = arith.constant 0 : i32
        %dma_wait3A_432 = tpu.memref_slice %arg2[%run_scoped3A, %dma_wait3A_431] : memref<2x320000xi32, #tpu.memory_space<hbm>> -> memref<1x320000xi32, #tpu.memory_space<hbm>>
        %dma_wait3A_433 = tpu.memref_squeeze %dma_wait3A_432 : memref<1x320000xi32, #tpu.memory_space<hbm>> -> memref<320000xi32, #tpu.memory_space<hbm>>
        %dma_wait3A_434 = tpu.memref_slice %dma_wait3A_433[%add3A_61] : memref<320000xi32, #tpu.memory_space<hbm>> -> memref<2000xi32, #tpu.memory_space<hbm>>
        tpu.wait_dma2 semaphore(%run_scoped3A_418 : memref<!tpu.dma_semaphore, #tpu.memory_space<semaphore_mem>>) src(%dma_wait3A_434 : memref<2000xi32, #tpu.memory_space<hbm>>) dst(%arg6 : memref<2000xi32, #tpu.memory_space<vmem>>)
        tpu.yield
      }) : () -> ()
      "tpu.region"() ({
        %run_scoped3A_418 = tpu.sem_alloc : memref<!tpu.dma_semaphore, #tpu.memory_space<semaphore_mem>>
        %dma_start3A_419 = tpu.memref_slice %arg3[%add3A_61] : memref<320000xi32, #tpu.memory_space<hbm>> -> memref<2000xi32, #tpu.memory_space<hbm>>
        %dma_start3A_420 = tpu.memref_slice %arg3[%add3A_61] : memref<320000xi32, #tpu.memory_space<hbm>> -> memref<2000xi32, #tpu.memory_space<hbm>>
        tpu.enqueue_dma source(%dma_start3A_420 : memref<2000xi32, #tpu.memory_space<hbm>>) target(%arg7 : memref<2000xi32, #tpu.memory_space<vmem>>) target_semaphore(%run_scoped3A_418 : memref<!tpu.dma_semaphore, #tpu.memory_space<semaphore_mem>>)
        %dma_wait3A_421 = tpu.memref_slice %arg3[%add3A_61] : memref<320000xi32, #tpu.memory_space<hbm>> -> memref<2000xi32, #tpu.memory_space<hbm>>
        %dma_wait3A_422 = tpu.memref_slice %arg3[%add3A_61] : memref<320000xi32, #tpu.memory_space<hbm>> -> memref<2000xi32, #tpu.memory_space<hbm>>
        tpu.wait_dma2 semaphore(%run_scoped3A_418 : memref<!tpu.dma_semaphore, #tpu.memory_space<semaphore_mem>>) src(%dma_wait3A_422 : memref<2000xi32, #tpu.memory_space<hbm>>) dst(%arg7 : memref<2000xi32, #tpu.memory_space<vmem>>)
        tpu.yield
      }) : () -> ()
      %scan3A_62 = arith.constant 0 : i32
      %scan3A_63 = arith.constant 0 : i32
      %scan3A_64 = arith.constant 25 : i32
      %scan3A_65 = arith.addi %scan3A_63, %scan3A_64 : i32
      %scan3A_66 = arith.constant 1 : i32
      %scan3A_67 = scf.for %scan3A_418 = %scan3A_63 to %scan3A_65 step %scan3A_66 iter_args(%scan3A_419 = %scan3A_62) -> (i32)  : i32 {
        %mul3A_420 = arith.constant 80 : i32
        %mul3A_421 = arith.muli %scan3A_418, %mul3A_420 : i32
        %add3A_422 = arith.constant 0 : i32
        %add3A_423 = arith.addi %mul3A_421, %add3A_422 : i32
        %get3A = arith.index_cast %add3A_423 : i32 to index
        %get3A_424 = tpu.vector_load %arg7[%get3A] {strides = array<i32>} : memref<2000xi32, #tpu.memory_space<vmem>>, vector<16xi32>,
        %get3A_425 = vector.shape_cast %get3A_424 : vector<16xi32> to vector<16xi32>
        %mul3A_426 = arith.constant 10240 : i32
        %mul3A_427 = vector.broadcast %mul3A_426 : i32 to vector<16xi32>
        %mul3A_428 = arith.muli %get3A_425, %mul3A_427 : vector<16xi32>
        %get3A_429 = arith.index_cast %add3A_423 : i32 to index
        %get3A_430 = tpu.vector_load %arg6[%get3A_429] {strides = array<i32>} : memref<2000xi32, #tpu.memory_space<vmem>>, vector<16xi32>,
        %get3A_431 = vector.shape_cast %get3A_430 : vector<16xi32> to vector<16xi32>
        %add3A_432 = arith.addi %mul3A_428, %get3A_431 : vector<16xi32>
        %swap3A = arith.index_cast %scan3A_418 : i32 to index
        %swap3A_433 = arith.constant 0 : index
        %swap3A_434 = tpu.vector_load %arg8[%swap3A, %swap3A_433] {strides = array<i32>} : memref<25x80xi32, #tpu.memory_space<vmem>>, vector<1x16xi32>,
        %swap3A_435 = vector.shape_cast %swap3A_434 : vector<1x16xi32> to vector<16xi32>
        %swap3A_436 = vector.shape_cast %add3A_432 : vector<16xi32> to vector<1x16xi32>
        tpu.vector_store %arg8[%swap3A, %swap3A_433], %swap3A_436 {strides = array<i32>} : memref<25x80xi32, #tpu.memory_space<vmem>>, vector<1x16xi32>,
        %mul3A_437 = arith.constant 80 : i32
        %mul3A_438 = arith.muli %scan3A_418, %mul3A_437 : i32
        %add3A_439 = arith.constant 16 : i32
        %add3A_440 = arith.addi %mul3A_438, %add3A_439 : i32
        %get3A_441 = arith.index_cast %add3A_440 : i32 to index
        %get3A_442 = tpu.vector_load %arg7[%get3A_441] {strides = array<i32>} : memref<2000xi32, #tpu.memory_space<vmem>>, vector<16xi32>,
        %get3A_443 = vector.shape_cast %get3A_442 : vector<16xi32> to vector<16xi32>
        %mul3A_444 = arith.constant 10240 : i32
        %mul3A_445 = vector.broadcast %mul3A_444 : i32 to vector<16xi32>
        %mul3A_446 = arith.muli %get3A_443, %mul3A_445 : vector<16xi32>
        %get3A_447 = arith.index_cast %add3A_440 : i32 to index
        %get3A_448 = tpu.vector_load %arg6[%get3A_447] {strides = array<i32>} : memref<2000xi32, #tpu.memory_space<vmem>>, vector<16xi32>,
        %get3A_449 = vector.shape_cast %get3A_448 : vector<16xi32> to vector<16xi32>
        %add3A_450 = arith.addi %mul3A_446, %get3A_449 : vector<16xi32>
        %swap3A_451 = arith.index_cast %scan3A_418 : i32 to index
        %swap3A_452 = arith.constant 16 : index
        %swap3A_453 = tpu.vector_load %arg8[%swap3A_451, %swap3A_452] {strides = array<i32>} : memref<25x80xi32, #tpu.memory_space<vmem>>, vector<1x16xi32>,
        %swap3A_454 = vector.shape_cast %swap3A_453 : vector<1x16xi32> to vector<16xi32>
        %swap3A_455 = vector.shape_cast %add3A_450 : vector<16xi32> to vector<1x16xi32>
        tpu.vector_store %arg8[%swap3A_451, %swap3A_452], %swap3A_455 {strides = array<i32>} : memref<25x80xi32, #tpu.memory_space<vmem>>, vector<1x16xi32>,
        %mul3A_456 = arith.constant 80 : i32
        %mul3A_457 = arith.muli %scan3A_418, %mul3A_456 : i32
        %add3A_458 = arith.constant 32 : i32
        %add3A_459 = arith.addi %mul3A_457, %add3A_458 : i32
        %get3A_460 = arith.index_cast %add3A_459 : i32 to index
        %get3A_461 = tpu.vector_load %arg7[%get3A_460] {strides = array<i32>} : memref<2000xi32, #tpu.memory_space<vmem>>, vector<16xi32>,
        %get3A_462 = vector.shape_cast %get3A_461 : vector<16xi32> to vector<16xi32>
        %mul3A_463 = arith.constant 10240 : i32
        %mul3A_464 = vector.broadcast %mul3A_463 : i32 to vector<16xi32>
        %mul3A_465 = arith.muli %get3A_462, %mul3A_464 : vector<16xi32>
        %get3A_466 = arith.index_cast %add3A_459 : i32 to index
        %get3A_467 = tpu.vector_load %arg6[%get3A_466] {strides = array<i32>} : memref<2000xi32, #tpu.memory_space<vmem>>, vector<16xi32>,
        %get3A_468 = vector.shape_cast %get3A_467 : vector<16xi32> to vector<16xi32>
        %add3A_469 = arith.addi %mul3A_465, %get3A_468 : vector<16xi32>
        %swap3A_470 = arith.index_cast %scan3A_418 : i32 to index
        %swap3A_471 = arith.constant 32 : index
        %swap3A_472 = tpu.vector_load %arg8[%swap3A_470, %swap3A_471] {strides = array<i32>} : memref<25x80xi32, #tpu.memory_space<vmem>>, vector<1x16xi32>,
        %swap3A_473 = vector.shape_cast %swap3A_472 : vector<1x16xi32> to vector<16xi32>
        %swap3A_474 = vector.shape_cast %add3A_469 : vector<16xi32> to vector<1x16xi32>
        tpu.vector_store %arg8[%swap3A_470, %swap3A_471], %swap3A_474 {strides = array<i32>} : memref<25x80xi32, #tpu.memory_space<vmem>>, vector<1x16xi32>,
        %mul3A_475 = arith.constant 80 : i32
        %mul3A_476 = arith.muli %scan3A_418, %mul3A_475 : i32
        %add3A_477 = arith.constant 48 : i32
        %add3A_478 = arith.addi %mul3A_476, %add3A_477 : i32
        %get3A_479 = arith.index_cast %add3A_478 : i32 to index
        %get3A_480 = tpu.vector_load %arg7[%get3A_479] {strides = array<i32>} : memref<2000xi32, #tpu.memory_space<vmem>>, vector<16xi32>,
        %get3A_481 = vector.shape_cast %get3A_480 : vector<16xi32> to vector<16xi32>
        %mul3A_482 = arith.constant 10240 : i32
        %mul3A_483 = vector.broadcast %mul3A_482 : i32 to vector<16xi32>
        %mul3A_484 = arith.muli %get3A_481, %mul3A_483 : vector<16xi32>
        %get3A_485 = arith.index_cast %add3A_478 : i32 to index
        %get3A_486 = tpu.vector_load %arg6[%get3A_485] {strides = array<i32>} : memref<2000xi32, #tpu.memory_space<vmem>>, vector<16xi32>,
        %get3A_487 = vector.shape_cast %get3A_486 : vector<16xi32> to vector<16xi32>
        %add3A_488 = arith.addi %mul3A_484, %get3A_487 : vector<16xi32>
        %swap3A_489 = arith.index_cast %scan3A_418 : i32 to index
        %swap3A_490 = arith.constant 48 : index
        %swap3A_491 = tpu.vector_load %arg8[%swap3A_489, %swap3A_490] {strides = array<i32>} : memref<25x80xi32, #tpu.memory_space<vmem>>, vector<1x16xi32>,
        %swap3A_492 = vector.shape_cast %swap3A_491 : vector<1x16xi32> to vector<16xi32>
        %swap3A_493 = vector.shape_cast %add3A_488 : vector<16xi32> to vector<1x16xi32>
        tpu.vector_store %arg8[%swap3A_489, %swap3A_490], %swap3A_493 {strides = array<i32>} : memref<25x80xi32, #tpu.memory_space<vmem>>, vector<1x16xi32>,
        %mul3A_494 = arith.constant 80 : i32
        %mul3A_495 = arith.muli %scan3A_418, %mul3A_494 : i32
        %add3A_496 = arith.constant 64 : i32
        %add3A_497 = arith.addi %mul3A_495, %add3A_496 : i32
        %get3A_498 = arith.index_cast %add3A_497 : i32 to index
        %get3A_499 = tpu.vector_load %arg7[%get3A_498] {strides = array<i32>} : memref<2000xi32, #tpu.memory_space<vmem>>, vector<16xi32>,
        %get3A_500 = vector.shape_cast %get3A_499 : vector<16xi32> to vector<16xi32>
        %mul3A_501 = arith.constant 10240 : i32
        %mul3A_502 = vector.broadcast %mul3A_501 : i32 to vector<16xi32>
        %mul3A_503 = arith.muli %get3A_500, %mul3A_502 : vector<16xi32>
        %get3A_504 = arith.index_cast %add3A_497 : i32 to index
        %get3A_505 = tpu.vector_load %arg6[%get3A_504] {strides = array<i32>} : memref<2000xi32, #tpu.memory_space<vmem>>, vector<16xi32>,
        %get3A_506 = vector.shape_cast %get3A_505 : vector<16xi32> to vector<16xi32>
        %add3A_507 = arith.addi %mul3A_503, %get3A_506 : vector<16xi32>
        %swap3A_508 = arith.index_cast %scan3A_418 : i32 to index
        %swap3A_509 = arith.constant 64 : index
        %swap3A_510 = tpu.vector_load %arg8[%swap3A_508, %swap3A_509] {strides = array<i32>} : memref<25x80xi32, #tpu.memory_space<vmem>>, vector<1x16xi32>,
        %swap3A_511 = vector.shape_cast %swap3A_510 : vector<1x16xi32> to vector<16xi32>
        %swap3A_512 = vector.shape_cast %add3A_507 : vector<16xi32> to vector<1x16xi32>
        tpu.vector_store %arg8[%swap3A_508, %swap3A_509], %swap3A_512 {strides = array<i32>} : memref<25x80xi32, #tpu.memory_space<vmem>>, vector<1x16xi32>,
        %scan3A_513 = arith.constant 0 : i32
        scf.yield %scan3A_513 : i32
      }
      %scan3A_68 = arith.constant 25 : i32
      %dma_start3A = arith.constant 0 : i32
      %dma_start3A_69 = arith.constant 0 : i32
      %dma_start3A_70 = tpu.memref_slice %arg8[%dma_start3A, %dma_start3A_69] : memref<25x80xi32, #tpu.memory_space<vmem>> -> memref<1x80xi32, #tpu.memory_space<vmem>>
      %dma_start3A_71 = tpu.memref_squeeze %dma_start3A_70 : memref<1x80xi32, #tpu.memory_space<vmem>> -> memref<80xi32, #tpu.memory_space<vmem>>
      %dma_start3A_72 = arith.constant 0 : i32
      %dma_start3A_73 = arith.constant 0 : i32
      %dma_start3A_74 = tpu.memref_slice %arg5[%dma_start3A_72, %dma_start3A_73] : memref<20480x16xf32, #tpu.memory_space<vmem_shared>> -> memref<20480x16xf32, #tpu.memory_space<vmem_shared>>
      tpu.enqueue_indirect_dma source(%arg9 : memref<80x16xf32, #tpu.memory_space<vmem>>) target(%dma_start3A_74 : memref<20480x16xf32, #tpu.memory_space<vmem_shared>>) offsets(%dma_start3A_71 : memref<80xi32, #tpu.memory_space<vmem>>) semaphore(%arg11 : memref<!tpu.dma_semaphore, #tpu.memory_space<semaphore_mem>>) {add = true}
      %dma_start3A_75 = arith.constant 1 : i32
      %dma_start3A_76 = arith.constant 0 : i32
      %dma_start3A_77 = tpu.memref_slice %arg8[%dma_start3A_75, %dma_start3A_76] : memref<25x80xi32, #tpu.memory_space<vmem>> -> memref<1x80xi32, #tpu.memory_space<vmem>>
      %dma_start3A_78 = tpu.memref_squeeze %dma_start3A_77 : memref<1x80xi32, #tpu.memory_space<vmem>> -> memref<80xi32, #tpu.memory_space<vmem>>
      %dma_start3A_79 = arith.constant 0 : i32
      %dma_start3A_80 = arith.constant 0 : i32
      %dma_start3A_81 = tpu.memref_slice %arg5[%dma_start3A_79, %dma_start3A_80] : memref<20480x16xf32, #tpu.memory_space<vmem_shared>> -> memref<20480x16xf32, #tpu.memory_space<vmem_shared>>
      tpu.enqueue_indirect_dma source(%arg9 : memref<80x16xf32, #tpu.memory_space<vmem>>) target(%dma_start3A_81 : memref<20480x16xf32, #tpu.memory_space<vmem_shared>>) offsets(%dma_start3A_78 : memref<80xi32, #tpu.memory_space<vmem>>) semaphore(%arg12 : memref<!tpu.dma_semaphore, #tpu.memory_space<semaphore_mem>>) {add = true}
      %dma_start3A_82 = arith.constant 2 : i32
      %dma_start3A_83 = arith.constant 0 : i32
      %dma_start3A_84 = tpu.memref_slice %arg8[%dma_start3A_82, %dma_start3A_83] : memref<25x80xi32, #tpu.memory_space<vmem>> -> memref<1x80xi32, #tpu.memory_space<vmem>>
      %dma_start3A_85 = tpu.memref_squeeze %dma_start3A_84 : memref<1x80xi32, #tpu.memory_space<vmem>> -> memref<80xi32, #tpu.memory_space<vmem>>
      %dma_start3A_86 = arith.constant 0 : i32
      %dma_start3A_87 = arith.constant 0 : i32
      %dma_start3A_88 = tpu.memref_slice %arg5[%dma_start3A_86, %dma_start3A_87] : memref<20480x16xf32, #tpu.memory_space<vmem_shared>> -> memref<20480x16xf32, #tpu.memory_space<vmem_shared>>
      tpu.enqueue_indirect_dma source(%arg9 : memref<80x16xf32, #tpu.memory_space<vmem>>) target(%dma_start3A_88 : memref<20480x16xf32, #tpu.memory_space<vmem_shared>>) offsets(%dma_start3A_85 : memref<80xi32, #tpu.memory_space<vmem>>) semaphore(%arg13 : memref<!tpu.dma_semaphore, #tpu.memory_space<semaphore_mem>>) {add = true}
      %dma_start3A_89 = arith.constant 3 : i32
      %dma_start3A_90 = arith.constant 0 : i32
      %dma_start3A_91 = tpu.memref_slice %arg8[%dma_start3A_89, %dma_start3A_90] : memref<25x80xi32, #tpu.memory_space<vmem>> -> memref<1x80xi32, #tpu.memory_space<vmem>>
      %dma_start3A_92 = tpu.memref_squeeze %dma_start3A_91 : memref<1x80xi32, #tpu.memory_space<vmem>> -> memref<80xi32, #tpu.memory_space<vmem>>
      %dma_start3A_93 = arith.constant 0 : i32
      %dma_start3A_94 = arith.constant 0 : i32
      %dma_start3A_95 = tpu.memref_slice %arg5[%dma_start3A_93, %dma_start3A_94] : memref<20480x16xf32, #tpu.memory_space<vmem_shared>> -> memref<20480x16xf32, #tpu.memory_space<vmem_shared>>
      tpu.enqueue_indirect_dma source(%arg9 : memref<80x16xf32, #tpu.memory_space<vmem>>) target(%dma_start3A_95 : memref<20480x16xf32, #tpu.memory_space<vmem_shared>>) offsets(%dma_start3A_92 : memref<80xi32, #tpu.memory_space<vmem>>) semaphore(%arg14 : memref<!tpu.dma_semaphore, #tpu.memory_space<semaphore_mem>>) {add = true}
      %dma_wait3A = arith.constant 0 : i32
      %dma_wait3A_96 = arith.constant 0 : i32
      %dma_wait3A_97 = tpu.memref_slice %arg8[%dma_wait3A, %dma_wait3A_96] : memref<25x80xi32, #tpu.memory_space<vmem>> -> memref<1x80xi32, #tpu.memory_space<vmem>>
      %dma_wait3A_98 = tpu.memref_squeeze %dma_wait3A_97 : memref<1x80xi32, #tpu.memory_space<vmem>> -> memref<80xi32, #tpu.memory_space<vmem>>
      %dma_wait3A_99 = arith.constant 0 : i32
      %dma_wait3A_100 = arith.constant 0 : i32
      %dma_wait3A_101 = tpu.memref_slice %arg5[%dma_wait3A_99, %dma_wait3A_100] : memref<20480x16xf32, #tpu.memory_space<vmem_shared>> -> memref<20480x16xf32, #tpu.memory_space<vmem_shared>>
      tpu.wait_indirect_dma semaphore(%arg11 : memref<!tpu.dma_semaphore, #tpu.memory_space<semaphore_mem>>) src(%arg9 : memref<80x16xf32, #tpu.memory_space<vmem>>) dst(%dma_wait3A_101 : memref<20480x16xf32, #tpu.memory_space<vmem_shared>>)
      %dma_start3A_102 = arith.constant 4 : i32
      %dma_start3A_103 = arith.constant 0 : i32
      %dma_start3A_104 = tpu.memref_slice %arg8[%dma_start3A_102, %dma_start3A_103] : memref<25x80xi32, #tpu.memory_space<vmem>> -> memref<1x80xi32, #tpu.memory_space<vmem>>
      %dma_start3A_105 = tpu.memref_squeeze %dma_start3A_104 : memref<1x80xi32, #tpu.memory_space<vmem>> -> memref<80xi32, #tpu.memory_space<vmem>>
      %dma_start3A_106 = arith.constant 0 : i32
      %dma_start3A_107 = arith.constant 0 : i32
      %dma_start3A_108 = tpu.memref_slice %arg5[%dma_start3A_106, %dma_start3A_107] : memref<20480x16xf32, #tpu.memory_space<vmem_shared>> -> memref<20480x16xf32, #tpu.memory_space<vmem_shared>>
      tpu.enqueue_indirect_dma source(%arg9 : memref<80x16xf32, #tpu.memory_space<vmem>>) target(%dma_start3A_108 : memref<20480x16xf32, #tpu.memory_space<vmem_shared>>) offsets(%dma_start3A_105 : memref<80xi32, #tpu.memory_space<vmem>>) semaphore(%arg11 : memref<!tpu.dma_semaphore, #tpu.memory_space<semaphore_mem>>) {add = true}
      %dma_wait3A_109 = arith.constant 1 : i32
      %dma_wait3A_110 = arith.constant 0 : i32
      %dma_wait3A_111 = tpu.memref_slice %arg8[%dma_wait3A_109, %dma_wait3A_110] : memref<25x80xi32, #tpu.memory_space<vmem>> -> memref<1x80xi32, #tpu.memory_space<vmem>>
      %dma_wait3A_112 = tpu.memref_squeeze %dma_wait3A_111 : memref<1x80xi32, #tpu.memory_space<vmem>> -> memref<80xi32, #tpu.memory_space<vmem>>
      %dma_wait3A_113 = arith.constant 0 : i32
      %dma_wait3A_114 = arith.constant 0 : i32
      %dma_wait3A_115 = tpu.memref_slice %arg5[%dma_wait3A_113, %dma_wait3A_114] : memref<20480x16xf32, #tpu.memory_space<vmem_shared>> -> memref<20480x16xf32, #tpu.memory_space<vmem_shared>>
      tpu.wait_indirect_dma semaphore(%arg12 : memref<!tpu.dma_semaphore, #tpu.memory_space<semaphore_mem>>) src(%arg9 : memref<80x16xf32, #tpu.memory_space<vmem>>) dst(%dma_wait3A_115 : memref<20480x16xf32, #tpu.memory_space<vmem_shared>>)
      %dma_start3A_116 = arith.constant 5 : i32
      %dma_start3A_117 = arith.constant 0 : i32
      %dma_start3A_118 = tpu.memref_slice %arg8[%dma_start3A_116, %dma_start3A_117] : memref<25x80xi32, #tpu.memory_space<vmem>> -> memref<1x80xi32, #tpu.memory_space<vmem>>
      %dma_start3A_119 = tpu.memref_squeeze %dma_start3A_118 : memref<1x80xi32, #tpu.memory_space<vmem>> -> memref<80xi32, #tpu.memory_space<vmem>>
      %dma_start3A_120 = arith.constant 0 : i32
      %dma_start3A_121 = arith.constant 0 : i32
      %dma_start3A_122 = tpu.memref_slice %arg5[%dma_start3A_120, %dma_start3A_121] : memref<20480x16xf32, #tpu.memory_space<vmem_shared>> -> memref<20480x16xf32, #tpu.memory_space<vmem_shared>>
      tpu.enqueue_indirect_dma source(%arg9 : memref<80x16xf32, #tpu.memory_space<vmem>>) target(%dma_start3A_122 : memref<20480x16xf32, #tpu.memory_space<vmem_shared>>) offsets(%dma_start3A_119 : memref<80xi32, #tpu.memory_space<vmem>>) semaphore(%arg12 : memref<!tpu.dma_semaphore, #tpu.memory_space<semaphore_mem>>) {add = true}
      %dma_wait3A_123 = arith.constant 2 : i32
      %dma_wait3A_124 = arith.constant 0 : i32
      %dma_wait3A_125 = tpu.memref_slice %arg8[%dma_wait3A_123, %dma_wait3A_124] : memref<25x80xi32, #tpu.memory_space<vmem>> -> memref<1x80xi32, #tpu.memory_space<vmem>>
      %dma_wait3A_126 = tpu.memref_squeeze %dma_wait3A_125 : memref<1x80xi32, #tpu.memory_space<vmem>> -> memref<80xi32, #tpu.memory_space<vmem>>
      %dma_wait3A_127 = arith.constant 0 : i32
      %dma_wait3A_128 = arith.constant 0 : i32
      %dma_wait3A_129 = tpu.memref_slice %arg5[%dma_wait3A_127, %dma_wait3A_128] : memref<20480x16xf32, #tpu.memory_space<vmem_shared>> -> memref<20480x16xf32, #tpu.memory_space<vmem_shared>>
      tpu.wait_indirect_dma semaphore(%arg13 : memref<!tpu.dma_semaphore, #tpu.memory_space<semaphore_mem>>) src(%arg9 : memref<80x16xf32, #tpu.memory_space<vmem>>) dst(%dma_wait3A_129 : memref<20480x16xf32, #tpu.memory_space<vmem_shared>>)
      %dma_start3A_130 = arith.constant 6 : i32
      %dma_start3A_131 = arith.constant 0 : i32
      %dma_start3A_132 = tpu.memref_slice %arg8[%dma_start3A_130, %dma_start3A_131] : memref<25x80xi32, #tpu.memory_space<vmem>> -> memref<1x80xi32, #tpu.memory_space<vmem>>
      %dma_start3A_133 = tpu.memref_squeeze %dma_start3A_132 : memref<1x80xi32, #tpu.memory_space<vmem>> -> memref<80xi32, #tpu.memory_space<vmem>>
      %dma_start3A_134 = arith.constant 0 : i32
      %dma_start3A_135 = arith.constant 0 : i32
      %dma_start3A_136 = tpu.memref_slice %arg5[%dma_start3A_134, %dma_start3A_135] : memref<20480x16xf32, #tpu.memory_space<vmem_shared>> -> memref<20480x16xf32, #tpu.memory_space<vmem_shared>>
      tpu.enqueue_indirect_dma source(%arg9 : memref<80x16xf32, #tpu.memory_space<vmem>>) target(%dma_start3A_136 : memref<20480x16xf32, #tpu.memory_space<vmem_shared>>) offsets(%dma_start3A_133 : memref<80xi32, #tpu.memory_space<vmem>>) semaphore(%arg13 : memref<!tpu.dma_semaphore, #tpu.memory_space<semaphore_mem>>) {add = true}
      %dma_wait3A_137 = arith.constant 3 : i32
      %dma_wait3A_138 = arith.constant 0 : i32
      %dma_wait3A_139 = tpu.memref_slice %arg8[%dma_wait3A_137, %dma_wait3A_138] : memref<25x80xi32, #tpu.memory_space<vmem>> -> memref<1x80xi32, #tpu.memory_space<vmem>>
      %dma_wait3A_140 = tpu.memref_squeeze %dma_wait3A_139 : memref<1x80xi32, #tpu.memory_space<vmem>> -> memref<80xi32, #tpu.memory_space<vmem>>
      %dma_wait3A_141 = arith.constant 0 : i32
      %dma_wait3A_142 = arith.constant 0 : i32
      %dma_wait3A_143 = tpu.memref_slice %arg5[%dma_wait3A_141, %dma_wait3A_142] : memref<20480x16xf32, #tpu.memory_space<vmem_shared>> -> memref<20480x16xf32, #tpu.memory_space<vmem_shared>>
      tpu.wait_indirect_dma semaphore(%arg14 : memref<!tpu.dma_semaphore, #tpu.memory_space<semaphore_mem>>) src(%arg9 : memref<80x16xf32, #tpu.memory_space<vmem>>) dst(%dma_wait3A_143 : memref<20480x16xf32, #tpu.memory_space<vmem_shared>>)
      %dma_start3A_144 = arith.constant 7 : i32
      %dma_start3A_145 = arith.constant 0 : i32
      %dma_start3A_146 = tpu.memref_slice %arg8[%dma_start3A_144, %dma_start3A_145] : memref<25x80xi32, #tpu.memory_space<vmem>> -> memref<1x80xi32, #tpu.memory_space<vmem>>
      %dma_start3A_147 = tpu.memref_squeeze %dma_start3A_146 : memref<1x80xi32, #tpu.memory_space<vmem>> -> memref<80xi32, #tpu.memory_space<vmem>>
      %dma_start3A_148 = arith.constant 0 : i32
      %dma_start3A_149 = arith.constant 0 : i32
      %dma_start3A_150 = tpu.memref_slice %arg5[%dma_start3A_148, %dma_start3A_149] : memref<20480x16xf32, #tpu.memory_space<vmem_shared>> -> memref<20480x16xf32, #tpu.memory_space<vmem_shared>>
      tpu.enqueue_indirect_dma source(%arg9 : memref<80x16xf32, #tpu.memory_space<vmem>>) target(%dma_start3A_150 : memref<20480x16xf32, #tpu.memory_space<vmem_shared>>) offsets(%dma_start3A_147 : memref<80xi32, #tpu.memory_space<vmem>>) semaphore(%arg14 : memref<!tpu.dma_semaphore, #tpu.memory_space<semaphore_mem>>) {add = true}
      %dma_wait3A_151 = arith.constant 4 : i32
      %dma_wait3A_152 = arith.constant 0 : i32
      %dma_wait3A_153 = tpu.memref_slice %arg8[%dma_wait3A_151, %dma_wait3A_152] : memref<25x80xi32, #tpu.memory_space<vmem>> -> memref<1x80xi32, #tpu.memory_space<vmem>>
      %dma_wait3A_154 = tpu.memref_squeeze %dma_wait3A_153 : memref<1x80xi32, #tpu.memory_space<vmem>> -> memref<80xi32, #tpu.memory_space<vmem>>
      %dma_wait3A_155 = arith.constant 0 : i32
      %dma_wait3A_156 = arith.constant 0 : i32
      %dma_wait3A_157 = tpu.memref_slice %arg5[%dma_wait3A_155, %dma_wait3A_156] : memref<20480x16xf32, #tpu.memory_space<vmem_shared>> -> memref<20480x16xf32, #tpu.memory_space<vmem_shared>>
      tpu.wait_indirect_dma semaphore(%arg11 : memref<!tpu.dma_semaphore, #tpu.memory_space<semaphore_mem>>) src(%arg9 : memref<80x16xf32, #tpu.memory_space<vmem>>) dst(%dma_wait3A_157 : memref<20480x16xf32, #tpu.memory_space<vmem_shared>>)
      %dma_start3A_158 = arith.constant 8 : i32
      %dma_start3A_159 = arith.constant 0 : i32
      %dma_start3A_160 = tpu.memref_slice %arg8[%dma_start3A_158, %dma_start3A_159] : memref<25x80xi32, #tpu.memory_space<vmem>> -> memref<1x80xi32, #tpu.memory_space<vmem>>
      %dma_start3A_161 = tpu.memref_squeeze %dma_start3A_160 : memref<1x80xi32, #tpu.memory_space<vmem>> -> memref<80xi32, #tpu.memory_space<vmem>>
      %dma_start3A_162 = arith.constant 0 : i32
      %dma_start3A_163 = arith.constant 0 : i32
      %dma_start3A_164 = tpu.memref_slice %arg5[%dma_start3A_162, %dma_start3A_163] : memref<20480x16xf32, #tpu.memory_space<vmem_shared>> -> memref<20480x16xf32, #tpu.memory_space<vmem_shared>>
      tpu.enqueue_indirect_dma source(%arg9 : memref<80x16xf32, #tpu.memory_space<vmem>>) target(%dma_start3A_164 : memref<20480x16xf32, #tpu.memory_space<vmem_shared>>) offsets(%dma_start3A_161 : memref<80xi32, #tpu.memory_space<vmem>>) semaphore(%arg11 : memref<!tpu.dma_semaphore, #tpu.memory_space<semaphore_mem>>) {add = true}
      %dma_wait3A_165 = arith.constant 5 : i32
      %dma_wait3A_166 = arith.constant 0 : i32
      %dma_wait3A_167 = tpu.memref_slice %arg8[%dma_wait3A_165, %dma_wait3A_166] : memref<25x80xi32, #tpu.memory_space<vmem>> -> memref<1x80xi32, #tpu.memory_space<vmem>>
      %dma_wait3A_168 = tpu.memref_squeeze %dma_wait3A_167 : memref<1x80xi32, #tpu.memory_space<vmem>> -> memref<80xi32, #tpu.memory_space<vmem>>
      %dma_wait3A_169 = arith.constant 0 : i32
      %dma_wait3A_170 = arith.constant 0 : i32
      %dma_wait3A_171 = tpu.memref_slice %arg5[%dma_wait3A_169, %dma_wait3A_170] : memref<20480x16xf32, #tpu.memory_space<vmem_shared>> -> memref<20480x16xf32, #tpu.memory_space<vmem_shared>>
      tpu.wait_indirect_dma semaphore(%arg12 : memref<!tpu.dma_semaphore, #tpu.memory_space<semaphore_mem>>) src(%arg9 : memref<80x16xf32, #tpu.memory_space<vmem>>) dst(%dma_wait3A_171 : memref<20480x16xf32, #tpu.memory_space<vmem_shared>>)
      %dma_start3A_172 = arith.constant 9 : i32
      %dma_start3A_173 = arith.constant 0 : i32
      %dma_start3A_174 = tpu.memref_slice %arg8[%dma_start3A_172, %dma_start3A_173] : memref<25x80xi32, #tpu.memory_space<vmem>> -> memref<1x80xi32, #tpu.memory_space<vmem>>
      %dma_start3A_175 = tpu.memref_squeeze %dma_start3A_174 : memref<1x80xi32, #tpu.memory_space<vmem>> -> memref<80xi32, #tpu.memory_space<vmem>>
      %dma_start3A_176 = arith.constant 0 : i32
      %dma_start3A_177 = arith.constant 0 : i32
      %dma_start3A_178 = tpu.memref_slice %arg5[%dma_start3A_176, %dma_start3A_177] : memref<20480x16xf32, #tpu.memory_space<vmem_shared>> -> memref<20480x16xf32, #tpu.memory_space<vmem_shared>>
      tpu.enqueue_indirect_dma source(%arg9 : memref<80x16xf32, #tpu.memory_space<vmem>>) target(%dma_start3A_178 : memref<20480x16xf32, #tpu.memory_space<vmem_shared>>) offsets(%dma_start3A_175 : memref<80xi32, #tpu.memory_space<vmem>>) semaphore(%arg12 : memref<!tpu.dma_semaphore, #tpu.memory_space<semaphore_mem>>) {add = true}
      %dma_wait3A_179 = arith.constant 6 : i32
      %dma_wait3A_180 = arith.constant 0 : i32
      %dma_wait3A_181 = tpu.memref_slice %arg8[%dma_wait3A_179, %dma_wait3A_180] : memref<25x80xi32, #tpu.memory_space<vmem>> -> memref<1x80xi32, #tpu.memory_space<vmem>>
      %dma_wait3A_182 = tpu.memref_squeeze %dma_wait3A_181 : memref<1x80xi32, #tpu.memory_space<vmem>> -> memref<80xi32, #tpu.memory_space<vmem>>
      %dma_wait3A_183 = arith.constant 0 : i32
      %dma_wait3A_184 = arith.constant 0 : i32
      %dma_wait3A_185 = tpu.memref_slice %arg5[%dma_wait3A_183, %dma_wait3A_184] : memref<20480x16xf32, #tpu.memory_space<vmem_shared>> -> memref<20480x16xf32, #tpu.memory_space<vmem_shared>>
      tpu.wait_indirect_dma semaphore(%arg13 : memref<!tpu.dma_semaphore, #tpu.memory_space<semaphore_mem>>) src(%arg9 : memref<80x16xf32, #tpu.memory_space<vmem>>) dst(%dma_wait3A_185 : memref<20480x16xf32, #tpu.memory_space<vmem_shared>>)
      %dma_start3A_186 = arith.constant 10 : i32
      %dma_start3A_187 = arith.constant 0 : i32
      %dma_start3A_188 = tpu.memref_slice %arg8[%dma_start3A_186, %dma_start3A_187] : memref<25x80xi32, #tpu.memory_space<vmem>> -> memref<1x80xi32, #tpu.memory_space<vmem>>
      %dma_start3A_189 = tpu.memref_squeeze %dma_start3A_188 : memref<1x80xi32, #tpu.memory_space<vmem>> -> memref<80xi32, #tpu.memory_space<vmem>>
      %dma_start3A_190 = arith.constant 0 : i32
      %dma_start3A_191 = arith.constant 0 : i32
      %dma_start3A_192 = tpu.memref_slice %arg5[%dma_start3A_190, %dma_start3A_191] : memref<20480x16xf32, #tpu.memory_space<vmem_shared>> -> memref<20480x16xf32, #tpu.memory_space<vmem_shared>>
      tpu.enqueue_indirect_dma source(%arg9 : memref<80x16xf32, #tpu.memory_space<vmem>>) target(%dma_start3A_192 : memref<20480x16xf32, #tpu.memory_space<vmem_shared>>) offsets(%dma_start3A_189 : memref<80xi32, #tpu.memory_space<vmem>>) semaphore(%arg13 : memref<!tpu.dma_semaphore, #tpu.memory_space<semaphore_mem>>) {add = true}
      %dma_wait3A_193 = arith.constant 7 : i32
      %dma_wait3A_194 = arith.constant 0 : i32
      %dma_wait3A_195 = tpu.memref_slice %arg8[%dma_wait3A_193, %dma_wait3A_194] : memref<25x80xi32, #tpu.memory_space<vmem>> -> memref<1x80xi32, #tpu.memory_space<vmem>>
      %dma_wait3A_196 = tpu.memref_squeeze %dma_wait3A_195 : memref<1x80xi32, #tpu.memory_space<vmem>> -> memref<80xi32, #tpu.memory_space<vmem>>
      %dma_wait3A_197 = arith.constant 0 : i32
      %dma_wait3A_198 = arith.constant 0 : i32
      %dma_wait3A_199 = tpu.memref_slice %arg5[%dma_wait3A_197, %dma_wait3A_198] : memref<20480x16xf32, #tpu.memory_space<vmem_shared>> -> memref<20480x16xf32, #tpu.memory_space<vmem_shared>>
      tpu.wait_indirect_dma semaphore(%arg14 : memref<!tpu.dma_semaphore, #tpu.memory_space<semaphore_mem>>) src(%arg9 : memref<80x16xf32, #tpu.memory_space<vmem>>) dst(%dma_wait3A_199 : memref<20480x16xf32, #tpu.memory_space<vmem_shared>>)
      %dma_start3A_200 = arith.constant 11 : i32
      %dma_start3A_201 = arith.constant 0 : i32
      %dma_start3A_202 = tpu.memref_slice %arg8[%dma_start3A_200, %dma_start3A_201] : memref<25x80xi32, #tpu.memory_space<vmem>> -> memref<1x80xi32, #tpu.memory_space<vmem>>
      %dma_start3A_203 = tpu.memref_squeeze %dma_start3A_202 : memref<1x80xi32, #tpu.memory_space<vmem>> -> memref<80xi32, #tpu.memory_space<vmem>>
      %dma_start3A_204 = arith.constant 0 : i32
      %dma_start3A_205 = arith.constant 0 : i32
      %dma_start3A_206 = tpu.memref_slice %arg5[%dma_start3A_204, %dma_start3A_205] : memref<20480x16xf32, #tpu.memory_space<vmem_shared>> -> memref<20480x16xf32, #tpu.memory_space<vmem_shared>>
      tpu.enqueue_indirect_dma source(%arg9 : memref<80x16xf32, #tpu.memory_space<vmem>>) target(%dma_start3A_206 : memref<20480x16xf32, #tpu.memory_space<vmem_shared>>) offsets(%dma_start3A_203 : memref<80xi32, #tpu.memory_space<vmem>>) semaphore(%arg14 : memref<!tpu.dma_semaphore, #tpu.memory_space<semaphore_mem>>) {add = true}
      %dma_wait3A_207 = arith.constant 8 : i32
      %dma_wait3A_208 = arith.constant 0 : i32
      %dma_wait3A_209 = tpu.memref_slice %arg8[%dma_wait3A_207, %dma_wait3A_208] : memref<25x80xi32, #tpu.memory_space<vmem>> -> memref<1x80xi32, #tpu.memory_space<vmem>>
      %dma_wait3A_210 = tpu.memref_squeeze %dma_wait3A_209 : memref<1x80xi32, #tpu.memory_space<vmem>> -> memref<80xi32, #tpu.memory_space<vmem>>
      %dma_wait3A_211 = arith.constant 0 : i32
      %dma_wait3A_212 = arith.constant 0 : i32
      %dma_wait3A_213 = tpu.memref_slice %arg5[%dma_wait3A_211, %dma_wait3A_212] : memref<20480x16xf32, #tpu.memory_space<vmem_shared>> -> memref<20480x16xf32, #tpu.memory_space<vmem_shared>>
      tpu.wait_indirect_dma semaphore(%arg11 : memref<!tpu.dma_semaphore, #tpu.memory_space<semaphore_mem>>) src(%arg9 : memref<80x16xf32, #tpu.memory_space<vmem>>) dst(%dma_wait3A_213 : memref<20480x16xf32, #tpu.memory_space<vmem_shared>>)
      %dma_start3A_214 = arith.constant 12 : i32
      %dma_start3A_215 = arith.constant 0 : i32
      %dma_start3A_216 = tpu.memref_slice %arg8[%dma_start3A_214, %dma_start3A_215] : memref<25x80xi32, #tpu.memory_space<vmem>> -> memref<1x80xi32, #tpu.memory_space<vmem>>
      %dma_start3A_217 = tpu.memref_squeeze %dma_start3A_216 : memref<1x80xi32, #tpu.memory_space<vmem>> -> memref<80xi32, #tpu.memory_space<vmem>>
      %dma_start3A_218 = arith.constant 0 : i32
      %dma_start3A_219 = arith.constant 0 : i32
      %dma_start3A_220 = tpu.memref_slice %arg5[%dma_start3A_218, %dma_start3A_219] : memref<20480x16xf32, #tpu.memory_space<vmem_shared>> -> memref<20480x16xf32, #tpu.memory_space<vmem_shared>>
      tpu.enqueue_indirect_dma source(%arg9 : memref<80x16xf32, #tpu.memory_space<vmem>>) target(%dma_start3A_220 : memref<20480x16xf32, #tpu.memory_space<vmem_shared>>) offsets(%dma_start3A_217 : memref<80xi32, #tpu.memory_space<vmem>>) semaphore(%arg11 : memref<!tpu.dma_semaphore, #tpu.memory_space<semaphore_mem>>) {add = true}
      %dma_wait3A_221 = arith.constant 9 : i32
      %dma_wait3A_222 = arith.constant 0 : i32
      %dma_wait3A_223 = tpu.memref_slice %arg8[%dma_wait3A_221, %dma_wait3A_222] : memref<25x80xi32, #tpu.memory_space<vmem>> -> memref<1x80xi32, #tpu.memory_space<vmem>>
      %dma_wait3A_224 = tpu.memref_squeeze %dma_wait3A_223 : memref<1x80xi32, #tpu.memory_space<vmem>> -> memref<80xi32, #tpu.memory_space<vmem>>
      %dma_wait3A_225 = arith.constant 0 : i32
      %dma_wait3A_226 = arith.constant 0 : i32
      %dma_wait3A_227 = tpu.memref_slice %arg5[%dma_wait3A_225, %dma_wait3A_226] : memref<20480x16xf32, #tpu.memory_space<vmem_shared>> -> memref<20480x16xf32, #tpu.memory_space<vmem_shared>>
      tpu.wait_indirect_dma semaphore(%arg12 : memref<!tpu.dma_semaphore, #tpu.memory_space<semaphore_mem>>) src(%arg9 : memref<80x16xf32, #tpu.memory_space<vmem>>) dst(%dma_wait3A_227 : memref<20480x16xf32, #tpu.memory_space<vmem_shared>>)
      %dma_start3A_228 = arith.constant 13 : i32
      %dma_start3A_229 = arith.constant 0 : i32
      %dma_start3A_230 = tpu.memref_slice %arg8[%dma_start3A_228, %dma_start3A_229] : memref<25x80xi32, #tpu.memory_space<vmem>> -> memref<1x80xi32, #tpu.memory_space<vmem>>
      %dma_start3A_231 = tpu.memref_squeeze %dma_start3A_230 : memref<1x80xi32, #tpu.memory_space<vmem>> -> memref<80xi32, #tpu.memory_space<vmem>>
      %dma_start3A_232 = arith.constant 0 : i32
      %dma_start3A_233 = arith.constant 0 : i32
      %dma_start3A_234 = tpu.memref_slice %arg5[%dma_start3A_232, %dma_start3A_233] : memref<20480x16xf32, #tpu.memory_space<vmem_shared>> -> memref<20480x16xf32, #tpu.memory_space<vmem_shared>>
      tpu.enqueue_indirect_dma source(%arg9 : memref<80x16xf32, #tpu.memory_space<vmem>>) target(%dma_start3A_234 : memref<20480x16xf32, #tpu.memory_space<vmem_shared>>) offsets(%dma_start3A_231 : memref<80xi32, #tpu.memory_space<vmem>>) semaphore(%arg12 : memref<!tpu.dma_semaphore, #tpu.memory_space<semaphore_mem>>) {add = true}
      %dma_wait3A_235 = arith.constant 10 : i32
      %dma_wait3A_236 = arith.constant 0 : i32
      %dma_wait3A_237 = tpu.memref_slice %arg8[%dma_wait3A_235, %dma_wait3A_236] : memref<25x80xi32, #tpu.memory_space<vmem>> -> memref<1x80xi32, #tpu.memory_space<vmem>>
      %dma_wait3A_238 = tpu.memref_squeeze %dma_wait3A_237 : memref<1x80xi32, #tpu.memory_space<vmem>> -> memref<80xi32, #tpu.memory_space<vmem>>
      %dma_wait3A_239 = arith.constant 0 : i32
      %dma_wait3A_240 = arith.constant 0 : i32
      %dma_wait3A_241 = tpu.memref_slice %arg5[%dma_wait3A_239, %dma_wait3A_240] : memref<20480x16xf32, #tpu.memory_space<vmem_shared>> -> memref<20480x16xf32, #tpu.memory_space<vmem_shared>>
      tpu.wait_indirect_dma semaphore(%arg13 : memref<!tpu.dma_semaphore, #tpu.memory_space<semaphore_mem>>) src(%arg9 : memref<80x16xf32, #tpu.memory_space<vmem>>) dst(%dma_wait3A_241 : memref<20480x16xf32, #tpu.memory_space<vmem_shared>>)
      %dma_start3A_242 = arith.constant 14 : i32
      %dma_start3A_243 = arith.constant 0 : i32
      %dma_start3A_244 = tpu.memref_slice %arg8[%dma_start3A_242, %dma_start3A_243] : memref<25x80xi32, #tpu.memory_space<vmem>> -> memref<1x80xi32, #tpu.memory_space<vmem>>
      %dma_start3A_245 = tpu.memref_squeeze %dma_start3A_244 : memref<1x80xi32, #tpu.memory_space<vmem>> -> memref<80xi32, #tpu.memory_space<vmem>>
      %dma_start3A_246 = arith.constant 0 : i32
      %dma_start3A_247 = arith.constant 0 : i32
      %dma_start3A_248 = tpu.memref_slice %arg5[%dma_start3A_246, %dma_start3A_247] : memref<20480x16xf32, #tpu.memory_space<vmem_shared>> -> memref<20480x16xf32, #tpu.memory_space<vmem_shared>>
      tpu.enqueue_indirect_dma source(%arg9 : memref<80x16xf32, #tpu.memory_space<vmem>>) target(%dma_start3A_248 : memref<20480x16xf32, #tpu.memory_space<vmem_shared>>) offsets(%dma_start3A_245 : memref<80xi32, #tpu.memory_space<vmem>>) semaphore(%arg13 : memref<!tpu.dma_semaphore, #tpu.memory_space<semaphore_mem>>) {add = true}
      %dma_wait3A_249 = arith.constant 11 : i32
      %dma_wait3A_250 = arith.constant 0 : i32
      %dma_wait3A_251 = tpu.memref_slice %arg8[%dma_wait3A_249, %dma_wait3A_250] : memref<25x80xi32, #tpu.memory_space<vmem>> -> memref<1x80xi32, #tpu.memory_space<vmem>>
      %dma_wait3A_252 = tpu.memref_squeeze %dma_wait3A_251 : memref<1x80xi32, #tpu.memory_space<vmem>> -> memref<80xi32, #tpu.memory_space<vmem>>
      %dma_wait3A_253 = arith.constant 0 : i32
      %dma_wait3A_254 = arith.constant 0 : i32
      %dma_wait3A_255 = tpu.memref_slice %arg5[%dma_wait3A_253, %dma_wait3A_254] : memref<20480x16xf32, #tpu.memory_space<vmem_shared>> -> memref<20480x16xf32, #tpu.memory_space<vmem_shared>>
      tpu.wait_indirect_dma semaphore(%arg14 : memref<!tpu.dma_semaphore, #tpu.memory_space<semaphore_mem>>) src(%arg9 : memref<80x16xf32, #tpu.memory_space<vmem>>) dst(%dma_wait3A_255 : memref<20480x16xf32, #tpu.memory_space<vmem_shared>>)
      %dma_start3A_256 = arith.constant 15 : i32
      %dma_start3A_257 = arith.constant 0 : i32
      %dma_start3A_258 = tpu.memref_slice %arg8[%dma_start3A_256, %dma_start3A_257] : memref<25x80xi32, #tpu.memory_space<vmem>> -> memref<1x80xi32, #tpu.memory_space<vmem>>
      %dma_start3A_259 = tpu.memref_squeeze %dma_start3A_258 : memref<1x80xi32, #tpu.memory_space<vmem>> -> memref<80xi32, #tpu.memory_space<vmem>>
      %dma_start3A_260 = arith.constant 0 : i32
      %dma_start3A_261 = arith.constant 0 : i32
      %dma_start3A_262 = tpu.memref_slice %arg5[%dma_start3A_260, %dma_start3A_261] : memref<20480x16xf32, #tpu.memory_space<vmem_shared>> -> memref<20480x16xf32, #tpu.memory_space<vmem_shared>>
      tpu.enqueue_indirect_dma source(%arg9 : memref<80x16xf32, #tpu.memory_space<vmem>>) target(%dma_start3A_262 : memref<20480x16xf32, #tpu.memory_space<vmem_shared>>) offsets(%dma_start3A_259 : memref<80xi32, #tpu.memory_space<vmem>>) semaphore(%arg14 : memref<!tpu.dma_semaphore, #tpu.memory_space<semaphore_mem>>) {add = true}
      %dma_wait3A_263 = arith.constant 12 : i32
      %dma_wait3A_264 = arith.constant 0 : i32
      %dma_wait3A_265 = tpu.memref_slice %arg8[%dma_wait3A_263, %dma_wait3A_264] : memref<25x80xi32, #tpu.memory_space<vmem>> -> memref<1x80xi32, #tpu.memory_space<vmem>>
      %dma_wait3A_266 = tpu.memref_squeeze %dma_wait3A_265 : memref<1x80xi32, #tpu.memory_space<vmem>> -> memref<80xi32, #tpu.memory_space<vmem>>
      %dma_wait3A_267 = arith.constant 0 : i32
      %dma_wait3A_268 = arith.constant 0 : i32
      %dma_wait3A_269 = tpu.memref_slice %arg5[%dma_wait3A_267, %dma_wait3A_268] : memref<20480x16xf32, #tpu.memory_space<vmem_shared>> -> memref<20480x16xf32, #tpu.memory_space<vmem_shared>>
      tpu.wait_indirect_dma semaphore(%arg11 : memref<!tpu.dma_semaphore, #tpu.memory_space<semaphore_mem>>) src(%arg9 : memref<80x16xf32, #tpu.memory_space<vmem>>) dst(%dma_wait3A_269 : memref<20480x16xf32, #tpu.memory_space<vmem_shared>>)
      %dma_start3A_270 = arith.constant 16 : i32
      %dma_start3A_271 = arith.constant 0 : i32
      %dma_start3A_272 = tpu.memref_slice %arg8[%dma_start3A_270, %dma_start3A_271] : memref<25x80xi32, #tpu.memory_space<vmem>> -> memref<1x80xi32, #tpu.memory_space<vmem>>
      %dma_start3A_273 = tpu.memref_squeeze %dma_start3A_272 : memref<1x80xi32, #tpu.memory_space<vmem>> -> memref<80xi32, #tpu.memory_space<vmem>>
      %dma_start3A_274 = arith.constant 0 : i32
      %dma_start3A_275 = arith.constant 0 : i32
      %dma_start3A_276 = tpu.memref_slice %arg5[%dma_start3A_274, %dma_start3A_275] : memref<20480x16xf32, #tpu.memory_space<vmem_shared>> -> memref<20480x16xf32, #tpu.memory_space<vmem_shared>>
      tpu.enqueue_indirect_dma source(%arg9 : memref<80x16xf32, #tpu.memory_space<vmem>>) target(%dma_start3A_276 : memref<20480x16xf32, #tpu.memory_space<vmem_shared>>) offsets(%dma_start3A_273 : memref<80xi32, #tpu.memory_space<vmem>>) semaphore(%arg11 : memref<!tpu.dma_semaphore, #tpu.memory_space<semaphore_mem>>) {add = true}
      %dma_wait3A_277 = arith.constant 13 : i32
      %dma_wait3A_278 = arith.constant 0 : i32
      %dma_wait3A_279 = tpu.memref_slice %arg8[%dma_wait3A_277, %dma_wait3A_278] : memref<25x80xi32, #tpu.memory_space<vmem>> -> memref<1x80xi32, #tpu.memory_space<vmem>>
      %dma_wait3A_280 = tpu.memref_squeeze %dma_wait3A_279 : memref<1x80xi32, #tpu.memory_space<vmem>> -> memref<80xi32, #tpu.memory_space<vmem>>
      %dma_wait3A_281 = arith.constant 0 : i32
      %dma_wait3A_282 = arith.constant 0 : i32
      %dma_wait3A_283 = tpu.memref_slice %arg5[%dma_wait3A_281, %dma_wait3A_282] : memref<20480x16xf32, #tpu.memory_space<vmem_shared>> -> memref<20480x16xf32, #tpu.memory_space<vmem_shared>>
      tpu.wait_indirect_dma semaphore(%arg12 : memref<!tpu.dma_semaphore, #tpu.memory_space<semaphore_mem>>) src(%arg9 : memref<80x16xf32, #tpu.memory_space<vmem>>) dst(%dma_wait3A_283 : memref<20480x16xf32, #tpu.memory_space<vmem_shared>>)
      %dma_start3A_284 = arith.constant 17 : i32
      %dma_start3A_285 = arith.constant 0 : i32
      %dma_start3A_286 = tpu.memref_slice %arg8[%dma_start3A_284, %dma_start3A_285] : memref<25x80xi32, #tpu.memory_space<vmem>> -> memref<1x80xi32, #tpu.memory_space<vmem>>
      %dma_start3A_287 = tpu.memref_squeeze %dma_start3A_286 : memref<1x80xi32, #tpu.memory_space<vmem>> -> memref<80xi32, #tpu.memory_space<vmem>>
      %dma_start3A_288 = arith.constant 0 : i32
      %dma_start3A_289 = arith.constant 0 : i32
      %dma_start3A_290 = tpu.memref_slice %arg5[%dma_start3A_288, %dma_start3A_289] : memref<20480x16xf32, #tpu.memory_space<vmem_shared>> -> memref<20480x16xf32, #tpu.memory_space<vmem_shared>>
      tpu.enqueue_indirect_dma source(%arg9 : memref<80x16xf32, #tpu.memory_space<vmem>>) target(%dma_start3A_290 : memref<20480x16xf32, #tpu.memory_space<vmem_shared>>) offsets(%dma_start3A_287 : memref<80xi32, #tpu.memory_space<vmem>>) semaphore(%arg12 : memref<!tpu.dma_semaphore, #tpu.memory_space<semaphore_mem>>) {add = true}
      %dma_wait3A_291 = arith.constant 14 : i32
      %dma_wait3A_292 = arith.constant 0 : i32
      %dma_wait3A_293 = tpu.memref_slice %arg8[%dma_wait3A_291, %dma_wait3A_292] : memref<25x80xi32, #tpu.memory_space<vmem>> -> memref<1x80xi32, #tpu.memory_space<vmem>>
      %dma_wait3A_294 = tpu.memref_squeeze %dma_wait3A_293 : memref<1x80xi32, #tpu.memory_space<vmem>> -> memref<80xi32, #tpu.memory_space<vmem>>
      %dma_wait3A_295 = arith.constant 0 : i32
      %dma_wait3A_296 = arith.constant 0 : i32
      %dma_wait3A_297 = tpu.memref_slice %arg5[%dma_wait3A_295, %dma_wait3A_296] : memref<20480x16xf32, #tpu.memory_space<vmem_shared>> -> memref<20480x16xf32, #tpu.memory_space<vmem_shared>>
      tpu.wait_indirect_dma semaphore(%arg13 : memref<!tpu.dma_semaphore, #tpu.memory_space<semaphore_mem>>) src(%arg9 : memref<80x16xf32, #tpu.memory_space<vmem>>) dst(%dma_wait3A_297 : memref<20480x16xf32, #tpu.memory_space<vmem_shared>>)
      %dma_start3A_298 = arith.constant 18 : i32
      %dma_start3A_299 = arith.constant 0 : i32
      %dma_start3A_300 = tpu.memref_slice %arg8[%dma_start3A_298, %dma_start3A_299] : memref<25x80xi32, #tpu.memory_space<vmem>> -> memref<1x80xi32, #tpu.memory_space<vmem>>
      %dma_start3A_301 = tpu.memref_squeeze %dma_start3A_300 : memref<1x80xi32, #tpu.memory_space<vmem>> -> memref<80xi32, #tpu.memory_space<vmem>>
      %dma_start3A_302 = arith.constant 0 : i32
      %dma_start3A_303 = arith.constant 0 : i32
      %dma_start3A_304 = tpu.memref_slice %arg5[%dma_start3A_302, %dma_start3A_303] : memref<20480x16xf32, #tpu.memory_space<vmem_shared>> -> memref<20480x16xf32, #tpu.memory_space<vmem_shared>>
      tpu.enqueue_indirect_dma source(%arg9 : memref<80x16xf32, #tpu.memory_space<vmem>>) target(%dma_start3A_304 : memref<20480x16xf32, #tpu.memory_space<vmem_shared>>) offsets(%dma_start3A_301 : memref<80xi32, #tpu.memory_space<vmem>>) semaphore(%arg13 : memref<!tpu.dma_semaphore, #tpu.memory_space<semaphore_mem>>) {add = true}
      %dma_wait3A_305 = arith.constant 15 : i32
      %dma_wait3A_306 = arith.constant 0 : i32
      %dma_wait3A_307 = tpu.memref_slice %arg8[%dma_wait3A_305, %dma_wait3A_306] : memref<25x80xi32, #tpu.memory_space<vmem>> -> memref<1x80xi32, #tpu.memory_space<vmem>>
      %dma_wait3A_308 = tpu.memref_squeeze %dma_wait3A_307 : memref<1x80xi32, #tpu.memory_space<vmem>> -> memref<80xi32, #tpu.memory_space<vmem>>
      %dma_wait3A_309 = arith.constant 0 : i32
      %dma_wait3A_310 = arith.constant 0 : i32
      %dma_wait3A_311 = tpu.memref_slice %arg5[%dma_wait3A_309, %dma_wait3A_310] : memref<20480x16xf32, #tpu.memory_space<vmem_shared>> -> memref<20480x16xf32, #tpu.memory_space<vmem_shared>>
      tpu.wait_indirect_dma semaphore(%arg14 : memref<!tpu.dma_semaphore, #tpu.memory_space<semaphore_mem>>) src(%arg9 : memref<80x16xf32, #tpu.memory_space<vmem>>) dst(%dma_wait3A_311 : memref<20480x16xf32, #tpu.memory_space<vmem_shared>>)
      %dma_start3A_312 = arith.constant 19 : i32
      %dma_start3A_313 = arith.constant 0 : i32
      %dma_start3A_314 = tpu.memref_slice %arg8[%dma_start3A_312, %dma_start3A_313] : memref<25x80xi32, #tpu.memory_space<vmem>> -> memref<1x80xi32, #tpu.memory_space<vmem>>
      %dma_start3A_315 = tpu.memref_squeeze %dma_start3A_314 : memref<1x80xi32, #tpu.memory_space<vmem>> -> memref<80xi32, #tpu.memory_space<vmem>>
      %dma_start3A_316 = arith.constant 0 : i32
      %dma_start3A_317 = arith.constant 0 : i32
      %dma_start3A_318 = tpu.memref_slice %arg5[%dma_start3A_316, %dma_start3A_317] : memref<20480x16xf32, #tpu.memory_space<vmem_shared>> -> memref<20480x16xf32, #tpu.memory_space<vmem_shared>>
      tpu.enqueue_indirect_dma source(%arg9 : memref<80x16xf32, #tpu.memory_space<vmem>>) target(%dma_start3A_318 : memref<20480x16xf32, #tpu.memory_space<vmem_shared>>) offsets(%dma_start3A_315 : memref<80xi32, #tpu.memory_space<vmem>>) semaphore(%arg14 : memref<!tpu.dma_semaphore, #tpu.memory_space<semaphore_mem>>) {add = true}
      %dma_wait3A_319 = arith.constant 16 : i32
      %dma_wait3A_320 = arith.constant 0 : i32
      %dma_wait3A_321 = tpu.memref_slice %arg8[%dma_wait3A_319, %dma_wait3A_320] : memref<25x80xi32, #tpu.memory_space<vmem>> -> memref<1x80xi32, #tpu.memory_space<vmem>>
      %dma_wait3A_322 = tpu.memref_squeeze %dma_wait3A_321 : memref<1x80xi32, #tpu.memory_space<vmem>> -> memref<80xi32, #tpu.memory_space<vmem>>
      %dma_wait3A_323 = arith.constant 0 : i32
      %dma_wait3A_324 = arith.constant 0 : i32
      %dma_wait3A_325 = tpu.memref_slice %arg5[%dma_wait3A_323, %dma_wait3A_324] : memref<20480x16xf32, #tpu.memory_space<vmem_shared>> -> memref<20480x16xf32, #tpu.memory_space<vmem_shared>>
      tpu.wait_indirect_dma semaphore(%arg11 : memref<!tpu.dma_semaphore, #tpu.memory_space<semaphore_mem>>) src(%arg9 : memref<80x16xf32, #tpu.memory_space<vmem>>) dst(%dma_wait3A_325 : memref<20480x16xf32, #tpu.memory_space<vmem_shared>>)
      %dma_start3A_326 = arith.constant 20 : i32
      %dma_start3A_327 = arith.constant 0 : i32
      %dma_start3A_328 = tpu.memref_slice %arg8[%dma_start3A_326, %dma_start3A_327] : memref<25x80xi32, #tpu.memory_space<vmem>> -> memref<1x80xi32, #tpu.memory_space<vmem>>
      %dma_start3A_329 = tpu.memref_squeeze %dma_start3A_328 : memref<1x80xi32, #tpu.memory_space<vmem>> -> memref<80xi32, #tpu.memory_space<vmem>>
      %dma_start3A_330 = arith.constant 0 : i32
      %dma_start3A_331 = arith.constant 0 : i32
      %dma_start3A_332 = tpu.memref_slice %arg5[%dma_start3A_330, %dma_start3A_331] : memref<20480x16xf32, #tpu.memory_space<vmem_shared>> -> memref<20480x16xf32, #tpu.memory_space<vmem_shared>>
      tpu.enqueue_indirect_dma source(%arg9 : memref<80x16xf32, #tpu.memory_space<vmem>>) target(%dma_start3A_332 : memref<20480x16xf32, #tpu.memory_space<vmem_shared>>) offsets(%dma_start3A_329 : memref<80xi32, #tpu.memory_space<vmem>>) semaphore(%arg11 : memref<!tpu.dma_semaphore, #tpu.memory_space<semaphore_mem>>) {add = true}
      %dma_wait3A_333 = arith.constant 17 : i32
      %dma_wait3A_334 = arith.constant 0 : i32
      %dma_wait3A_335 = tpu.memref_slice %arg8[%dma_wait3A_333, %dma_wait3A_334] : memref<25x80xi32, #tpu.memory_space<vmem>> -> memref<1x80xi32, #tpu.memory_space<vmem>>
      %dma_wait3A_336 = tpu.memref_squeeze %dma_wait3A_335 : memref<1x80xi32, #tpu.memory_space<vmem>> -> memref<80xi32, #tpu.memory_space<vmem>>
      %dma_wait3A_337 = arith.constant 0 : i32
      %dma_wait3A_338 = arith.constant 0 : i32
      %dma_wait3A_339 = tpu.memref_slice %arg5[%dma_wait3A_337, %dma_wait3A_338] : memref<20480x16xf32, #tpu.memory_space<vmem_shared>> -> memref<20480x16xf32, #tpu.memory_space<vmem_shared>>
      tpu.wait_indirect_dma semaphore(%arg12 : memref<!tpu.dma_semaphore, #tpu.memory_space<semaphore_mem>>) src(%arg9 : memref<80x16xf32, #tpu.memory_space<vmem>>) dst(%dma_wait3A_339 : memref<20480x16xf32, #tpu.memory_space<vmem_shared>>)
      %dma_start3A_340 = arith.constant 21 : i32
      %dma_start3A_341 = arith.constant 0 : i32
      %dma_start3A_342 = tpu.memref_slice %arg8[%dma_start3A_340, %dma_start3A_341] : memref<25x80xi32, #tpu.memory_space<vmem>> -> memref<1x80xi32, #tpu.memory_space<vmem>>
      %dma_start3A_343 = tpu.memref_squeeze %dma_start3A_342 : memref<1x80xi32, #tpu.memory_space<vmem>> -> memref<80xi32, #tpu.memory_space<vmem>>
      %dma_start3A_344 = arith.constant 0 : i32
      %dma_start3A_345 = arith.constant 0 : i32
      %dma_start3A_346 = tpu.memref_slice %arg5[%dma_start3A_344, %dma_start3A_345] : memref<20480x16xf32, #tpu.memory_space<vmem_shared>> -> memref<20480x16xf32, #tpu.memory_space<vmem_shared>>
      tpu.enqueue_indirect_dma source(%arg9 : memref<80x16xf32, #tpu.memory_space<vmem>>) target(%dma_start3A_346 : memref<20480x16xf32, #tpu.memory_space<vmem_shared>>) offsets(%dma_start3A_343 : memref<80xi32, #tpu.memory_space<vmem>>) semaphore(%arg12 : memref<!tpu.dma_semaphore, #tpu.memory_space<semaphore_mem>>) {add = true}
      %dma_wait3A_347 = arith.constant 18 : i32
      %dma_wait3A_348 = arith.constant 0 : i32
      %dma_wait3A_349 = tpu.memref_slice %arg8[%dma_wait3A_347, %dma_wait3A_348] : memref<25x80xi32, #tpu.memory_space<vmem>> -> memref<1x80xi32, #tpu.memory_space<vmem>>
      %dma_wait3A_350 = tpu.memref_squeeze %dma_wait3A_349 : memref<1x80xi32, #tpu.memory_space<vmem>> -> memref<80xi32, #tpu.memory_space<vmem>>
      %dma_wait3A_351 = arith.constant 0 : i32
      %dma_wait3A_352 = arith.constant 0 : i32
      %dma_wait3A_353 = tpu.memref_slice %arg5[%dma_wait3A_351, %dma_wait3A_352] : memref<20480x16xf32, #tpu.memory_space<vmem_shared>> -> memref<20480x16xf32, #tpu.memory_space<vmem_shared>>
      tpu.wait_indirect_dma semaphore(%arg13 : memref<!tpu.dma_semaphore, #tpu.memory_space<semaphore_mem>>) src(%arg9 : memref<80x16xf32, #tpu.memory_space<vmem>>) dst(%dma_wait3A_353 : memref<20480x16xf32, #tpu.memory_space<vmem_shared>>)
      %dma_start3A_354 = arith.constant 22 : i32
      %dma_start3A_355 = arith.constant 0 : i32
      %dma_start3A_356 = tpu.memref_slice %arg8[%dma_start3A_354, %dma_start3A_355] : memref<25x80xi32, #tpu.memory_space<vmem>> -> memref<1x80xi32, #tpu.memory_space<vmem>>
      %dma_start3A_357 = tpu.memref_squeeze %dma_start3A_356 : memref<1x80xi32, #tpu.memory_space<vmem>> -> memref<80xi32, #tpu.memory_space<vmem>>
      %dma_start3A_358 = arith.constant 0 : i32
      %dma_start3A_359 = arith.constant 0 : i32
      %dma_start3A_360 = tpu.memref_slice %arg5[%dma_start3A_358, %dma_start3A_359] : memref<20480x16xf32, #tpu.memory_space<vmem_shared>> -> memref<20480x16xf32, #tpu.memory_space<vmem_shared>>
      tpu.enqueue_indirect_dma source(%arg9 : memref<80x16xf32, #tpu.memory_space<vmem>>) target(%dma_start3A_360 : memref<20480x16xf32, #tpu.memory_space<vmem_shared>>) offsets(%dma_start3A_357 : memref<80xi32, #tpu.memory_space<vmem>>) semaphore(%arg13 : memref<!tpu.dma_semaphore, #tpu.memory_space<semaphore_mem>>) {add = true}
      %dma_wait3A_361 = arith.constant 19 : i32
      %dma_wait3A_362 = arith.constant 0 : i32
      %dma_wait3A_363 = tpu.memref_slice %arg8[%dma_wait3A_361, %dma_wait3A_362] : memref<25x80xi32, #tpu.memory_space<vmem>> -> memref<1x80xi32, #tpu.memory_space<vmem>>
      %dma_wait3A_364 = tpu.memref_squeeze %dma_wait3A_363 : memref<1x80xi32, #tpu.memory_space<vmem>> -> memref<80xi32, #tpu.memory_space<vmem>>
      %dma_wait3A_365 = arith.constant 0 : i32
      %dma_wait3A_366 = arith.constant 0 : i32
      %dma_wait3A_367 = tpu.memref_slice %arg5[%dma_wait3A_365, %dma_wait3A_366] : memref<20480x16xf32, #tpu.memory_space<vmem_shared>> -> memref<20480x16xf32, #tpu.memory_space<vmem_shared>>
      tpu.wait_indirect_dma semaphore(%arg14 : memref<!tpu.dma_semaphore, #tpu.memory_space<semaphore_mem>>) src(%arg9 : memref<80x16xf32, #tpu.memory_space<vmem>>) dst(%dma_wait3A_367 : memref<20480x16xf32, #tpu.memory_space<vmem_shared>>)
      %dma_start3A_368 = arith.constant 23 : i32
      %dma_start3A_369 = arith.constant 0 : i32
      %dma_start3A_370 = tpu.memref_slice %arg8[%dma_start3A_368, %dma_start3A_369] : memref<25x80xi32, #tpu.memory_space<vmem>> -> memref<1x80xi32, #tpu.memory_space<vmem>>
      %dma_start3A_371 = tpu.memref_squeeze %dma_start3A_370 : memref<1x80xi32, #tpu.memory_space<vmem>> -> memref<80xi32, #tpu.memory_space<vmem>>
      %dma_start3A_372 = arith.constant 0 : i32
      %dma_start3A_373 = arith.constant 0 : i32
      %dma_start3A_374 = tpu.memref_slice %arg5[%dma_start3A_372, %dma_start3A_373] : memref<20480x16xf32, #tpu.memory_space<vmem_shared>> -> memref<20480x16xf32, #tpu.memory_space<vmem_shared>>
      tpu.enqueue_indirect_dma source(%arg9 : memref<80x16xf32, #tpu.memory_space<vmem>>) target(%dma_start3A_374 : memref<20480x16xf32, #tpu.memory_space<vmem_shared>>) offsets(%dma_start3A_371 : memref<80xi32, #tpu.memory_space<vmem>>) semaphore(%arg14 : memref<!tpu.dma_semaphore, #tpu.memory_space<semaphore_mem>>) {add = true}
      %dma_wait3A_375 = arith.constant 20 : i32
      %dma_wait3A_376 = arith.constant 0 : i32
      %dma_wait3A_377 = tpu.memref_slice %arg8[%dma_wait3A_375, %dma_wait3A_376] : memref<25x80xi32, #tpu.memory_space<vmem>> -> memref<1x80xi32, #tpu.memory_space<vmem>>
      %dma_wait3A_378 = tpu.memref_squeeze %dma_wait3A_377 : memref<1x80xi32, #tpu.memory_space<vmem>> -> memref<80xi32, #tpu.memory_space<vmem>>
      %dma_wait3A_379 = arith.constant 0 : i32
      %dma_wait3A_380 = arith.constant 0 : i32
      %dma_wait3A_381 = tpu.memref_slice %arg5[%dma_wait3A_379, %dma_wait3A_380] : memref<20480x16xf32, #tpu.memory_space<vmem_shared>> -> memref<20480x16xf32, #tpu.memory_space<vmem_shared>>
      tpu.wait_indirect_dma semaphore(%arg11 : memref<!tpu.dma_semaphore, #tpu.memory_space<semaphore_mem>>) src(%arg9 : memref<80x16xf32, #tpu.memory_space<vmem>>) dst(%dma_wait3A_381 : memref<20480x16xf32, #tpu.memory_space<vmem_shared>>)
      %dma_start3A_382 = arith.constant 24 : i32
      %dma_start3A_383 = arith.constant 0 : i32
      %dma_start3A_384 = tpu.memref_slice %arg8[%dma_start3A_382, %dma_start3A_383] : memref<25x80xi32, #tpu.memory_space<vmem>> -> memref<1x80xi32, #tpu.memory_space<vmem>>
      %dma_start3A_385 = tpu.memref_squeeze %dma_start3A_384 : memref<1x80xi32, #tpu.memory_space<vmem>> -> memref<80xi32, #tpu.memory_space<vmem>>
      %dma_start3A_386 = arith.constant 0 : i32
      %dma_start3A_387 = arith.constant 0 : i32
      %dma_start3A_388 = tpu.memref_slice %arg5[%dma_start3A_386, %dma_start3A_387] : memref<20480x16xf32, #tpu.memory_space<vmem_shared>> -> memref<20480x16xf32, #tpu.memory_space<vmem_shared>>
      tpu.enqueue_indirect_dma source(%arg9 : memref<80x16xf32, #tpu.memory_space<vmem>>) target(%dma_start3A_388 : memref<20480x16xf32, #tpu.memory_space<vmem_shared>>) offsets(%dma_start3A_385 : memref<80xi32, #tpu.memory_space<vmem>>) semaphore(%arg11 : memref<!tpu.dma_semaphore, #tpu.memory_space<semaphore_mem>>) {add = true}
      %dma_wait3A_389 = arith.constant 21 : i32
      %dma_wait3A_390 = arith.constant 0 : i32
      %dma_wait3A_391 = tpu.memref_slice %arg8[%dma_wait3A_389, %dma_wait3A_390] : memref<25x80xi32, #tpu.memory_space<vmem>> -> memref<1x80xi32, #tpu.memory_space<vmem>>
      %dma_wait3A_392 = tpu.memref_squeeze %dma_wait3A_391 : memref<1x80xi32, #tpu.memory_space<vmem>> -> memref<80xi32, #tpu.memory_space<vmem>>
      %dma_wait3A_393 = arith.constant 0 : i32
      %dma_wait3A_394 = arith.constant 0 : i32
      %dma_wait3A_395 = tpu.memref_slice %arg5[%dma_wait3A_393, %dma_wait3A_394] : memref<20480x16xf32, #tpu.memory_space<vmem_shared>> -> memref<20480x16xf32, #tpu.memory_space<vmem_shared>>
      tpu.wait_indirect_dma semaphore(%arg12 : memref<!tpu.dma_semaphore, #tpu.memory_space<semaphore_mem>>) src(%arg9 : memref<80x16xf32, #tpu.memory_space<vmem>>) dst(%dma_wait3A_395 : memref<20480x16xf32, #tpu.memory_space<vmem_shared>>)
      %dma_wait3A_396 = arith.constant 22 : i32
      %dma_wait3A_397 = arith.constant 0 : i32
      %dma_wait3A_398 = tpu.memref_slice %arg8[%dma_wait3A_396, %dma_wait3A_397] : memref<25x80xi32, #tpu.memory_space<vmem>> -> memref<1x80xi32, #tpu.memory_space<vmem>>
      %dma_wait3A_399 = tpu.memref_squeeze %dma_wait3A_398 : memref<1x80xi32, #tpu.memory_space<vmem>> -> memref<80xi32, #tpu.memory_space<vmem>>
      %dma_wait3A_400 = arith.constant 0 : i32
      %dma_wait3A_401 = arith.constant 0 : i32
      %dma_wait3A_402 = tpu.memref_slice %arg5[%dma_wait3A_400, %dma_wait3A_401] : memref<20480x16xf32, #tpu.memory_space<vmem_shared>> -> memref<20480x16xf32, #tpu.memory_space<vmem_shared>>
      tpu.wait_indirect_dma semaphore(%arg13 : memref<!tpu.dma_semaphore, #tpu.memory_space<semaphore_mem>>) src(%arg9 : memref<80x16xf32, #tpu.memory_space<vmem>>) dst(%dma_wait3A_402 : memref<20480x16xf32, #tpu.memory_space<vmem_shared>>)
      %dma_wait3A_403 = arith.constant 23 : i32
      %dma_wait3A_404 = arith.constant 0 : i32
      %dma_wait3A_405 = tpu.memref_slice %arg8[%dma_wait3A_403, %dma_wait3A_404] : memref<25x80xi32, #tpu.memory_space<vmem>> -> memref<1x80xi32, #tpu.memory_space<vmem>>
      %dma_wait3A_406 = tpu.memref_squeeze %dma_wait3A_405 : memref<1x80xi32, #tpu.memory_space<vmem>> -> memref<80xi32, #tpu.memory_space<vmem>>
      %dma_wait3A_407 = arith.constant 0 : i32
      %dma_wait3A_408 = arith.constant 0 : i32
      %dma_wait3A_409 = tpu.memref_slice %arg5[%dma_wait3A_407, %dma_wait3A_408] : memref<20480x16xf32, #tpu.memory_space<vmem_shared>> -> memref<20480x16xf32, #tpu.memory_space<vmem_shared>>
      tpu.wait_indirect_dma semaphore(%arg14 : memref<!tpu.dma_semaphore, #tpu.memory_space<semaphore_mem>>) src(%arg9 : memref<80x16xf32, #tpu.memory_space<vmem>>) dst(%dma_wait3A_409 : memref<20480x16xf32, #tpu.memory_space<vmem_shared>>)
      %dma_wait3A_410 = arith.constant 24 : i32
      %dma_wait3A_411 = arith.constant 0 : i32
      %dma_wait3A_412 = tpu.memref_slice %arg8[%dma_wait3A_410, %dma_wait3A_411] : memref<25x80xi32, #tpu.memory_space<vmem>> -> memref<1x80xi32, #tpu.memory_space<vmem>>
      %dma_wait3A_413 = tpu.memref_squeeze %dma_wait3A_412 : memref<1x80xi32, #tpu.memory_space<vmem>> -> memref<80xi32, #tpu.memory_space<vmem>>
      %dma_wait3A_414 = arith.constant 0 : i32
      %dma_wait3A_415 = arith.constant 0 : i32
      %dma_wait3A_416 = tpu.memref_slice %arg5[%dma_wait3A_414, %dma_wait3A_415] : memref<20480x16xf32, #tpu.memory_space<vmem_shared>> -> memref<20480x16xf32, #tpu.memory_space<vmem_shared>>
      tpu.wait_indirect_dma semaphore(%arg11 : memref<!tpu.dma_semaphore, #tpu.memory_space<semaphore_mem>>) src(%arg9 : memref<80x16xf32, #tpu.memory_space<vmem>>) dst(%dma_wait3A_416 : memref<20480x16xf32, #tpu.memory_space<vmem_shared>>)
      %scan3A_417 = arith.constant 0 : i32
      scf.yield %scan3A_417 : i32
    }
    %scan3A_34 = arith.constant 5 : i32
    %barrier3A_35 = arith.constant 0 : index
    tpu.barrier barrier_id(%barrier3A_35)
    %jit3A = arith.constant 8 : i32
    %div3A = arith.divsi %arg1, %jit3A : i32
    %sign3A = arith.constant 0 : i32
    %sign3A_36 = arith.cmpi sgt, %arg1, %sign3A : i32
    %sign3A_37 = arith.extui %sign3A_36 : i1 to i32
    %sign3A_38 = arith.constant 0 : i32
    %sign3A_39 = arith.cmpi slt, %arg1, %sign3A_38 : i32
    %sign3A_40 = arith.extui %sign3A_39 : i1 to i32
    %sign3A_41 = arith.subi %sign3A_37, %sign3A_40 : i32
    %sign3A_42 = arith.constant 0 : i32
    %sign3A_43 = arith.cmpi sgt, %jit3A, %sign3A_42 : i32
    %sign3A_44 = arith.extui %sign3A_43 : i1 to i32
    %sign3A_45 = arith.constant 0 : i32
    %sign3A_46 = arith.cmpi slt, %jit3A, %sign3A_45 : i32
    %sign3A_47 = arith.extui %sign3A_46 : i1 to i32
    %sign3A_48 = arith.subi %sign3A_44, %sign3A_47 : i32
    %ne3A = arith.cmpi ne, %sign3A_41, %sign3A_48 : i32
    %rem3A = arith.remsi %arg1, %jit3A : i32
    %ne3A_49 = arith.constant 0 : i32
    %ne3A_50 = arith.cmpi ne, %rem3A, %ne3A_49 : i32
    %and3A = arith.andi %ne3A, %ne3A_50 : i1
    %sub3A = arith.constant 1 : i32
    %sub3A_51 = arith.subi %div3A, %sub3A : i32
    %select_n3A = arith.select %and3A, %sub3A_51, %div3A : i32
    %mul3A_52 = arith.constant 8 : i32
    %mul3A_53 = arith.muli %select_n3A, %mul3A_52 : i32
    %sub3A_54 = arith.subi %arg1, %mul3A_53 : i32
    %mul3A_55 = arith.constant 1280 : i32
    %mul3A_56 = arith.muli %sub3A_54, %mul3A_55 : i32
    "tpu.region"() ({
      %run_scoped3A = tpu.sem_alloc : memref<!tpu.dma_semaphore, #tpu.memory_space<semaphore_mem>>
      %dma_start3A = arith.constant 0 : i32
      %dma_start3A_57 = arith.constant 0 : i32
      %dma_start3A_58 = arith.constant 0 : i32
      %dma_start3A_59 = tpu.memref_slice %arg4[%arg0, %dma_start3A, %dma_start3A_57, %dma_start3A_58] : memref<2x2x10240x16xf32, #tpu.memory_space<hbm>> -> memref<1x2x10240x16xf32, #tpu.memory_space<hbm>>
      %dma_start3A_60 = tpu.memref_squeeze %dma_start3A_59 : memref<1x2x10240x16xf32, #tpu.memory_space<hbm>> -> memref<2x10240x16xf32, #tpu.memory_space<hbm>>
      %dma_start3A_61 = arith.constant 0 : i32
      %dma_start3A_62 = arith.constant 0 : i32
      %dma_start3A_63 = tpu.memref_slice %dma_start3A_60[%select_n3A, %dma_start3A_61, %dma_start3A_62] : memref<2x10240x16xf32, #tpu.memory_space<hbm>> -> memref<1x10240x16xf32, #tpu.memory_space<hbm>>
      %dma_start3A_64 = tpu.memref_squeeze %dma_start3A_63 : memref<1x10240x16xf32, #tpu.memory_space<hbm>> -> memref<10240x16xf32, #tpu.memory_space<hbm>>
      %dma_start3A_65 = arith.constant 0 : i32
      %dma_start3A_66 = tpu.memref_slice %dma_start3A_64[%mul3A_56, %dma_start3A_65] : memref<10240x16xf32, #tpu.memory_space<hbm>> -> memref<1280x16xf32, #tpu.memory_space<hbm>>
      %dma_start3A_67 = arith.constant 0 : i32
      %dma_start3A_68 = tpu.memref_slice %arg5[%mul3A_16, %dma_start3A_67] : memref<20480x16xf32, #tpu.memory_space<vmem_shared>> -> memref<1280x16xf32, #tpu.memory_space<vmem_shared>>
      tpu.enqueue_dma source(%dma_start3A_68 : memref<1280x16xf32, #tpu.memory_space<vmem_shared>>) target(%dma_start3A_66 : memref<1280x16xf32, #tpu.memory_space<hbm>>) target_semaphore(%run_scoped3A : memref<!tpu.dma_semaphore, #tpu.memory_space<semaphore_mem>>)
      %dma_wait3A = arith.constant 0 : i32
      %dma_wait3A_69 = arith.constant 0 : i32
      %dma_wait3A_70 = arith.constant 0 : i32
      %dma_wait3A_71 = tpu.memref_slice %arg4[%arg0, %dma_wait3A, %dma_wait3A_69, %dma_wait3A_70] : memref<2x2x10240x16xf32, #tpu.memory_space<hbm>> -> memref<1x2x10240x16xf32, #tpu.memory_space<hbm>>
      %dma_wait3A_72 = tpu.memref_squeeze %dma_wait3A_71 : memref<1x2x10240x16xf32, #tpu.memory_space<hbm>> -> memref<2x10240x16xf32, #tpu.memory_space<hbm>>
      %dma_wait3A_73 = arith.constant 0 : i32
      %dma_wait3A_74 = arith.constant 0 : i32
      %dma_wait3A_75 = tpu.memref_slice %dma_wait3A_72[%select_n3A, %dma_wait3A_73, %dma_wait3A_74] : memref<2x10240x16xf32, #tpu.memory_space<hbm>> -> memref<1x10240x16xf32, #tpu.memory_space<hbm>>
      %dma_wait3A_76 = tpu.memref_squeeze %dma_wait3A_75 : memref<1x10240x16xf32, #tpu.memory_space<hbm>> -> memref<10240x16xf32, #tpu.memory_space<hbm>>
      %dma_wait3A_77 = arith.constant 0 : i32
      %dma_wait3A_78 = tpu.memref_slice %dma_wait3A_76[%mul3A_56, %dma_wait3A_77] : memref<10240x16xf32, #tpu.memory_space<hbm>> -> memref<1280x16xf32, #tpu.memory_space<hbm>>
      %dma_wait3A_79 = arith.constant 0 : i32
      %dma_wait3A_80 = tpu.memref_slice %arg5[%mul3A_16, %dma_wait3A_79] : memref<20480x16xf32, #tpu.memory_space<vmem_shared>> -> memref<1280x16xf32, #tpu.memory_space<vmem_shared>>
      tpu.wait_dma2 semaphore(%run_scoped3A : memref<!tpu.dma_semaphore, #tpu.memory_space<semaphore_mem>>) src(%dma_wait3A_80 : memref<1280x16xf32, #tpu.memory_space<vmem_shared>>) dst(%dma_wait3A_78 : memref<1280x16xf32, #tpu.memory_space<hbm>>)
      tpu.yield
    }) : () -> ()
    return
  }
}

module attributes {stable_mosaic.version = 14 : i64} {
  func.func @body(%arg0: i32, %arg1: memref<1000x16xf32, #tpu.memory_space<vmem>>, %arg2: memref<16x128xf32, #tpu.memory_space<vmem>>, %arg3: memref<1x128xf32, #tpu.memory_space<vmem>>, %arg4: memref<1000x128xf32, #tpu.memory_space<vmem>>, %arg5: memref<2x1000x64xf32, #tpu.memory_space<vmem>>) attributes {dimension_semantics = [#tpu.dimension_semantics<arbitrary>], iteration_bounds = array<i64: 10>, scalar_prefetch = 0 : i64, scratch_operands = 0 : i64, tpu.core_type = #tpu.core_type<tc>, window_params = [{transform_indices = @transform_0, window_bounds = array<i64: 1000, 16>}, {pipeline_mode = #tpu.pipeline_mode<synchronous>, transform_indices = @transform_1, window_bounds = array<i64: 16, 128>}, {pipeline_mode = #tpu.pipeline_mode<synchronous>, transform_indices = @transform_2, window_bounds = array<i64: 1, 128>}, {transform_indices = @transform_3, window_bounds = array<i64: 1000, 128>}, {transform_indices = @transform_4, window_bounds = array<i64: 2, 1000, 64>}]} {
    %get3A = arith.constant 0 : index
    %get3A_0 = arith.constant 0 : index
    %get3A_1 = vector.load %arg1[%get3A, %get3A_0] : memref<1000x16xf32, #tpu.memory_space<vmem>>, vector<1000x16xf32>
    %get3A_2 = arith.constant 0 : index
    %get3A_3 = arith.constant 0 : index
    %get3A_4 = vector.load %arg2[%get3A_2, %get3A_3] : memref<16x128xf32, #tpu.memory_space<vmem>>, vector<16x128xf32>
    %dot_general3A = arith.constant dense<0.000000e+00> : vector<1000x128xf32>
    %dot_general3A_5 = tpu.matmul %get3A_1, %get3A_4, %dot_general3A {dimension_numbers = #tpu.dot_dimension_numbers<[1], [0], [0], [1], [0, 0, 1, 1], [], []>, transpose_lhs_hint = false} : vector<1000x16xf32>, vector<16x128xf32>, vector<1000x128xf32> -> vector<1000x128xf32>
    %get3A_6 = arith.constant 0 : index
    %get3A_7 = arith.constant 0 : index
    %get3A_8 = vector.load %arg3[%get3A_6, %get3A_7] : memref<1x128xf32, #tpu.memory_space<vmem>>, vector<1x128xf32>
    %add3A = vector.broadcast %get3A_8 : vector<1x128xf32> to vector<1000x128xf32>
    %add3A_9 = arith.addf %dot_general3A_5, %add3A : vector<1000x128xf32>
    %ge3A = arith.constant 0.000000e+00 : f32
    %ge3A_10 = vector.broadcast %ge3A : f32 to vector<1000x128xf32>
    %ge3A_11 = arith.cmpf oge, %add3A_9, %ge3A_10 : vector<1000x128xf32>
    %mul3A = arith.constant 0.00999999977 : f32
    %mul3A_12 = vector.broadcast %mul3A : f32 to vector<1000x128xf32>
    %mul3A_13 = arith.mulf %mul3A_12, %add3A_9 : vector<1000x128xf32>
    %select_n3A = arith.select %ge3A_11, %add3A_9, %mul3A_13 : vector<1000x128xi1>, vector<1000x128xf32>
    %swap3A = arith.constant 0 : index
    %swap3A_14 = arith.constant 0 : index
    %swap3A_15 = vector.load %arg4[%swap3A, %swap3A_14] : memref<1000x128xf32, #tpu.memory_space<vmem>>, vector<1000x128xf32>
    tpu.vector_store %arg4[%swap3A, %swap3A_14], %select_n3A {strides = array<i32>} : memref<1000x128xf32, #tpu.memory_space<vmem>>, vector<1000x128xf32>,
    %slice3A = vector.extract_strided_slice %select_n3A {offsets = [0, 0], sizes = [1000, 64], strides = [1, 1]} : vector<1000x128xf32> to vector<1000x64xf32>
    %swap3A_16 = arith.constant 0 : index
    %swap3A_17 = arith.constant 0 : index
    %swap3A_18 = arith.constant 0 : index
    %swap3A_19 = vector.load %arg5[%swap3A_16, %swap3A_17, %swap3A_18] : memref<2x1000x64xf32, #tpu.memory_space<vmem>>, vector<1x1000x64xf32>
    %swap3A_20 = vector.shape_cast %swap3A_19 : vector<1x1000x64xf32> to vector<1000x64xf32>
    %swap3A_21 = vector.shape_cast %slice3A : vector<1000x64xf32> to vector<1x1000x64xf32>
    tpu.vector_store %arg5[%swap3A_16, %swap3A_17, %swap3A_18], %swap3A_21 {strides = array<i32>} : memref<2x1000x64xf32, #tpu.memory_space<vmem>>, vector<1x1000x64xf32>,
    %slice3A_22 = vector.extract_strided_slice %select_n3A {offsets = [0, 64], sizes = [1000, 64], strides = [1, 1]} : vector<1000x128xf32> to vector<1000x64xf32>
    %swap3A_23 = arith.constant 1 : index
    %swap3A_24 = arith.constant 0 : index
    %swap3A_25 = arith.constant 0 : index
    %swap3A_26 = vector.load %arg5[%swap3A_23, %swap3A_24, %swap3A_25] : memref<2x1000x64xf32, #tpu.memory_space<vmem>>, vector<1x1000x64xf32>
    %swap3A_27 = vector.shape_cast %swap3A_26 : vector<1x1000x64xf32> to vector<1000x64xf32>
    %swap3A_28 = vector.shape_cast %slice3A_22 : vector<1000x64xf32> to vector<1x1000x64xf32>
    tpu.vector_store %arg5[%swap3A_23, %swap3A_24, %swap3A_25], %swap3A_28 {strides = array<i32>} : memref<2x1000x64xf32, #tpu.memory_space<vmem>>, vector<1x1000x64xf32>,
    return
  }
  func.func @transform_0(%arg0: i32) -> (i32, i32) {
    %c0_i32 = arith.constant 0 : i32
    %c0_i32_0 = arith.constant 0 : i32
    return %arg0, %c0_i32 : i32, i32
  }
  func.func @transform_1(%arg0: i32) -> (i32, i32) {
    %c0_i32 = arith.constant 0 : i32
    %c0_i32_0 = arith.constant 0 : i32
    %c0_i32_1 = arith.constant 0 : i32
    return %c0_i32, %c0_i32_0 : i32, i32
  }
  func.func @transform_2(%arg0: i32) -> (i32, i32) {
    %c0_i32 = arith.constant 0 : i32
    %c0_i32_0 = arith.constant 0 : i32
    %c0_i32_1 = arith.constant 0 : i32
    return %c0_i32, %c0_i32_0 : i32, i32
  }
  func.func @transform_3(%arg0: i32) -> (i32, i32) {
    %c0_i32 = arith.constant 0 : i32
    %c0_i32_0 = arith.constant 0 : i32
    return %arg0, %c0_i32 : i32, i32
  }
  func.func @transform_4(%arg0: i32) -> (i32, i32, i32) {
    %c0_i32 = arith.constant 0 : i32
    %c0_i32_0 = arith.constant 0 : i32
    %c0_i32_1 = arith.constant 0 : i32
    return %c0_i32, %arg0, %c0_i32_0 : i32, i32, i32
  }
}

module attributes {stable_mosaic.version = 14 : i64} {
  func.func @body(%arg0: i32, %arg1: memref<1000x128xf32, #tpu.memory_space<vmem>>, %arg2: memref<2x2x1000x64xf32, #tpu.memory_space<vmem>>, %arg3: memref<2x2x1000x16xf32, #tpu.memory_space<vmem>>, %arg4: memref<2x128x128xf32, #tpu.memory_space<vmem>>, %arg5: memref<128x128xf32, #tpu.memory_space<vmem>>, %arg6: memref<1x128xf32, #tpu.memory_space<vmem>>, %arg7: memref<1000x128xf32, #tpu.memory_space<vmem>>, %arg8: memref<2x1000x64xf32, #tpu.memory_space<vmem>>) attributes {dimension_semantics = [#tpu.dimension_semantics<arbitrary>], iteration_bounds = array<i64: 10>, scalar_prefetch = 0 : i64, scratch_operands = 0 : i64, tpu.core_type = #tpu.core_type<tc>, window_params = [{transform_indices = @transform_0, window_bounds = array<i64: 1000, 128>}, {transform_indices = @transform_1, window_bounds = array<i64: 2, 2, 1000, 64>}, {transform_indices = @transform_2, window_bounds = array<i64: 2, 2, 1000, 16>}, {pipeline_mode = #tpu.pipeline_mode<synchronous>, transform_indices = @transform_3, window_bounds = array<i64: 2, 128, 128>}, {pipeline_mode = #tpu.pipeline_mode<synchronous>, transform_indices = @transform_4, window_bounds = array<i64: 128, 128>}, {pipeline_mode = #tpu.pipeline_mode<synchronous>, transform_indices = @transform_5, window_bounds = array<i64: 1, 128>}, {transform_indices = @transform_6, window_bounds = array<i64: 1000, 128>}, {transform_indices = @transform_7, window_bounds = array<i64: 2, 1000, 64>}]} {
    %get3A = arith.constant 0 : index
    %get3A_0 = arith.constant 0 : index
    %get3A_1 = vector.load %arg1[%get3A, %get3A_0] : memref<1000x128xf32, #tpu.memory_space<vmem>>, vector<1000x128xf32>
    %get3A_2 = arith.constant 0 : index
    %get3A_3 = arith.constant 0 : index
    %get3A_4 = vector.load %arg5[%get3A_2, %get3A_3] : memref<128x128xf32, #tpu.memory_space<vmem>>, vector<128x128xf32>
    %dot_general3A = arith.constant dense<0.000000e+00> : vector<1000x128xf32>
    %dot_general3A_5 = tpu.matmul %get3A_1, %get3A_4, %dot_general3A {dimension_numbers = #tpu.dot_dimension_numbers<[1], [0], [0], [1], [0, 0, 1, 1], [], []>, transpose_lhs_hint = false} : vector<1000x128xf32>, vector<128x128xf32>, vector<1000x128xf32> -> vector<1000x128xf32>
    %get3A_6 = arith.constant 0 : index
    %get3A_7 = arith.constant 0 : index
    %get3A_8 = vector.load %arg6[%get3A_6, %get3A_7] : memref<1x128xf32, #tpu.memory_space<vmem>>, vector<1x128xf32>
    %add3A = vector.broadcast %get3A_8 : vector<1x128xf32> to vector<1000x128xf32>
    %add3A_9 = arith.addf %dot_general3A_5, %add3A : vector<1000x128xf32>
    %get3A_10 = arith.constant 0 : index
    %get3A_11 = arith.constant 0 : index
    %get3A_12 = arith.constant 0 : index
    %get3A_13 = arith.constant 0 : index
    %get3A_14 = vector.load %arg3[%get3A_10, %get3A_11, %get3A_12, %get3A_13] : memref<2x2x1000x16xf32, #tpu.memory_space<vmem>>, vector<1x1x1000x1xf32>
    %get3A_15 = vector.shape_cast %get3A_14 : vector<1x1x1000x1xf32> to vector<1000x1xf32>
    %get3A_16 = arith.constant 1 : index
    %get3A_17 = arith.constant 0 : index
    %get3A_18 = arith.constant 0 : index
    %get3A_19 = arith.constant 0 : index
    %get3A_20 = vector.load %arg3[%get3A_16, %get3A_17, %get3A_18, %get3A_19] : memref<2x2x1000x16xf32, #tpu.memory_space<vmem>>, vector<1x1x1000x1xf32>
    %get3A_21 = vector.shape_cast %get3A_20 : vector<1x1x1000x1xf32> to vector<1000x1xf32>
    %add3A_22 = arith.addf %get3A_15, %get3A_21 : vector<1000x1xf32>
    %max3A = arith.constant 1.000000e+00 : f32
    %max3A_23 = vector.broadcast %max3A : f32 to vector<1000x1xf32>
    %max3A_24 = arith.maximumf %add3A_22, %max3A_23 : vector<1000x1xf32>
    %div3A = arith.constant 1.000000e+00 : f32
    %div3A_25 = vector.broadcast %div3A : f32 to vector<1000x1xf32>
    %div3A_26 = arith.divf %div3A_25, %max3A_24 : vector<1000x1xf32>
    %get3A_27 = arith.constant 0 : index
    %get3A_28 = arith.constant 0 : index
    %get3A_29 = arith.constant 0 : index
    %get3A_30 = arith.constant 0 : index
    %get3A_31 = vector.load %arg2[%get3A_27, %get3A_28, %get3A_29, %get3A_30] : memref<2x2x1000x64xf32, #tpu.memory_space<vmem>>, vector<1x1x1000x64xf32>
    %get3A_32 = vector.shape_cast %get3A_31 : vector<1x1x1000x64xf32> to vector<1000x64xf32>
    %mul3A = vector.broadcast %div3A_26 : vector<1000x1xf32> to vector<1000x64xf32>
    %mul3A_33 = arith.mulf %get3A_32, %mul3A : vector<1000x64xf32>
    %get3A_34 = arith.constant 0 : index
    %get3A_35 = arith.constant 0 : index
    %get3A_36 = arith.constant 0 : index
    %get3A_37 = vector.load %arg4[%get3A_34, %get3A_35, %get3A_36] : memref<2x128x128xf32, #tpu.memory_space<vmem>>, vector<1x64x128xf32>
    %get3A_38 = vector.shape_cast %get3A_37 : vector<1x64x128xf32> to vector<64x128xf32>
    %dot_general3A_39 = arith.constant dense<0.000000e+00> : vector<1000x128xf32>
    %dot_general3A_40 = tpu.matmul %mul3A_33, %get3A_38, %dot_general3A_39 {dimension_numbers = #tpu.dot_dimension_numbers<[1], [0], [0], [1], [0, 0, 1, 1], [], []>, transpose_lhs_hint = false} : vector<1000x64xf32>, vector<64x128xf32>, vector<1000x128xf32> -> vector<1000x128xf32>
    %add3A_41 = arith.addf %add3A_9, %dot_general3A_40 : vector<1000x128xf32>
    %get3A_42 = arith.constant 1 : index
    %get3A_43 = arith.constant 0 : index
    %get3A_44 = arith.constant 0 : index
    %get3A_45 = arith.constant 0 : index
    %get3A_46 = vector.load %arg2[%get3A_42, %get3A_43, %get3A_44, %get3A_45] : memref<2x2x1000x64xf32, #tpu.memory_space<vmem>>, vector<1x1x1000x64xf32>
    %get3A_47 = vector.shape_cast %get3A_46 : vector<1x1x1000x64xf32> to vector<1000x64xf32>
    %mul3A_48 = vector.broadcast %div3A_26 : vector<1000x1xf32> to vector<1000x64xf32>
    %mul3A_49 = arith.mulf %get3A_47, %mul3A_48 : vector<1000x64xf32>
    %get3A_50 = arith.constant 0 : index
    %get3A_51 = arith.constant 64 : index
    %get3A_52 = arith.constant 0 : index
    %get3A_53 = vector.load %arg4[%get3A_50, %get3A_51, %get3A_52] : memref<2x128x128xf32, #tpu.memory_space<vmem>>, vector<1x64x128xf32>
    %get3A_54 = vector.shape_cast %get3A_53 : vector<1x64x128xf32> to vector<64x128xf32>
    %dot_general3A_55 = arith.constant dense<0.000000e+00> : vector<1000x128xf32>
    %dot_general3A_56 = tpu.matmul %mul3A_49, %get3A_54, %dot_general3A_55 {dimension_numbers = #tpu.dot_dimension_numbers<[1], [0], [0], [1], [0, 0, 1, 1], [], []>, transpose_lhs_hint = false} : vector<1000x64xf32>, vector<64x128xf32>, vector<1000x128xf32> -> vector<1000x128xf32>
    %add3A_57 = arith.addf %add3A_41, %dot_general3A_56 : vector<1000x128xf32>
    %get3A_58 = arith.constant 0 : index
    %get3A_59 = arith.constant 1 : index
    %get3A_60 = arith.constant 0 : index
    %get3A_61 = arith.constant 0 : index
    %get3A_62 = vector.load %arg3[%get3A_58, %get3A_59, %get3A_60, %get3A_61] : memref<2x2x1000x16xf32, #tpu.memory_space<vmem>>, vector<1x1x1000x1xf32>
    %get3A_63 = vector.shape_cast %get3A_62 : vector<1x1x1000x1xf32> to vector<1000x1xf32>
    %get3A_64 = arith.constant 1 : index
    %get3A_65 = arith.constant 1 : index
    %get3A_66 = arith.constant 0 : index
    %get3A_67 = arith.constant 0 : index
    %get3A_68 = vector.load %arg3[%get3A_64, %get3A_65, %get3A_66, %get3A_67] : memref<2x2x1000x16xf32, #tpu.memory_space<vmem>>, vector<1x1x1000x1xf32>
    %get3A_69 = vector.shape_cast %get3A_68 : vector<1x1x1000x1xf32> to vector<1000x1xf32>
    %add3A_70 = arith.addf %get3A_63, %get3A_69 : vector<1000x1xf32>
    %max3A_71 = arith.constant 1.000000e+00 : f32
    %max3A_72 = vector.broadcast %max3A_71 : f32 to vector<1000x1xf32>
    %max3A_73 = arith.maximumf %add3A_70, %max3A_72 : vector<1000x1xf32>
    %div3A_74 = arith.constant 1.000000e+00 : f32
    %div3A_75 = vector.broadcast %div3A_74 : f32 to vector<1000x1xf32>
    %div3A_76 = arith.divf %div3A_75, %max3A_73 : vector<1000x1xf32>
    %get3A_77 = arith.constant 0 : index
    %get3A_78 = arith.constant 1 : index
    %get3A_79 = arith.constant 0 : index
    %get3A_80 = arith.constant 0 : index
    %get3A_81 = vector.load %arg2[%get3A_77, %get3A_78, %get3A_79, %get3A_80] : memref<2x2x1000x64xf32, #tpu.memory_space<vmem>>, vector<1x1x1000x64xf32>
    %get3A_82 = vector.shape_cast %get3A_81 : vector<1x1x1000x64xf32> to vector<1000x64xf32>
    %mul3A_83 = vector.broadcast %div3A_76 : vector<1000x1xf32> to vector<1000x64xf32>
    %mul3A_84 = arith.mulf %get3A_82, %mul3A_83 : vector<1000x64xf32>
    %get3A_85 = arith.constant 1 : index
    %get3A_86 = arith.constant 0 : index
    %get3A_87 = arith.constant 0 : index
    %get3A_88 = vector.load %arg4[%get3A_85, %get3A_86, %get3A_87] : memref<2x128x128xf32, #tpu.memory_space<vmem>>, vector<1x64x128xf32>
    %get3A_89 = vector.shape_cast %get3A_88 : vector<1x64x128xf32> to vector<64x128xf32>
    %dot_general3A_90 = arith.constant dense<0.000000e+00> : vector<1000x128xf32>
    %dot_general3A_91 = tpu.matmul %mul3A_84, %get3A_89, %dot_general3A_90 {dimension_numbers = #tpu.dot_dimension_numbers<[1], [0], [0], [1], [0, 0, 1, 1], [], []>, transpose_lhs_hint = false} : vector<1000x64xf32>, vector<64x128xf32>, vector<1000x128xf32> -> vector<1000x128xf32>
    %add3A_92 = arith.addf %add3A_57, %dot_general3A_91 : vector<1000x128xf32>
    %get3A_93 = arith.constant 1 : index
    %get3A_94 = arith.constant 1 : index
    %get3A_95 = arith.constant 0 : index
    %get3A_96 = arith.constant 0 : index
    %get3A_97 = vector.load %arg2[%get3A_93, %get3A_94, %get3A_95, %get3A_96] : memref<2x2x1000x64xf32, #tpu.memory_space<vmem>>, vector<1x1x1000x64xf32>
    %get3A_98 = vector.shape_cast %get3A_97 : vector<1x1x1000x64xf32> to vector<1000x64xf32>
    %mul3A_99 = vector.broadcast %div3A_76 : vector<1000x1xf32> to vector<1000x64xf32>
    %mul3A_100 = arith.mulf %get3A_98, %mul3A_99 : vector<1000x64xf32>
    %get3A_101 = arith.constant 1 : index
    %get3A_102 = arith.constant 64 : index
    %get3A_103 = arith.constant 0 : index
    %get3A_104 = vector.load %arg4[%get3A_101, %get3A_102, %get3A_103] : memref<2x128x128xf32, #tpu.memory_space<vmem>>, vector<1x64x128xf32>
    %get3A_105 = vector.shape_cast %get3A_104 : vector<1x64x128xf32> to vector<64x128xf32>
    %dot_general3A_106 = arith.constant dense<0.000000e+00> : vector<1000x128xf32>
    %dot_general3A_107 = tpu.matmul %mul3A_100, %get3A_105, %dot_general3A_106 {dimension_numbers = #tpu.dot_dimension_numbers<[1], [0], [0], [1], [0, 0, 1, 1], [], []>, transpose_lhs_hint = false} : vector<1000x64xf32>, vector<64x128xf32>, vector<1000x128xf32> -> vector<1000x128xf32>
    %add3A_108 = arith.addf %add3A_92, %dot_general3A_107 : vector<1000x128xf32>
    %swap3A = arith.constant 0 : index
    %swap3A_109 = arith.constant 0 : index
    %swap3A_110 = vector.load %arg7[%swap3A, %swap3A_109] : memref<1000x128xf32, #tpu.memory_space<vmem>>, vector<1000x128xf32>
    tpu.vector_store %arg7[%swap3A, %swap3A_109], %add3A_108 {strides = array<i32>} : memref<1000x128xf32, #tpu.memory_space<vmem>>, vector<1000x128xf32>,
    %slice3A = vector.extract_strided_slice %add3A_108 {offsets = [0, 0], sizes = [1000, 64], strides = [1, 1]} : vector<1000x128xf32> to vector<1000x64xf32>
    %swap3A_111 = arith.constant 0 : index
    %swap3A_112 = arith.constant 0 : index
    %swap3A_113 = arith.constant 0 : index
    %swap3A_114 = vector.load %arg8[%swap3A_111, %swap3A_112, %swap3A_113] : memref<2x1000x64xf32, #tpu.memory_space<vmem>>, vector<1x1000x64xf32>
    %swap3A_115 = vector.shape_cast %swap3A_114 : vector<1x1000x64xf32> to vector<1000x64xf32>
    %swap3A_116 = vector.shape_cast %slice3A : vector<1000x64xf32> to vector<1x1000x64xf32>
    tpu.vector_store %arg8[%swap3A_111, %swap3A_112, %swap3A_113], %swap3A_116 {strides = array<i32>} : memref<2x1000x64xf32, #tpu.memory_space<vmem>>, vector<1x1000x64xf32>,
    %slice3A_117 = vector.extract_strided_slice %add3A_108 {offsets = [0, 64], sizes = [1000, 64], strides = [1, 1]} : vector<1000x128xf32> to vector<1000x64xf32>
    %swap3A_118 = arith.constant 1 : index
    %swap3A_119 = arith.constant 0 : index
    %swap3A_120 = arith.constant 0 : index
    %swap3A_121 = vector.load %arg8[%swap3A_118, %swap3A_119, %swap3A_120] : memref<2x1000x64xf32, #tpu.memory_space<vmem>>, vector<1x1000x64xf32>
    %swap3A_122 = vector.shape_cast %swap3A_121 : vector<1x1000x64xf32> to vector<1000x64xf32>
    %swap3A_123 = vector.shape_cast %slice3A_117 : vector<1000x64xf32> to vector<1x1000x64xf32>
    tpu.vector_store %arg8[%swap3A_118, %swap3A_119, %swap3A_120], %swap3A_123 {strides = array<i32>} : memref<2x1000x64xf32, #tpu.memory_space<vmem>>, vector<1x1000x64xf32>,
    return
  }
  func.func @transform_0(%arg0: i32) -> (i32, i32) {
    %c0_i32 = arith.constant 0 : i32
    %c0_i32_0 = arith.constant 0 : i32
    return %arg0, %c0_i32 : i32, i32
  }
  func.func @transform_1(%arg0: i32) -> (i32, i32, i32, i32) {
    %c0_i32 = arith.constant 0 : i32
    %c0_i32_0 = arith.constant 0 : i32
    %c0_i32_1 = arith.constant 0 : i32
    %c0_i32_2 = arith.constant 0 : i32
    return %c0_i32, %c0_i32_0, %arg0, %c0_i32_1 : i32, i32, i32, i32
  }
  func.func @transform_2(%arg0: i32) -> (i32, i32, i32, i32) {
    %c0_i32 = arith.constant 0 : i32
    %c0_i32_0 = arith.constant 0 : i32
    %c0_i32_1 = arith.constant 0 : i32
    %c0_i32_2 = arith.constant 0 : i32
    return %c0_i32, %c0_i32_0, %arg0, %c0_i32_1 : i32, i32, i32, i32
  }
  func.func @transform_3(%arg0: i32) -> (i32, i32, i32) {
    %c0_i32 = arith.constant 0 : i32
    %c0_i32_0 = arith.constant 0 : i32
    %c0_i32_1 = arith.constant 0 : i32
    %c0_i32_2 = arith.constant 0 : i32
    return %c0_i32, %c0_i32_0, %c0_i32_1 : i32, i32, i32
  }
  func.func @transform_4(%arg0: i32) -> (i32, i32) {
    %c0_i32 = arith.constant 0 : i32
    %c0_i32_0 = arith.constant 0 : i32
    %c0_i32_1 = arith.constant 0 : i32
    return %c0_i32, %c0_i32_0 : i32, i32
  }
  func.func @transform_5(%arg0: i32) -> (i32, i32) {
    %c0_i32 = arith.constant 0 : i32
    %c0_i32_0 = arith.constant 0 : i32
    %c0_i32_1 = arith.constant 0 : i32
    return %c0_i32, %c0_i32_0 : i32, i32
  }
  func.func @transform_6(%arg0: i32) -> (i32, i32) {
    %c0_i32 = arith.constant 0 : i32
    %c0_i32_0 = arith.constant 0 : i32
    return %arg0, %c0_i32 : i32, i32
  }
  func.func @transform_7(%arg0: i32) -> (i32, i32, i32) {
    %c0_i32 = arith.constant 0 : i32
    %c0_i32_0 = arith.constant 0 : i32
    %c0_i32_1 = arith.constant 0 : i32
    return %c0_i32, %arg0, %c0_i32_0 : i32, i32, i32
  }
}

module attributes {stable_mosaic.version = 14 : i64} {
  func.func @body(%arg0: i32, %arg1: memref<1000x128xf32, #tpu.memory_space<vmem>>, %arg2: memref<2x2x1000x64xf32, #tpu.memory_space<vmem>>, %arg3: memref<2x2x1000x16xf32, #tpu.memory_space<vmem>>, %arg4: memref<2x128x128xf32, #tpu.memory_space<vmem>>, %arg5: memref<128x128xf32, #tpu.memory_space<vmem>>, %arg6: memref<1x128xf32, #tpu.memory_space<vmem>>, %arg7: memref<128x3xf32, #tpu.memory_space<vmem>>, %arg8: memref<1x3xf32, #tpu.memory_space<vmem>>, %arg9: memref<1000x3xf32, #tpu.memory_space<vmem>>) attributes {dimension_semantics = [#tpu.dimension_semantics<arbitrary>], iteration_bounds = array<i64: 10>, scalar_prefetch = 0 : i64, scratch_operands = 0 : i64, tpu.core_type = #tpu.core_type<tc>, window_params = [{transform_indices = @transform_0, window_bounds = array<i64: 1000, 128>}, {transform_indices = @transform_1, window_bounds = array<i64: 2, 2, 1000, 64>}, {transform_indices = @transform_2, window_bounds = array<i64: 2, 2, 1000, 16>}, {pipeline_mode = #tpu.pipeline_mode<synchronous>, transform_indices = @transform_3, window_bounds = array<i64: 2, 128, 128>}, {pipeline_mode = #tpu.pipeline_mode<synchronous>, transform_indices = @transform_4, window_bounds = array<i64: 128, 128>}, {pipeline_mode = #tpu.pipeline_mode<synchronous>, transform_indices = @transform_5, window_bounds = array<i64: 1, 128>}, {pipeline_mode = #tpu.pipeline_mode<synchronous>, transform_indices = @transform_6, window_bounds = array<i64: 128, 3>}, {pipeline_mode = #tpu.pipeline_mode<synchronous>, transform_indices = @transform_7, window_bounds = array<i64: 1, 3>}, {transform_indices = @transform_8, window_bounds = array<i64: 1000, 3>}]} {
    %get3A = arith.constant 0 : index
    %get3A_0 = arith.constant 0 : index
    %get3A_1 = vector.load %arg1[%get3A, %get3A_0] : memref<1000x128xf32, #tpu.memory_space<vmem>>, vector<1000x128xf32>
    %get3A_2 = arith.constant 0 : index
    %get3A_3 = arith.constant 0 : index
    %get3A_4 = vector.load %arg5[%get3A_2, %get3A_3] : memref<128x128xf32, #tpu.memory_space<vmem>>, vector<128x128xf32>
    %dot_general3A = arith.constant dense<0.000000e+00> : vector<1000x128xf32>
    %dot_general3A_5 = tpu.matmul %get3A_1, %get3A_4, %dot_general3A {dimension_numbers = #tpu.dot_dimension_numbers<[1], [0], [0], [1], [0, 0, 1, 1], [], []>, transpose_lhs_hint = false} : vector<1000x128xf32>, vector<128x128xf32>, vector<1000x128xf32> -> vector<1000x128xf32>
    %get3A_6 = arith.constant 0 : index
    %get3A_7 = arith.constant 0 : index
    %get3A_8 = vector.load %arg6[%get3A_6, %get3A_7] : memref<1x128xf32, #tpu.memory_space<vmem>>, vector<1x128xf32>
    %add3A = vector.broadcast %get3A_8 : vector<1x128xf32> to vector<1000x128xf32>
    %add3A_9 = arith.addf %dot_general3A_5, %add3A : vector<1000x128xf32>
    %get3A_10 = arith.constant 0 : index
    %get3A_11 = arith.constant 0 : index
    %get3A_12 = arith.constant 0 : index
    %get3A_13 = arith.constant 0 : index
    %get3A_14 = vector.load %arg3[%get3A_10, %get3A_11, %get3A_12, %get3A_13] : memref<2x2x1000x16xf32, #tpu.memory_space<vmem>>, vector<1x1x1000x1xf32>
    %get3A_15 = vector.shape_cast %get3A_14 : vector<1x1x1000x1xf32> to vector<1000x1xf32>
    %get3A_16 = arith.constant 1 : index
    %get3A_17 = arith.constant 0 : index
    %get3A_18 = arith.constant 0 : index
    %get3A_19 = arith.constant 0 : index
    %get3A_20 = vector.load %arg3[%get3A_16, %get3A_17, %get3A_18, %get3A_19] : memref<2x2x1000x16xf32, #tpu.memory_space<vmem>>, vector<1x1x1000x1xf32>
    %get3A_21 = vector.shape_cast %get3A_20 : vector<1x1x1000x1xf32> to vector<1000x1xf32>
    %add3A_22 = arith.addf %get3A_15, %get3A_21 : vector<1000x1xf32>
    %max3A = arith.constant 1.000000e+00 : f32
    %max3A_23 = vector.broadcast %max3A : f32 to vector<1000x1xf32>
    %max3A_24 = arith.maximumf %add3A_22, %max3A_23 : vector<1000x1xf32>
    %div3A = arith.constant 1.000000e+00 : f32
    %div3A_25 = vector.broadcast %div3A : f32 to vector<1000x1xf32>
    %div3A_26 = arith.divf %div3A_25, %max3A_24 : vector<1000x1xf32>
    %get3A_27 = arith.constant 0 : index
    %get3A_28 = arith.constant 0 : index
    %get3A_29 = arith.constant 0 : index
    %get3A_30 = arith.constant 0 : index
    %get3A_31 = vector.load %arg2[%get3A_27, %get3A_28, %get3A_29, %get3A_30] : memref<2x2x1000x64xf32, #tpu.memory_space<vmem>>, vector<1x1x1000x64xf32>
    %get3A_32 = vector.shape_cast %get3A_31 : vector<1x1x1000x64xf32> to vector<1000x64xf32>
    %mul3A = vector.broadcast %div3A_26 : vector<1000x1xf32> to vector<1000x64xf32>
    %mul3A_33 = arith.mulf %get3A_32, %mul3A : vector<1000x64xf32>
    %get3A_34 = arith.constant 0 : index
    %get3A_35 = arith.constant 0 : index
    %get3A_36 = arith.constant 0 : index
    %get3A_37 = vector.load %arg4[%get3A_34, %get3A_35, %get3A_36] : memref<2x128x128xf32, #tpu.memory_space<vmem>>, vector<1x64x128xf32>
    %get3A_38 = vector.shape_cast %get3A_37 : vector<1x64x128xf32> to vector<64x128xf32>
    %dot_general3A_39 = arith.constant dense<0.000000e+00> : vector<1000x128xf32>
    %dot_general3A_40 = tpu.matmul %mul3A_33, %get3A_38, %dot_general3A_39 {dimension_numbers = #tpu.dot_dimension_numbers<[1], [0], [0], [1], [0, 0, 1, 1], [], []>, transpose_lhs_hint = false} : vector<1000x64xf32>, vector<64x128xf32>, vector<1000x128xf32> -> vector<1000x128xf32>
    %add3A_41 = arith.addf %add3A_9, %dot_general3A_40 : vector<1000x128xf32>
    %get3A_42 = arith.constant 1 : index
    %get3A_43 = arith.constant 0 : index
    %get3A_44 = arith.constant 0 : index
    %get3A_45 = arith.constant 0 : index
    %get3A_46 = vector.load %arg2[%get3A_42, %get3A_43, %get3A_44, %get3A_45] : memref<2x2x1000x64xf32, #tpu.memory_space<vmem>>, vector<1x1x1000x64xf32>
    %get3A_47 = vector.shape_cast %get3A_46 : vector<1x1x1000x64xf32> to vector<1000x64xf32>
    %mul3A_48 = vector.broadcast %div3A_26 : vector<1000x1xf32> to vector<1000x64xf32>
    %mul3A_49 = arith.mulf %get3A_47, %mul3A_48 : vector<1000x64xf32>
    %get3A_50 = arith.constant 0 : index
    %get3A_51 = arith.constant 64 : index
    %get3A_52 = arith.constant 0 : index
    %get3A_53 = vector.load %arg4[%get3A_50, %get3A_51, %get3A_52] : memref<2x128x128xf32, #tpu.memory_space<vmem>>, vector<1x64x128xf32>
    %get3A_54 = vector.shape_cast %get3A_53 : vector<1x64x128xf32> to vector<64x128xf32>
    %dot_general3A_55 = arith.constant dense<0.000000e+00> : vector<1000x128xf32>
    %dot_general3A_56 = tpu.matmul %mul3A_49, %get3A_54, %dot_general3A_55 {dimension_numbers = #tpu.dot_dimension_numbers<[1], [0], [0], [1], [0, 0, 1, 1], [], []>, transpose_lhs_hint = false} : vector<1000x64xf32>, vector<64x128xf32>, vector<1000x128xf32> -> vector<1000x128xf32>
    %add3A_57 = arith.addf %add3A_41, %dot_general3A_56 : vector<1000x128xf32>
    %get3A_58 = arith.constant 0 : index
    %get3A_59 = arith.constant 1 : index
    %get3A_60 = arith.constant 0 : index
    %get3A_61 = arith.constant 0 : index
    %get3A_62 = vector.load %arg3[%get3A_58, %get3A_59, %get3A_60, %get3A_61] : memref<2x2x1000x16xf32, #tpu.memory_space<vmem>>, vector<1x1x1000x1xf32>
    %get3A_63 = vector.shape_cast %get3A_62 : vector<1x1x1000x1xf32> to vector<1000x1xf32>
    %get3A_64 = arith.constant 1 : index
    %get3A_65 = arith.constant 1 : index
    %get3A_66 = arith.constant 0 : index
    %get3A_67 = arith.constant 0 : index
    %get3A_68 = vector.load %arg3[%get3A_64, %get3A_65, %get3A_66, %get3A_67] : memref<2x2x1000x16xf32, #tpu.memory_space<vmem>>, vector<1x1x1000x1xf32>
    %get3A_69 = vector.shape_cast %get3A_68 : vector<1x1x1000x1xf32> to vector<1000x1xf32>
    %add3A_70 = arith.addf %get3A_63, %get3A_69 : vector<1000x1xf32>
    %max3A_71 = arith.constant 1.000000e+00 : f32
    %max3A_72 = vector.broadcast %max3A_71 : f32 to vector<1000x1xf32>
    %max3A_73 = arith.maximumf %add3A_70, %max3A_72 : vector<1000x1xf32>
    %div3A_74 = arith.constant 1.000000e+00 : f32
    %div3A_75 = vector.broadcast %div3A_74 : f32 to vector<1000x1xf32>
    %div3A_76 = arith.divf %div3A_75, %max3A_73 : vector<1000x1xf32>
    %get3A_77 = arith.constant 0 : index
    %get3A_78 = arith.constant 1 : index
    %get3A_79 = arith.constant 0 : index
    %get3A_80 = arith.constant 0 : index
    %get3A_81 = vector.load %arg2[%get3A_77, %get3A_78, %get3A_79, %get3A_80] : memref<2x2x1000x64xf32, #tpu.memory_space<vmem>>, vector<1x1x1000x64xf32>
    %get3A_82 = vector.shape_cast %get3A_81 : vector<1x1x1000x64xf32> to vector<1000x64xf32>
    %mul3A_83 = vector.broadcast %div3A_76 : vector<1000x1xf32> to vector<1000x64xf32>
    %mul3A_84 = arith.mulf %get3A_82, %mul3A_83 : vector<1000x64xf32>
    %get3A_85 = arith.constant 1 : index
    %get3A_86 = arith.constant 0 : index
    %get3A_87 = arith.constant 0 : index
    %get3A_88 = vector.load %arg4[%get3A_85, %get3A_86, %get3A_87] : memref<2x128x128xf32, #tpu.memory_space<vmem>>, vector<1x64x128xf32>
    %get3A_89 = vector.shape_cast %get3A_88 : vector<1x64x128xf32> to vector<64x128xf32>
    %dot_general3A_90 = arith.constant dense<0.000000e+00> : vector<1000x128xf32>
    %dot_general3A_91 = tpu.matmul %mul3A_84, %get3A_89, %dot_general3A_90 {dimension_numbers = #tpu.dot_dimension_numbers<[1], [0], [0], [1], [0, 0, 1, 1], [], []>, transpose_lhs_hint = false} : vector<1000x64xf32>, vector<64x128xf32>, vector<1000x128xf32> -> vector<1000x128xf32>
    %add3A_92 = arith.addf %add3A_57, %dot_general3A_91 : vector<1000x128xf32>
    %get3A_93 = arith.constant 1 : index
    %get3A_94 = arith.constant 1 : index
    %get3A_95 = arith.constant 0 : index
    %get3A_96 = arith.constant 0 : index
    %get3A_97 = vector.load %arg2[%get3A_93, %get3A_94, %get3A_95, %get3A_96] : memref<2x2x1000x64xf32, #tpu.memory_space<vmem>>, vector<1x1x1000x64xf32>
    %get3A_98 = vector.shape_cast %get3A_97 : vector<1x1x1000x64xf32> to vector<1000x64xf32>
    %mul3A_99 = vector.broadcast %div3A_76 : vector<1000x1xf32> to vector<1000x64xf32>
    %mul3A_100 = arith.mulf %get3A_98, %mul3A_99 : vector<1000x64xf32>
    %get3A_101 = arith.constant 1 : index
    %get3A_102 = arith.constant 64 : index
    %get3A_103 = arith.constant 0 : index
    %get3A_104 = vector.load %arg4[%get3A_101, %get3A_102, %get3A_103] : memref<2x128x128xf32, #tpu.memory_space<vmem>>, vector<1x64x128xf32>
    %get3A_105 = vector.shape_cast %get3A_104 : vector<1x64x128xf32> to vector<64x128xf32>
    %dot_general3A_106 = arith.constant dense<0.000000e+00> : vector<1000x128xf32>
    %dot_general3A_107 = tpu.matmul %mul3A_100, %get3A_105, %dot_general3A_106 {dimension_numbers = #tpu.dot_dimension_numbers<[1], [0], [0], [1], [0, 0, 1, 1], [], []>, transpose_lhs_hint = false} : vector<1000x64xf32>, vector<64x128xf32>, vector<1000x128xf32> -> vector<1000x128xf32>
    %add3A_108 = arith.addf %add3A_92, %dot_general3A_107 : vector<1000x128xf32>
    %get3A_109 = arith.constant 0 : index
    %get3A_110 = arith.constant 0 : index
    %get3A_111 = vector.load %arg7[%get3A_109, %get3A_110] : memref<128x3xf32, #tpu.memory_space<vmem>>, vector<128x3xf32>
    %dot_general3A_112 = arith.constant dense<0.000000e+00> : vector<1000x3xf32>
    %dot_general3A_113 = tpu.matmul %add3A_108, %get3A_111, %dot_general3A_112 {dimension_numbers = #tpu.dot_dimension_numbers<[1], [0], [0], [1], [0, 0, 1, 1], [], []>, transpose_lhs_hint = false} : vector<1000x128xf32>, vector<128x3xf32>, vector<1000x3xf32> -> vector<1000x3xf32>
    %get3A_114 = arith.constant 0 : index
    %get3A_115 = arith.constant 0 : index
    %get3A_116 = vector.load %arg8[%get3A_114, %get3A_115] : memref<1x3xf32, #tpu.memory_space<vmem>>, vector<1x3xf32>
    %add3A_117 = vector.broadcast %get3A_116 : vector<1x3xf32> to vector<1000x3xf32>
    %add3A_118 = arith.addf %dot_general3A_113, %add3A_117 : vector<1000x3xf32>
    %swap3A = arith.constant 0 : index
    %swap3A_119 = arith.constant 0 : index
    %swap3A_120 = vector.load %arg9[%swap3A, %swap3A_119] : memref<1000x3xf32, #tpu.memory_space<vmem>>, vector<1000x3xf32>
    tpu.vector_store %arg9[%swap3A, %swap3A_119], %add3A_118 {strides = array<i32>} : memref<1000x3xf32, #tpu.memory_space<vmem>>, vector<1000x3xf32>,
    return
  }
  func.func @transform_0(%arg0: i32) -> (i32, i32) {
    %c0_i32 = arith.constant 0 : i32
    %c0_i32_0 = arith.constant 0 : i32
    return %arg0, %c0_i32 : i32, i32
  }
  func.func @transform_1(%arg0: i32) -> (i32, i32, i32, i32) {
    %c0_i32 = arith.constant 0 : i32
    %c0_i32_0 = arith.constant 0 : i32
    %c0_i32_1 = arith.constant 0 : i32
    %c0_i32_2 = arith.constant 0 : i32
    return %c0_i32, %c0_i32_0, %arg0, %c0_i32_1 : i32, i32, i32, i32
  }
  func.func @transform_2(%arg0: i32) -> (i32, i32, i32, i32) {
    %c0_i32 = arith.constant 0 : i32
    %c0_i32_0 = arith.constant 0 : i32
    %c0_i32_1 = arith.constant 0 : i32
    %c0_i32_2 = arith.constant 0 : i32
    return %c0_i32, %c0_i32_0, %arg0, %c0_i32_1 : i32, i32, i32, i32
  }
  func.func @transform_3(%arg0: i32) -> (i32, i32, i32) {
    %c0_i32 = arith.constant 0 : i32
    %c0_i32_0 = arith.constant 0 : i32
    %c0_i32_1 = arith.constant 0 : i32
    %c0_i32_2 = arith.constant 0 : i32
    return %c0_i32, %c0_i32_0, %c0_i32_1 : i32, i32, i32
  }
  func.func @transform_4(%arg0: i32) -> (i32, i32) {
    %c0_i32 = arith.constant 0 : i32
    %c0_i32_0 = arith.constant 0 : i32
    %c0_i32_1 = arith.constant 0 : i32
    return %c0_i32, %c0_i32_0 : i32, i32
  }
  func.func @transform_5(%arg0: i32) -> (i32, i32) {
    %c0_i32 = arith.constant 0 : i32
    %c0_i32_0 = arith.constant 0 : i32
    %c0_i32_1 = arith.constant 0 : i32
    return %c0_i32, %c0_i32_0 : i32, i32
  }
  func.func @transform_6(%arg0: i32) -> (i32, i32) {
    %c0_i32 = arith.constant 0 : i32
    %c0_i32_0 = arith.constant 0 : i32
    %c0_i32_1 = arith.constant 0 : i32
    return %c0_i32, %c0_i32_0 : i32, i32
  }
  func.func @transform_7(%arg0: i32) -> (i32, i32) {
    %c0_i32 = arith.constant 0 : i32
    %c0_i32_0 = arith.constant 0 : i32
    %c0_i32_1 = arith.constant 0 : i32
    return %c0_i32, %c0_i32_0 : i32, i32
  }
  func.func @transform_8(%arg0: i32) -> (i32, i32) {
    %c0_i32 = arith.constant 0 : i32
    %c0_i32_0 = arith.constant 0 : i32
    return %arg0, %c0_i32 : i32, i32
  }
}

</mosaic_0001>

<sc_bundles>
// kernel: kernel.11.cloned.1.call-start
scs
__scs_entry_jumppad:
0x0: {  	(pc) =	sbr.rel $0x88, $3  }
0x1: {  	(tag) =	ssettag $0x0;
	lr =	simm.s32 $0x1  }
0x2: {  	[smem:$0x3F97] =	sst lr;
	_ =	strace $0xD0000000  }
0x3: {  	_ = 	snop  }
0x4: {  	_ = 	snop  }
0x5: {  	_ = 	snop  }
0x6: {  	_ = 	snop  }
0x7: {  	_ = 	snop  }
__scs_overlays_trampoline_lowered:
0x8: {  	[smem:$0x3FA6] =	sst s0  }
0x9: {  	[smem:$0x3FA7] =	sst s1  }
0xa: {  	[smem:$0x3FA8] =	sst s2  }
0xb: {  	[smem:$0x3FA9] =	sst s3  }
0xc: {  	[smem:$0x3FAA] =	sst s4  }
0xd: {  	[smem:$0x3FAB] =	sst s5  }
0xe: {  	[smem:$0x3FAC] =	sst s6  }
0xf: {  	[smem:$0x3FAD] =	sst s7  }
0x10: {  	[smem:$0x3FAE] =	sst s8  }
0x11: {  	[smem:$0x3FAF] =	sst s9;
	s0 =	simm.s32 @!p0 $0x0  }
0x12: {  	s1 =	sld [smem:$0x3F95];
	s0 =	simm.s32 @p0 $0x1  }
0x13: {  	[smem:$0x3FB0] =	sst s0;
	s0 =	simm.s32 @!p1 $0x0  }
0x14: {  	s2 =	sld [smem:$0x3F94];
	s0 =	simm.s32 @p1 $0x1  }
0x15: {  	[smem:$0x3FB1] =	sst s0;
	s0 =	simm.s32 @!p2 $0x0  }
0x16: {  	s3 =	sld [smem:$0x3FDB];
	s0 =	simm.s32 @p2 $0x1  }
0x17: {  	s4 =	simm.s32 $0x1BF5;
	[smem:$0x3FB3] =	sst s0  }
0x18: {  	s0 =	sld [smem:$0x3F96];
	_ =	swait.ge [sflag:s4], $0x0  }
0x19: {  	s7 =	sld [smem:$0x3F97]  }
0x1a: {  	s8 =	sadd.s32 $0xFFFFE003, lr  }
0x1b: {  	s9 =	sadd.s32 $0xFFFFFEF7, lr;
	s5 =	simm.s32 $0xFFFFFFFF;
	p2 =	slt.u32 s8, $0xFFFFF086  }
0x1c: {  	p1 =	slt.u32 s9, $0xF7A;
	s5 =	simm.s32 @!p2 $0x0  }
0x1d: {  	s5 =	simm.s32 @p1 $0x1;
	p0 =	seq.s32 s7, s2  }
0x1e: {  	s7 =	smul.u32 @!p0 $0xF7A, s2;
	p2 =	seq.s32 @!p0 s5, $0x0  }
0x1f: {  	s9 =	smul.u32 $0xF7A, s1;
	s8 =	simm.s32 @!p0 $0x1BF5;
	p2 =	por !p2, p0  }
0x20: {  	[sflag:s8] =	ssyncset.s32 @!p0 $0xFFFFF086;
	s6 =	sadd.s32 @!p0 s3, s7;
	s7 =	simm.s32 @!p0 $0x108  }
0x21: {  	s3 =	sadd.s32 s3, s9;
	s6 =	sadd.s32 @!p0 $0x88, s6;
	s7 =	simm.s32 @p2 $0x1082  }
0x22: {  	[simem:s7], [sflag:s8] =	dma.local @!p0 [hbm:s6], $0xF7A  }
0x23: {  	s9 =	sor.u32 $0xD0000000, s2;
	s6 =	simm.s32 $0x108;
	_ =	swait.ge @!p0 [sflag:s8], $0x0  }
0x24: {  	s3 =	sadd.s32 $0x88, s3;
	s6 =	simm.s32 @!p1 $0x1082;
	[sflag:s4] =	ssyncset.s32 $0xFFFFF086  }
0x25: {  	[simem:s6], [sflag:s4] =	dma.local [hbm:s3], $0xF7A  }
0x26: {  	[smem:$0x3F97] =	sst s1;
	(tag) =	ssettag s2;
	_ =	strace s9  }
0x27: {  	s1 =	sld [smem:$0x3FA7]  }
0x28: {  	s2 =	sld [smem:$0x3FA8]  }
0x29: {  	s4 =	sld [smem:$0x3FAA]  }
0x2a: {  	p0 =	seq.s32 s5, $0x0;
	s5 =	sld [smem:$0x3FAB]  }
0x2b: {  	s6 =	sld [smem:$0x3FAC]  }
0x2c: {  	s7 =	sld [smem:$0x3FAD]  }
0x2d: {  	s3 =	simm.s32 $0x108;
	s8 =	sld [smem:$0x3FAE]  }
0x2e: {  	s3 =	simm.s32 @!p0 $0x1082;
	s9 =	sld [smem:$0x3FAF]  }
0x2f: {  	lr =	sadd.s32 s0, s3;
	s0 =	sld [smem:$0x3FA6]  }
0x30: {  	s3 =	sld [smem:$0x3FA9]  }
0x31: {  	[smem:$0x3FB2] =	sst s10  }
0x32: {  	s10 =	sld [smem:$0x3FB0];
	_ =	sdelay $0x3  }
0x33: {  	p0 =	seq.s32 s10, $0x1;
	s10 =	sld [smem:$0x3FB2];
	_ =	sdelay $0x3  }
0x34: {  	[smem:$0x3FB2] =	sst s10  }
0x35: {  	s10 =	sld [smem:$0x3FB1];
	_ =	sdelay $0x3  }
0x36: {  	p1 =	seq.s32 s10, $0x1;
	s10 =	sld [smem:$0x3FB2];
	_ =	sdelay $0x3  }
0x37: {  	[smem:$0x3FB2] =	sst s10  }
0x38: {  	s10 =	sld [smem:$0x3FB3]  }
0x39: {  	_ = 	snop;
	(pc) =	sbr.ind lr, $3  }
0x3a: {  	_ = 	snop  }
0x3b: {  	_ = 	snop  }
0x3c: {  	p2 =	seq.s32 s10, $0x1;
	s10 =	sld [smem:$0x3FB2]  }
0x3d: {  	_ =	shalt  }
0x3e: {  	_ =	shalt  }
0x3f: {  	_ =	shalt  }
0x40: {  	_ =	shalt  }
0x41: {  	_ =	shalt  }
0x42: {  	_ =	shalt  }
0x43: {  	_ =	shalt  }
0x44: {  	_ =	shalt  }
0x45: {  	_ =	shalt  }
0x46: {  	_ =	shalt  }
0x47: {  	_ =	shalt  }
0x48: {  	_ =	shalt  }
0x49: {  	_ =	shalt  }
0x4a: {  	_ =	shalt  }
0x4b: {  	_ =	shalt  }
0x4c: {  	_ =	shalt  }
0x4d: {  	_ =	shalt  }
0x4e: {  	_ =	shalt  }
0x4f: {  	_ =	shalt  }
0x50: {  	_ =	shalt  }
0x51: {  	_ =	shalt  }
0x52: {  	_ =	shalt  }
0x53: {  	_ =	shalt  }
0x54: {  	_ =	shalt  }
0x55: {  	_ =	shalt  }
0x56: {  	_ =	shalt  }
0x57: {  	_ =	shalt  }
0x58: {  	_ =	shalt  }
0x59: {  	_ =	shalt  }
0x5a: {  	_ =	shalt  }
0x5b: {  	_ =	shalt  }
0x5c: {  	_ =	shalt  }
0x5d: {  	_ =	shalt  }
0x5e: {  	_ =	shalt  }
0x5f: {  	_ =	shalt  }
0x60: {  	_ =	shalt  }
0x61: {  	_ =	shalt  }
0x62: {  	_ =	shalt  }
0x63: {  	_ =	shalt  }
0x64: {  	_ =	shalt  }
0x65: {  	_ =	shalt  }
0x66: {  	_ =	shalt  }
0x67: {  	_ =	shalt  }
0x68: {  	_ =	shalt  }
0x69: {  	_ =	shalt  }
0x6a: {  	_ =	shalt  }
0x6b: {  	_ =	shalt  }
0x6c: {  	_ =	shalt  }
0x6d: {  	_ =	shalt  }
0x6e: {  	_ =	shalt  }
0x6f: {  	_ =	shalt  }
0x70: {  	_ =	shalt  }
0x71: {  	_ =	shalt  }
0x72: {  	_ =	shalt  }
0x73: {  	_ =	shalt  }
0x74: {  	_ =	shalt  }
0x75: {  	_ =	shalt  }
0x76: {  	_ =	shalt  }
0x77: {  	_ =	shalt  }
0x78: {  	_ =	shalt  }
0x79: {  	_ =	shalt  }
0x7a: {  	_ =	shalt  }
0x7b: {  	_ =	shalt  }
0x7c: {  	_ =	shalt  }
0x7d: {  	_ =	shalt  }
0x7e: {  	_ =	shalt  }
0x7f: {  	_ =	shalt  }
0x80: {  	_ =	shalt  }
0x81: {  	_ =	shalt  }
0x82: {  	_ =	shalt  }
0x83: {  	_ =	shalt  }
0x84: {  	_ =	shalt  }
0x85: {  	_ =	shalt  }
0x86: {  	_ =	shalt  }
0x87: {  	_ =	shalt  }
.Lfunc_end0:
.L_simem_size_0:
called_computation.1_lowered:
.L_overlay_start_0:
0x88: {  	s2 =	sld [smem:$0x3FD9]  }
0x89: {  	s3 =	sld [smem:$0x3FFE];
	_ =	sdelay $0x1  }
0x8a: {  	s1 =	srdreg.scid  }
0x8b: {  	s0 =	sand.u32 $0x1, s1  }
0x8c: {  	s17 =	sshll.u32 s0, $0xA;
	s2 =	sadd.s32 s3, s2  }
0x8d: {  	s2 =	sadd.s32 s2, s17  }
0x8e: {  	[smem:$0x3FBE] =	sst s2  }
0x8f: {  	_ = 	snop  }
0x90: {  	s2 =	sld [smem:$0x3FC7];
	(tm) =	ssettm $0x1  }
0x91: {  	s18 =	sld [smem:$0x3FFB];
	_ =	sdelay $0x3  }
0x92: {  	_ =	strace s18  }
0x93: {  	s3 =	sld [smem:$0x3FFC];
	_ =	sdelay $0x3  }
0x94: {  	_ =	strace s3  }
0x95: {  	s3 =	sld [smem:$0x3FFD];
	_ =	sdelay $0x3  }
0x96: {  	_ =	strace s3  }
0x97: {  	_ =	strace $0x8FFFFFFF  }
0x98: {  	s19 =	sld [smem:$0x3FDB];
	_ =	sdelay $0x1  }
0x99: {  	s4 =	simm.s32 $_scs_section_size  }
0x9a: {  	s5 =	simm.s32 $_size__tile_overlayer_lowered;
	s6 =	simm.s32 $_tile_overlayer_lowered  }
0x9b: {  	s22 =	simm.s32 $0x1BFF;
	s21 =	sshll.u32 s6, $0x1;
	s3 =	sadd.s32 s4, s19  }
0x9c: {  	s7 =	simm.s32 $0x0;
	s20 =	sshll.u32 s5, $0x1;
	s5 =	sadd.s32 s21, s3  }
0x9d: {  	[timem:s7], [sflag:s22] =	dma.local [hbm:s5], s20  }
0x9e: {  	_ =	swait.ge [sflag:s22], s20  }
0x9f: {  	s4 =	ssub.s32 $0x0, s20;
	[sflag:s22] =	ssyncset.done $0x0  }
0xa0: {  	[sflag:s22] =	ssyncadd.s32 s4;
	_ =	sdelay $0x1  }
0xa1: {  	s23 =	simm.s32 $0x1B8B  }
0xa2: {  	_ =	swait.ge [sflag:s23], $0x1  }
0xa3: {  	[sflag:s23] =	ssyncset.done $0x0  }
0xa4: {  	s25 =	simm.s32 $0x1B8E;
	s24 =	sld [smem:$0x3FFE];
	[sflag:s23] =	ssyncadd.s32 $0xFFFFFFFF  }
0xa5: {  	s26 =	simm.s32 $execute0_lowered;
	[smem:$0x3FD2] =	sst s25  }
0xa6: {  	s5 =	sshll.u32 s26, $0x1;
	_ =	strace $0x80000046;
	[dreg:$0x1] =	wrdreg $0xFFFFFFFF  }
0xa7: {  	s28 =	simm.s32 $_size_execute0_lowered;
	s3 =	sadd.s32 s3, s5;
	[dreg:$0x0] =	wrdreg $0x0  }
0xa8: {  	s5 =	sshll.u32 s28, $0x1;
	[dreg:$0x2] =	wrdreg s3  }
0xa9: {  	[dreg:$0x3] =	wrdreg s5  }
0xaa: {  	[dreg:$0x4] =	wrdreg $0xC0  }
0xab: {  	_ =	task [dreg:s7], $0x5FFFF  }
0xac: {  	[dreg:$0x1] =	wrdreg $0xFFFFFFFF  }
0xad: {  	[dreg:$0x0] =	wrdreg $0x60  }
0xae: {  	[dreg:$0x2] =	wrdreg s24  }
0xaf: {  	[dreg:$0x3] =	wrdreg s2  }
0xb0: {  	[dreg:$0x4] =	wrdreg $0x0  }
0xb1: {  	[dreg:$0x5] =	wrdreg $0xA  }
0xb2: {  	_ =	task.clear_ibuf [dreg:s7], $0x6FFFF;
	_ =	strace $0x90000046  }
0xb3: {  	s29 =	simm.s32 $0xA;
	_ =	strace $0x80000048  }
0xb4: {  	_ =	swait.ge [sflag:s29], $0x1  }
0xb5: {  	[sflag:s29] =	ssyncadd.s32 $0xFFFFFFFF  }
0xb6: {  	_ =	strace $0x90000048  }
0xb7: {  	_ =	sfence  }
0xb8: {  	s30 =	sld [smem:$0x0];
	_ =	sdelay $0x2  }
0xb9: {  	s31 =	sshll.u32 s1, $0xD;
	s1 =	sshrl.u32 s1, $0x2  }
0xba: {  	s3 =	sand.u32 $0x4000, s31;
	s1 =	sadd.s32 s1, s30  }
0xbb: {  	s0 =	sor.u32 s3, s0;
	s1 =	sshll.u32 s1, $0x11  }
0xbc: {  	s0 =	sor.u32 s1, s0  }
0xbd: {  	s0 =	sadd.s32 $0x8F2B, s0  }
0xbe: {  	[sflag:s0] =	ssyncadd.remote.s32 $0x1  }
0xbf: {  	_ =	sfence.sel $0xFFFF  }
0xc0: {  	[dreg:$0x0] =	wrdreg $0xFFFFFFFF;
	(pc) =	sbr.abs _section_cstart, $3  }
0xc1: {  	[dreg:$0x1] =	wrdreg $0xFFFFFFFF  }
0xc2: {  	_ =	task.clear_ibuf [dreg:s7], $0x2FFFF;
	_ =	strace $0x9FFFFFFF  }
0xc3: {  	(tm) =	ssettm $0x7FFFFFFF  }
tec
execute0_lowered:
.L_overlay_start_1:
0x0: {  	(tag) =	ssettag $0x1  }
0x1: {  	s0 =	rddreg [dreg:$0x0]  }
0x2: {  	s2 =	rddreg [dreg:$0x2]  }
0x3: {  	s1 =	srdreg.scid;
	s10 =	simm.s32 $0x0;
	s9 =	stileid.u32  }
0x4: {  	s16 =	simm.s32 $0x9;
	s28 =	simm.s32 $0x18F10;
	s30 =	simm.s32 $0x1A310  }
0x5: {  	s31 =	simm.s32 $0x1;
	s11 =	simm.s32 $0x2;
	s13 =	simm.s32 $0x6  }
0x6: {  	s15 =	simm.s32 $0x7;
	s18 =	simm.s32 $0x8;
	s14 =	simm.s32 $0x15EA0  }
0x7: {  	s17 =	simm.s32 $0x165D0;
	s1 =	sand.u32 $0x1, s1;
	s6 =	smul.u32 $0x50000, s9  }
0x8: {  	[smem:$0x7FF] =	sst s10;
	s5 =	sadd.s32 $0x2000, s0;
	s3 =	smul.u32 $0x13880, s1  }
0x9: {  	s19 =	sshrl.u32 s9, $0x3;
	s4 =	smul.u32 $0x28000, s1;
	s1 =	ssub.s32 $0x2, s1  }
0xa: {  	s8 =	sadd.s32 $0xBC40, s0;
	s20 =	sand.u32 $0x7, s9;
	s7 =	sshrl.u32 s1, $0x1  }
0xb: {  	s6 =	sshrl.u32 s6, $0x2;
	s1 =	ssub.s32 s1, s7;
	s7 =	smul.u32 $0x4E20, s9  }
0xc: {  	_ =	strace $0x80000047;
	s26 =	sadd.s32 s6, s2;
	s6 =	smul.u32 $0x14000, s19  }
0xd: {  	s3 =	sadd.s32 s3, s0;
	s4 =	sadd.s32 s4, s0;
	s0 =	smul.u32 $0x2800, s20  }
0xe: {  	s20 =	simm.s32 $0x50;
	s1 =	smax.u32 s1, $0x1;
	[dreg:$0x5] =	wrdreg s26  }
0xf: {  	s19 =	simm.s32 $0x16620;
	s22 =	sadd.s32 $0x4000, s26;
	[dreg:$0x6] =	wrdreg s1  }
0x10: {  	s9 =	sadd.s32 $0x15A00, s3;
	s23 =	sadd.s32 $0x8000, s26;
	[dreg:$0x7] =	wrdreg s22  }
0x11: {  	s21 =	sadd.s32 $0x3CC00, s4;
	s24 =	sadd.s32 $0xC000, s26;
	[dreg:$0x8] =	wrdreg s23  }
0x12: {  	s25 =	sadd.s32 $0x10000, s26;
	s4 =	simm.s32 $0x5;
	[dreg:$0x9] =	wrdreg s24  }
0x13: {  	s3 =	simm.s32 $0x15EF0;
	[dreg:$0xa] =	wrdreg s25;
	s22 =	simm.s32 $0x16710  }
0x14: {  	s29 =	sadd.s32 s6, s21;
	s25 =	simm.s32 $0x17B10;
	s24 =	simm.s32 $0x3  }
0x15: {  	s1 =	simm.s32 $0x4;
	s6 =	simm.s32 $0x16580;
	s0 =	sadd.s32 s0, s29  }
0x16: {  	v0 =	vimm.f32 $0.0e+00;
	s21 =	simm.s32 $0x16670;
	s23 =	simm.s32 $0x166C0;
	[dreg:$0xb] =	wrdreg s0  }
.LBB2_1:
0x17: {  	[dreg:$0x4] =	wrdreg s10;
	s10 =	simm.s32 $0x100;
	s0 =	simm.s32 $0x0  }
.LBB2_2:
0x18: {  	p0 =	sne.s32 s10, $0xFF00;
	[tilespmem:s0+$0x1B740] =	vst v0;
	s12 =	smov.u32 s10;
	s10 =	sadd.s32 $0x100, s10  }
.Ltmp0:
0x19: {  	[tilespmem:s0+$0x1B730] =	vst v0;
	(pc) =	sbr.rel @p0 .LBB2_2-.Ltmp0, $3  }
0x1a: {  	[tilespmem:s0+$0x1B710] =	vst v0  }
0x1b: {  	[tilespmem:s0+$0x1B720] =	vst v0;
	_ =	sdelay $0x1  }
0x1c: {  	s0 =	sshra.s32 s12, $0x2  }
0x1d: {  	[tilespmem:s0+$0x1B740] =	vst v0  }
0x1e: {  	[tilespmem:s0+$0x1B730] =	vst v0  }
0x1f: {  	[tilespmem:s0+$0x1B710] =	vst v0  }
0x20: {  	[tilespmem:s0+$0x1B720] =	vst v0;
	s10 =	simm.s32 $0x1B710  }
0x21: {  	[spmem:s26] =	stream.linear.scatter [tilespmem:s10], [sflag:$0x9], $0x4000, $0x38;
	[tilespmem:$0x1F710] =	vst v63  }
0x22: {  	_ =	swait.ge [sflag:s16], $0x4000  }
0x23: {  	[sflag:s16] =	ssyncset.done $0x0  }
0x24: {  	s12 =	rddreg [dreg:$0x7];
	[sflag:s16] =	ssyncadd.s32 $0xFFFFC000  }
0x25: {  	[spmem:s12] =	stream.linear.scatter [tilespmem:s10], [sflag:$0x9], $0x4000, $0x38;
	[tilespmem:$0x1F710] =	vst v63  }
0x26: {  	_ =	swait.ge [sflag:s16], $0x4000  }
0x27: {  	[sflag:s16] =	ssyncset.done $0x0  }
0x28: {  	s26 =	rddreg [dreg:$0x8];
	[sflag:s16] =	ssyncadd.s32 $0xFFFFC000  }
0x29: {  	[spmem:s26] =	stream.linear.scatter [tilespmem:s10], [sflag:$0x9], $0x4000, $0x38;
	[tilespmem:$0x1F710] =	vst v63  }
0x2a: {  	_ =	swait.ge [sflag:s16], $0x4000  }
0x2b: {  	[sflag:s16] =	ssyncset.done $0x0  }
0x2c: {  	s12 =	rddreg [dreg:$0x9];
	[sflag:s16] =	ssyncadd.s32 $0xFFFFC000  }
0x2d: {  	[spmem:s12] =	stream.linear.scatter [tilespmem:s10], [sflag:$0x9], $0x4000, $0x38;
	[tilespmem:$0x1F710] =	vst v63  }
0x2e: {  	_ =	swait.ge [sflag:s16], $0x4000  }
0x2f: {  	[sflag:s16] =	ssyncset.done $0x0  }
0x30: {  	s26 =	rddreg [dreg:$0xa];
	[sflag:s16] =	ssyncadd.s32 $0xFFFFC000  }
0x31: {  	[spmem:s26] =	stream.linear.scatter [tilespmem:s10], [sflag:$0x9], $0x4000, $0x38;
	[tilespmem:$0x1F710] =	vst v63  }
0x32: {  	_ =	swait.ge [sflag:s16], $0x4000  }
0x33: {  	[sflag:s16] =	ssyncset.done $0x0  }
0x34: {  	[sflag:s16] =	ssyncadd.s32 $0xFFFFC000  }
0x35: {  	s29 =	simm.s32 $0x0;
	s26 =	simm.s32 $0x0;
	[bflag:$0x0] =	sbarrier.arrive $0xFFFF  }
.LBB2_4:
0x36: {  	s0 =	smul.u32 $0x7D0, s29;
	_ =	sdelay $0x1  }
0x37: {  	s0 =	sadd.s32 s7, s0  }
0x38: {  	s0 =	sshrl.u32 s0, $0x3  }
0x39: {  	s12 =	simm.s32 $0x14000;
	s10 =	sadd.s32 s5, s0  }
0x3a: {  	[tilespmem:s12], [sflag:$0x9] =	stream.linear.gather [hbm4b:s10+s26], $0x7D0, $0x38;
	[tilespmem:$0x1F710] =	vst v63  }
0x3b: {  	_ =	swait.ge [sflag:s16], $0x7D0  }
0x3c: {  	[sflag:s16] =	ssyncset.done $0x0  }
0x3d: {  	s10 =	sadd.s32 s0, s8;
	s12 =	simm.s32 $0x147D0;
	[sflag:s16] =	ssyncadd.s32 $0xFFFFF830  }
0x3e: {  	[tilespmem:s12], [sflag:$0x9] =	stream.linear.gather [hbm4b:s10+s26], $0x7D0, $0x38;
	[tilespmem:$0x1F710] =	vst v63  }
0x3f: {  	_ =	swait.ge [sflag:s16], $0x7D0  }
0x40: {  	[sflag:s16] =	ssyncset.done $0x0  }
0x41: {  	[sflag:s16] =	ssyncadd.s32 $0xFFFFF830  }
0x42: {  	s12 =	rddreg [dreg:$0x1]  }
0x43: {  	s0 =	sadd.s32 s12, s0;
	s12 =	simm.s32 $0x14FA0  }
0x44: {  	[tilespmem:s12], [sflag:$0x9] =	stream.linear.gather [hbm4b:s0+s26], $0x7D0, $0x38;
	[tilespmem:$0x1F710] =	vst v63  }
0x45: {  	_ =	swait.ge [sflag:s16], $0x7D0  }
0x46: {  	[sflag:s16] =	ssyncset.done $0x0  }
0x47: {  	s0 =	simm.s32 $0x0;
	[sflag:s16] =	ssyncadd.s32 $0xFFFFF830  }
0x48: {  	v1 =	vld [tilespmem:s0+$0x14FE0]  }
0x49: {  	v2 =	vld [tilespmem:s0+$0x14FA0]  }
0x4a: {  	v3 =	vld [tilespmem:s0+$0x14810]  }
0x4b: {  	v4 =	vld [tilespmem:s0+$0x14FB0]  }
0x4c: {  	v5 =	vld [tilespmem:s0+$0x14FC0]  }
0x4d: {  	v7 =	vld [tilespmem:s0+$0x147D0]  }
0x4e: {  	v8 =	vld [tilespmem:s0+$0x147E0]  }
0x4f: {  	v6 =	vld [tilespmem:s0+$0x14FD0];
	v1 =	vmul.u32 $0x2800, v1  }
0x50: {  	v9 =	vld [tilespmem:s0+$0x147F0];
	v2 =	vmul.u32 $0x2800, v2  }
0x51: {  	v10 =	vld [tilespmem:s0+$0x14800];
	v1 =	vadd.s32 v3, v1;
	v3 =	vmul.u32 $0x2800, v4  }
0x52: {  	v4 =	vadd.s32 v7, v2;
	v2 =	vld [tilespmem:s0+$0x14010];
	[tilespmem:s0+$0x15F80] =	vst v1  }
0x53: {  	v1 =	vld [tilespmem:s0+$0x14000];
	[tilespmem:s0+$0x15F40] =	vst v4;
	v4 =	vmul.u32 $0x2800, v5;
	v5 =	vadd.s32 v8, v3  }
0x54: {  	v3 =	vld [tilespmem:s0+$0x14020];
	[tilespmem:s0+$0x15F50] =	vst v5;
	v5 =	vmul.u32 $0x2800, v6  }
0x55: {  	v6 =	vadd.s32 v9, v4;
	v4 =	vld [tilespmem:s0+$0x14030]  }
0x56: {  	s10 =	simm.s32 $0x50;
	s12 =	simm.s32 $0x280;
	[tilespmem:s0+$0x15F60] =	vst v6;
	v6 =	vadd.s32 v10, v5;
	v5 =	vld [tilespmem:s0+$0x14040]  }
.LBB2_5:
0x57: {  	p0 =	sne.s32 s12, $0x1E00;
	v7 =	vld [tilespmem:s10+$0x14FE0];
	[tilespmem:s0+$0x15F70] =	vst v6  }
0x58: {  	v6 =	vld [tilespmem:s10+$0x14FA0];
	[tilespmem:s0+$0x15770] =	vst v1  }
0x59: {  	v1 =	vld [tilespmem:s10+$0x14810];
	[tilespmem:s0+$0x15780] =	vst v2  }
0x5a: {  	v2 =	vld [tilespmem:s10+$0x14FB0];
	[tilespmem:s0+$0x15790] =	vst v3  }
0x5b: {  	v3 =	vld [tilespmem:s10+$0x14FC0];
	[tilespmem:s0+$0x157A0] =	vst v4  }
0x5c: {  	v4 =	vld [tilespmem:s10+$0x14FD0];
	v7 =	vmul.u32 $0x2800, v7;
	[tilespmem:s0+$0x157B0] =	vst v5;
	s0 =	smov.u32 s10  }
0x5d: {  	v5 =	vmul.u32 $0x2800, v6;
	v6 =	vld [tilespmem:s0+$0x147D0]  }
0x5e: {  	v8 =	vld [tilespmem:s0+$0x147E0];
	v1 =	vadd.s32 v1, v7  }
0x5f: {  	v7 =	vmul.u32 $0x2800, v2;
	v9 =	vld [tilespmem:s0+$0x147F0];
	[tilespmem:s0+$0x15F80] =	vst v1  }
0x60: {  	v10 =	vmul.u32 $0x2800, v3;
	v11 =	vld [tilespmem:s0+$0x14800]  }
.Ltmp1:
0x61: {  	v1 =	vld [tilespmem:s0+$0x14000];
	v12 =	vmul.u32 $0x2800, v4;
	(pc) =	sbr.rel @p0 .LBB2_5-.Ltmp1, $4  }
0x62: {  	v3 =	vadd.s32 v6, v5;
	v2 =	vld [tilespmem:s0+$0x14010]  }
0x63: {  	[tilespmem:s0+$0x15F40] =	vst v3;
	v4 =	vadd.s32 v8, v7;
	v3 =	vld [tilespmem:s0+$0x14020]  }
0x64: {  	[tilespmem:s0+$0x15F50] =	vst v4;
	v5 =	vadd.s32 v9, v10;
	v4 =	vld [tilespmem:s0+$0x14030]  }
0x65: {  	s10 =	sshra.s32 s12, $0x2;
	s12 =	sadd.s32 $0x140, s12;
	[tilespmem:s0+$0x15F60] =	vst v5;
	v6 =	vadd.s32 v11, v12;
	v5 =	vld [tilespmem:s0+$0x14040]  }
0x66: {  	v7 =	vld [tilespmem:s10+$0x14FE0];
	[tilespmem:s0+$0x15F70] =	vst v6  }
0x67: {  	v6 =	vld [tilespmem:s10+$0x14FA0];
	[tilespmem:s0+$0x15770] =	vst v1  }
0x68: {  	v1 =	vld [tilespmem:s10+$0x14810];
	[tilespmem:s0+$0x15780] =	vst v2  }
0x69: {  	v2 =	vld [tilespmem:s10+$0x14FB0];
	[tilespmem:s0+$0x15790] =	vst v3  }
0x6a: {  	v3 =	vld [tilespmem:s10+$0x14FC0];
	[tilespmem:s0+$0x157A0] =	vst v4  }
0x6b: {  	v4 =	vld [tilespmem:s10+$0x14FD0];
	[tilespmem:s0+$0x157B0] =	vst v5  }
0x6c: {  	v58 =	vmul.u32 $0x2800, v7;
	v59 =	vld [tilespmem:s10+$0x147D0]  }
0x6d: {  	v8 =	vld [tilespmem:s10+$0x147E0]  }
0x6e: {  	v60 =	vld [tilespmem:s10+$0x147F0];
	v1 =	vadd.s32 v1, v58  }
0x6f: {  	v9 =	vld [tilespmem:s10+$0x14000];
	[tilespmem:s10+$0x15F80] =	vst v1;
	v1 =	vmul.u32 $0x2800, v6  }
0x70: {  	v61 =	vld [tilespmem:s10+$0x14800];
	v2 =	vmul.u32 $0x2800, v2  }
0x71: {  	v62 =	vld [tilespmem:s10+$0x14010];
	v1 =	vadd.s32 v59, v1  }
0x72: {  	v63 =	vld [tilespmem:s10+$0x14030];
	v2 =	vadd.s32 v8, v2;
	[tilespmem:s10+$0x15F40] =	vst v1;
	v1 =	vmul.u32 $0x2800, v3  }
0x73: {  	[tilespmem:s10+$0x15F50] =	vst v2;
	v2 =	vmul.u32 $0x2800, v4  }
0x74: {  	[tilespmem:s10+$0x15770] =	vst v9;
	v3 =	vld [tilespmem:s10+$0x14020];
	v1 =	vadd.s32 v60, v1  }
0x75: {  	[tilespmem:s10+$0x15F60] =	vst v1;
	v1 =	vadd.s32 v61, v2;
	v2 =	vld [tilespmem:s10+$0x14040]  }
0x76: {  	[tilespmem:s10+$0x15780] =	vst v62  }
0x77: {  	[tilespmem:s10+$0x157A0] =	vst v63  }
0x78: {  	[tilespmem:s10+$0x15F70] =	vst v1  }
0x79: {  	[tilespmem:s10+$0x15790] =	vst v3  }
0x7a: {  	s12 =	simm.s32 $0x15770;
	[tilespmem:s10+$0x157B0] =	vst v2  }
0x7b: {  	[tilespmem:s22], [sflag:$0x1] =	stream.indirect.gather [hbm4b:s9+s20], $0x40, s12, s20, $0xb8;
	[tilespmem:$0x1F710] =	vst v63  }
0x7c: {  	s10 =	simm.s32 $0x157C0  }
0x7d: {  	[tilespmem:s25], [sflag:$0x2] =	stream.indirect.gather [hbm4b:s9+s20], $0x40, s10, s20, $0xb8;
	[tilespmem:$0x1F710] =	vst v63  }
0x7e: {  	s12 =	simm.s32 $0x15810  }
0x7f: {  	[tilespmem:s28], [sflag:$0x3] =	stream.indirect.gather [hbm4b:s9+s20], $0x40, s12, s20, $0xb8;
	[tilespmem:$0x1F710] =	vst v63  }
0x80: {  	s10 =	simm.s32 $0x15860  }
0x81: {  	[tilespmem:s30], [sflag:$0x4] =	stream.indirect.gather [hbm4b:s9+s20], $0x40, s10, s20, $0xb8;
	[tilespmem:$0x1F710] =	vst v63  }
0x82: {  	_ =	swait.ge [sflag:s31], $0x1400  }
0x83: {  	[sflag:s31] =	ssyncset.done $0x0  }
0x84: {  	s12 =	simm.s32 $0x15F40;
	[sflag:s31] =	ssyncadd.s32 $0xFFFFEC00  }
0x85: {  	[spmem:s2] =	stream.indirect.scatter.add.f32 [tilespmem:s22], [sflag:$0x5], $0x40, s12, s20, $0xb8;
	[tilespmem:$0x1F710] =	vst v63  }
0x86: {  	_ =	swait.ge [sflag:s4], $0x1400  }
0x87: {  	[sflag:s4] =	ssyncset.done $0x0  }
0x88: {  	s10 =	simm.s32 $0x158B0;
	[sflag:s4] =	ssyncadd.s32 $0xFFFFEC00  }
0x89: {  	[tilespmem:s22], [sflag:$0x1] =	stream.indirect.gather [hbm4b:s9+s20], $0x40, s10, s20, $0xb8;
	[tilespmem:$0x1F710] =	vst v63  }
0x8a: {  	_ =	swait.ge [sflag:s11], $0x1400  }
0x8b: {  	[sflag:s11] =	ssyncset.done $0x0  }
0x8c: {  	s12 =	simm.s32 $0x15F90;
	[sflag:s11] =	ssyncadd.s32 $0xFFFFEC00  }
0x8d: {  	[spmem:s2] =	stream.indirect.scatter.add.f32 [tilespmem:s25], [sflag:$0x6], $0x40, s12, s20, $0xb8;
	[tilespmem:$0x1F710] =	vst v63  }
0x8e: {  	_ =	swait.ge [sflag:s13], $0x1400  }
0x8f: {  	[sflag:s13] =	ssyncset.done $0x0  }
0x90: {  	s10 =	simm.s32 $0x15900;
	[sflag:s13] =	ssyncadd.s32 $0xFFFFEC00  }
0x91: {  	[tilespmem:s25], [sflag:$0x2] =	stream.indirect.gather [hbm4b:s9+s20], $0x40, s10, s20, $0xb8;
	[tilespmem:$0x1F710] =	vst v63  }
0x92: {  	_ =	swait.ge [sflag:s24], $0x1400  }
0x93: {  	[sflag:s24] =	ssyncset.done $0x0  }
0x94: {  	s12 =	simm.s32 $0x15FE0;
	[sflag:s24] =	ssyncadd.s32 $0xFFFFEC00  }
0x95: {  	[spmem:s2] =	stream.indirect.scatter.add.f32 [tilespmem:s28], [sflag:$0x7], $0x40, s12, s20, $0xb8;
	[tilespmem:$0x1F710] =	vst v63  }
0x96: {  	_ =	swait.ge [sflag:s15], $0x1400  }
0x97: {  	[sflag:s15] =	ssyncset.done $0x0  }
0x98: {  	s10 =	simm.s32 $0x15950;
	[sflag:s15] =	ssyncadd.s32 $0xFFFFEC00  }
0x99: {  	[tilespmem:s28], [sflag:$0x3] =	stream.indirect.gather [hbm4b:s9+s20], $0x40, s10, s20, $0xb8;
	[tilespmem:$0x1F710] =	vst v63  }
0x9a: {  	_ =	swait.ge [sflag:s1], $0x1400  }
0x9b: {  	[sflag:s1] =	ssyncset.done $0x0  }
0x9c: {  	s12 =	simm.s32 $0x16030;
	[sflag:s1] =	ssyncadd.s32 $0xFFFFEC00  }
0x9d: {  	[spmem:s2] =	stream.indirect.scatter.add.f32 [tilespmem:s30], [sflag:$0x8], $0x40, s12, s20, $0xb8;
	[tilespmem:$0x1F710] =	vst v63  }
0x9e: {  	_ =	swait.ge [sflag:s18], $0x1400  }
0x9f: {  	[sflag:s18] =	ssyncset.done $0x0  }
0xa0: {  	s10 =	simm.s32 $0x159A0;
	[sflag:s18] =	ssyncadd.s32 $0xFFFFEC00  }
0xa1: {  	[tilespmem:s30], [sflag:$0x4] =	stream.indirect.gather [hbm4b:s9+s20], $0x40, s10, s20, $0xb8;
	[tilespmem:$0x1F710] =	vst v63  }
0xa2: {  	_ =	swait.ge [sflag:s31], $0x1400  }
0xa3: {  	[sflag:s31] =	ssyncset.done $0x0  }
0xa4: {  	s12 =	simm.s32 $0x16080;
	[sflag:s31] =	ssyncadd.s32 $0xFFFFEC00  }
0xa5: {  	[spmem:s2] =	stream.indirect.scatter.add.f32 [tilespmem:s22], [sflag:$0x5], $0x40, s12, s20, $0xb8;
	[tilespmem:$0x1F710] =	vst v63  }
0xa6: {  	_ =	swait.ge [sflag:s4], $0x1400  }
0xa7: {  	[sflag:s4] =	ssyncset.done $0x0  }
0xa8: {  	s10 =	simm.s32 $0x159F0;
	[sflag:s4] =	ssyncadd.s32 $0xFFFFEC00  }
0xa9: {  	[tilespmem:s22], [sflag:$0x1] =	stream.indirect.gather [hbm4b:s9+s20], $0x40, s10, s20, $0xb8;
	[tilespmem:$0x1F710] =	vst v63  }
0xaa: {  	_ =	swait.ge [sflag:s11], $0x1400  }
0xab: {  	[sflag:s11] =	ssyncset.done $0x0  }
0xac: {  	s12 =	simm.s32 $0x160D0;
	[sflag:s11] =	ssyncadd.s32 $0xFFFFEC00  }
0xad: {  	[spmem:s2] =	stream.indirect.scatter.add.f32 [tilespmem:s25], [sflag:$0x6], $0x40, s12, s20, $0xb8;
	[tilespmem:$0x1F710] =	vst v63  }
0xae: {  	_ =	swait.ge [sflag:s13], $0x1400  }
0xaf: {  	[sflag:s13] =	ssyncset.done $0x0  }
0xb0: {  	s10 =	simm.s32 $0x15A40;
	[sflag:s13] =	ssyncadd.s32 $0xFFFFEC00  }
0xb1: {  	[tilespmem:s25], [sflag:$0x2] =	stream.indirect.gather [hbm4b:s9+s20], $0x40, s10, s20, $0xb8;
	[tilespmem:$0x1F710] =	vst v63  }
0xb2: {  	_ =	swait.ge [sflag:s24], $0x1400  }
0xb3: {  	[sflag:s24] =	ssyncset.done $0x0  }
0xb4: {  	s12 =	simm.s32 $0x16120;
	[sflag:s24] =	ssyncadd.s32 $0xFFFFEC00  }
0xb5: {  	[spmem:s2] =	stream.indirect.scatter.add.f32 [tilespmem:s28], [sflag:$0x7], $0x40, s12, s20, $0xb8;
	[tilespmem:$0x1F710] =	vst v63  }
0xb6: {  	_ =	swait.ge [sflag:s15], $0x1400  }
0xb7: {  	[sflag:s15] =	ssyncset.done $0x0  }
0xb8: {  	s10 =	simm.s32 $0x15A90;
	[sflag:s15] =	ssyncadd.s32 $0xFFFFEC00  }
0xb9: {  	[tilespmem:s28], [sflag:$0x3] =	stream.indirect.gather [hbm4b:s9+s20], $0x40, s10, s20, $0xb8;
	[tilespmem:$0x1F710] =	vst v63  }
0xba: {  	_ =	swait.ge [sflag:s1], $0x1400  }
0xbb: {  	[sflag:s1] =	ssyncset.done $0x0  }
0xbc: {  	s12 =	simm.s32 $0x16170;
	[sflag:s1] =	ssyncadd.s32 $0xFFFFEC00  }
0xbd: {  	[spmem:s2] =	stream.indirect.scatter.add.f32 [tilespmem:s30], [sflag:$0x8], $0x40, s12, s20, $0xb8;
	[tilespmem:$0x1F710] =	vst v63  }
0xbe: {  	_ =	swait.ge [sflag:s18], $0x1400  }
0xbf: {  	[sflag:s18] =	ssyncset.done $0x0  }
0xc0: {  	s10 =	simm.s32 $0x15AE0;
	[sflag:s18] =	ssyncadd.s32 $0xFFFFEC00  }
0xc1: {  	[tilespmem:s30], [sflag:$0x4] =	stream.indirect.gather [hbm4b:s9+s20], $0x40, s10, s20, $0xb8;
	[tilespmem:$0x1F710] =	vst v63  }
0xc2: {  	_ =	swait.ge [sflag:s31], $0x1400  }
0xc3: {  	[sflag:s31] =	ssyncset.done $0x0  }
0xc4: {  	s12 =	simm.s32 $0x161C0;
	[sflag:s31] =	ssyncadd.s32 $0xFFFFEC00  }
0xc5: {  	[spmem:s2] =	stream.indirect.scatter.add.f32 [tilespmem:s22], [sflag:$0x5], $0x40, s12, s20, $0xb8;
	[tilespmem:$0x1F710] =	vst v63  }
0xc6: {  	_ =	swait.ge [sflag:s4], $0x1400  }
0xc7: {  	[sflag:s4] =	ssyncset.done $0x0  }
0xc8: {  	s10 =	simm.s32 $0x15B30;
	[sflag:s4] =	ssyncadd.s32 $0xFFFFEC00  }
0xc9: {  	[tilespmem:s22], [sflag:$0x1] =	stream.indirect.gather [hbm4b:s9+s20], $0x40, s10, s20, $0xb8;
	[tilespmem:$0x1F710] =	vst v63  }
0xca: {  	_ =	swait.ge [sflag:s11], $0x1400  }
0xcb: {  	[sflag:s11] =	ssyncset.done $0x0  }
0xcc: {  	s12 =	simm.s32 $0x16210;
	[sflag:s11] =	ssyncadd.s32 $0xFFFFEC00  }
0xcd: {  	[spmem:s2] =	stream.indirect.scatter.add.f32 [tilespmem:s25], [sflag:$0x6], $0x40, s12, s20, $0xb8;
	[tilespmem:$0x1F710] =	vst v63  }
0xce: {  	_ =	swait.ge [sflag:s13], $0x1400  }
0xcf: {  	[sflag:s13] =	ssyncset.done $0x0  }
0xd0: {  	s10 =	simm.s32 $0x15B80;
	[sflag:s13] =	ssyncadd.s32 $0xFFFFEC00  }
0xd1: {  	[tilespmem:s25], [sflag:$0x2] =	stream.indirect.gather [hbm4b:s9+s20], $0x40, s10, s20, $0xb8;
	[tilespmem:$0x1F710] =	vst v63  }
0xd2: {  	_ =	swait.ge [sflag:s24], $0x1400  }
0xd3: {  	[sflag:s24] =	ssyncset.done $0x0  }
0xd4: {  	s12 =	simm.s32 $0x16260;
	[sflag:s24] =	ssyncadd.s32 $0xFFFFEC00  }
0xd5: {  	[spmem:s2] =	stream.indirect.scatter.add.f32 [tilespmem:s28], [sflag:$0x7], $0x40, s12, s20, $0xb8;
	[tilespmem:$0x1F710] =	vst v63  }
0xd6: {  	_ =	swait.ge [sflag:s15], $0x1400  }
0xd7: {  	[sflag:s15] =	ssyncset.done $0x0  }
0xd8: {  	s10 =	simm.s32 $0x15BD0;
	[sflag:s15] =	ssyncadd.s32 $0xFFFFEC00  }
0xd9: {  	[tilespmem:s28], [sflag:$0x3] =	stream.indirect.gather [hbm4b:s9+s20], $0x40, s10, s20, $0xb8;
	[tilespmem:$0x1F710] =	vst v63  }
0xda: {  	_ =	swait.ge [sflag:s1], $0x1400  }
0xdb: {  	[sflag:s1] =	ssyncset.done $0x0  }
0xdc: {  	s12 =	simm.s32 $0x162B0;
	[sflag:s1] =	ssyncadd.s32 $0xFFFFEC00  }
0xdd: {  	[spmem:s2] =	stream.indirect.scatter.add.f32 [tilespmem:s30], [sflag:$0x8], $0x40, s12, s20, $0xb8;
	[tilespmem:$0x1F710] =	vst v63  }
0xde: {  	_ =	swait.ge [sflag:s18], $0x1400  }
0xdf: {  	[sflag:s18] =	ssyncset.done $0x0  }
0xe0: {  	s10 =	simm.s32 $0x15C20;
	[sflag:s18] =	ssyncadd.s32 $0xFFFFEC00  }
0xe1: {  	[tilespmem:s30], [sflag:$0x4] =	stream.indirect.gather [hbm4b:s9+s20], $0x40, s10, s20, $0xb8;
	[tilespmem:$0x1F710] =	vst v63  }
0xe2: {  	_ =	swait.ge [sflag:s31], $0x1400  }
0xe3: {  	[sflag:s31] =	ssyncset.done $0x0  }
0xe4: {  	s12 =	simm.s32 $0x16300;
	[sflag:s31] =	ssyncadd.s32 $0xFFFFEC00  }
0xe5: {  	[spmem:s2] =	stream.indirect.scatter.add.f32 [tilespmem:s22], [sflag:$0x5], $0x40, s12, s20, $0xb8;
	[tilespmem:$0x1F710] =	vst v63  }
0xe6: {  	_ =	swait.ge [sflag:s4], $0x1400  }
0xe7: {  	[sflag:s4] =	ssyncset.done $0x0  }
0xe8: {  	s10 =	simm.s32 $0x15C70;
	[sflag:s4] =	ssyncadd.s32 $0xFFFFEC00  }
0xe9: {  	[tilespmem:s22], [sflag:$0x1] =	stream.indirect.gather [hbm4b:s9+s20], $0x40, s10, s20, $0xb8;
	[tilespmem:$0x1F710] =	vst v63  }
0xea: {  	_ =	swait.ge [sflag:s11], $0x1400  }
0xeb: {  	[sflag:s11] =	ssyncset.done $0x0  }
0xec: {  	s12 =	simm.s32 $0x16350;
	[sflag:s11] =	ssyncadd.s32 $0xFFFFEC00  }
0xed: {  	[spmem:s2] =	stream.indirect.scatter.add.f32 [tilespmem:s25], [sflag:$0x6], $0x40, s12, s20, $0xb8;
	[tilespmem:$0x1F710] =	vst v63  }
0xee: {  	_ =	swait.ge [sflag:s13], $0x1400  }
0xef: {  	[sflag:s13] =	ssyncset.done $0x0  }
0xf0: {  	s10 =	simm.s32 $0x15CC0;
	[sflag:s13] =	ssyncadd.s32 $0xFFFFEC00  }
0xf1: {  	[tilespmem:s25], [sflag:$0x2] =	stream.indirect.gather [hbm4b:s9+s20], $0x40, s10, s20, $0xb8;
	[tilespmem:$0x1F710] =	vst v63  }
0xf2: {  	_ =	swait.ge [sflag:s24], $0x1400  }
0xf3: {  	[sflag:s24] =	ssyncset.done $0x0  }
0xf4: {  	s12 =	simm.s32 $0x163A0;
	[sflag:s24] =	ssyncadd.s32 $0xFFFFEC00  }
0xf5: {  	[spmem:s2] =	stream.indirect.scatter.add.f32 [tilespmem:s28], [sflag:$0x7], $0x40, s12, s20, $0xb8;
	[tilespmem:$0x1F710] =	vst v63  }
0xf6: {  	_ =	swait.ge [sflag:s15], $0x1400  }
0xf7: {  	[sflag:s15] =	ssyncset.done $0x0  }
0xf8: {  	s10 =	simm.s32 $0x15D10;
	[sflag:s15] =	ssyncadd.s32 $0xFFFFEC00  }
0xf9: {  	[tilespmem:s28], [sflag:$0x3] =	stream.indirect.gather [hbm4b:s9+s20], $0x40, s10, s20, $0xb8;
	[tilespmem:$0x1F710] =	vst v63  }
0xfa: {  	_ =	swait.ge [sflag:s1], $0x1400  }
0xfb: {  	[sflag:s1] =	ssyncset.done $0x0  }
0xfc: {  	s12 =	simm.s32 $0x163F0;
	[sflag:s1] =	ssyncadd.s32 $0xFFFFEC00  }
0xfd: {  	[spmem:s2] =	stream.indirect.scatter.add.f32 [tilespmem:s30], [sflag:$0x8], $0x40, s12, s20, $0xb8;
	[tilespmem:$0x1F710] =	vst v63  }
0xfe: {  	_ =	swait.ge [sflag:s18], $0x1400  }
0xff: {  	[sflag:s18] =	ssyncset.done $0x0  }
0x100: {  	s10 =	simm.s32 $0x15D60;
	[sflag:s18] =	ssyncadd.s32 $0xFFFFEC00  }
0x101: {  	[tilespmem:s30], [sflag:$0x4] =	stream.indirect.gather [hbm4b:s9+s20], $0x40, s10, s20, $0xb8;
	[tilespmem:$0x1F710] =	vst v63  }
0x102: {  	_ =	swait.ge [sflag:s31], $0x1400  }
0x103: {  	[sflag:s31] =	ssyncset.done $0x0  }
0x104: {  	s12 =	simm.s32 $0x16440;
	[sflag:s31] =	ssyncadd.s32 $0xFFFFEC00  }
0x105: {  	[spmem:s2] =	stream.indirect.scatter.add.f32 [tilespmem:s22], [sflag:$0x5], $0x40, s12, s20, $0xb8;
	[tilespmem:$0x1F710] =	vst v63  }
0x106: {  	_ =	swait.ge [sflag:s4], $0x1400  }
0x107: {  	[sflag:s4] =	ssyncset.done $0x0  }
0x108: {  	s10 =	simm.s32 $0x15DB0;
	[sflag:s4] =	ssyncadd.s32 $0xFFFFEC00  }
0x109: {  	[tilespmem:s22], [sflag:$0x1] =	stream.indirect.gather [hbm4b:s9+s20], $0x40, s10, s20, $0xb8;
	[tilespmem:$0x1F710] =	vst v63  }
0x10a: {  	_ =	swait.ge [sflag:s11], $0x1400  }
0x10b: {  	[sflag:s11] =	ssyncset.done $0x0  }
0x10c: {  	s12 =	simm.s32 $0x16490;
	[sflag:s11] =	ssyncadd.s32 $0xFFFFEC00  }
0x10d: {  	[spmem:s2] =	stream.indirect.scatter.add.f32 [tilespmem:s25], [sflag:$0x6], $0x40, s12, s20, $0xb8;
	[tilespmem:$0x1F710] =	vst v63  }
0x10e: {  	_ =	swait.ge [sflag:s13], $0x1400  }
0x10f: {  	[sflag:s13] =	ssyncset.done $0x0  }
0x110: {  	s10 =	simm.s32 $0x15E00;
	[sflag:s13] =	ssyncadd.s32 $0xFFFFEC00  }
0x111: {  	[tilespmem:s25], [sflag:$0x2] =	stream.indirect.gather [hbm4b:s9+s20], $0x40, s10, s20, $0xb8;
	[tilespmem:$0x1F710] =	vst v63  }
0x112: {  	_ =	swait.ge [sflag:s24], $0x1400  }
0x113: {  	[sflag:s24] =	ssyncset.done $0x0  }
0x114: {  	s12 =	simm.s32 $0x164E0;
	[sflag:s24] =	ssyncadd.s32 $0xFFFFEC00  }
0x115: {  	[spmem:s2] =	stream.indirect.scatter.add.f32 [tilespmem:s28], [sflag:$0x7], $0x40, s12, s20, $0xb8;
	[tilespmem:$0x1F710] =	vst v63  }
0x116: {  	_ =	swait.ge [sflag:s15], $0x1400  }
0x117: {  	[sflag:s15] =	ssyncset.done $0x0  }
0x118: {  	s10 =	simm.s32 $0x15E50;
	[sflag:s15] =	ssyncadd.s32 $0xFFFFEC00  }
0x119: {  	[tilespmem:s28], [sflag:$0x3] =	stream.indirect.gather [hbm4b:s9+s20], $0x40, s10, s20, $0xb8;
	[tilespmem:$0x1F710] =	vst v63  }
0x11a: {  	_ =	swait.ge [sflag:s1], $0x1400  }
0x11b: {  	[sflag:s1] =	ssyncset.done $0x0  }
0x11c: {  	s12 =	simm.s32 $0x16530;
	[sflag:s1] =	ssyncadd.s32 $0xFFFFEC00  }
0x11d: {  	[spmem:s2] =	stream.indirect.scatter.add.f32 [tilespmem:s30], [sflag:$0x8], $0x40, s12, s20, $0xb8;
	[tilespmem:$0x1F710] =	vst v63  }
0x11e: {  	_ =	swait.ge [sflag:s18], $0x1400  }
0x11f: {  	[sflag:s18] =	ssyncset.done $0x0  }
0x120: {  	[sflag:s18] =	ssyncadd.s32 $0xFFFFEC00  }
0x121: {  	[tilespmem:s30], [sflag:$0x4] =	stream.indirect.gather [hbm4b:s9+s20], $0x40, s14, s20, $0xb8;
	[tilespmem:$0x1F710] =	vst v63  }
0x122: {  	_ =	swait.ge [sflag:s31], $0x1400  }
0x123: {  	[sflag:s31] =	ssyncset.done $0x0  }
0x124: {  	[sflag:s31] =	ssyncadd.s32 $0xFFFFEC00  }
0x125: {  	[spmem:s2] =	stream.indirect.scatter.add.f32 [tilespmem:s22], [sflag:$0x5], $0x40, s6, s20, $0xb8;
	[tilespmem:$0x1F710] =	vst v63  }
0x126: {  	_ =	swait.ge [sflag:s4], $0x1400  }
0x127: {  	[sflag:s4] =	ssyncset.done $0x0  }
0x128: {  	[sflag:s4] =	ssyncadd.s32 $0xFFFFEC00  }
0x129: {  	[tilespmem:s22], [sflag:$0x1] =	stream.indirect.gather [hbm4b:s9+s20], $0x40, s3, s20, $0xb8;
	[tilespmem:$0x1F710] =	vst v63  }
0x12a: {  	_ =	swait.ge [sflag:s11], $0x1400  }
0x12b: {  	[sflag:s11] =	ssyncset.done $0x0  }
0x12c: {  	[sflag:s11] =	ssyncadd.s32 $0xFFFFEC00  }
0x12d: {  	[spmem:s2] =	stream.indirect.scatter.add.f32 [tilespmem:s25], [sflag:$0x6], $0x40, s17, s20, $0xb8;
	[tilespmem:$0x1F710] =	vst v63  }
0x12e: {  	_ =	swait.ge [sflag:s24], $0x1400  }
0x12f: {  	[sflag:s24] =	ssyncset.done $0x0  }
0x130: {  	[sflag:s24] =	ssyncadd.s32 $0xFFFFEC00  }
0x131: {  	[spmem:s2] =	stream.indirect.scatter.add.f32 [tilespmem:s28], [sflag:$0x7], $0x40, s19, s20, $0xb8;
	[tilespmem:$0x1F710] =	vst v63  }
0x132: {  	_ =	swait.ge [sflag:s1], $0x1400  }
0x133: {  	[sflag:s1] =	ssyncset.done $0x0  }
0x134: {  	[sflag:s1] =	ssyncadd.s32 $0xFFFFEC00  }
0x135: {  	[spmem:s2] =	stream.indirect.scatter.add.f32 [tilespmem:s30], [sflag:$0x8], $0x40, s21, s20, $0xb8;
	[tilespmem:$0x1F710] =	vst v63  }
0x136: {  	_ =	swait.ge [sflag:s31], $0x1400  }
0x137: {  	[sflag:s31] =	ssyncset.done $0x0  }
0x138: {  	[sflag:s31] =	ssyncadd.s32 $0xFFFFEC00  }
0x139: {  	[spmem:s2] =	stream.indirect.scatter.add.f32 [tilespmem:s22], [sflag:$0x5], $0x40, s23, s20, $0xb8;
	[tilespmem:$0x1F710] =	vst v63  }
0x13a: {  	_ =	swait.ge [sflag:s13], $0x1400  }
0x13b: {  	[sflag:s13] =	ssyncset.done $0x0  }
0x13c: {  	[sflag:s13] =	ssyncadd.s32 $0xFFFFEC00  }
0x13d: {  	_ =	swait.ge [sflag:s15], $0x1400  }
0x13e: {  	[sflag:s15] =	ssyncset.done $0x0  }
0x13f: {  	s29 =	sadd.s32 $0x1, s29;
	[sflag:s15] =	ssyncadd.s32 $0xFFFFEC00  }
0x140: {  	p0 =	sne.s32 s29, $0xA;
	_ =	swait.ge [sflag:s18], $0x1400  }
.Ltmp2:
0x141: {  	[sflag:s18] =	ssyncset.done $0x0;
	(pc) =	sbr.rel @p0 .LBB2_4-.Ltmp2, $4  }
0x142: {  	[sflag:s18] =	ssyncadd.s32 $0xFFFFEC00  }
0x143: {  	_ =	swait.ge [sflag:s4], $0x1400  }
0x144: {  	[sflag:s4] =	ssyncset.done $0x0  }
0x145: {  	[sflag:s4] =	ssyncadd.s32 $0xFFFFEC00  }
0x146: {  	s0 =	stileid.u32;
	[bflag:$0x0] =	sbarrier.arrive $0xFFFF  }
0x147: {  	s0 =	sshll.u32 s0, $0x6;
	s26 =	rddreg [dreg:$0x5]  }
0x148: {  	s12 =	rddreg [dreg:$0xb];
	s0 =	sor.u32 $0x1C09, s0;
	s10 =	sshrl.u32 s26, $0x3  }
0x149: {  	[hbm:s12], [sflag:s0] =	dma.local [spmem:s10], $0x2800  }
0x14a: {  	_ =	swait.ge [sflag:s16], $0x2800  }
0x14b: {  	s12 =	rddreg [dreg:$0x4]  }
0x14c: {  	s29 =	rddreg [dreg:$0x6];
	s10 =	sadd.s32 $0x1, s12  }
0x14d: {  	p0 =	sne.s32 s10, s29  }
.Ltmp3:
0x14e: {  	_ = 	snop;
	(pc) =	sbr.rel @p0 .LBB2_1-.Ltmp3, $3  }
0x14f: {  	_ =	sdelay $0x1  }
0x150: {  	[sflag:s16] =	ssyncset.done $0x0  }
0x151: {  	[sflag:s16] =	ssyncadd.s32 $0xFFFFD800  }
0x152: {  	_ =	sfence.sel $0x180000  }
0x153: {  	[bflag:$0x0] =	sbarrier.arrive $0xFFFF  }
0x154: {  	_ =	strace $0x90000047  }
0x155: {  	s0 =	stileid.u32;
	[bflag:$0x2] =	sbarrier.arrive $0xFFFF  }
0x156: {  	p0 =	sne.s32 s0, $0x0;
	s0 =	rddreg [dreg:$0x3]  }
0x157: {  	s0 =	sadd.s32 @!p0 $0x100000, s0  }
0x158: {  	[sflag:s0] =	ssyncadd.tile.s32 @!p0 $0x1;
	_ =	shalt  }
.Lfunc_end2:
_tile_overlayer_lowered:
.L_overlay_start_2:
0x159: {  	(tag) =	ssettag $0x2  }
0x15a: {  	s0 =	rddreg [dreg:$0x0];
	s2 =	stileid.u32  }
0x15b: {  	s1 =	rddreg [dreg:$0x1];
	p0 =	sne.s32 s2, $0x0  }
0x15c: {  	s3 =	rddreg [dreg:$0x2];
	[bflag:$0x3] =	sbarrier.arrive $0xFFFF;
	s2 =	simm.s32 @!p0 $0x1C09  }
0x15d: {  	[timem:s3], [sflag:s2] =	dma.local @!p0 [hbm:s0], s1  }
0x15e: {  	s0 =	simm.s32 @!p0 $0x9  }
0x15f: {  	_ =	swait.ge @!p0 [sflag:s0], s1  }
0x160: {  	s1 =	ssub.s32 @!p0 $0x0, s1;
	[sflag:s0] =	ssyncset.done @!p0 $0x0  }
0x161: {  	[sflag:s0] =	ssyncadd.s32 @!p0 s1  }
0x162: {  	[bflag:$0x3] =	sbarrier.arrive $0xFFFF  }
0x163: {  	_ =	shalt  }

// kernel: kernel.14.cloned.1.call-start
scs
__scs_entry_jumppad:
0x0: {  	(pc) =	sbr.rel $0x88, $3  }
0x1: {  	(tag) =	ssettag $0x0;
	lr =	simm.s32 $0x1  }
0x2: {  	[smem:$0x3F97] =	sst lr;
	_ =	strace $0xD0000000  }
0x3: {  	_ = 	snop  }
0x4: {  	_ = 	snop  }
0x5: {  	_ = 	snop  }
0x6: {  	_ = 	snop  }
0x7: {  	_ = 	snop  }
__scs_overlays_trampoline_lowered:
0x8: {  	[smem:$0x3FA6] =	sst s0  }
0x9: {  	[smem:$0x3FA7] =	sst s1  }
0xa: {  	[smem:$0x3FA8] =	sst s2  }
0xb: {  	[smem:$0x3FA9] =	sst s3  }
0xc: {  	[smem:$0x3FAA] =	sst s4  }
0xd: {  	[smem:$0x3FAB] =	sst s5  }
0xe: {  	[smem:$0x3FAC] =	sst s6  }
0xf: {  	[smem:$0x3FAD] =	sst s7  }
0x10: {  	[smem:$0x3FAE] =	sst s8  }
0x11: {  	[smem:$0x3FAF] =	sst s9;
	s0 =	simm.s32 @!p0 $0x0  }
0x12: {  	s1 =	sld [smem:$0x3F95];
	s0 =	simm.s32 @p0 $0x1  }
0x13: {  	[smem:$0x3FB0] =	sst s0;
	s0 =	simm.s32 @!p1 $0x0  }
0x14: {  	s2 =	sld [smem:$0x3F94];
	s0 =	simm.s32 @p1 $0x1  }
0x15: {  	[smem:$0x3FB1] =	sst s0;
	s0 =	simm.s32 @!p2 $0x0  }
0x16: {  	s3 =	sld [smem:$0x3FDB];
	s0 =	simm.s32 @p2 $0x1  }
0x17: {  	s4 =	simm.s32 $0x1BF5;
	[smem:$0x3FB3] =	sst s0  }
0x18: {  	s0 =	sld [smem:$0x3F96];
	_ =	swait.ge [sflag:s4], $0x0  }
0x19: {  	s7 =	sld [smem:$0x3F97]  }
0x1a: {  	s8 =	sadd.s32 $0xFFFFE003, lr  }
0x1b: {  	s9 =	sadd.s32 $0xFFFFFEF7, lr;
	s5 =	simm.s32 $0xFFFFFFFF;
	p2 =	slt.u32 s8, $0xFFFFF086  }
0x1c: {  	p1 =	slt.u32 s9, $0xF7A;
	s5 =	simm.s32 @!p2 $0x0  }
0x1d: {  	s5 =	simm.s32 @p1 $0x1;
	p0 =	seq.s32 s7, s2  }
0x1e: {  	s7 =	smul.u32 @!p0 $0xF7A, s2;
	p2 =	seq.s32 @!p0 s5, $0x0  }
0x1f: {  	s9 =	smul.u32 $0xF7A, s1;
	s8 =	simm.s32 @!p0 $0x1BF5;
	p2 =	por !p2, p0  }
0x20: {  	[sflag:s8] =	ssyncset.s32 @!p0 $0xFFFFF086;
	s6 =	sadd.s32 @!p0 s3, s7;
	s7 =	simm.s32 @!p0 $0x108  }
0x21: {  	s3 =	sadd.s32 s3, s9;
	s6 =	sadd.s32 @!p0 $0x88, s6;
	s7 =	simm.s32 @p2 $0x1082  }
0x22: {  	[simem:s7], [sflag:s8] =	dma.local @!p0 [hbm:s6], $0xF7A  }
0x23: {  	s9 =	sor.u32 $0xD0000000, s2;
	s6 =	simm.s32 $0x108;
	_ =	swait.ge @!p0 [sflag:s8], $0x0  }
0x24: {  	s3 =	sadd.s32 $0x88, s3;
	s6 =	simm.s32 @!p1 $0x1082;
	[sflag:s4] =	ssyncset.s32 $0xFFFFF086  }
0x25: {  	[simem:s6], [sflag:s4] =	dma.local [hbm:s3], $0xF7A  }
0x26: {  	[smem:$0x3F97] =	sst s1;
	(tag) =	ssettag s2;
	_ =	strace s9  }
0x27: {  	s1 =	sld [smem:$0x3FA7]  }
0x28: {  	s2 =	sld [smem:$0x3FA8]  }
0x29: {  	s4 =	sld [smem:$0x3FAA]  }
0x2a: {  	p0 =	seq.s32 s5, $0x0;
	s5 =	sld [smem:$0x3FAB]  }
0x2b: {  	s6 =	sld [smem:$0x3FAC]  }
0x2c: {  	s7 =	sld [smem:$0x3FAD]  }
0x2d: {  	s3 =	simm.s32 $0x108;
	s8 =	sld [smem:$0x3FAE]  }
0x2e: {  	s3 =	simm.s32 @!p0 $0x1082;
	s9 =	sld [smem:$0x3FAF]  }
0x2f: {  	lr =	sadd.s32 s0, s3;
	s0 =	sld [smem:$0x3FA6]  }
0x30: {  	s3 =	sld [smem:$0x3FA9]  }
0x31: {  	[smem:$0x3FB2] =	sst s10  }
0x32: {  	s10 =	sld [smem:$0x3FB0];
	_ =	sdelay $0x3  }
0x33: {  	p0 =	seq.s32 s10, $0x1;
	s10 =	sld [smem:$0x3FB2];
	_ =	sdelay $0x3  }
0x34: {  	[smem:$0x3FB2] =	sst s10  }
0x35: {  	s10 =	sld [smem:$0x3FB1];
	_ =	sdelay $0x3  }
0x36: {  	p1 =	seq.s32 s10, $0x1;
	s10 =	sld [smem:$0x3FB2];
	_ =	sdelay $0x3  }
0x37: {  	[smem:$0x3FB2] =	sst s10  }
0x38: {  	s10 =	sld [smem:$0x3FB3]  }
0x39: {  	_ = 	snop;
	(pc) =	sbr.ind lr, $3  }
0x3a: {  	_ = 	snop  }
0x3b: {  	_ = 	snop  }
0x3c: {  	p2 =	seq.s32 s10, $0x1;
	s10 =	sld [smem:$0x3FB2]  }
0x3d: {  	_ =	shalt  }
0x3e: {  	_ =	shalt  }
0x3f: {  	_ =	shalt  }
0x40: {  	_ =	shalt  }
0x41: {  	_ =	shalt  }
0x42: {  	_ =	shalt  }
0x43: {  	_ =	shalt  }
0x44: {  	_ =	shalt  }
0x45: {  	_ =	shalt  }
0x46: {  	_ =	shalt  }
0x47: {  	_ =	shalt  }
0x48: {  	_ =	shalt  }
0x49: {  	_ =	shalt  }
0x4a: {  	_ =	shalt  }
0x4b: {  	_ =	shalt  }
0x4c: {  	_ =	shalt  }
0x4d: {  	_ =	shalt  }
0x4e: {  	_ =	shalt  }
0x4f: {  	_ =	shalt  }
0x50: {  	_ =	shalt  }
0x51: {  	_ =	shalt  }
0x52: {  	_ =	shalt  }
0x53: {  	_ =	shalt  }
0x54: {  	_ =	shalt  }
0x55: {  	_ =	shalt  }
0x56: {  	_ =	shalt  }
0x57: {  	_ =	shalt  }
0x58: {  	_ =	shalt  }
0x59: {  	_ =	shalt  }
0x5a: {  	_ =	shalt  }
0x5b: {  	_ =	shalt  }
0x5c: {  	_ =	shalt  }
0x5d: {  	_ =	shalt  }
0x5e: {  	_ =	shalt  }
0x5f: {  	_ =	shalt  }
0x60: {  	_ =	shalt  }
0x61: {  	_ =	shalt  }
0x62: {  	_ =	shalt  }
0x63: {  	_ =	shalt  }
0x64: {  	_ =	shalt  }
0x65: {  	_ =	shalt  }
0x66: {  	_ =	shalt  }
0x67: {  	_ =	shalt  }
0x68: {  	_ =	shalt  }
0x69: {  	_ =	shalt  }
0x6a: {  	_ =	shalt  }
0x6b: {  	_ =	shalt  }
0x6c: {  	_ =	shalt  }
0x6d: {  	_ =	shalt  }
0x6e: {  	_ =	shalt  }
0x6f: {  	_ =	shalt  }
0x70: {  	_ =	shalt  }
0x71: {  	_ =	shalt  }
0x72: {  	_ =	shalt  }
0x73: {  	_ =	shalt  }
0x74: {  	_ =	shalt  }
0x75: {  	_ =	shalt  }
0x76: {  	_ =	shalt  }
0x77: {  	_ =	shalt  }
0x78: {  	_ =	shalt  }
0x79: {  	_ =	shalt  }
0x7a: {  	_ =	shalt  }
0x7b: {  	_ =	shalt  }
0x7c: {  	_ =	shalt  }
0x7d: {  	_ =	shalt  }
0x7e: {  	_ =	shalt  }
0x7f: {  	_ =	shalt  }
0x80: {  	_ =	shalt  }
0x81: {  	_ =	shalt  }
0x82: {  	_ =	shalt  }
0x83: {  	_ =	shalt  }
0x84: {  	_ =	shalt  }
0x85: {  	_ =	shalt  }
0x86: {  	_ =	shalt  }
0x87: {  	_ =	shalt  }
.Lfunc_end0:
.L_simem_size_0:
called_computation.2_lowered:
.L_overlay_start_0:
0x88: {  	s2 =	sld [smem:$0x3FD9]  }
0x89: {  	s3 =	sld [smem:$0x3FFE];
	_ =	sdelay $0x1  }
0x8a: {  	s1 =	srdreg.scid  }
0x8b: {  	s0 =	sand.u32 $0x1, s1  }
0x8c: {  	s17 =	sshll.u32 s0, $0xA;
	s2 =	sadd.s32 s3, s2  }
0x8d: {  	s2 =	sadd.s32 s2, s17  }
0x8e: {  	[smem:$0x3FBE] =	sst s2  }
0x8f: {  	_ = 	snop  }
0x90: {  	s2 =	sld [smem:$0x3FC7];
	(tm) =	ssettm $0x1  }
0x91: {  	s18 =	sld [smem:$0x3FFB];
	_ =	sdelay $0x3  }
0x92: {  	_ =	strace s18  }
0x93: {  	s3 =	sld [smem:$0x3FFC];
	_ =	sdelay $0x3  }
0x94: {  	_ =	strace s3  }
0x95: {  	s3 =	sld [smem:$0x3FFD];
	_ =	sdelay $0x3  }
0x96: {  	_ =	strace s3  }
0x97: {  	_ =	strace $0x8FFFFFFF  }
0x98: {  	s19 =	sld [smem:$0x3FDB];
	_ =	sdelay $0x1  }
0x99: {  	s4 =	simm.s32 $_scs_section_size  }
0x9a: {  	s5 =	simm.s32 $_size__tile_overlayer_lowered;
	s6 =	simm.s32 $_tile_overlayer_lowered  }
0x9b: {  	s22 =	simm.s32 $0x1BFF;
	s21 =	sshll.u32 s6, $0x1;
	s3 =	sadd.s32 s4, s19  }
0x9c: {  	s7 =	simm.s32 $0x0;
	s20 =	sshll.u32 s5, $0x1;
	s5 =	sadd.s32 s21, s3  }
0x9d: {  	[timem:s7], [sflag:s22] =	dma.local [hbm:s5], s20  }
0x9e: {  	_ =	swait.ge [sflag:s22], s20  }
0x9f: {  	s4 =	ssub.s32 $0x0, s20;
	[sflag:s22] =	ssyncset.done $0x0  }
0xa0: {  	[sflag:s22] =	ssyncadd.s32 s4;
	_ =	sdelay $0x1  }
0xa1: {  	s23 =	simm.s32 $0x1B8B  }
0xa2: {  	_ =	swait.ge [sflag:s23], $0x1  }
0xa3: {  	[sflag:s23] =	ssyncset.done $0x0  }
0xa4: {  	s25 =	simm.s32 $0x1B8E;
	s24 =	sld [smem:$0x3FFE];
	[sflag:s23] =	ssyncadd.s32 $0xFFFFFFFF  }
0xa5: {  	s26 =	simm.s32 $execute0_lowered;
	[smem:$0x3FD2] =	sst s25  }
0xa6: {  	s5 =	sshll.u32 s26, $0x1;
	_ =	strace $0x8000004C;
	[dreg:$0x1] =	wrdreg $0xFFFFFFFF  }
0xa7: {  	s28 =	simm.s32 $_size_execute0_lowered;
	s3 =	sadd.s32 s3, s5;
	[dreg:$0x0] =	wrdreg $0x0  }
0xa8: {  	s5 =	sshll.u32 s28, $0x1;
	[dreg:$0x2] =	wrdreg s3  }
0xa9: {  	[dreg:$0x3] =	wrdreg s5  }
0xaa: {  	[dreg:$0x4] =	wrdreg $0xC0  }
0xab: {  	_ =	task [dreg:s7], $0x5FFFF  }
0xac: {  	[dreg:$0x1] =	wrdreg $0xFFFFFFFF  }
0xad: {  	[dreg:$0x0] =	wrdreg $0x60  }
0xae: {  	[dreg:$0x2] =	wrdreg s24  }
0xaf: {  	[dreg:$0x3] =	wrdreg s2  }
0xb0: {  	[dreg:$0x4] =	wrdreg $0x0  }
0xb1: {  	[dreg:$0x5] =	wrdreg $0x9  }
0xb2: {  	_ =	task.clear_ibuf [dreg:s7], $0x6FFFF;
	_ =	strace $0x9000004C  }
0xb3: {  	s29 =	simm.s32 $0x9;
	_ =	strace $0x8000004E  }
0xb4: {  	_ =	swait.ge [sflag:s29], $0x1  }
0xb5: {  	[sflag:s29] =	ssyncadd.s32 $0xFFFFFFFF  }
0xb6: {  	_ =	strace $0x9000004E  }
0xb7: {  	_ =	sfence  }
0xb8: {  	s30 =	sld [smem:$0x0];
	_ =	sdelay $0x2  }
0xb9: {  	s31 =	sshll.u32 s1, $0xD;
	s1 =	sshrl.u32 s1, $0x2  }
0xba: {  	s3 =	sand.u32 $0x4000, s31;
	s1 =	sadd.s32 s1, s30  }
0xbb: {  	s0 =	sor.u32 s3, s0;
	s1 =	sshll.u32 s1, $0x11  }
0xbc: {  	s0 =	sor.u32 s1, s0  }
0xbd: {  	s0 =	sadd.s32 $0x8F2B, s0  }
0xbe: {  	[sflag:s0] =	ssyncadd.remote.s32 $0x1  }
0xbf: {  	_ =	sfence.sel $0xFFFF  }
0xc0: {  	[dreg:$0x0] =	wrdreg $0xFFFFFFFF;
	(pc) =	sbr.abs _section_cstart, $3  }
0xc1: {  	[dreg:$0x1] =	wrdreg $0xFFFFFFFF  }
0xc2: {  	_ =	task.clear_ibuf [dreg:s7], $0x2FFFF;
	_ =	strace $0x9FFFFFFF  }
0xc3: {  	(tm) =	ssettm $0x7FFFFFFF  }
tec
execute0_lowered:
.L_overlay_start_1:
0x0: {  	(tag) =	ssettag $0x1  }
0x1: {  	s0 =	rddreg [dreg:$0x0]  }
0x2: {  	s2 =	rddreg [dreg:$0x2]  }
0x3: {  	s1 =	srdreg.scid;
	s10 =	simm.s32 $0x0;
	s9 =	stileid.u32  }
0x4: {  	s16 =	simm.s32 $0x9;
	s28 =	simm.s32 $0x18F10;
	s30 =	simm.s32 $0x1A310  }
0x5: {  	s31 =	simm.s32 $0x1;
	s11 =	simm.s32 $0x2;
	s13 =	simm.s32 $0x6  }
0x6: {  	s15 =	simm.s32 $0x7;
	s18 =	simm.s32 $0x8;
	s14 =	simm.s32 $0x15EA0  }
0x7: {  	s17 =	simm.s32 $0x165D0;
	s1 =	sand.u32 $0x1, s1;
	s6 =	smul.u32 $0x50000, s9  }
0x8: {  	[smem:$0x7FF] =	sst s10;
	s5 =	sadd.s32 $0x2000, s0;
	s3 =	smul.u32 $0x13880, s1  }
0x9: {  	s19 =	sshrl.u32 s9, $0x3;
	s4 =	smul.u32 $0x28000, s1;
	s1 =	ssub.s32 $0x2, s1  }
0xa: {  	s8 =	sadd.s32 $0xBC40, s0;
	s20 =	sand.u32 $0x7, s9;
	s7 =	sshrl.u32 s1, $0x1  }
0xb: {  	s6 =	sshrl.u32 s6, $0x2;
	s1 =	ssub.s32 s1, s7;
	s7 =	smul.u32 $0x4E20, s9  }
0xc: {  	_ =	strace $0x8000004D;
	s26 =	sadd.s32 s6, s2;
	s6 =	smul.u32 $0x14000, s19  }
0xd: {  	s3 =	sadd.s32 s3, s0;
	s4 =	sadd.s32 s4, s0;
	s0 =	smul.u32 $0x2800, s20  }
0xe: {  	s20 =	simm.s32 $0x50;
	s1 =	smax.u32 s1, $0x1;
	[dreg:$0x5] =	wrdreg s26  }
0xf: {  	s19 =	simm.s32 $0x16620;
	s22 =	sadd.s32 $0x4000, s26;
	[dreg:$0x6] =	wrdreg s1  }
0x10: {  	s9 =	sadd.s32 $0x15A00, s3;
	s23 =	sadd.s32 $0x8000, s26;
	[dreg:$0x7] =	wrdreg s22  }
0x11: {  	s21 =	sadd.s32 $0x3CC00, s4;
	s24 =	sadd.s32 $0xC000, s26;
	[dreg:$0x8] =	wrdreg s23  }
0x12: {  	s25 =	sadd.s32 $0x10000, s26;
	s4 =	simm.s32 $0x5;
	[dreg:$0x9] =	wrdreg s24  }
0x13: {  	s3 =	simm.s32 $0x15EF0;
	[dreg:$0xa] =	wrdreg s25;
	s22 =	simm.s32 $0x16710  }
0x14: {  	s29 =	sadd.s32 s6, s21;
	s25 =	simm.s32 $0x17B10;
	s24 =	simm.s32 $0x3  }
0x15: {  	s1 =	simm.s32 $0x4;
	s6 =	simm.s32 $0x16580;
	s0 =	sadd.s32 s0, s29  }
0x16: {  	v0 =	vimm.f32 $0.0e+00;
	s21 =	simm.s32 $0x16670;
	s23 =	simm.s32 $0x166C0;
	[dreg:$0xb] =	wrdreg s0  }
.LBB2_1:
0x17: {  	[dreg:$0x4] =	wrdreg s10;
	s10 =	simm.s32 $0x100;
	s0 =	simm.s32 $0x0  }
.LBB2_2:
0x18: {  	p0 =	sne.s32 s10, $0xFF00;
	[tilespmem:s0+$0x1B740] =	vst v0;
	s12 =	smov.u32 s10;
	s10 =	sadd.s32 $0x100, s10  }
.Ltmp0:
0x19: {  	[tilespmem:s0+$0x1B730] =	vst v0;
	(pc) =	sbr.rel @p0 .LBB2_2-.Ltmp0, $3  }
0x1a: {  	[tilespmem:s0+$0x1B710] =	vst v0  }
0x1b: {  	[tilespmem:s0+$0x1B720] =	vst v0;
	_ =	sdelay $0x1  }
0x1c: {  	s0 =	sshra.s32 s12, $0x2  }
0x1d: {  	[tilespmem:s0+$0x1B740] =	vst v0  }
0x1e: {  	[tilespmem:s0+$0x1B730] =	vst v0  }
0x1f: {  	[tilespmem:s0+$0x1B710] =	vst v0  }
0x20: {  	[tilespmem:s0+$0x1B720] =	vst v0;
	s10 =	simm.s32 $0x1B710  }
0x21: {  	[spmem:s26] =	stream.linear.scatter [tilespmem:s10], [sflag:$0x9], $0x4000, $0x38;
	[tilespmem:$0x1F710] =	vst v63  }
0x22: {  	_ =	swait.ge [sflag:s16], $0x4000  }
0x23: {  	[sflag:s16] =	ssyncset.done $0x0  }
0x24: {  	s12 =	rddreg [dreg:$0x7];
	[sflag:s16] =	ssyncadd.s32 $0xFFFFC000  }
0x25: {  	[spmem:s12] =	stream.linear.scatter [tilespmem:s10], [sflag:$0x9], $0x4000, $0x38;
	[tilespmem:$0x1F710] =	vst v63  }
0x26: {  	_ =	swait.ge [sflag:s16], $0x4000  }
0x27: {  	[sflag:s16] =	ssyncset.done $0x0  }
0x28: {  	s26 =	rddreg [dreg:$0x8];
	[sflag:s16] =	ssyncadd.s32 $0xFFFFC000  }
0x29: {  	[spmem:s26] =	stream.linear.scatter [tilespmem:s10], [sflag:$0x9], $0x4000, $0x38;
	[tilespmem:$0x1F710] =	vst v63  }
0x2a: {  	_ =	swait.ge [sflag:s16], $0x4000  }
0x2b: {  	[sflag:s16] =	ssyncset.done $0x0  }
0x2c: {  	s12 =	rddreg [dreg:$0x9];
	[sflag:s16] =	ssyncadd.s32 $0xFFFFC000  }
0x2d: {  	[spmem:s12] =	stream.linear.scatter [tilespmem:s10], [sflag:$0x9], $0x4000, $0x38;
	[tilespmem:$0x1F710] =	vst v63  }
0x2e: {  	_ =	swait.ge [sflag:s16], $0x4000  }
0x2f: {  	[sflag:s16] =	ssyncset.done $0x0  }
0x30: {  	s26 =	rddreg [dreg:$0xa];
	[sflag:s16] =	ssyncadd.s32 $0xFFFFC000  }
0x31: {  	[spmem:s26] =	stream.linear.scatter [tilespmem:s10], [sflag:$0x9], $0x4000, $0x38;
	[tilespmem:$0x1F710] =	vst v63  }
0x32: {  	_ =	swait.ge [sflag:s16], $0x4000  }
0x33: {  	[sflag:s16] =	ssyncset.done $0x0  }
0x34: {  	[sflag:s16] =	ssyncadd.s32 $0xFFFFC000  }
0x35: {  	s29 =	simm.s32 $0x0;
	s26 =	simm.s32 $0x0;
	[bflag:$0x0] =	sbarrier.arrive $0xFFFF  }
.LBB2_4:
0x36: {  	s0 =	smul.u32 $0x7D0, s29;
	_ =	sdelay $0x1  }
0x37: {  	s0 =	sadd.s32 s7, s0  }
0x38: {  	s0 =	sshrl.u32 s0, $0x3  }
0x39: {  	s12 =	simm.s32 $0x14000;
	s10 =	sadd.s32 s5, s0  }
0x3a: {  	[tilespmem:s12], [sflag:$0x9] =	stream.linear.gather [hbm4b:s10+s26], $0x7D0, $0x38;
	[tilespmem:$0x1F710] =	vst v63  }
0x3b: {  	_ =	swait.ge [sflag:s16], $0x7D0  }
0x3c: {  	[sflag:s16] =	ssyncset.done $0x0  }
0x3d: {  	s10 =	sadd.s32 s0, s8;
	s12 =	simm.s32 $0x147D0;
	[sflag:s16] =	ssyncadd.s32 $0xFFFFF830  }
0x3e: {  	[tilespmem:s12], [sflag:$0x9] =	stream.linear.gather [hbm4b:s10+s26], $0x7D0, $0x38;
	[tilespmem:$0x1F710] =	vst v63  }
0x3f: {  	_ =	swait.ge [sflag:s16], $0x7D0  }
0x40: {  	[sflag:s16] =	ssyncset.done $0x0  }
0x41: {  	[sflag:s16] =	ssyncadd.s32 $0xFFFFF830  }
0x42: {  	s12 =	rddreg [dreg:$0x1]  }
0x43: {  	s0 =	sadd.s32 s12, s0;
	s12 =	simm.s32 $0x14FA0  }
0x44: {  	[tilespmem:s12], [sflag:$0x9] =	stream.linear.gather [hbm4b:s0+s26], $0x7D0, $0x38;
	[tilespmem:$0x1F710] =	vst v63  }
0x45: {  	_ =	swait.ge [sflag:s16], $0x7D0  }
0x46: {  	[sflag:s16] =	ssyncset.done $0x0  }
0x47: {  	s0 =	simm.s32 $0x0;
	[sflag:s16] =	ssyncadd.s32 $0xFFFFF830  }
0x48: {  	v1 =	vld [tilespmem:s0+$0x14FE0]  }
0x49: {  	v2 =	vld [tilespmem:s0+$0x14FA0]  }
0x4a: {  	v3 =	vld [tilespmem:s0+$0x14810]  }
0x4b: {  	v4 =	vld [tilespmem:s0+$0x14FB0]  }
0x4c: {  	v5 =	vld [tilespmem:s0+$0x14FC0]  }
0x4d: {  	v7 =	vld [tilespmem:s0+$0x147D0]  }
0x4e: {  	v8 =	vld [tilespmem:s0+$0x147E0]  }
0x4f: {  	v6 =	vld [tilespmem:s0+$0x14FD0];
	v1 =	vmul.u32 $0x2800, v1  }
0x50: {  	v9 =	vld [tilespmem:s0+$0x147F0];
	v2 =	vmul.u32 $0x2800, v2  }
0x51: {  	v10 =	vld [tilespmem:s0+$0x14800];
	v1 =	vadd.s32 v3, v1;
	v3 =	vmul.u32 $0x2800, v4  }
0x52: {  	v4 =	vadd.s32 v7, v2;
	v2 =	vld [tilespmem:s0+$0x14010];
	[tilespmem:s0+$0x15F80] =	vst v1  }
0x53: {  	v1 =	vld [tilespmem:s0+$0x14000];
	[tilespmem:s0+$0x15F40] =	vst v4;
	v4 =	vmul.u32 $0x2800, v5;
	v5 =	vadd.s32 v8, v3  }
0x54: {  	v3 =	vld [tilespmem:s0+$0x14020];
	[tilespmem:s0+$0x15F50] =	vst v5;
	v5 =	vmul.u32 $0x2800, v6  }
0x55: {  	v6 =	vadd.s32 v9, v4;
	v4 =	vld [tilespmem:s0+$0x14030]  }
0x56: {  	s10 =	simm.s32 $0x50;
	s12 =	simm.s32 $0x280;
	[tilespmem:s0+$0x15F60] =	vst v6;
	v6 =	vadd.s32 v10, v5;
	v5 =	vld [tilespmem:s0+$0x14040]  }
.LBB2_5:
0x57: {  	p0 =	sne.s32 s12, $0x1E00;
	v7 =	vld [tilespmem:s10+$0x14FE0];
	[tilespmem:s0+$0x15F70] =	vst v6  }
0x58: {  	v6 =	vld [tilespmem:s10+$0x14FA0];
	[tilespmem:s0+$0x15770] =	vst v1  }
0x59: {  	v1 =	vld [tilespmem:s10+$0x14810];
	[tilespmem:s0+$0x15780] =	vst v2  }
0x5a: {  	v2 =	vld [tilespmem:s10+$0x14FB0];
	[tilespmem:s0+$0x15790] =	vst v3  }
0x5b: {  	v3 =	vld [tilespmem:s10+$0x14FC0];
	[tilespmem:s0+$0x157A0] =	vst v4  }
0x5c: {  	v4 =	vld [tilespmem:s10+$0x14FD0];
	v7 =	vmul.u32 $0x2800, v7;
	[tilespmem:s0+$0x157B0] =	vst v5;
	s0 =	smov.u32 s10  }
0x5d: {  	v5 =	vmul.u32 $0x2800, v6;
	v6 =	vld [tilespmem:s0+$0x147D0]  }
0x5e: {  	v8 =	vld [tilespmem:s0+$0x147E0];
	v1 =	vadd.s32 v1, v7  }
0x5f: {  	v7 =	vmul.u32 $0x2800, v2;
	v9 =	vld [tilespmem:s0+$0x147F0];
	[tilespmem:s0+$0x15F80] =	vst v1  }
0x60: {  	v10 =	vmul.u32 $0x2800, v3;
	v11 =	vld [tilespmem:s0+$0x14800]  }
.Ltmp1:
0x61: {  	v1 =	vld [tilespmem:s0+$0x14000];
	v12 =	vmul.u32 $0x2800, v4;
	(pc) =	sbr.rel @p0 .LBB2_5-.Ltmp1, $4  }
0x62: {  	v3 =	vadd.s32 v6, v5;
	v2 =	vld [tilespmem:s0+$0x14010]  }
0x63: {  	[tilespmem:s0+$0x15F40] =	vst v3;
	v4 =	vadd.s32 v8, v7;
	v3 =	vld [tilespmem:s0+$0x14020]  }
0x64: {  	[tilespmem:s0+$0x15F50] =	vst v4;
	v5 =	vadd.s32 v9, v10;
	v4 =	vld [tilespmem:s0+$0x14030]  }
0x65: {  	s10 =	sshra.s32 s12, $0x2;
	s12 =	sadd.s32 $0x140, s12;
	[tilespmem:s0+$0x15F60] =	vst v5;
	v6 =	vadd.s32 v11, v12;
	v5 =	vld [tilespmem:s0+$0x14040]  }
0x66: {  	v7 =	vld [tilespmem:s10+$0x14FE0];
	[tilespmem:s0+$0x15F70] =	vst v6  }
0x67: {  	v6 =	vld [tilespmem:s10+$0x14FA0];
	[tilespmem:s0+$0x15770] =	vst v1  }
0x68: {  	v1 =	vld [tilespmem:s10+$0x14810];
	[tilespmem:s0+$0x15780] =	vst v2  }
0x69: {  	v2 =	vld [tilespmem:s10+$0x14FB0];
	[tilespmem:s0+$0x15790] =	vst v3  }
0x6a: {  	v3 =	vld [tilespmem:s10+$0x14FC0];
	[tilespmem:s0+$0x157A0] =	vst v4  }
0x6b: {  	v4 =	vld [tilespmem:s10+$0x14FD0];
	[tilespmem:s0+$0x157B0] =	vst v5  }
0x6c: {  	v58 =	vmul.u32 $0x2800, v7;
	v59 =	vld [tilespmem:s10+$0x147D0]  }
0x6d: {  	v8 =	vld [tilespmem:s10+$0x147E0]  }
0x6e: {  	v60 =	vld [tilespmem:s10+$0x147F0];
	v1 =	vadd.s32 v1, v58  }
0x6f: {  	v9 =	vld [tilespmem:s10+$0x14000];
	[tilespmem:s10+$0x15F80] =	vst v1;
	v1 =	vmul.u32 $0x2800, v6  }
0x70: {  	v61 =	vld [tilespmem:s10+$0x14800];
	v2 =	vmul.u32 $0x2800, v2  }
0x71: {  	v62 =	vld [tilespmem:s10+$0x14010];
	v1 =	vadd.s32 v59, v1  }
0x72: {  	v63 =	vld [tilespmem:s10+$0x14030];
	v2 =	vadd.s32 v8, v2;
	[tilespmem:s10+$0x15F40] =	vst v1;
	v1 =	vmul.u32 $0x2800, v3  }
0x73: {  	[tilespmem:s10+$0x15F50] =	vst v2;
	v2 =	vmul.u32 $0x2800, v4  }
0x74: {  	[tilespmem:s10+$0x15770] =	vst v9;
	v3 =	vld [tilespmem:s10+$0x14020];
	v1 =	vadd.s32 v60, v1  }
0x75: {  	[tilespmem:s10+$0x15F60] =	vst v1;
	v1 =	vadd.s32 v61, v2;
	v2 =	vld [tilespmem:s10+$0x14040]  }
0x76: {  	[tilespmem:s10+$0x15780] =	vst v62  }
0x77: {  	[tilespmem:s10+$0x157A0] =	vst v63  }
0x78: {  	[tilespmem:s10+$0x15F70] =	vst v1  }
0x79: {  	[tilespmem:s10+$0x15790] =	vst v3  }
0x7a: {  	s12 =	simm.s32 $0x15770;
	[tilespmem:s10+$0x157B0] =	vst v2  }
0x7b: {  	[tilespmem:s22], [sflag:$0x1] =	stream.indirect.gather [hbm4b:s9+s20], $0x40, s12, s20, $0xb8;
	[tilespmem:$0x1F710] =	vst v63  }
0x7c: {  	s10 =	simm.s32 $0x157C0  }
0x7d: {  	[tilespmem:s25], [sflag:$0x2] =	stream.indirect.gather [hbm4b:s9+s20], $0x40, s10, s20, $0xb8;
	[tilespmem:$0x1F710] =	vst v63  }
0x7e: {  	s12 =	simm.s32 $0x15810  }
0x7f: {  	[tilespmem:s28], [sflag:$0x3] =	stream.indirect.gather [hbm4b:s9+s20], $0x40, s12, s20, $0xb8;
	[tilespmem:$0x1F710] =	vst v63  }
0x80: {  	s10 =	simm.s32 $0x15860  }
0x81: {  	[tilespmem:s30], [sflag:$0x4] =	stream.indirect.gather [hbm4b:s9+s20], $0x40, s10, s20, $0xb8;
	[tilespmem:$0x1F710] =	vst v63  }
0x82: {  	_ =	swait.ge [sflag:s31], $0x1400  }
0x83: {  	[sflag:s31] =	ssyncset.done $0x0  }
0x84: {  	s12 =	simm.s32 $0x15F40;
	[sflag:s31] =	ssyncadd.s32 $0xFFFFEC00  }
0x85: {  	[spmem:s2] =	stream.indirect.scatter.add.f32 [tilespmem:s22], [sflag:$0x5], $0x40, s12, s20, $0xb8;
	[tilespmem:$0x1F710] =	vst v63  }
0x86: {  	_ =	swait.ge [sflag:s4], $0x1400  }
0x87: {  	[sflag:s4] =	ssyncset.done $0x0  }
0x88: {  	s10 =	simm.s32 $0x158B0;
	[sflag:s4] =	ssyncadd.s32 $0xFFFFEC00  }
0x89: {  	[tilespmem:s22], [sflag:$0x1] =	stream.indirect.gather [hbm4b:s9+s20], $0x40, s10, s20, $0xb8;
	[tilespmem:$0x1F710] =	vst v63  }
0x8a: {  	_ =	swait.ge [sflag:s11], $0x1400  }
0x8b: {  	[sflag:s11] =	ssyncset.done $0x0  }
0x8c: {  	s12 =	simm.s32 $0x15F90;
	[sflag:s11] =	ssyncadd.s32 $0xFFFFEC00  }
0x8d: {  	[spmem:s2] =	stream.indirect.scatter.add.f32 [tilespmem:s25], [sflag:$0x6], $0x40, s12, s20, $0xb8;
	[tilespmem:$0x1F710] =	vst v63  }
0x8e: {  	_ =	swait.ge [sflag:s13], $0x1400  }
0x8f: {  	[sflag:s13] =	ssyncset.done $0x0  }
0x90: {  	s10 =	simm.s32 $0x15900;
	[sflag:s13] =	ssyncadd.s32 $0xFFFFEC00  }
0x91: {  	[tilespmem:s25], [sflag:$0x2] =	stream.indirect.gather [hbm4b:s9+s20], $0x40, s10, s20, $0xb8;
	[tilespmem:$0x1F710] =	vst v63  }
0x92: {  	_ =	swait.ge [sflag:s24], $0x1400  }
0x93: {  	[sflag:s24] =	ssyncset.done $0x0  }
0x94: {  	s12 =	simm.s32 $0x15FE0;
	[sflag:s24] =	ssyncadd.s32 $0xFFFFEC00  }
0x95: {  	[spmem:s2] =	stream.indirect.scatter.add.f32 [tilespmem:s28], [sflag:$0x7], $0x40, s12, s20, $0xb8;
	[tilespmem:$0x1F710] =	vst v63  }
0x96: {  	_ =	swait.ge [sflag:s15], $0x1400  }
0x97: {  	[sflag:s15] =	ssyncset.done $0x0  }
0x98: {  	s10 =	simm.s32 $0x15950;
	[sflag:s15] =	ssyncadd.s32 $0xFFFFEC00  }
0x99: {  	[tilespmem:s28], [sflag:$0x3] =	stream.indirect.gather [hbm4b:s9+s20], $0x40, s10, s20, $0xb8;
	[tilespmem:$0x1F710] =	vst v63  }
0x9a: {  	_ =	swait.ge [sflag:s1], $0x1400  }
0x9b: {  	[sflag:s1] =	ssyncset.done $0x0  }
0x9c: {  	s12 =	simm.s32 $0x16030;
	[sflag:s1] =	ssyncadd.s32 $0xFFFFEC00  }
0x9d: {  	[spmem:s2] =	stream.indirect.scatter.add.f32 [tilespmem:s30], [sflag:$0x8], $0x40, s12, s20, $0xb8;
	[tilespmem:$0x1F710] =	vst v63  }
0x9e: {  	_ =	swait.ge [sflag:s18], $0x1400  }
0x9f: {  	[sflag:s18] =	ssyncset.done $0x0  }
0xa0: {  	s10 =	simm.s32 $0x159A0;
	[sflag:s18] =	ssyncadd.s32 $0xFFFFEC00  }
0xa1: {  	[tilespmem:s30], [sflag:$0x4] =	stream.indirect.gather [hbm4b:s9+s20], $0x40, s10, s20, $0xb8;
	[tilespmem:$0x1F710] =	vst v63  }
0xa2: {  	_ =	swait.ge [sflag:s31], $0x1400  }
0xa3: {  	[sflag:s31] =	ssyncset.done $0x0  }
0xa4: {  	s12 =	simm.s32 $0x16080;
	[sflag:s31] =	ssyncadd.s32 $0xFFFFEC00  }
0xa5: {  	[spmem:s2] =	stream.indirect.scatter.add.f32 [tilespmem:s22], [sflag:$0x5], $0x40, s12, s20, $0xb8;
	[tilespmem:$0x1F710] =	vst v63  }
0xa6: {  	_ =	swait.ge [sflag:s4], $0x1400  }
0xa7: {  	[sflag:s4] =	ssyncset.done $0x0  }
0xa8: {  	s10 =	simm.s32 $0x159F0;
	[sflag:s4] =	ssyncadd.s32 $0xFFFFEC00  }
0xa9: {  	[tilespmem:s22], [sflag:$0x1] =	stream.indirect.gather [hbm4b:s9+s20], $0x40, s10, s20, $0xb8;
	[tilespmem:$0x1F710] =	vst v63  }
0xaa: {  	_ =	swait.ge [sflag:s11], $0x1400  }
0xab: {  	[sflag:s11] =	ssyncset.done $0x0  }
0xac: {  	s12 =	simm.s32 $0x160D0;
	[sflag:s11] =	ssyncadd.s32 $0xFFFFEC00  }
0xad: {  	[spmem:s2] =	stream.indirect.scatter.add.f32 [tilespmem:s25], [sflag:$0x6], $0x40, s12, s20, $0xb8;
	[tilespmem:$0x1F710] =	vst v63  }
0xae: {  	_ =	swait.ge [sflag:s13], $0x1400  }
0xaf: {  	[sflag:s13] =	ssyncset.done $0x0  }
0xb0: {  	s10 =	simm.s32 $0x15A40;
	[sflag:s13] =	ssyncadd.s32 $0xFFFFEC00  }
0xb1: {  	[tilespmem:s25], [sflag:$0x2] =	stream.indirect.gather [hbm4b:s9+s20], $0x40, s10, s20, $0xb8;
	[tilespmem:$0x1F710] =	vst v63  }
0xb2: {  	_ =	swait.ge [sflag:s24], $0x1400  }
0xb3: {  	[sflag:s24] =	ssyncset.done $0x0  }
0xb4: {  	s12 =	simm.s32 $0x16120;
	[sflag:s24] =	ssyncadd.s32 $0xFFFFEC00  }
0xb5: {  	[spmem:s2] =	stream.indirect.scatter.add.f32 [tilespmem:s28], [sflag:$0x7], $0x40, s12, s20, $0xb8;
	[tilespmem:$0x1F710] =	vst v63  }
0xb6: {  	_ =	swait.ge [sflag:s15], $0x1400  }
0xb7: {  	[sflag:s15] =	ssyncset.done $0x0  }
0xb8: {  	s10 =	simm.s32 $0x15A90;
	[sflag:s15] =	ssyncadd.s32 $0xFFFFEC00  }
0xb9: {  	[tilespmem:s28], [sflag:$0x3] =	stream.indirect.gather [hbm4b:s9+s20], $0x40, s10, s20, $0xb8;
	[tilespmem:$0x1F710] =	vst v63  }
0xba: {  	_ =	swait.ge [sflag:s1], $0x1400  }
0xbb: {  	[sflag:s1] =	ssyncset.done $0x0  }
0xbc: {  	s12 =	simm.s32 $0x16170;
	[sflag:s1] =	ssyncadd.s32 $0xFFFFEC00  }
0xbd: {  	[spmem:s2] =	stream.indirect.scatter.add.f32 [tilespmem:s30], [sflag:$0x8], $0x40, s12, s20, $0xb8;
	[tilespmem:$0x1F710] =	vst v63  }
0xbe: {  	_ =	swait.ge [sflag:s18], $0x1400  }
0xbf: {  	[sflag:s18] =	ssyncset.done $0x0  }
0xc0: {  	s10 =	simm.s32 $0x15AE0;
	[sflag:s18] =	ssyncadd.s32 $0xFFFFEC00  }
0xc1: {  	[tilespmem:s30], [sflag:$0x4] =	stream.indirect.gather [hbm4b:s9+s20], $0x40, s10, s20, $0xb8;
	[tilespmem:$0x1F710] =	vst v63  }
0xc2: {  	_ =	swait.ge [sflag:s31], $0x1400  }
0xc3: {  	[sflag:s31] =	ssyncset.done $0x0  }
0xc4: {  	s12 =	simm.s32 $0x161C0;
	[sflag:s31] =	ssyncadd.s32 $0xFFFFEC00  }
0xc5: {  	[spmem:s2] =	stream.indirect.scatter.add.f32 [tilespmem:s22], [sflag:$0x5], $0x40, s12, s20, $0xb8;
	[tilespmem:$0x1F710] =	vst v63  }
0xc6: {  	_ =	swait.ge [sflag:s4], $0x1400  }
0xc7: {  	[sflag:s4] =	ssyncset.done $0x0  }
0xc8: {  	s10 =	simm.s32 $0x15B30;
	[sflag:s4] =	ssyncadd.s32 $0xFFFFEC00  }
0xc9: {  	[tilespmem:s22], [sflag:$0x1] =	stream.indirect.gather [hbm4b:s9+s20], $0x40, s10, s20, $0xb8;
	[tilespmem:$0x1F710] =	vst v63  }
0xca: {  	_ =	swait.ge [sflag:s11], $0x1400  }
0xcb: {  	[sflag:s11] =	ssyncset.done $0x0  }
0xcc: {  	s12 =	simm.s32 $0x16210;
	[sflag:s11] =	ssyncadd.s32 $0xFFFFEC00  }
0xcd: {  	[spmem:s2] =	stream.indirect.scatter.add.f32 [tilespmem:s25], [sflag:$0x6], $0x40, s12, s20, $0xb8;
	[tilespmem:$0x1F710] =	vst v63  }
0xce: {  	_ =	swait.ge [sflag:s13], $0x1400  }
0xcf: {  	[sflag:s13] =	ssyncset.done $0x0  }
0xd0: {  	s10 =	simm.s32 $0x15B80;
	[sflag:s13] =	ssyncadd.s32 $0xFFFFEC00  }
0xd1: {  	[tilespmem:s25], [sflag:$0x2] =	stream.indirect.gather [hbm4b:s9+s20], $0x40, s10, s20, $0xb8;
	[tilespmem:$0x1F710] =	vst v63  }
0xd2: {  	_ =	swait.ge [sflag:s24], $0x1400  }
0xd3: {  	[sflag:s24] =	ssyncset.done $0x0  }
0xd4: {  	s12 =	simm.s32 $0x16260;
	[sflag:s24] =	ssyncadd.s32 $0xFFFFEC00  }
0xd5: {  	[spmem:s2] =	stream.indirect.scatter.add.f32 [tilespmem:s28], [sflag:$0x7], $0x40, s12, s20, $0xb8;
	[tilespmem:$0x1F710] =	vst v63  }
0xd6: {  	_ =	swait.ge [sflag:s15], $0x1400  }
0xd7: {  	[sflag:s15] =	ssyncset.done $0x0  }
0xd8: {  	s10 =	simm.s32 $0x15BD0;
	[sflag:s15] =	ssyncadd.s32 $0xFFFFEC00  }
0xd9: {  	[tilespmem:s28], [sflag:$0x3] =	stream.indirect.gather [hbm4b:s9+s20], $0x40, s10, s20, $0xb8;
	[tilespmem:$0x1F710] =	vst v63  }
0xda: {  	_ =	swait.ge [sflag:s1], $0x1400  }
0xdb: {  	[sflag:s1] =	ssyncset.done $0x0  }
0xdc: {  	s12 =	simm.s32 $0x162B0;
	[sflag:s1] =	ssyncadd.s32 $0xFFFFEC00  }
0xdd: {  	[spmem:s2] =	stream.indirect.scatter.add.f32 [tilespmem:s30], [sflag:$0x8], $0x40, s12, s20, $0xb8;
	[tilespmem:$0x1F710] =	vst v63  }
0xde: {  	_ =	swait.ge [sflag:s18], $0x1400  }
0xdf: {  	[sflag:s18] =	ssyncset.done $0x0  }
0xe0: {  	s10 =	simm.s32 $0x15C20;
	[sflag:s18] =	ssyncadd.s32 $0xFFFFEC00  }
0xe1: {  	[tilespmem:s30], [sflag:$0x4] =	stream.indirect.gather [hbm4b:s9+s20], $0x40, s10, s20, $0xb8;
	[tilespmem:$0x1F710] =	vst v63  }
0xe2: {  	_ =	swait.ge [sflag:s31], $0x1400  }
0xe3: {  	[sflag:s31] =	ssyncset.done $0x0  }
0xe4: {  	s12 =	simm.s32 $0x16300;
	[sflag:s31] =	ssyncadd.s32 $0xFFFFEC00  }
0xe5: {  	[spmem:s2] =	stream.indirect.scatter.add.f32 [tilespmem:s22], [sflag:$0x5], $0x40, s12, s20, $0xb8;
	[tilespmem:$0x1F710] =	vst v63  }
0xe6: {  	_ =	swait.ge [sflag:s4], $0x1400  }
0xe7: {  	[sflag:s4] =	ssyncset.done $0x0  }
0xe8: {  	s10 =	simm.s32 $0x15C70;
	[sflag:s4] =	ssyncadd.s32 $0xFFFFEC00  }
0xe9: {  	[tilespmem:s22], [sflag:$0x1] =	stream.indirect.gather [hbm4b:s9+s20], $0x40, s10, s20, $0xb8;
	[tilespmem:$0x1F710] =	vst v63  }
0xea: {  	_ =	swait.ge [sflag:s11], $0x1400  }
0xeb: {  	[sflag:s11] =	ssyncset.done $0x0  }
0xec: {  	s12 =	simm.s32 $0x16350;
	[sflag:s11] =	ssyncadd.s32 $0xFFFFEC00  }
0xed: {  	[spmem:s2] =	stream.indirect.scatter.add.f32 [tilespmem:s25], [sflag:$0x6], $0x40, s12, s20, $0xb8;
	[tilespmem:$0x1F710] =	vst v63  }
0xee: {  	_ =	swait.ge [sflag:s13], $0x1400  }
0xef: {  	[sflag:s13] =	ssyncset.done $0x0  }
0xf0: {  	s10 =	simm.s32 $0x15CC0;
	[sflag:s13] =	ssyncadd.s32 $0xFFFFEC00  }
0xf1: {  	[tilespmem:s25], [sflag:$0x2] =	stream.indirect.gather [hbm4b:s9+s20], $0x40, s10, s20, $0xb8;
	[tilespmem:$0x1F710] =	vst v63  }
0xf2: {  	_ =	swait.ge [sflag:s24], $0x1400  }
0xf3: {  	[sflag:s24] =	ssyncset.done $0x0  }
0xf4: {  	s12 =	simm.s32 $0x163A0;
	[sflag:s24] =	ssyncadd.s32 $0xFFFFEC00  }
0xf5: {  	[spmem:s2] =	stream.indirect.scatter.add.f32 [tilespmem:s28], [sflag:$0x7], $0x40, s12, s20, $0xb8;
	[tilespmem:$0x1F710] =	vst v63  }
0xf6: {  	_ =	swait.ge [sflag:s15], $0x1400  }
0xf7: {  	[sflag:s15] =	ssyncset.done $0x0  }
0xf8: {  	s10 =	simm.s32 $0x15D10;
	[sflag:s15] =	ssyncadd.s32 $0xFFFFEC00  }
0xf9: {  	[tilespmem:s28], [sflag:$0x3] =	stream.indirect.gather [hbm4b:s9+s20], $0x40, s10, s20, $0xb8;
	[tilespmem:$0x1F710] =	vst v63  }
0xfa: {  	_ =	swait.ge [sflag:s1], $0x1400  }
0xfb: {  	[sflag:s1] =	ssyncset.done $0x0  }
0xfc: {  	s12 =	simm.s32 $0x163F0;
	[sflag:s1] =	ssyncadd.s32 $0xFFFFEC00  }
0xfd: {  	[spmem:s2] =	stream.indirect.scatter.add.f32 [tilespmem:s30], [sflag:$0x8], $0x40, s12, s20, $0xb8;
	[tilespmem:$0x1F710] =	vst v63  }
0xfe: {  	_ =	swait.ge [sflag:s18], $0x1400  }
0xff: {  	[sflag:s18] =	ssyncset.done $0x0  }
0x100: {  	s10 =	simm.s32 $0x15D60;
	[sflag:s18] =	ssyncadd.s32 $0xFFFFEC00  }
0x101: {  	[tilespmem:s30], [sflag:$0x4] =	stream.indirect.gather [hbm4b:s9+s20], $0x40, s10, s20, $0xb8;
	[tilespmem:$0x1F710] =	vst v63  }
0x102: {  	_ =	swait.ge [sflag:s31], $0x1400  }
0x103: {  	[sflag:s31] =	ssyncset.done $0x0  }
0x104: {  	s12 =	simm.s32 $0x16440;
	[sflag:s31] =	ssyncadd.s32 $0xFFFFEC00  }
0x105: {  	[spmem:s2] =	stream.indirect.scatter.add.f32 [tilespmem:s22], [sflag:$0x5], $0x40, s12, s20, $0xb8;
	[tilespmem:$0x1F710] =	vst v63  }
0x106: {  	_ =	swait.ge [sflag:s4], $0x1400  }
0x107: {  	[sflag:s4] =	ssyncset.done $0x0  }
0x108: {  	s10 =	simm.s32 $0x15DB0;
	[sflag:s4] =	ssyncadd.s32 $0xFFFFEC00  }
0x109: {  	[tilespmem:s22], [sflag:$0x1] =	stream.indirect.gather [hbm4b:s9+s20], $0x40, s10, s20, $0xb8;
	[tilespmem:$0x1F710] =	vst v63  }
0x10a: {  	_ =	swait.ge [sflag:s11], $0x1400  }
0x10b: {  	[sflag:s11] =	ssyncset.done $0x0  }
0x10c: {  	s12 =	simm.s32 $0x16490;
	[sflag:s11] =	ssyncadd.s32 $0xFFFFEC00  }
0x10d: {  	[spmem:s2] =	stream.indirect.scatter.add.f32 [tilespmem:s25], [sflag:$0x6], $0x40, s12, s20, $0xb8;
	[tilespmem:$0x1F710] =	vst v63  }
0x10e: {  	_ =	swait.ge [sflag:s13], $0x1400  }
0x10f: {  	[sflag:s13] =	ssyncset.done $0x0  }
0x110: {  	s10 =	simm.s32 $0x15E00;
	[sflag:s13] =	ssyncadd.s32 $0xFFFFEC00  }
0x111: {  	[tilespmem:s25], [sflag:$0x2] =	stream.indirect.gather [hbm4b:s9+s20], $0x40, s10, s20, $0xb8;
	[tilespmem:$0x1F710] =	vst v63  }
0x112: {  	_ =	swait.ge [sflag:s24], $0x1400  }
0x113: {  	[sflag:s24] =	ssyncset.done $0x0  }
0x114: {  	s12 =	simm.s32 $0x164E0;
	[sflag:s24] =	ssyncadd.s32 $0xFFFFEC00  }
0x115: {  	[spmem:s2] =	stream.indirect.scatter.add.f32 [tilespmem:s28], [sflag:$0x7], $0x40, s12, s20, $0xb8;
	[tilespmem:$0x1F710] =	vst v63  }
0x116: {  	_ =	swait.ge [sflag:s15], $0x1400  }
0x117: {  	[sflag:s15] =	ssyncset.done $0x0  }
0x118: {  	s10 =	simm.s32 $0x15E50;
	[sflag:s15] =	ssyncadd.s32 $0xFFFFEC00  }
0x119: {  	[tilespmem:s28], [sflag:$0x3] =	stream.indirect.gather [hbm4b:s9+s20], $0x40, s10, s20, $0xb8;
	[tilespmem:$0x1F710] =	vst v63  }
0x11a: {  	_ =	swait.ge [sflag:s1], $0x1400  }
0x11b: {  	[sflag:s1] =	ssyncset.done $0x0  }
0x11c: {  	s12 =	simm.s32 $0x16530;
	[sflag:s1] =	ssyncadd.s32 $0xFFFFEC00  }
0x11d: {  	[spmem:s2] =	stream.indirect.scatter.add.f32 [tilespmem:s30], [sflag:$0x8], $0x40, s12, s20, $0xb8;
	[tilespmem:$0x1F710] =	vst v63  }
0x11e: {  	_ =	swait.ge [sflag:s18], $0x1400  }
0x11f: {  	[sflag:s18] =	ssyncset.done $0x0  }
0x120: {  	[sflag:s18] =	ssyncadd.s32 $0xFFFFEC00  }
0x121: {  	[tilespmem:s30], [sflag:$0x4] =	stream.indirect.gather [hbm4b:s9+s20], $0x40, s14, s20, $0xb8;
	[tilespmem:$0x1F710] =	vst v63  }
0x122: {  	_ =	swait.ge [sflag:s31], $0x1400  }
0x123: {  	[sflag:s31] =	ssyncset.done $0x0  }
0x124: {  	[sflag:s31] =	ssyncadd.s32 $0xFFFFEC00  }
0x125: {  	[spmem:s2] =	stream.indirect.scatter.add.f32 [tilespmem:s22], [sflag:$0x5], $0x40, s6, s20, $0xb8;
	[tilespmem:$0x1F710] =	vst v63  }
0x126: {  	_ =	swait.ge [sflag:s4], $0x1400  }
0x127: {  	[sflag:s4] =	ssyncset.done $0x0  }
0x128: {  	[sflag:s4] =	ssyncadd.s32 $0xFFFFEC00  }
0x129: {  	[tilespmem:s22], [sflag:$0x1] =	stream.indirect.gather [hbm4b:s9+s20], $0x40, s3, s20, $0xb8;
	[tilespmem:$0x1F710] =	vst v63  }
0x12a: {  	_ =	swait.ge [sflag:s11], $0x1400  }
0x12b: {  	[sflag:s11] =	ssyncset.done $0x0  }
0x12c: {  	[sflag:s11] =	ssyncadd.s32 $0xFFFFEC00  }
0x12d: {  	[spmem:s2] =	stream.indirect.scatter.add.f32 [tilespmem:s25], [sflag:$0x6], $0x40, s17, s20, $0xb8;
	[tilespmem:$0x1F710] =	vst v63  }
0x12e: {  	_ =	swait.ge [sflag:s24], $0x1400  }
0x12f: {  	[sflag:s24] =	ssyncset.done $0x0  }
0x130: {  	[sflag:s24] =	ssyncadd.s32 $0xFFFFEC00  }
0x131: {  	[spmem:s2] =	stream.indirect.scatter.add.f32 [tilespmem:s28], [sflag:$0x7], $0x40, s19, s20, $0xb8;
	[tilespmem:$0x1F710] =	vst v63  }
0x132: {  	_ =	swait.ge [sflag:s1], $0x1400  }
0x133: {  	[sflag:s1] =	ssyncset.done $0x0  }
0x134: {  	[sflag:s1] =	ssyncadd.s32 $0xFFFFEC00  }
0x135: {  	[spmem:s2] =	stream.indirect.scatter.add.f32 [tilespmem:s30], [sflag:$0x8], $0x40, s21, s20, $0xb8;
	[tilespmem:$0x1F710] =	vst v63  }
0x136: {  	_ =	swait.ge [sflag:s31], $0x1400  }
0x137: {  	[sflag:s31] =	ssyncset.done $0x0  }
0x138: {  	[sflag:s31] =	ssyncadd.s32 $0xFFFFEC00  }
0x139: {  	[spmem:s2] =	stream.indirect.scatter.add.f32 [tilespmem:s22], [sflag:$0x5], $0x40, s23, s20, $0xb8;
	[tilespmem:$0x1F710] =	vst v63  }
0x13a: {  	_ =	swait.ge [sflag:s13], $0x1400  }
0x13b: {  	[sflag:s13] =	ssyncset.done $0x0  }
0x13c: {  	[sflag:s13] =	ssyncadd.s32 $0xFFFFEC00  }
0x13d: {  	_ =	swait.ge [sflag:s15], $0x1400  }
0x13e: {  	[sflag:s15] =	ssyncset.done $0x0  }
0x13f: {  	s29 =	sadd.s32 $0x1, s29;
	[sflag:s15] =	ssyncadd.s32 $0xFFFFEC00  }
0x140: {  	p0 =	sne.s32 s29, $0xA;
	_ =	swait.ge [sflag:s18], $0x1400  }
.Ltmp2:
0x141: {  	[sflag:s18] =	ssyncset.done $0x0;
	(pc) =	sbr.rel @p0 .LBB2_4-.Ltmp2, $4  }
0x142: {  	[sflag:s18] =	ssyncadd.s32 $0xFFFFEC00  }
0x143: {  	_ =	swait.ge [sflag:s4], $0x1400  }
0x144: {  	[sflag:s4] =	ssyncset.done $0x0  }
0x145: {  	[sflag:s4] =	ssyncadd.s32 $0xFFFFEC00  }
0x146: {  	s0 =	stileid.u32;
	[bflag:$0x0] =	sbarrier.arrive $0xFFFF  }
0x147: {  	s0 =	sshll.u32 s0, $0x6;
	s26 =	rddreg [dreg:$0x5]  }
0x148: {  	s12 =	rddreg [dreg:$0xb];
	s0 =	sor.u32 $0x1C09, s0;
	s10 =	sshrl.u32 s26, $0x3  }
0x149: {  	[hbm:s12], [sflag:s0] =	dma.local [spmem:s10], $0x2800  }
0x14a: {  	_ =	swait.ge [sflag:s16], $0x2800  }
0x14b: {  	s12 =	rddreg [dreg:$0x4]  }
0x14c: {  	s29 =	rddreg [dreg:$0x6];
	s10 =	sadd.s32 $0x1, s12  }
0x14d: {  	p0 =	sne.s32 s10, s29  }
.Ltmp3:
0x14e: {  	_ = 	snop;
	(pc) =	sbr.rel @p0 .LBB2_1-.Ltmp3, $3  }
0x14f: {  	_ =	sdelay $0x1  }
0x150: {  	[sflag:s16] =	ssyncset.done $0x0  }
0x151: {  	[sflag:s16] =	ssyncadd.s32 $0xFFFFD800  }
0x152: {  	_ =	sfence.sel $0x180000  }
0x153: {  	[bflag:$0x0] =	sbarrier.arrive $0xFFFF  }
0x154: {  	_ =	strace $0x9000004D  }
0x155: {  	s0 =	stileid.u32;
	[bflag:$0x2] =	sbarrier.arrive $0xFFFF  }
0x156: {  	p0 =	sne.s32 s0, $0x0;
	s0 =	rddreg [dreg:$0x3]  }
0x157: {  	s0 =	sadd.s32 @!p0 $0x100000, s0  }
0x158: {  	[sflag:s0] =	ssyncadd.tile.s32 @!p0 $0x1;
	_ =	shalt  }
.Lfunc_end2:
_tile_overlayer_lowered:
.L_overlay_start_2:
0x159: {  	(tag) =	ssettag $0x2  }
0x15a: {  	s0 =	rddreg [dreg:$0x0];
	s2 =	stileid.u32  }
0x15b: {  	s1 =	rddreg [dreg:$0x1];
	p0 =	sne.s32 s2, $0x0  }
0x15c: {  	s3 =	rddreg [dreg:$0x2];
	[bflag:$0x3] =	sbarrier.arrive $0xFFFF;
	s2 =	simm.s32 @!p0 $0x1C09  }
0x15d: {  	[timem:s3], [sflag:s2] =	dma.local @!p0 [hbm:s0], s1  }
0x15e: {  	s0 =	simm.s32 @!p0 $0x9  }
0x15f: {  	_ =	swait.ge @!p0 [sflag:s0], s1  }
0x160: {  	s1 =	ssub.s32 @!p0 $0x0, s1;
	[sflag:s0] =	ssyncset.done @!p0 $0x0  }
0x161: {  	[sflag:s0] =	ssyncadd.s32 @!p0 s1  }
0x162: {  	[bflag:$0x3] =	sbarrier.arrive $0xFFFF  }
0x163: {  	_ =	shalt  }

// kernel: kernel.8.cloned.1.call-start
scs
__scs_entry_jumppad:
0x0: {  	(pc) =	sbr.rel $0x88, $3  }
0x1: {  	(tag) =	ssettag $0x0;
	lr =	simm.s32 $0x1  }
0x2: {  	[smem:$0x3F97] =	sst lr;
	_ =	strace $0xD0000000  }
0x3: {  	_ = 	snop  }
0x4: {  	_ = 	snop  }
0x5: {  	_ = 	snop  }
0x6: {  	_ = 	snop  }
0x7: {  	_ = 	snop  }
__scs_overlays_trampoline_lowered:
0x8: {  	[smem:$0x3FA6] =	sst s0  }
0x9: {  	[smem:$0x3FA7] =	sst s1  }
0xa: {  	[smem:$0x3FA8] =	sst s2  }
0xb: {  	[smem:$0x3FA9] =	sst s3  }
0xc: {  	[smem:$0x3FAA] =	sst s4  }
0xd: {  	[smem:$0x3FAB] =	sst s5  }
0xe: {  	[smem:$0x3FAC] =	sst s6  }
0xf: {  	[smem:$0x3FAD] =	sst s7  }
0x10: {  	[smem:$0x3FAE] =	sst s8  }
0x11: {  	[smem:$0x3FAF] =	sst s9;
	s0 =	simm.s32 @!p0 $0x0  }
0x12: {  	s1 =	sld [smem:$0x3F95];
	s0 =	simm.s32 @p0 $0x1  }
0x13: {  	[smem:$0x3FB0] =	sst s0;
	s0 =	simm.s32 @!p1 $0x0  }
0x14: {  	s2 =	sld [smem:$0x3F94];
	s0 =	simm.s32 @p1 $0x1  }
0x15: {  	[smem:$0x3FB1] =	sst s0;
	s0 =	simm.s32 @!p2 $0x0  }
0x16: {  	s3 =	sld [smem:$0x3FDB];
	s0 =	simm.s32 @p2 $0x1  }
0x17: {  	s4 =	simm.s32 $0x1BF5;
	[smem:$0x3FB3] =	sst s0  }
0x18: {  	s0 =	sld [smem:$0x3F96];
	_ =	swait.ge [sflag:s4], $0x0  }
0x19: {  	s7 =	sld [smem:$0x3F97]  }
0x1a: {  	s8 =	sadd.s32 $0xFFFFE003, lr  }
0x1b: {  	s9 =	sadd.s32 $0xFFFFFEF7, lr;
	s5 =	simm.s32 $0xFFFFFFFF;
	p2 =	slt.u32 s8, $0xFFFFF086  }
0x1c: {  	p1 =	slt.u32 s9, $0xF7A;
	s5 =	simm.s32 @!p2 $0x0  }
0x1d: {  	s5 =	simm.s32 @p1 $0x1;
	p0 =	seq.s32 s7, s2  }
0x1e: {  	s7 =	smul.u32 @!p0 $0xF7A, s2;
	p2 =	seq.s32 @!p0 s5, $0x0  }
0x1f: {  	s9 =	smul.u32 $0xF7A, s1;
	s8 =	simm.s32 @!p0 $0x1BF5;
	p2 =	por !p2, p0  }
0x20: {  	[sflag:s8] =	ssyncset.s32 @!p0 $0xFFFFF086;
	s6 =	sadd.s32 @!p0 s3, s7;
	s7 =	simm.s32 @!p0 $0x108  }
0x21: {  	s3 =	sadd.s32 s3, s9;
	s6 =	sadd.s32 @!p0 $0x88, s6;
	s7 =	simm.s32 @p2 $0x1082  }
0x22: {  	[simem:s7], [sflag:s8] =	dma.local @!p0 [hbm:s6], $0xF7A  }
0x23: {  	s9 =	sor.u32 $0xD0000000, s2;
	s6 =	simm.s32 $0x108;
	_ =	swait.ge @!p0 [sflag:s8], $0x0  }
0x24: {  	s3 =	sadd.s32 $0x88, s3;
	s6 =	simm.s32 @!p1 $0x1082;
	[sflag:s4] =	ssyncset.s32 $0xFFFFF086  }
0x25: {  	[simem:s6], [sflag:s4] =	dma.local [hbm:s3], $0xF7A  }
0x26: {  	[smem:$0x3F97] =	sst s1;
	(tag) =	ssettag s2;
	_ =	strace s9  }
0x27: {  	s1 =	sld [smem:$0x3FA7]  }
0x28: {  	s2 =	sld [smem:$0x3FA8]  }
0x29: {  	s4 =	sld [smem:$0x3FAA]  }
0x2a: {  	p0 =	seq.s32 s5, $0x0;
	s5 =	sld [smem:$0x3FAB]  }
0x2b: {  	s6 =	sld [smem:$0x3FAC]  }
0x2c: {  	s7 =	sld [smem:$0x3FAD]  }
0x2d: {  	s3 =	simm.s32 $0x108;
	s8 =	sld [smem:$0x3FAE]  }
0x2e: {  	s3 =	simm.s32 @!p0 $0x1082;
	s9 =	sld [smem:$0x3FAF]  }
0x2f: {  	lr =	sadd.s32 s0, s3;
	s0 =	sld [smem:$0x3FA6]  }
0x30: {  	s3 =	sld [smem:$0x3FA9]  }
0x31: {  	[smem:$0x3FB2] =	sst s10  }
0x32: {  	s10 =	sld [smem:$0x3FB0];
	_ =	sdelay $0x3  }
0x33: {  	p0 =	seq.s32 s10, $0x1;
	s10 =	sld [smem:$0x3FB2];
	_ =	sdelay $0x3  }
0x34: {  	[smem:$0x3FB2] =	sst s10  }
0x35: {  	s10 =	sld [smem:$0x3FB1];
	_ =	sdelay $0x3  }
0x36: {  	p1 =	seq.s32 s10, $0x1;
	s10 =	sld [smem:$0x3FB2];
	_ =	sdelay $0x3  }
0x37: {  	[smem:$0x3FB2] =	sst s10  }
0x38: {  	s10 =	sld [smem:$0x3FB3]  }
0x39: {  	_ = 	snop;
	(pc) =	sbr.ind lr, $3  }
0x3a: {  	_ = 	snop  }
0x3b: {  	_ = 	snop  }
0x3c: {  	p2 =	seq.s32 s10, $0x1;
	s10 =	sld [smem:$0x3FB2]  }
0x3d: {  	_ =	shalt  }
0x3e: {  	_ =	shalt  }
0x3f: {  	_ =	shalt  }
0x40: {  	_ =	shalt  }
0x41: {  	_ =	shalt  }
0x42: {  	_ =	shalt  }
0x43: {  	_ =	shalt  }
0x44: {  	_ =	shalt  }
0x45: {  	_ =	shalt  }
0x46: {  	_ =	shalt  }
0x47: {  	_ =	shalt  }
0x48: {  	_ =	shalt  }
0x49: {  	_ =	shalt  }
0x4a: {  	_ =	shalt  }
0x4b: {  	_ =	shalt  }
0x4c: {  	_ =	shalt  }
0x4d: {  	_ =	shalt  }
0x4e: {  	_ =	shalt  }
0x4f: {  	_ =	shalt  }
0x50: {  	_ =	shalt  }
0x51: {  	_ =	shalt  }
0x52: {  	_ =	shalt  }
0x53: {  	_ =	shalt  }
0x54: {  	_ =	shalt  }
0x55: {  	_ =	shalt  }
0x56: {  	_ =	shalt  }
0x57: {  	_ =	shalt  }
0x58: {  	_ =	shalt  }
0x59: {  	_ =	shalt  }
0x5a: {  	_ =	shalt  }
0x5b: {  	_ =	shalt  }
0x5c: {  	_ =	shalt  }
0x5d: {  	_ =	shalt  }
0x5e: {  	_ =	shalt  }
0x5f: {  	_ =	shalt  }
0x60: {  	_ =	shalt  }
0x61: {  	_ =	shalt  }
0x62: {  	_ =	shalt  }
0x63: {  	_ =	shalt  }
0x64: {  	_ =	shalt  }
0x65: {  	_ =	shalt  }
0x66: {  	_ =	shalt  }
0x67: {  	_ =	shalt  }
0x68: {  	_ =	shalt  }
0x69: {  	_ =	shalt  }
0x6a: {  	_ =	shalt  }
0x6b: {  	_ =	shalt  }
0x6c: {  	_ =	shalt  }
0x6d: {  	_ =	shalt  }
0x6e: {  	_ =	shalt  }
0x6f: {  	_ =	shalt  }
0x70: {  	_ =	shalt  }
0x71: {  	_ =	shalt  }
0x72: {  	_ =	shalt  }
0x73: {  	_ =	shalt  }
0x74: {  	_ =	shalt  }
0x75: {  	_ =	shalt  }
0x76: {  	_ =	shalt  }
0x77: {  	_ =	shalt  }
0x78: {  	_ =	shalt  }
0x79: {  	_ =	shalt  }
0x7a: {  	_ =	shalt  }
0x7b: {  	_ =	shalt  }
0x7c: {  	_ =	shalt  }
0x7d: {  	_ =	shalt  }
0x7e: {  	_ =	shalt  }
0x7f: {  	_ =	shalt  }
0x80: {  	_ =	shalt  }
0x81: {  	_ =	shalt  }
0x82: {  	_ =	shalt  }
0x83: {  	_ =	shalt  }
0x84: {  	_ =	shalt  }
0x85: {  	_ =	shalt  }
0x86: {  	_ =	shalt  }
0x87: {  	_ =	shalt  }
.Lfunc_end0:
.L_simem_size_0:
called_computation_lowered:
.L_overlay_start_0:
0x88: {  	s2 =	sld [smem:$0x3FD9]  }
0x89: {  	s3 =	sld [smem:$0x3FFE];
	_ =	sdelay $0x1  }
0x8a: {  	s1 =	srdreg.scid  }
0x8b: {  	s0 =	sand.u32 $0x1, s1  }
0x8c: {  	s17 =	sshll.u32 s0, $0xA;
	s2 =	sadd.s32 s3, s2  }
0x8d: {  	s2 =	sadd.s32 s2, s17  }
0x8e: {  	[smem:$0x3FBE] =	sst s2  }
0x8f: {  	_ = 	snop  }
0x90: {  	s18 =	sld [smem:$0x3FC7];
	(tm) =	ssettm $0x1  }
0x91: {  	s19 =	sld [smem:$0x3FFB];
	_ =	sdelay $0x3  }
0x92: {  	_ =	strace s19  }
0x93: {  	s2 =	sld [smem:$0x3FFC];
	_ =	sdelay $0x3  }
0x94: {  	_ =	strace s2  }
0x95: {  	s2 =	sld [smem:$0x3FFD];
	_ =	sdelay $0x3  }
0x96: {  	_ =	strace s2  }
0x97: {  	_ =	strace $0x8FFFFFFF  }
0x98: {  	s20 =	sld [smem:$0x3FDB];
	_ =	sdelay $0x1  }
0x99: {  	s4 =	simm.s32 $_scs_section_size  }
0x9a: {  	s5 =	simm.s32 $_size__tile_overlayer_lowered;
	s6 =	simm.s32 $_tile_overlayer_lowered  }
0x9b: {  	s7 =	simm.s32 $0x1BFF;
	s21 =	sshll.u32 s6, $0x1;
	s4 =	sadd.s32 s4, s20  }
0x9c: {  	s22 =	simm.s32 $0x0;
	s5 =	sshll.u32 s5, $0x1;
	s6 =	sadd.s32 s21, s4  }
0x9d: {  	[timem:s22], [sflag:s7] =	dma.local [hbm:s6], s5  }
0x9e: {  	_ =	swait.ge [sflag:s7], s5  }
0x9f: {  	s5 =	ssub.s32 $0x0, s5;
	[sflag:s7] =	ssyncset.done $0x0  }
0xa0: {  	[sflag:s7] =	ssyncadd.s32 s5;
	_ =	sdelay $0x1  }
0xa1: {  	s23 =	simm.s32 $0x1B8B  }
0xa2: {  	_ =	swait.ge [sflag:s23], $0x1  }
0xa3: {  	[sflag:s23] =	ssyncset.done $0x0  }
0xa4: {  	[sflag:s23] =	ssyncadd.s32 $0xFFFFFFFF  }
0xa5: {  	s5 =	sld [smem:$0x0]  }
0xa6: {  	s6 =	sand.u32 $0xFFFFFFFE, s1  }
0xa7: {  	p0 =	sne.s32 s1, s6  }
0xa8: {  	s6 =	sshll.u32 @p0 s6, $0xE  }
0xa9: {  	s6 =	sadd.s32 @p0 $0x11B8D, s6;
	s7 =	sshll.u32 @p0 s5, $0x11  }
0xaa: {  	s6 =	sor.u32 @p0 s7, s6  }
0xab: {  	[sflag:s6] =	ssyncadd.remote.s32 @p0 $0x1;
	_ =	sdelay $0x1  }
0xac: {  	s6 =	simm.s32 @p0 $0x1B8D  }
0xad: {  	_ =	swait.eq @p0 [sflag:s6], $0x1  }
0xae: {  	[sflag:s6] =	ssyncadd.s32 @p0 $0xFFFFFFFF  }
0xaf: {  	s7 =	sshll.u32 @!p0 s1, $0xE  }
0xb0: {  	s7 =	sor.u32 @!p0 $0x4000, s7;
	s6 =	simm.s32 @!p0 $0x1B8D  }
0xb1: {  	s5 =	sshll.u32 @!p0 s5, $0x11;
	s7 =	sadd.s32 @!p0 $0x11B8D, s7;
	_ =	swait.eq @!p0 [sflag:s6], $0x1  }
0xb2: {  	s5 =	sor.u32 @!p0 s5, s7;
	[sflag:s6] =	ssyncadd.s32 @!p0 $0xFFFFFFFF  }
0xb3: {  	s25 =	simm.s32 $0x1B8E;
	s24 =	sld [smem:$0x3FFE];
	[sflag:s5] =	ssyncadd.remote.s32 @!p0 $0x1  }
0xb4: {  	s26 =	simm.s32 $execute0_lowered;
	[smem:$0x3FD2] =	sst s25  }
0xb5: {  	s6 =	sshll.u32 s26, $0x1;
	_ =	strace $0x80000049;
	[dreg:$0x1] =	wrdreg $0xFFFFFFFF  }
0xb6: {  	s28 =	simm.s32 $_size_execute0_lowered;
	s4 =	sadd.s32 s4, s6;
	[dreg:$0x0] =	wrdreg $0x0  }
0xb7: {  	s6 =	sshll.u32 s28, $0x1;
	[dreg:$0x2] =	wrdreg s4  }
0xb8: {  	[dreg:$0x3] =	wrdreg s6  }
0xb9: {  	[dreg:$0x4] =	wrdreg $0xC0  }
0xba: {  	_ =	task [dreg:s22], $0x5FFFF  }
0xbb: {  	[dreg:$0x1] =	wrdreg $0xFFFFFFFF  }
0xbc: {  	[dreg:$0x0] =	wrdreg $0x60  }
0xbd: {  	[dreg:$0x2] =	wrdreg s24  }
0xbe: {  	[dreg:$0x3] =	wrdreg s18  }
0xbf: {  	[dreg:$0x4] =	wrdreg $0x0  }
0xc0: {  	[dreg:$0x5] =	wrdreg $0x9  }
0xc1: {  	_ =	task.clear_ibuf [dreg:s22], $0x6FFFF;
	_ =	strace $0x90000049  }
0xc2: {  	s29 =	simm.s32 $0x9;
	_ =	strace $0x8000004B  }
0xc3: {  	_ =	swait.ge [sflag:s29], $0x1  }
0xc4: {  	[sflag:s29] =	ssyncadd.s32 $0xFFFFFFFF  }
0xc5: {  	_ =	strace $0x9000004B  }
0xc6: {  	_ =	sfence  }
0xc7: {  	s30 =	sld [smem:$0x0];
	_ =	sdelay $0x2  }
0xc8: {  	s31 =	sshll.u32 s1, $0xD;
	s1 =	sshrl.u32 s1, $0x2  }
0xc9: {  	s4 =	sand.u32 $0x4000, s31;
	s1 =	sadd.s32 s1, s30  }
0xca: {  	s0 =	sor.u32 s4, s0;
	s1 =	sshll.u32 s1, $0x11  }
0xcb: {  	s0 =	sor.u32 s1, s0  }
0xcc: {  	s0 =	sadd.s32 $0x8F2B, s0  }
0xcd: {  	[sflag:s0] =	ssyncadd.remote.s32 $0x1  }
0xce: {  	_ =	sfence.sel $0xFFFF  }
0xcf: {  	[dreg:$0x0] =	wrdreg $0xFFFFFFFF;
	(pc) =	sbr.abs _section_cstart, $3  }
0xd0: {  	[dreg:$0x1] =	wrdreg $0xFFFFFFFF  }
0xd1: {  	_ =	task.clear_ibuf [dreg:s22], $0x2FFFF;
	_ =	strace $0x9FFFFFFF  }
0xd2: {  	(tm) =	ssettm $0x7FFFFFFF  }
0xd3: {  	_ =	shalt  }
tec
execute0_lowered:
.L_overlay_start_1:
0x0: {  	(tag) =	ssettag $0x1  }
0x1: {  	s0 =	rddreg [dreg:$0x0]  }
0x2: {  	s2 =	rddreg [dreg:$0x2]  }
0x3: {  	s25 =	simm.s32 $0x0;
	s1 =	srdreg.scid;
	s7 =	stileid.u32  }
0x4: {  	s14 =	simm.s32 $0x5;
	s17 =	simm.s32 $0x50;
	s29 =	simm.s32 $0x3  }
0x5: {  	s31 =	simm.s32 $0x4;
	s8 =	simm.s32 $0x6270;
	s9 =	simm.s32 $0x62C0  }
0x6: {  	s10 =	simm.s32 $0x6310;
	s11 =	simm.s32 $0x6360;
	s12 =	simm.s32 $0x63B0  }
0x7: {  	s13 =	simm.s32 $0x64A0;
	s15 =	simm.s32 $0x6590;
	s16 =	simm.s32 $0x65E0  }
0x8: {  	s18 =	simm.s32 $0x6630;
	[smem:$0x7FF] =	sst s25;
	s1 =	sand.u32 $0x1, s1  }
0x9: {  	s6 =	smul.u32 $0x14000, s7;
	s19 =	sshrl.u32 s7, $0x3;
	s20 =	sand.u32 $0x7, s7  }
0xa: {  	_ =	strace $0x8000004A;
	s3 =	smul.u32 $0xA000, s1;
	s4 =	ssub.s32 $0x2, s1  }
0xb: {  	s1 =	sshll.u32 s1, $0x4;
	s22 =	smul.u32 $0xA00, s20;
	s20 =	simm.s32 $0x6680  }
0xc: {  	s5 =	sshrl.u32 s4, $0x1;
	s1 =	sor.u32 s7, s1;
	s6 =	sshrl.u32 s6, $0x2  }
0xd: {  	s7 =	sadd.s32 $0xBC40, s0;
	s4 =	ssub.s32 s4, s5;
	s28 =	sadd.s32 s6, s2  }
0xe: {  	s3 =	sadd.s32 s3, s0;
	s4 =	smax.u32 s4, $0x1;
	[dreg:$0x5] =	wrdreg s28  }
0xf: {  	s5 =	smul.u32 $0x2710, s1;
	s23 =	sadd.s32 $0x1000, s28;
	[dreg:$0x6] =	wrdreg s4  }
0x10: {  	s1 =	smul.u32 $0x5000, s19;
	s24 =	sadd.s32 $0x2000, s28;
	[dreg:$0x7] =	wrdreg s23  }
0x11: {  	s19 =	simm.s32 $0x6770;
	s26 =	sadd.s32 $0x3000, s28;
	[dreg:$0x8] =	wrdreg s24  }
0x12: {  	s6 =	simm.s32 $0x6450;
	s30 =	sadd.s32 $0x4000, s28;
	[dreg:$0x9] =	wrdreg s26  }
0x13: {  	s21 =	sadd.s32 $0x8CC00, s3;
	s3 =	simm.s32 $0x64F0;
	[dreg:$0xa] =	wrdreg s30  }
0x14: {  	s0 =	sadd.s32 s1, s21;
	s23 =	simm.s32 $0x1;
	s26 =	simm.s32 $0x2  }
0x15: {  	s24 =	simm.s32 $0x6400;
	s1 =	simm.s32 $0x6540;
	s0 =	sadd.s32 s22, s0  }
0x16: {  	v0 =	vimm.f32 $0.0e+00;
	v1 =	vimm.f32 $1.000000000e+00;
	s21 =	simm.s32 $0x66D0;
	s22 =	simm.s32 $0x6720;
	[dreg:$0xb] =	wrdreg s0  }
.LBB2_1:
0x17: {  	s0 =	simm.s32 $0x0  }
.LBB2_2:
0x18: {  	p0 =	sne.s32 s0, $0x3FC0  }
.Ltmp0:
0x19: {  	_ = 	snop;
	(pc) =	sbr.rel @p0 .LBB2_2-.Ltmp0, $3  }
0x1a: {  	_ =	sdelay $0x1  }
0x1b: {  	s4 =	sshra.s32 s0, $0x2  }
0x1c: {  	s0 =	sadd.s32 $0x40, s0;
	[tilespmem:s4+$0x6C70] =	vst v0  }
0x1d: {  	[dreg:$0x4] =	wrdreg s25;
	s0 =	simm.s32 $0x40;
	s4 =	simm.s32 $0x0  }
.LBB2_4:
0x1e: {  	p0 =	sne.s32 s0, $0x13C0;
	[tilespmem:s4+$0x6770] =	vst v1;
	s4 =	smov.u32 s0;
	s0 =	sadd.s32 $0x40, s0  }
.Ltmp1:
0x1f: {  	(pc) =	sbr.rel @p0 .LBB2_4-.Ltmp1, $2  }
0x20: {  	_ =	sdelay $0x2  }
0x21: {  	s4 =	sshra.s32 s4, $0x2  }
0x22: {  	[tilespmem:s4+$0x6770] =	vst v1;
	s4 =	simm.s32 $0x6C70  }
0x23: {  	[spmem:s28] =	stream.linear.scatter [tilespmem:s4], [sflag:$0x5], $0x1000, $0x38;
	[tilespmem:$0x7C70] =	vst v63  }
0x24: {  	_ =	swait.ge [sflag:s14], $0x1000  }
0x25: {  	[sflag:s14] =	ssyncset.done $0x0  }
0x26: {  	s0 =	rddreg [dreg:$0x7];
	[sflag:s14] =	ssyncadd.s32 $0xFFFFF000  }
0x27: {  	[spmem:s0] =	stream.linear.scatter [tilespmem:s4], [sflag:$0x5], $0x1000, $0x38;
	[tilespmem:$0x7C70] =	vst v63  }
0x28: {  	_ =	swait.ge [sflag:s14], $0x1000  }
0x29: {  	[sflag:s14] =	ssyncset.done $0x0  }
0x2a: {  	s30 =	rddreg [dreg:$0x8];
	[sflag:s14] =	ssyncadd.s32 $0xFFFFF000  }
0x2b: {  	[spmem:s30] =	stream.linear.scatter [tilespmem:s4], [sflag:$0x5], $0x1000, $0x38;
	[tilespmem:$0x7C70] =	vst v63  }
0x2c: {  	_ =	swait.ge [sflag:s14], $0x1000  }
0x2d: {  	[sflag:s14] =	ssyncset.done $0x0  }
0x2e: {  	s25 =	rddreg [dreg:$0x9];
	[sflag:s14] =	ssyncadd.s32 $0xFFFFF000  }
0x2f: {  	[spmem:s25] =	stream.linear.scatter [tilespmem:s4], [sflag:$0x5], $0x1000, $0x38;
	[tilespmem:$0x7C70] =	vst v63  }
0x30: {  	_ =	swait.ge [sflag:s14], $0x1000  }
0x31: {  	[sflag:s14] =	ssyncset.done $0x0  }
0x32: {  	s30 =	rddreg [dreg:$0xa];
	[sflag:s14] =	ssyncadd.s32 $0xFFFFF000  }
0x33: {  	[spmem:s30] =	stream.linear.scatter [tilespmem:s4], [sflag:$0x5], $0x1000, $0x38;
	[tilespmem:$0x7C70] =	vst v63  }
0x34: {  	_ =	swait.ge [sflag:s14], $0x1000  }
0x35: {  	[sflag:s14] =	ssyncset.done $0x0  }
0x36: {  	[sflag:s14] =	ssyncadd.s32 $0xFFFFF000  }
0x37: {  	s28 =	simm.s32 $0x0;
	s25 =	simm.s32 $0x0;
	[bflag:$0x0] =	sbarrier.arrive $0xFFFF  }
.LBB2_6:
0x38: {  	s0 =	smul.u32 $0x7D0, s28;
	_ =	sdelay $0x1  }
0x39: {  	s0 =	sadd.s32 s5, s0  }
0x3a: {  	s0 =	sshrl.u32 s0, $0x3  }
0x3b: {  	s30 =	simm.s32 $0x5000;
	s4 =	sadd.s32 s0, s7  }
0x3c: {  	[tilespmem:s30], [sflag:$0x5] =	stream.linear.gather [hbm4b:s4+s25], $0x7D0, $0x38;
	[tilespmem:$0x7C70] =	vst v63  }
0x3d: {  	_ =	swait.ge [sflag:s14], $0x7D0  }
0x3e: {  	[sflag:s14] =	ssyncset.done $0x0  }
0x3f: {  	[sflag:s14] =	ssyncadd.s32 $0xFFFFF830  }
0x40: {  	s4 =	rddreg [dreg:$0x1]  }
0x41: {  	s0 =	sadd.s32 s4, s0;
	s4 =	simm.s32 $0x57D0  }
0x42: {  	[tilespmem:s4], [sflag:$0x5] =	stream.linear.gather [hbm4b:s0+s25], $0x7D0, $0x38;
	[tilespmem:$0x7C70] =	vst v63  }
0x43: {  	_ =	swait.ge [sflag:s14], $0x7D0  }
0x44: {  	[sflag:s14] =	ssyncset.done $0x0  }
0x45: {  	s30 =	simm.s32 $0x0;
	[sflag:s14] =	ssyncadd.s32 $0xFFFFF830  }
0x46: {  	v3 =	vld [tilespmem:s30+$0x5810]  }
0x47: {  	v6 =	vld [tilespmem:s30+$0x57D0]  }
0x48: {  	v7 =	vld [tilespmem:s30+$0x5040]  }
0x49: {  	v8 =	vld [tilespmem:s30+$0x57E0]  }
0x4a: {  	v9 =	vld [tilespmem:s30+$0x57F0]  }
0x4b: {  	v2 =	vld [tilespmem:s30+$0x5800]  }
0x4c: {  	v5 =	vld [tilespmem:s30+$0x5000];
	v3 =	vmul.u32 $0x2800, v3  }
0x4d: {  	v4 =	vld [tilespmem:s30+$0x5010]  }
0x4e: {  	v7 =	vadd.s32 v7, v3;
	v3 =	vld [tilespmem:s30+$0x5020]  }
0x4f: {  	s0 =	simm.s32 $0x50;
	s4 =	simm.s32 $0x280;
	v8 =	vmul.u32 $0x2800, v8;
	v9 =	vmul.u32 $0x2800, v9;
	[tilespmem:s30+$0x5FE0] =	vst v7;
	v7 =	vmul.u32 $0x2800, v6;
	v6 =	vld [tilespmem:s30+$0x5030]  }
.LBB2_7:
0x50: {  	p0 =	sne.s32 s4, $0x1E00;
	v10 =	vld [tilespmem:s0+$0x5810];
	v2 =	vmul.u32 $0x2800, v2  }
0x51: {  	v11 =	vld [tilespmem:s0+$0x57D0];
	v5 =	vadd.s32 v5, v7  }
0x52: {  	v12 =	vld [tilespmem:s0+$0x5040];
	[tilespmem:s30+$0x5FA0] =	vst v5;
	v4 =	vadd.s32 v4, v8  }
0x53: {  	v8 =	vld [tilespmem:s0+$0x57E0];
	[tilespmem:s30+$0x5FB0] =	vst v4;
	v3 =	vadd.s32 v3, v9  }
0x54: {  	v9 =	vld [tilespmem:s0+$0x57F0];
	[tilespmem:s30+$0x5FC0] =	vst v3;
	v3 =	vadd.s32 v6, v2  }
.Ltmp2:
0x55: {  	v2 =	vld [tilespmem:s0+$0x5800];
	v6 =	vmul.u32 $0x2800, v10;
	[tilespmem:s30+$0x5FD0] =	vst v3;
	s30 =	smov.u32 s0;
	(pc) =	sbr.rel @p0 .LBB2_7-.Ltmp2, $4  }
0x56: {  	v7 =	vmul.u32 $0x2800, v11;
	v5 =	vld [tilespmem:s30+$0x5000]  }
0x57: {  	v4 =	vld [tilespmem:s30+$0x5010];
	v6 =	vadd.s32 v12, v6  }
0x58: {  	v8 =	vmul.u32 $0x2800, v8;
	v3 =	vld [tilespmem:s30+$0x5020];
	[tilespmem:s30+$0x5FE0] =	vst v6  }
0x59: {  	s0 =	sshra.s32 s4, $0x2;
	s4 =	sadd.s32 $0x140, s4;
	v9 =	vmul.u32 $0x2800, v9;
	v6 =	vld [tilespmem:s30+$0x5030]  }
0x5a: {  	v10 =	vld [tilespmem:s0+$0x5810]  }
0x5b: {  	v11 =	vld [tilespmem:s0+$0x57D0];
	v5 =	vadd.s32 v5, v7  }
0x5c: {  	v59 =	vld [tilespmem:s0+$0x5040];
	v2 =	vmul.u32 $0x2800, v2;
	[tilespmem:s30+$0x5FA0] =	vst v5;
	v4 =	vadd.s32 v4, v8  }
0x5d: {  	v5 =	vld [tilespmem:s0+$0x57E0];
	[tilespmem:s30+$0x5FB0] =	vst v4;
	v3 =	vadd.s32 v3, v9  }
0x5e: {  	v4 =	vld [tilespmem:s0+$0x57F0];
	[tilespmem:s30+$0x5FC0] =	vst v3;
	v2 =	vadd.s32 v6, v2  }
0x5f: {  	v3 =	vld [tilespmem:s0+$0x5800];
	[tilespmem:s30+$0x5FD0] =	vst v2  }
0x60: {  	v2 =	vmul.u32 $0x2800, v10;
	v60 =	vld [tilespmem:s0+$0x5000]  }
0x61: {  	v61 =	vld [tilespmem:s0+$0x5010]  }
0x62: {  	v62 =	vld [tilespmem:s0+$0x5020];
	v2 =	vadd.s32 v59, v2  }
0x63: {  	v63 =	vld [tilespmem:s0+$0x5030];
	[tilespmem:s0+$0x5FE0] =	vst v2;
	v2 =	vmul.u32 $0x2800, v11  }
0x64: {  	v5 =	vmul.u32 $0x2800, v5  }
0x65: {  	v4 =	vmul.u32 $0x2800, v4;
	v2 =	vadd.s32 v60, v2  }
0x66: {  	v3 =	vmul.u32 $0x2800, v3;
	[tilespmem:s0+$0x5FA0] =	vst v2;
	v2 =	vadd.s32 v61, v5  }
0x67: {  	[tilespmem:s0+$0x5FB0] =	vst v2;
	v2 =	vadd.s32 v62, v4  }
0x68: {  	[tilespmem:s0+$0x5FC0] =	vst v2;
	v2 =	vadd.s32 v63, v3  }
0x69: {  	s30 =	simm.s32 $0x5FA0;
	[tilespmem:s0+$0x5FD0] =	vst v2  }
0x6a: {  	[spmem:s2] =	stream.indirect.scatter.add.f32 [tilespmem:s19], [sflag:$0x1], $0x10, s30, s17, $0xb8;
	[tilespmem:$0x7C70] =	vst v63  }
0x6b: {  	s4 =	simm.s32 $0x5FF0  }
0x6c: {  	[spmem:s2] =	stream.indirect.scatter.add.f32 [tilespmem:s19], [sflag:$0x2], $0x10, s4, s17, $0xb8;
	[tilespmem:$0x7C70] =	vst v63  }
0x6d: {  	s30 =	simm.s32 $0x6040  }
0x6e: {  	[spmem:s2] =	stream.indirect.scatter.add.f32 [tilespmem:s19], [sflag:$0x3], $0x10, s30, s17, $0xb8;
	[tilespmem:$0x7C70] =	vst v63  }
0x6f: {  	s4 =	simm.s32 $0x6090  }
0x70: {  	[spmem:s2] =	stream.indirect.scatter.add.f32 [tilespmem:s19], [sflag:$0x4], $0x10, s4, s17, $0xb8;
	[tilespmem:$0x7C70] =	vst v63  }
0x71: {  	_ =	swait.ge [sflag:s23], $0x500  }
0x72: {  	[sflag:s23] =	ssyncset.done $0x0  }
0x73: {  	s30 =	simm.s32 $0x60E0;
	[sflag:s23] =	ssyncadd.s32 $0xFFFFFB00  }
0x74: {  	[spmem:s2] =	stream.indirect.scatter.add.f32 [tilespmem:s19], [sflag:$0x1], $0x10, s30, s17, $0xb8;
	[tilespmem:$0x7C70] =	vst v63  }
0x75: {  	_ =	swait.ge [sflag:s26], $0x500  }
0x76: {  	[sflag:s26] =	ssyncset.done $0x0  }
0x77: {  	s4 =	simm.s32 $0x6130;
	[sflag:s26] =	ssyncadd.s32 $0xFFFFFB00  }
0x78: {  	[spmem:s2] =	stream.indirect.scatter.add.f32 [tilespmem:s19], [sflag:$0x2], $0x10, s4, s17, $0xb8;
	[tilespmem:$0x7C70] =	vst v63  }
0x79: {  	_ =	swait.ge [sflag:s29], $0x500  }
0x7a: {  	[sflag:s29] =	ssyncset.done $0x0  }
0x7b: {  	s30 =	simm.s32 $0x6180;
	[sflag:s29] =	ssyncadd.s32 $0xFFFFFB00  }
0x7c: {  	[spmem:s2] =	stream.indirect.scatter.add.f32 [tilespmem:s19], [sflag:$0x3], $0x10, s30, s17, $0xb8;
	[tilespmem:$0x7C70] =	vst v63  }
0x7d: {  	_ =	swait.ge [sflag:s31], $0x500  }
0x7e: {  	[sflag:s31] =	ssyncset.done $0x0  }
0x7f: {  	s4 =	simm.s32 $0x61D0;
	[sflag:s31] =	ssyncadd.s32 $0xFFFFFB00  }
0x80: {  	[spmem:s2] =	stream.indirect.scatter.add.f32 [tilespmem:s19], [sflag:$0x4], $0x10, s4, s17, $0xb8;
	[tilespmem:$0x7C70] =	vst v63  }
0x81: {  	_ =	swait.ge [sflag:s23], $0x500  }
0x82: {  	[sflag:s23] =	ssyncset.done $0x0  }
0x83: {  	s30 =	simm.s32 $0x6220;
	[sflag:s23] =	ssyncadd.s32 $0xFFFFFB00  }
0x84: {  	[spmem:s2] =	stream.indirect.scatter.add.f32 [tilespmem:s19], [sflag:$0x1], $0x10, s30, s17, $0xb8;
	[tilespmem:$0x7C70] =	vst v63  }
0x85: {  	_ =	swait.ge [sflag:s26], $0x500  }
0x86: {  	[sflag:s26] =	ssyncset.done $0x0  }
0x87: {  	[sflag:s26] =	ssyncadd.s32 $0xFFFFFB00  }
0x88: {  	[spmem:s2] =	stream.indirect.scatter.add.f32 [tilespmem:s19], [sflag:$0x2], $0x10, s8, s17, $0xb8;
	[tilespmem:$0x7C70] =	vst v63  }
0x89: {  	_ =	swait.ge [sflag:s29], $0x500  }
0x8a: {  	[sflag:s29] =	ssyncset.done $0x0  }
0x8b: {  	[sflag:s29] =	ssyncadd.s32 $0xFFFFFB00  }
0x8c: {  	[spmem:s2] =	stream.indirect.scatter.add.f32 [tilespmem:s19], [sflag:$0x3], $0x10, s9, s17, $0xb8;
	[tilespmem:$0x7C70] =	vst v63  }
0x8d: {  	_ =	swait.ge [sflag:s31], $0x500  }
0x8e: {  	[sflag:s31] =	ssyncset.done $0x0  }
0x8f: {  	[sflag:s31] =	ssyncadd.s32 $0xFFFFFB00  }
0x90: {  	[spmem:s2] =	stream.indirect.scatter.add.f32 [tilespmem:s19], [sflag:$0x4], $0x10, s10, s17, $0xb8;
	[tilespmem:$0x7C70] =	vst v63  }
0x91: {  	_ =	swait.ge [sflag:s23], $0x500  }
0x92: {  	[sflag:s23] =	ssyncset.done $0x0  }
0x93: {  	[sflag:s23] =	ssyncadd.s32 $0xFFFFFB00  }
0x94: {  	[spmem:s2] =	stream.indirect.scatter.add.f32 [tilespmem:s19], [sflag:$0x1], $0x10, s11, s17, $0xb8;
	[tilespmem:$0x7C70] =	vst v63  }
0x95: {  	_ =	swait.ge [sflag:s26], $0x500  }
0x96: {  	[sflag:s26] =	ssyncset.done $0x0  }
0x97: {  	[sflag:s26] =	ssyncadd.s32 $0xFFFFFB00  }
0x98: {  	[spmem:s2] =	stream.indirect.scatter.add.f32 [tilespmem:s19], [sflag:$0x2], $0x10, s12, s17, $0xb8;
	[tilespmem:$0x7C70] =	vst v63  }
0x99: {  	_ =	swait.ge [sflag:s29], $0x500  }
0x9a: {  	[sflag:s29] =	ssyncset.done $0x0  }
0x9b: {  	[sflag:s29] =	ssyncadd.s32 $0xFFFFFB00  }
0x9c: {  	[spmem:s2] =	stream.indirect.scatter.add.f32 [tilespmem:s19], [sflag:$0x3], $0x10, s24, s17, $0xb8;
	[tilespmem:$0x7C70] =	vst v63  }
0x9d: {  	_ =	swait.ge [sflag:s31], $0x500  }
0x9e: {  	[sflag:s31] =	ssyncset.done $0x0  }
0x9f: {  	[sflag:s31] =	ssyncadd.s32 $0xFFFFFB00  }
0xa0: {  	[spmem:s2] =	stream.indirect.scatter.add.f32 [tilespmem:s19], [sflag:$0x4], $0x10, s6, s17, $0xb8;
	[tilespmem:$0x7C70] =	vst v63  }
0xa1: {  	_ =	swait.ge [sflag:s23], $0x500  }
0xa2: {  	[sflag:s23] =	ssyncset.done $0x0  }
0xa3: {  	[sflag:s23] =	ssyncadd.s32 $0xFFFFFB00  }
0xa4: {  	[spmem:s2] =	stream.indirect.scatter.add.f32 [tilespmem:s19], [sflag:$0x1], $0x10, s13, s17, $0xb8;
	[tilespmem:$0x7C70] =	vst v63  }
0xa5: {  	_ =	swait.ge [sflag:s26], $0x500  }
0xa6: {  	[sflag:s26] =	ssyncset.done $0x0  }
0xa7: {  	[sflag:s26] =	ssyncadd.s32 $0xFFFFFB00  }
0xa8: {  	[spmem:s2] =	stream.indirect.scatter.add.f32 [tilespmem:s19], [sflag:$0x2], $0x10, s3, s17, $0xb8;
	[tilespmem:$0x7C70] =	vst v63  }
0xa9: {  	_ =	swait.ge [sflag:s29], $0x500  }
0xaa: {  	[sflag:s29] =	ssyncset.done $0x0  }
0xab: {  	[sflag:s29] =	ssyncadd.s32 $0xFFFFFB00  }
0xac: {  	[spmem:s2] =	stream.indirect.scatter.add.f32 [tilespmem:s19], [sflag:$0x3], $0x10, s1, s17, $0xb8;
	[tilespmem:$0x7C70] =	vst v63  }
0xad: {  	_ =	swait.ge [sflag:s31], $0x500  }
0xae: {  	[sflag:s31] =	ssyncset.done $0x0  }
0xaf: {  	[sflag:s31] =	ssyncadd.s32 $0xFFFFFB00  }
0xb0: {  	[spmem:s2] =	stream.indirect.scatter.add.f32 [tilespmem:s19], [sflag:$0x4], $0x10, s15, s17, $0xb8;
	[tilespmem:$0x7C70] =	vst v63  }
0xb1: {  	_ =	swait.ge [sflag:s23], $0x500  }
0xb2: {  	[sflag:s23] =	ssyncset.done $0x0  }
0xb3: {  	[sflag:s23] =	ssyncadd.s32 $0xFFFFFB00  }
0xb4: {  	[spmem:s2] =	stream.indirect.scatter.add.f32 [tilespmem:s19], [sflag:$0x1], $0x10, s16, s17, $0xb8;
	[tilespmem:$0x7C70] =	vst v63  }
0xb5: {  	_ =	swait.ge [sflag:s26], $0x500  }
0xb6: {  	[sflag:s26] =	ssyncset.done $0x0  }
0xb7: {  	[sflag:s26] =	ssyncadd.s32 $0xFFFFFB00  }
0xb8: {  	[spmem:s2] =	stream.indirect.scatter.add.f32 [tilespmem:s19], [sflag:$0x2], $0x10, s18, s17, $0xb8;
	[tilespmem:$0x7C70] =	vst v63  }
0xb9: {  	_ =	swait.ge [sflag:s29], $0x500  }
0xba: {  	[sflag:s29] =	ssyncset.done $0x0  }
0xbb: {  	[sflag:s29] =	ssyncadd.s32 $0xFFFFFB00  }
0xbc: {  	[spmem:s2] =	stream.indirect.scatter.add.f32 [tilespmem:s19], [sflag:$0x3], $0x10, s20, s17, $0xb8;
	[tilespmem:$0x7C70] =	vst v63  }
0xbd: {  	_ =	swait.ge [sflag:s31], $0x500  }
0xbe: {  	[sflag:s31] =	ssyncset.done $0x0  }
0xbf: {  	[sflag:s31] =	ssyncadd.s32 $0xFFFFFB00  }
0xc0: {  	[spmem:s2] =	stream.indirect.scatter.add.f32 [tilespmem:s19], [sflag:$0x4], $0x10, s21, s17, $0xb8;
	[tilespmem:$0x7C70] =	vst v63  }
0xc1: {  	_ =	swait.ge [sflag:s23], $0x500  }
0xc2: {  	[sflag:s23] =	ssyncset.done $0x0  }
0xc3: {  	[sflag:s23] =	ssyncadd.s32 $0xFFFFFB00  }
0xc4: {  	[spmem:s2] =	stream.indirect.scatter.add.f32 [tilespmem:s19], [sflag:$0x1], $0x10, s22, s17, $0xb8;
	[tilespmem:$0x7C70] =	vst v63  }
0xc5: {  	_ =	swait.ge [sflag:s26], $0x500  }
0xc6: {  	[sflag:s26] =	ssyncset.done $0x0  }
0xc7: {  	[sflag:s26] =	ssyncadd.s32 $0xFFFFFB00  }
0xc8: {  	_ =	swait.ge [sflag:s29], $0x500  }
0xc9: {  	[sflag:s29] =	ssyncset.done $0x0  }
0xca: {  	s28 =	sadd.s32 $0x1, s28;
	[sflag:s29] =	ssyncadd.s32 $0xFFFFFB00  }
0xcb: {  	p0 =	sne.s32 s28, $0x5;
	_ =	swait.ge [sflag:s31], $0x500  }
.Ltmp3:
0xcc: {  	[sflag:s31] =	ssyncset.done $0x0;
	(pc) =	sbr.rel @p0 .LBB2_6-.Ltmp3, $4  }
0xcd: {  	[sflag:s31] =	ssyncadd.s32 $0xFFFFFB00  }
0xce: {  	_ =	swait.ge [sflag:s23], $0x500  }
0xcf: {  	[sflag:s23] =	ssyncset.done $0x0  }
0xd0: {  	[sflag:s23] =	ssyncadd.s32 $0xFFFFFB00  }
0xd1: {  	s0 =	stileid.u32;
	[bflag:$0x0] =	sbarrier.arrive $0xFFFF  }
0xd2: {  	s0 =	sshll.u32 s0, $0x6;
	s28 =	rddreg [dreg:$0x5]  }
0xd3: {  	s25 =	rddreg [dreg:$0xb];
	s0 =	sor.u32 $0x1C05, s0;
	s4 =	sshrl.u32 s28, $0x3  }
0xd4: {  	[hbm:s25], [sflag:s0] =	dma.local [spmem:s4], $0xA00  }
0xd5: {  	_ =	swait.ge [sflag:s14], $0xA00  }
0xd6: {  	s4 =	rddreg [dreg:$0x4]  }
0xd7: {  	s30 =	rddreg [dreg:$0x6];
	s25 =	sadd.s32 $0x1, s4  }
0xd8: {  	p0 =	sne.s32 s25, s30  }
.Ltmp4:
0xd9: {  	_ = 	snop;
	(pc) =	sbr.rel @p0 .LBB2_1-.Ltmp4, $3  }
0xda: {  	_ =	sdelay $0x1  }
0xdb: {  	[sflag:s14] =	ssyncset.done $0x0  }
0xdc: {  	[sflag:s14] =	ssyncadd.s32 $0xFFFFF600  }
0xdd: {  	_ =	sfence.sel $0x180000  }
0xde: {  	[bflag:$0x0] =	sbarrier.arrive $0xFFFF  }
0xdf: {  	_ =	strace $0x9000004A  }
0xe0: {  	s0 =	stileid.u32;
	[bflag:$0x2] =	sbarrier.arrive $0xFFFF  }
0xe1: {  	p0 =	sne.s32 s0, $0x0;
	s0 =	rddreg [dreg:$0x3]  }
0xe2: {  	s0 =	sadd.s32 @!p0 $0x100000, s0  }
0xe3: {  	[sflag:s0] =	ssyncadd.tile.s32 @!p0 $0x1;
	_ =	shalt  }
.Lfunc_end2:
_tile_overlayer_lowered:
.L_overlay_start_2:
0xe4: {  	(tag) =	ssettag $0x2  }
0xe5: {  	s0 =	rddreg [dreg:$0x0];
	s2 =	stileid.u32  }
0xe6: {  	s1 =	rddreg [dreg:$0x1];
	p0 =	sne.s32 s2, $0x0  }
0xe7: {  	s3 =	rddreg [dreg:$0x2];
	[bflag:$0x3] =	sbarrier.arrive $0xFFFF;
	s2 =	simm.s32 @!p0 $0x1C05  }
0xe8: {  	[timem:s3], [sflag:s2] =	dma.local @!p0 [hbm:s0], s1  }
0xe9: {  	s0 =	simm.s32 @!p0 $0x5  }
0xea: {  	_ =	swait.ge @!p0 [sflag:s0], s1  }
0xeb: {  	s1 =	ssub.s32 @!p0 $0x0, s1;
	[sflag:s0] =	ssyncset.done @!p0 $0x0  }
0xec: {  	[sflag:s0] =	ssyncadd.s32 @!p0 s1  }
0xed: {  	[bflag:$0x3] =	sbarrier.arrive $0xFFFF  }
0xee: {  	_ =	shalt  }

</sc_bundles>
